<compile_context>
chip_gen: v7x
topology: tpu7x:2x2x1
jax: 0.10.2.dev20260603
libtpu: 0.0.44.dev20260713+nightly
codegen_flags: <defaults>
</compile_context>

<pallas_src>
import functools

import jax
import jax.numpy as jnp
from jax import lax
from jax.experimental import pallas as pl
from jax.experimental.pallas import tpu as pltpu
from jax.experimental.pallas import tpu_sc as plsc

N = 10000
NP = 10240
D = 128
NC = 2
NS = 16
CHUNK = 128
CH = 49
EPAD = NS * CH * CHUNK
ROWS_PT = NP // NS

_f32 = jnp.float32


def _mesh():
    return plsc.VectorSubcoreMesh(
        core_axis_name="c", subcore_axis_name="s", num_cores=NC, num_subcores=NS
    )


def _sc_aggregate(src3, dst3, feat, with_deg):
    R = src3.shape[0]
    out_type = [jax.ShapeDtypeStruct((R, NP, D), _f32)]
    if with_deg:
        out_type.append(jax.ShapeDtypeStruct((R, 1, NP), _f32))

    scratch = [
        pltpu.VMEM((CH, CHUNK), jnp.int32),
        pltpu.VMEM((CH, CHUNK), jnp.int32),
        pltpu.VMEM((2, CHUNK, D), _f32),
        pltpu.VMEM((ROWS_PT,), _f32),
        pltpu.VMEM((CHUNK,), _f32),
        pltpu.VMEM_SHARED((NP, D), _f32),
        pltpu.VMEM_SHARED((NP,), _f32),
        pltpu.SemaphoreType.DMA,
        pltpu.SemaphoreType.DMA,
        pltpu.SemaphoreType.DMA,
        pltpu.SemaphoreType.DMA,
        pltpu.SemaphoreType.DMA,
    ]

    @functools.partial(
        pl.kernel, out_type=tuple(out_type), mesh=_mesh(), scratch_types=scratch
    )
    def body(src_h, dst_h, feat_h, *outs_and_scratch):
        if with_deg:
            out_agg, out_deg = outs_and_scratch[:2]
            rest = outs_and_scratch[2:]
        else:
            out_agg = outs_and_scratch[0]
            rest = outs_and_scratch[1:]
        (src_v, dst_v, rbuf, zdbuf, ones_v, acc, dacc,
         sem_g0, sem_g1, sem_s, sem_s2, sem_d) = rest

        c = lax.axis_index("c")
        t = lax.axis_index("s")

        @pl.when(c == 0)
        def _features():
            for r in range(R):
                plsc.subcore_barrier()
                def zrow(i, _):
                    for jj in range(D // 16):
                        rbuf[0, i, pl.ds(jj * 16, 16)] = jnp.zeros((16,), _f32)
                    return 0
                lax.fori_loop(0, CHUNK, zrow, 0)

                def zero_it(k, _):
                    pltpu.sync_copy(
                        rbuf.at[0], acc.at[pl.ds(t * ROWS_PT + k * CHUNK, CHUNK)]
                    )
                    return 0
                lax.fori_loop(0, ROWS_PT // CHUNK, zero_it, 0)
                pltpu.sync_copy(src_h.at[r, t], src_v)
                pltpu.sync_copy(dst_h.at[r, t], dst_v)
                plsc.subcore_barrier()

                pltpu.async_copy(feat_h.at[src_v.at[0]], rbuf.at[0], sem_g0)

                def pair(k, _):
                    j0 = 2 * k
                    j1 = j0 + 1
                    pltpu.make_async_copy(
                        feat_h.at[src_v.at[j0]], rbuf.at[0], sem_g0
                    ).wait()
                    d_g1 = pltpu.async_copy(
                        feat_h.at[src_v.at[j1]], rbuf.at[1], sem_g1
                    )
                    d_s0 = pltpu.async_copy(
                        rbuf.at[0], acc.at[dst_v.at[j0]], sem_s, add=True
                    )
                    d_s0.wait()
                    pltpu.async_copy(
                        feat_h.at[src_v.at[j0 + 2]], rbuf.at[0], sem_g0
                    )
                    d_g1.wait()
                    d_s1 = pltpu.async_copy(
                        rbuf.at[1], acc.at[dst_v.at[j1]], sem_s2, add=True
                    )
                    d_s1.wait()
                    return 0
                lax.fori_loop(0, (CH - 1) // 2, pair, 0)
                pltpu.make_async_copy(
                    feat_h.at[src_v.at[CH - 1]], rbuf.at[0], sem_g0
                ).wait()
                pltpu.sync_copy(rbuf.at[0], acc.at[dst_v.at[CH - 1]], add=True)
                plsc.subcore_barrier()
                pltpu.sync_copy(
                    acc.at[pl.ds(t * ROWS_PT, ROWS_PT)],
                    out_agg.at[r, pl.ds(t * ROWS_PT, ROWS_PT)],
                )

        if with_deg:
            @pl.when(c == 1)
            def _degree():
                def fill1d(i, _):
                    zdbuf[pl.ds(i * 16, 16)] = jnp.zeros((16,), _f32)
                    return 0
                lax.fori_loop(0, ROWS_PT // 16, fill1d, 0)
                for j in range(CHUNK // 16):
                    ones_v[pl.ds(j * 16, 16)] = jnp.ones((16,), _f32)

                for r in range(R):
                    plsc.subcore_barrier()
                    pltpu.sync_copy(zdbuf, dacc.at[pl.ds(t * ROWS_PT, ROWS_PT)])
                    pltpu.sync_copy(dst_h.at[r, t], dst_v)
                    plsc.subcore_barrier()

                    def group(g, _):
                        descs = [
                            pltpu.async_copy(
                                ones_v, dacc.at[dst_v.at[g * 7 + u]],
                                sem_d, add=True,
                            )
                            for u in range(7)
                        ]
                        for dsc in descs:
                            dsc.wait()
                        return 0
                    lax.fori_loop(0, CH // 7, group, 0)
                    plsc.subcore_barrier()
                    pltpu.sync_copy(
                        dacc.at[pl.ds(t * ROWS_PT, ROWS_PT)],
                        out_deg.at[r, 0, pl.ds(t * ROWS_PT, ROWS_PT)],
                    )

    return body


def _sc_gather_mul(srcp, dstp, feat):
    out_type = jax.ShapeDtypeStruct((EPAD, D), _f32)
    scratch = [
        pltpu.VMEM((CH, CHUNK), jnp.int32),
        pltpu.VMEM((CH, CHUNK), jnp.int32),
        pltpu.VMEM((2, CHUNK, D), _f32),
        pltpu.VMEM((2, CHUNK, D), _f32),
        pltpu.VMEM((2, CHUNK, D), _f32),
        pltpu.SemaphoreType.DMA,
        pltpu.SemaphoreType.DMA,
        pltpu.SemaphoreType.DMA,
    ]

    @functools.partial(
        pl.kernel, out_type=out_type, mesh=_mesh(), scratch_types=scratch
    )
    def body(src_h, dst_h, feat_h, out_c, src_v, dst_v, bufa, bufb, bufc,
             sem_ga, sem_gb, sem_oc):
        c = lax.axis_index("c")
        s = lax.axis_index("s")
        base = s * CH * CHUNK

        @pl.when(c == 0)
        def _gathers():
            pltpu.sync_copy(src_h.at[s], src_v)
            pltpu.sync_copy(dst_h.at[s], dst_v)

            pltpu.async_copy(feat_h.at[src_v.at[0]], bufa.at[0], sem_ga)
            pltpu.async_copy(feat_h.at[dst_v.at[0]], bufb.at[0], sem_gb)

            def step(j, _):
                b = j & 1
                nb = 1 - b
                pltpu.make_async_copy(
                    feat_h.at[src_v.at[j]], bufa.at[b], sem_ga
                ).wait()
                pltpu.make_async_copy(
                    feat_h.at[dst_v.at[j]], bufb.at[b], sem_gb
                ).wait()

                @pl.when(j >= 1)
                def _():
                    pltpu.make_async_copy(
                        bufc.at[nb],
                        out_c.at[pl.ds(base + (j - 1) * CHUNK, CHUNK)], sem_oc,
                    ).wait()

                @pl.when(j + 1 < CH)
                def _():
                    pltpu.async_copy(
                        feat_h.at[src_v.at[j + 1]], bufa.at[nb], sem_ga
                    )
                    pltpu.async_copy(
                        feat_h.at[dst_v.at[j + 1]], bufb.at[nb], sem_gb
                    )

                @plsc.parallel_loop(0, CHUNK, step=1, unroll=4)
                def _prow(i):
                    for kk in range(D // 16):
                        sl = pl.ds(kk * 16, 16)
                        bufc[b, i, sl] = bufa[b, i, sl] * bufb[b, i, sl]

                pltpu.async_copy(
                    bufc.at[b], out_c.at[pl.ds(base + j * CHUNK, CHUNK)], sem_oc
                )
                return 0
            lax.fori_loop(0, CH, step, 0)
            lastb = (CH - 1) & 1
            pltpu.make_async_copy(
                bufc.at[lastb],
                out_c.at[pl.ds(base + (CH - 1) * CHUNK, CHUNK)], sem_oc,
            ).wait()

    return body(srcp, dstp, feat)


def _tc_layer(agg, deg2d, Ws, bs, relu):
    R = Ws.shape[0]
    BR = 2048
    DB = BR // D
    grid = (NP // BR,)

    def body(agg_ref, deg_ref, w_ref, b_ref, out_ref):
        rowsel = (
            lax.broadcasted_iota(jnp.int32, (BR, DB), 0) // D
            == lax.broadcasted_iota(jnp.int32, (BR, DB), 1)
        ).astype(_f32)
        lanesel = (
            lax.broadcasted_iota(jnp.int32, (BR, D), 0) % D
            == lax.broadcasted_iota(jnp.int32, (BR, D), 1)
        ).astype(_f32)
        acc = jnp.zeros((BR, D), _f32)
        for r in range(R):
            inv = 1.0 / jnp.maximum(deg_ref[r], 1.0)
            invrow = jnp.dot(rowsel, inv, preferred_element_type=_f32)
            invcol = jnp.sum(invrow * lanesel, axis=1, keepdims=True)
            a = agg_ref[r] * invcol
            m = jnp.dot(a, w_ref[r], preferred_element_type=_f32)
            m = m + b_ref[r][None, :]
            if relu:
                m = jnp.maximum(m, 0.0)
            acc = acc + m
        out_ref[...] = acc

    return pl.pallas_call(
        body,
        grid=grid,
        in_specs=[
            pl.BlockSpec((R, BR, D), lambda i: (0, i, 0)),
            pl.BlockSpec((R, DB, D), lambda i: (0, i, 0)),
            pl.BlockSpec((R, D, D), lambda i: (0, 0, 0)),
            pl.BlockSpec((R, D), lambda i: (0, 0)),
        ],
        out_specs=pl.BlockSpec((BR, D), lambda i: (i, 0)),
        out_shape=jax.ShapeDtypeStruct((NP, D), _f32),
    )(agg, deg2d, Ws, bs)


def _tc_predict(hp, P1, p1b, dvec, dbias):
    BR = 14336
    NBLK = EPAD // BR

    def body(hp_ref, p1_ref, p1b_ref, dv_ref, c_ref, out_ref):
        z = jnp.dot(hp_ref[...], p1_ref[...], preferred_element_type=_f32)
        z = jnp.maximum(z + p1b_ref[...], 0.0)
        logit = jnp.sum(z * dv_ref[...], axis=1) + c_ref[0]
        out_ref[...] = jax.nn.sigmoid(logit).reshape(BR // 256, 256)

    out = pl.pallas_call(
        body,
        grid=(NBLK,),
        in_specs=[
            pl.BlockSpec((BR, D), lambda i: (i, 0)),
            pl.BlockSpec((D, D), lambda i: (0, 0)),
            pl.BlockSpec((1, D), lambda i: (0, 0)),
            pl.BlockSpec((1, D), lambda i: (0, 0)),
            pl.BlockSpec(memory_space=pltpu.SMEM),
        ],
        out_specs=pl.BlockSpec((BR // 256, 256), lambda i: (i, 0)),
        out_shape=jax.ShapeDtypeStruct((EPAD // 256, 256), _f32),
    )(hp, P1, p1b, dvec, dbias)
    return out.reshape(EPAD)


def _pack_one(v, fill):
    pad = EPAD - v.shape[0]
    vp = jnp.concatenate([v, jnp.full((pad,), fill, jnp.int32)])
    return vp.reshape(NS, CH, CHUNK)


def _pack_edges(src, dst):
    return (_pack_one(src, 0), _pack_one(dst, N))


E_POS_CNT = 50000
E_NEG_CNT = 50000


def kernel(x, edge_r0, edge_r1, edge_r2, pos_edge, neg_edge,
           W1_0, b1_0, W1_1, b1_1, W1_2, b1_2,
           W2_0, b2_0, W2_1, b2_1, W2_2, b2_2,
           P1, p1b, P2, p2b):
    edges = [edge_r0, edge_r1, edge_r2]
    packed = [_pack_edges(e[0], e[1]) for e in edges]
    src3 = jnp.stack([p[0] for p in packed])
    dst3 = jnp.stack([p[1] for p in packed])

    W1s = jnp.stack([W1_0, W1_1, W1_2])
    b1s = jnp.stack([b1_0, b1_1, b1_2])
    W2s = jnp.stack([W2_0, W2_1, W2_2])
    b2s = jnp.stack([b2_0, b2_1, b2_2])

    agg1, deg = _sc_aggregate(src3, dst3, x, with_deg=True)(src3, dst3, x)
    deg2d = deg.reshape(3, NP // D, D)
    h1 = _tc_layer(agg1, deg2d, W1s, b1s, relu=True)
    res2 = _sc_aggregate(src3, dst3, h1, with_deg=False)(src3, dst3, h1)
    agg2 = res2[0] if isinstance(res2, (tuple, list)) else res2
    h2 = _tc_layer(agg2, deg2d, W2s, b2s, relu=False)

    src_sc = jnp.concatenate([pos_edge[0], neg_edge[0]])
    dst_sc = jnp.concatenate([pos_edge[1], neg_edge[1]])
    srcp, dstp = _pack_edges(src_sc, dst_sc)
    dstp = jnp.where(dstp >= N, 0, dstp)

    hp = _sc_gather_mul(srcp, dstp, h2)

    dvec = (P2[:, 1] - P2[:, 0]).reshape(1, D)
    dbias = (p2b[1] - p2b[0]).reshape(1)
    scores = _tc_predict(hp, P1, p1b.reshape(1, D), dvec, dbias)
    return (scores[:E_POS_CNT], scores[E_POS_CNT:E_POS_CNT + E_NEG_CNT])

# --- scband reference (transcript-rebuilt; emitter-appended) ---
"""Pipeline reference for scband-rgcn-link-predictor-61220463837501 (READ-ONLY COPY).

The authoritative reference and input builder live on the scoring server;
editing this copy changes nothing except your own understanding.
"""

import jax, jax.numpy as jnp
import numpy as np

N = 10000
E_REL = 100000
E_POS = 50000
E_NEG = 50000
D_IN = 128
D_HID = 128
D_OUT = 128


def setup_inputs(seed: int = 0) -> dict:
    key = jax.random.key(seed)
    ks = jax.random.split(key, 24)
    inp = {}
    inp["x"] = jax.random.normal(ks[0], (N, D_IN), dtype=jnp.float32)
    inp["edge_r0"] = jax.random.randint(ks[1], (2, E_REL), 0, N, dtype=jnp.int32)
    inp["edge_r1"] = jax.random.randint(ks[2], (2, E_REL), 0, N, dtype=jnp.int32)
    inp["edge_r2"] = jax.random.randint(ks[3], (2, E_REL), 0, N, dtype=jnp.int32)
    inp["pos_edge"] = jax.random.randint(ks[4], (2, E_POS), 0, N, dtype=jnp.int32)
    inp["neg_edge"] = jax.random.randint(ks[5], (2, E_NEG), 0, N, dtype=jnp.int32)
    s1 = 1.0 / np.sqrt(D_IN)
    s2 = 1.0 / np.sqrt(D_HID)
    s3 = 1.0 / np.sqrt(D_OUT)
    # layer-1 GraphConv weights (one per relation)
    for i, k in enumerate([ks[6], ks[7], ks[8]]):
        inp[f"W1_{i}"] = jax.random.normal(k, (D_IN, D_HID), dtype=jnp.float32) * s1
        inp[f"b1_{i}"] = jnp.zeros((D_HID,), dtype=jnp.float32)
    # layer-2 GraphConv weights (one per relation)
    for i, k in enumerate([ks[9], ks[10], ks[11]]):
        inp[f"W2_{i}"] = jax.random.normal(k, (D_HID, D_OUT), dtype=jnp.float32) * s2
        inp[f"b2_{i}"] = jnp.zeros((D_OUT,), dtype=jnp.float32)
    # predictor MLP: Linear(out,out) -> ReLU -> Linear(out,2) -> Softmax
    inp["P1"] = jax.random.normal(ks[12], (D_OUT, D_OUT), dtype=jnp.float32) * s3
    inp["p1b"] = jnp.zeros((D_OUT,), dtype=jnp.float32)
    inp["P2"] = jax.random.normal(ks[13], (D_OUT, 2), dtype=jnp.float32) * s3
    inp["p2b"] = jnp.zeros((2,), dtype=jnp.float32)
    return inp


def _graph_conv(x, edges, W, b):
    # DGL GraphConv with norm='right': rst = (scatter_add(XW over dst)) / in_deg + b
    src = edges[0]
    dst = edges[1]
    m = x @ W
    agg = jax.ops.segment_sum(m[src], dst, num_segments=N)
    deg = jax.ops.segment_sum(jnp.ones((edges.shape[1],), jnp.float32), dst, num_segments=N)
    deg = jnp.maximum(deg, 1.0)
    return agg / deg[:, None] + b


def _predict(h, edges, P1, p1b, P2, p2b):
    src = edges[0]
    dst = edges[1]
    hp = h[src] * h[dst]
    z = jax.nn.relu(hp @ P1 + p1b)
    z = z @ P2 + p2b
    return jax.nn.softmax(z, axis=1)[:, 1]


def reference(x, edge_r0, edge_r1, edge_r2, pos_edge, neg_edge,
              W1_0, b1_0, W1_1, b1_1, W1_2, b1_2,
              W2_0, b2_0, W2_1, b2_1, W2_2, b2_2,
              P1, p1b, P2, p2b):
    edges = [edge_r0, edge_r1, edge_r2]
    # layer 1: per-relation GraphConv with relu activation, HeteroGraphConv sum-aggregate
    h1 = jax.nn.relu(_graph_conv(x, edges[0], W1_0, b1_0))
    h1 = h1 + jax.nn.relu(_graph_conv(x, edges[1], W1_1, b1_1))
    h1 = h1 + jax.nn.relu(_graph_conv(x, edges[2], W1_2, b1_2))
    # layer 2: per-relation GraphConv (no activation), sum-aggregate
    h2 = _graph_conv(h1, edges[0], W2_0, b2_0)
    h2 = h2 + _graph_conv(h1, edges[1], W2_1, b2_1)
    h2 = h2 + _graph_conv(h1, edges[2], W2_2, b2_2)
    pos_score = _predict(h2, pos_edge, P1, p1b, P2, p2b)
    neg_score = _predict(h2, neg_edge, P1, p1b, P2, p2b)
    return (pos_score, neg_score)

if __name__ == "__main__":
    import jax
    _d = setup_inputs()
    print(jax.jit(kernel)(*tuple(_d.values())))

</pallas_src>

<mosaic_0001>
#map = affine_map<(d0, d1) -> (0, 0, 0, 0)>
#map1 = affine_map<(d0, d1) -> (0, 0)>
#map2 = affine_map<(d0, d1) -> (0, 0, 0)>
module attributes {stable_mosaic.version = 14 : i64} {
  func.func @body(%arg0: i32, %arg1: i32, %arg2: memref<3x16x49x128xi32, #tpu.memory_space<hbm>>, %arg3: memref<3x16x49x128xi32, #tpu.memory_space<hbm>>, %arg4: memref<10000x128xf32, #tpu.memory_space<hbm>>, %arg5: memref<3x10240x128xf32, #tpu.memory_space<hbm>>, %arg6: memref<3x1x10240xf32, #tpu.memory_space<hbm>>, %arg7: memref<49x128xi32, #tpu.memory_space<vmem>>, %arg8: memref<49x128xi32, #tpu.memory_space<vmem>>, %arg9: memref<2x128x128xf32, #tpu.memory_space<vmem>>, %arg10: memref<640xf32, #tpu.memory_space<vmem>>, %arg11: memref<128xf32, #tpu.memory_space<vmem>>, %arg12: memref<10240x128xf32, #tpu.memory_space<vmem_shared>>, %arg13: memref<10240xf32, #tpu.memory_space<vmem_shared>>, %arg14: memref<!tpu.dma_semaphore, #tpu.memory_space<semaphore_mem>>, %arg15: memref<!tpu.dma_semaphore, #tpu.memory_space<semaphore_mem>>, %arg16: memref<!tpu.dma_semaphore, #tpu.memory_space<semaphore_mem>>, %arg17: memref<!tpu.dma_semaphore, #tpu.memory_space<semaphore_mem>>, %arg18: memref<!tpu.dma_semaphore, #tpu.memory_space<semaphore_mem>>) attributes {dimension_semantics = [#tpu.dimension_semantics<core_parallel>, #tpu.dimension_semantics<subcore_parallel>], iteration_bounds = array<i64: 2, 16>, scalar_prefetch = 0 : i64, scratch_operands = 12 : i64, tpu.core_type = #tpu.core_type<sc_vector_subcore>, window_params = [{transform_indices = #map}, {transform_indices = #map}, {transform_indices = #map1}, {transform_indices = #map2}, {transform_indices = #map2}]} {
    %eq3A = arith.constant 0 : i32
    %eq3A_0 = arith.cmpi eq, %arg0, %eq3A : i32
    %convert_element_type3A = arith.extui %eq3A_0 : i1 to i32
    %cond3A = arith.constant 0 : i32
    %cond3A_1 = arith.cmpi ne, %convert_element_type3A, %cond3A : i32
    scf.if %cond3A_1 {
      %barrier3A = arith.constant 0 : index
      tpu.barrier barrier_id(%barrier3A)
      %scan3A = arith.constant 0 : i32
      %scan3A_7 = arith.constant 0 : i32
      %scan3A_8 = arith.constant 128 : i32
      %scan3A_9 = arith.addi %scan3A_7, %scan3A_8 : i32
      %scan3A_10 = arith.constant 1 : i32
      %scan3A_11 = scf.for %scan3A_172 = %scan3A_7 to %scan3A_9 step %scan3A_10 iter_args(%scan3A_173 = %scan3A) -> (i32)  : i32 {
        %broadcast_in_dim3A = arith.constant 0.000000e+00 : f32
        %broadcast_in_dim3A_174 = vector.broadcast %broadcast_in_dim3A : f32 to vector<16xf32>
        %swap3A = arith.constant 0 : i32
        %swap3A_175 = arith.index_cast %swap3A : i32 to index
        %swap3A_176 = arith.index_cast %scan3A_172 : i32 to index
        %swap3A_177 = arith.constant 0 : index
        %swap3A_178 = tpu.vector_load %arg9[%swap3A_175, %swap3A_176, %swap3A_177] {strides = array<i32>} : memref<2x128x128xf32, #tpu.memory_space<vmem>>, vector<1x1x16xf32>,
        %swap3A_179 = vector.shape_cast %swap3A_178 : vector<1x1x16xf32> to vector<16xf32>
        %swap3A_180 = vector.shape_cast %broadcast_in_dim3A_174 : vector<16xf32> to vector<1x1x16xf32>
        tpu.vector_store %arg9[%swap3A_175, %swap3A_176, %swap3A_177], %swap3A_180 {strides = array<i32>} : memref<2x128x128xf32, #tpu.memory_space<vmem>>, vector<1x1x16xf32>,
        %broadcast_in_dim3A_181 = arith.constant 0.000000e+00 : f32
        %broadcast_in_dim3A_182 = vector.broadcast %broadcast_in_dim3A_181 : f32 to vector<16xf32>
        %swap3A_183 = arith.constant 0 : i32
        %swap3A_184 = arith.index_cast %swap3A_183 : i32 to index
        %swap3A_185 = arith.index_cast %scan3A_172 : i32 to index
        %swap3A_186 = arith.constant 16 : index
        %swap3A_187 = tpu.vector_load %arg9[%swap3A_184, %swap3A_185, %swap3A_186] {strides = array<i32>} : memref<2x128x128xf32, #tpu.memory_space<vmem>>, vector<1x1x16xf32>,
        %swap3A_188 = vector.shape_cast %swap3A_187 : vector<1x1x16xf32> to vector<16xf32>
        %swap3A_189 = vector.shape_cast %broadcast_in_dim3A_182 : vector<16xf32> to vector<1x1x16xf32>
        tpu.vector_store %arg9[%swap3A_184, %swap3A_185, %swap3A_186], %swap3A_189 {strides = array<i32>} : memref<2x128x128xf32, #tpu.memory_space<vmem>>, vector<1x1x16xf32>,
        %broadcast_in_dim3A_190 = arith.constant 0.000000e+00 : f32
        %broadcast_in_dim3A_191 = vector.broadcast %broadcast_in_dim3A_190 : f32 to vector<16xf32>
        %swap3A_192 = arith.constant 0 : i32
        %swap3A_193 = arith.index_cast %swap3A_192 : i32 to index
        %swap3A_194 = arith.index_cast %scan3A_172 : i32 to index
        %swap3A_195 = arith.constant 32 : index
        %swap3A_196 = tpu.vector_load %arg9[%swap3A_193, %swap3A_194, %swap3A_195] {strides = array<i32>} : memref<2x128x128xf32, #tpu.memory_space<vmem>>, vector<1x1x16xf32>,
        %swap3A_197 = vector.shape_cast %swap3A_196 : vector<1x1x16xf32> to vector<16xf32>
        %swap3A_198 = vector.shape_cast %broadcast_in_dim3A_191 : vector<16xf32> to vector<1x1x16xf32>
        tpu.vector_store %arg9[%swap3A_193, %swap3A_194, %swap3A_195], %swap3A_198 {strides = array<i32>} : memref<2x128x128xf32, #tpu.memory_space<vmem>>, vector<1x1x16xf32>,
        %broadcast_in_dim3A_199 = arith.constant 0.000000e+00 : f32
        %broadcast_in_dim3A_200 = vector.broadcast %broadcast_in_dim3A_199 : f32 to vector<16xf32>
        %swap3A_201 = arith.constant 0 : i32
        %swap3A_202 = arith.index_cast %swap3A_201 : i32 to index
        %swap3A_203 = arith.index_cast %scan3A_172 : i32 to index
        %swap3A_204 = arith.constant 48 : index
        %swap3A_205 = tpu.vector_load %arg9[%swap3A_202, %swap3A_203, %swap3A_204] {strides = array<i32>} : memref<2x128x128xf32, #tpu.memory_space<vmem>>, vector<1x1x16xf32>,
        %swap3A_206 = vector.shape_cast %swap3A_205 : vector<1x1x16xf32> to vector<16xf32>
        %swap3A_207 = vector.shape_cast %broadcast_in_dim3A_200 : vector<16xf32> to vector<1x1x16xf32>
        tpu.vector_store %arg9[%swap3A_202, %swap3A_203, %swap3A_204], %swap3A_207 {strides = array<i32>} : memref<2x128x128xf32, #tpu.memory_space<vmem>>, vector<1x1x16xf32>,
        %broadcast_in_dim3A_208 = arith.constant 0.000000e+00 : f32
        %broadcast_in_dim3A_209 = vector.broadcast %broadcast_in_dim3A_208 : f32 to vector<16xf32>
        %swap3A_210 = arith.constant 0 : i32
        %swap3A_211 = arith.index_cast %swap3A_210 : i32 to index
        %swap3A_212 = arith.index_cast %scan3A_172 : i32 to index
        %swap3A_213 = arith.constant 64 : index
        %swap3A_214 = tpu.vector_load %arg9[%swap3A_211, %swap3A_212, %swap3A_213] {strides = array<i32>} : memref<2x128x128xf32, #tpu.memory_space<vmem>>, vector<1x1x16xf32>,
        %swap3A_215 = vector.shape_cast %swap3A_214 : vector<1x1x16xf32> to vector<16xf32>
        %swap3A_216 = vector.shape_cast %broadcast_in_dim3A_209 : vector<16xf32> to vector<1x1x16xf32>
        tpu.vector_store %arg9[%swap3A_211, %swap3A_212, %swap3A_213], %swap3A_216 {strides = array<i32>} : memref<2x128x128xf32, #tpu.memory_space<vmem>>, vector<1x1x16xf32>,
        %broadcast_in_dim3A_217 = arith.constant 0.000000e+00 : f32
        %broadcast_in_dim3A_218 = vector.broadcast %broadcast_in_dim3A_217 : f32 to vector<16xf32>
        %swap3A_219 = arith.constant 0 : i32
        %swap3A_220 = arith.index_cast %swap3A_219 : i32 to index
        %swap3A_221 = arith.index_cast %scan3A_172 : i32 to index
        %swap3A_222 = arith.constant 80 : index
        %swap3A_223 = tpu.vector_load %arg9[%swap3A_220, %swap3A_221, %swap3A_222] {strides = array<i32>} : memref<2x128x128xf32, #tpu.memory_space<vmem>>, vector<1x1x16xf32>,
        %swap3A_224 = vector.shape_cast %swap3A_223 : vector<1x1x16xf32> to vector<16xf32>
        %swap3A_225 = vector.shape_cast %broadcast_in_dim3A_218 : vector<16xf32> to vector<1x1x16xf32>
        tpu.vector_store %arg9[%swap3A_220, %swap3A_221, %swap3A_222], %swap3A_225 {strides = array<i32>} : memref<2x128x128xf32, #tpu.memory_space<vmem>>, vector<1x1x16xf32>,
        %broadcast_in_dim3A_226 = arith.constant 0.000000e+00 : f32
        %broadcast_in_dim3A_227 = vector.broadcast %broadcast_in_dim3A_226 : f32 to vector<16xf32>
        %swap3A_228 = arith.constant 0 : i32
        %swap3A_229 = arith.index_cast %swap3A_228 : i32 to index
        %swap3A_230 = arith.index_cast %scan3A_172 : i32 to index
        %swap3A_231 = arith.constant 96 : index
        %swap3A_232 = tpu.vector_load %arg9[%swap3A_229, %swap3A_230, %swap3A_231] {strides = array<i32>} : memref<2x128x128xf32, #tpu.memory_space<vmem>>, vector<1x1x16xf32>,
        %swap3A_233 = vector.shape_cast %swap3A_232 : vector<1x1x16xf32> to vector<16xf32>
        %swap3A_234 = vector.shape_cast %broadcast_in_dim3A_227 : vector<16xf32> to vector<1x1x16xf32>
        tpu.vector_store %arg9[%swap3A_229, %swap3A_230, %swap3A_231], %swap3A_234 {strides = array<i32>} : memref<2x128x128xf32, #tpu.memory_space<vmem>>, vector<1x1x16xf32>,
        %broadcast_in_dim3A_235 = arith.constant 0.000000e+00 : f32
        %broadcast_in_dim3A_236 = vector.broadcast %broadcast_in_dim3A_235 : f32 to vector<16xf32>
        %swap3A_237 = arith.constant 0 : i32
        %swap3A_238 = arith.index_cast %swap3A_237 : i32 to index
        %swap3A_239 = arith.index_cast %scan3A_172 : i32 to index
        %swap3A_240 = arith.constant 112 : index
        %swap3A_241 = tpu.vector_load %arg9[%swap3A_238, %swap3A_239, %swap3A_240] {strides = array<i32>} : memref<2x128x128xf32, #tpu.memory_space<vmem>>, vector<1x1x16xf32>,
        %swap3A_242 = vector.shape_cast %swap3A_241 : vector<1x1x16xf32> to vector<16xf32>
        %swap3A_243 = vector.shape_cast %broadcast_in_dim3A_236 : vector<16xf32> to vector<1x1x16xf32>
        tpu.vector_store %arg9[%swap3A_238, %swap3A_239, %swap3A_240], %swap3A_243 {strides = array<i32>} : memref<2x128x128xf32, #tpu.memory_space<vmem>>, vector<1x1x16xf32>,
        %scan3A_244 = arith.constant 0 : i32
        scf.yield %scan3A_244 : i32
      }
      %scan3A_12 = arith.constant 128 : i32
      %scan3A_13 = arith.constant 0 : i32
      %scan3A_14 = arith.constant 0 : i32
      %scan3A_15 = arith.constant 5 : i32
      %scan3A_16 = arith.addi %scan3A_14, %scan3A_15 : i32
      %scan3A_17 = arith.constant 1 : i32
      %scan3A_18 = scf.for %scan3A_172 = %scan3A_14 to %scan3A_16 step %scan3A_17 iter_args(%scan3A_173 = %scan3A_13) -> (i32)  : i32 {
        %mul3A_174 = arith.constant 640 : i32
        %mul3A_175 = arith.muli %arg1, %mul3A_174 : i32
        %mul3A_176 = arith.constant 128 : i32
        %mul3A_177 = arith.muli %scan3A_172, %mul3A_176 : i32
        %add3A = arith.addi %mul3A_175, %mul3A_177 : i32
        %run_scoped3A_178 = arith.constant 0 : i32
        "tpu.region"() ({
          %run_scoped3A_180 = tpu.sem_alloc : memref<!tpu.dma_semaphore, #tpu.memory_space<semaphore_mem>>
          %dma_start3A_181 = arith.constant 0 : i32
          %dma_start3A_182 = arith.constant 0 : i32
          %dma_start3A_183 = tpu.memref_slice %arg9[%run_scoped3A_178, %dma_start3A_181, %dma_start3A_182] : memref<2x128x128xf32, #tpu.memory_space<vmem>> -> memref<1x128x128xf32, #tpu.memory_space<vmem>>
          %dma_start3A_184 = tpu.memref_squeeze %dma_start3A_183 : memref<1x128x128xf32, #tpu.memory_space<vmem>> -> memref<128x128xf32, #tpu.memory_space<vmem>>
          %dma_start3A_185 = arith.constant 0 : i32
          %dma_start3A_186 = tpu.memref_slice %arg12[%add3A, %dma_start3A_185] : memref<10240x128xf32, #tpu.memory_space<vmem_shared>> -> memref<128x128xf32, #tpu.memory_space<vmem_shared>>
          %dma_start3A_187 = arith.constant 0 : i32
          %dma_start3A_188 = tpu.memref_slice %arg12[%add3A, %dma_start3A_187] : memref<10240x128xf32, #tpu.memory_space<vmem_shared>> -> memref<128x128xf32, #tpu.memory_space<vmem_shared>>
          %dma_start3A_189 = arith.constant 0 : i32
          %dma_start3A_190 = arith.constant 0 : i32
          %dma_start3A_191 = tpu.memref_slice %arg9[%run_scoped3A_178, %dma_start3A_189, %dma_start3A_190] : memref<2x128x128xf32, #tpu.memory_space<vmem>> -> memref<1x128x128xf32, #tpu.memory_space<vmem>>
          %dma_start3A_192 = tpu.memref_squeeze %dma_start3A_191 : memref<1x128x128xf32, #tpu.memory_space<vmem>> -> memref<128x128xf32, #tpu.memory_space<vmem>>
          tpu.enqueue_dma source(%dma_start3A_192 : memref<128x128xf32, #tpu.memory_space<vmem>>) target(%dma_start3A_188 : memref<128x128xf32, #tpu.memory_space<vmem_shared>>) target_semaphore(%run_scoped3A_180 : memref<!tpu.dma_semaphore, #tpu.memory_space<semaphore_mem>>)
          %dma_wait3A_193 = arith.constant 0 : i32
          %dma_wait3A_194 = arith.constant 0 : i32
          %dma_wait3A_195 = tpu.memref_slice %arg9[%run_scoped3A_178, %dma_wait3A_193, %dma_wait3A_194] : memref<2x128x128xf32, #tpu.memory_space<vmem>> -> memref<1x128x128xf32, #tpu.memory_space<vmem>>
          %dma_wait3A_196 = tpu.memref_squeeze %dma_wait3A_195 : memref<1x128x128xf32, #tpu.memory_space<vmem>> -> memref<128x128xf32, #tpu.memory_space<vmem>>
          %dma_wait3A_197 = arith.constant 0 : i32
          %dma_wait3A_198 = tpu.memref_slice %arg12[%add3A, %dma_wait3A_197] : memref<10240x128xf32, #tpu.memory_space<vmem_shared>> -> memref<128x128xf32, #tpu.memory_space<vmem_shared>>
          %dma_wait3A_199 = arith.constant 0 : i32
          %dma_wait3A_200 = tpu.memref_slice %arg12[%add3A, %dma_wait3A_199] : memref<10240x128xf32, #tpu.memory_space<vmem_shared>> -> memref<128x128xf32, #tpu.memory_space<vmem_shared>>
          %dma_wait3A_201 = arith.constant 0 : i32
          %dma_wait3A_202 = arith.constant 0 : i32
          %dma_wait3A_203 = tpu.memref_slice %arg9[%run_scoped3A_178, %dma_wait3A_201, %dma_wait3A_202] : memref<2x128x128xf32, #tpu.memory_space<vmem>> -> memref<1x128x128xf32, #tpu.memory_space<vmem>>
          %dma_wait3A_204 = tpu.memref_squeeze %dma_wait3A_203 : memref<1x128x128xf32, #tpu.memory_space<vmem>> -> memref<128x128xf32, #tpu.memory_space<vmem>>
          tpu.wait_dma2 semaphore(%run_scoped3A_180 : memref<!tpu.dma_semaphore, #tpu.memory_space<semaphore_mem>>) src(%dma_wait3A_204 : memref<128x128xf32, #tpu.memory_space<vmem>>) dst(%dma_wait3A_200 : memref<128x128xf32, #tpu.memory_space<vmem_shared>>)
          tpu.yield
        }) : () -> ()
        %scan3A_179 = arith.constant 0 : i32
        scf.yield %scan3A_179 : i32
      }
      %scan3A_19 = arith.constant 5 : i32
      %run_scoped3A = arith.constant 0 : i32
      "tpu.region"() ({
        %run_scoped3A_172 = tpu.sem_alloc : memref<!tpu.dma_semaphore, #tpu.memory_space<semaphore_mem>>
        %dma_start3A_173 = arith.constant 0 : i32
        %dma_start3A_174 = arith.constant 0 : i32
        %dma_start3A_175 = tpu.memref_slice %arg2[%run_scoped3A, %arg1, %dma_start3A_173, %dma_start3A_174] : memref<3x16x49x128xi32, #tpu.memory_space<hbm>> -> memref<1x1x49x128xi32, #tpu.memory_space<hbm>>
        %dma_start3A_176 = tpu.memref_squeeze %dma_start3A_175 : memref<1x1x49x128xi32, #tpu.memory_space<hbm>> -> memref<49x128xi32, #tpu.memory_space<hbm>>
        %dma_start3A_177 = arith.constant 0 : i32
        %dma_start3A_178 = arith.constant 0 : i32
        %dma_start3A_179 = tpu.memref_slice %arg2[%run_scoped3A, %arg1, %dma_start3A_177, %dma_start3A_178] : memref<3x16x49x128xi32, #tpu.memory_space<hbm>> -> memref<1x1x49x128xi32, #tpu.memory_space<hbm>>
        %dma_start3A_180 = tpu.memref_squeeze %dma_start3A_179 : memref<1x1x49x128xi32, #tpu.memory_space<hbm>> -> memref<49x128xi32, #tpu.memory_space<hbm>>
        tpu.enqueue_dma source(%dma_start3A_180 : memref<49x128xi32, #tpu.memory_space<hbm>>) target(%arg7 : memref<49x128xi32, #tpu.memory_space<vmem>>) target_semaphore(%run_scoped3A_172 : memref<!tpu.dma_semaphore, #tpu.memory_space<semaphore_mem>>)
        %dma_wait3A_181 = arith.constant 0 : i32
        %dma_wait3A_182 = arith.constant 0 : i32
        %dma_wait3A_183 = tpu.memref_slice %arg2[%run_scoped3A, %arg1, %dma_wait3A_181, %dma_wait3A_182] : memref<3x16x49x128xi32, #tpu.memory_space<hbm>> -> memref<1x1x49x128xi32, #tpu.memory_space<hbm>>
        %dma_wait3A_184 = tpu.memref_squeeze %dma_wait3A_183 : memref<1x1x49x128xi32, #tpu.memory_space<hbm>> -> memref<49x128xi32, #tpu.memory_space<hbm>>
        %dma_wait3A_185 = arith.constant 0 : i32
        %dma_wait3A_186 = arith.constant 0 : i32
        %dma_wait3A_187 = tpu.memref_slice %arg2[%run_scoped3A, %arg1, %dma_wait3A_185, %dma_wait3A_186] : memref<3x16x49x128xi32, #tpu.memory_space<hbm>> -> memref<1x1x49x128xi32, #tpu.memory_space<hbm>>
        %dma_wait3A_188 = tpu.memref_squeeze %dma_wait3A_187 : memref<1x1x49x128xi32, #tpu.memory_space<hbm>> -> memref<49x128xi32, #tpu.memory_space<hbm>>
        tpu.wait_dma2 semaphore(%run_scoped3A_172 : memref<!tpu.dma_semaphore, #tpu.memory_space<semaphore_mem>>) src(%dma_wait3A_188 : memref<49x128xi32, #tpu.memory_space<hbm>>) dst(%arg7 : memref<49x128xi32, #tpu.memory_space<vmem>>)
        tpu.yield
      }) : () -> ()
      %run_scoped3A_20 = arith.constant 0 : i32
      "tpu.region"() ({
        %run_scoped3A_172 = tpu.sem_alloc : memref<!tpu.dma_semaphore, #tpu.memory_space<semaphore_mem>>
        %dma_start3A_173 = arith.constant 0 : i32
        %dma_start3A_174 = arith.constant 0 : i32
        %dma_start3A_175 = tpu.memref_slice %arg3[%run_scoped3A_20, %arg1, %dma_start3A_173, %dma_start3A_174] : memref<3x16x49x128xi32, #tpu.memory_space<hbm>> -> memref<1x1x49x128xi32, #tpu.memory_space<hbm>>
        %dma_start3A_176 = tpu.memref_squeeze %dma_start3A_175 : memref<1x1x49x128xi32, #tpu.memory_space<hbm>> -> memref<49x128xi32, #tpu.memory_space<hbm>>
        %dma_start3A_177 = arith.constant 0 : i32
        %dma_start3A_178 = arith.constant 0 : i32
        %dma_start3A_179 = tpu.memref_slice %arg3[%run_scoped3A_20, %arg1, %dma_start3A_177, %dma_start3A_178] : memref<3x16x49x128xi32, #tpu.memory_space<hbm>> -> memref<1x1x49x128xi32, #tpu.memory_space<hbm>>
        %dma_start3A_180 = tpu.memref_squeeze %dma_start3A_179 : memref<1x1x49x128xi32, #tpu.memory_space<hbm>> -> memref<49x128xi32, #tpu.memory_space<hbm>>
        tpu.enqueue_dma source(%dma_start3A_180 : memref<49x128xi32, #tpu.memory_space<hbm>>) target(%arg8 : memref<49x128xi32, #tpu.memory_space<vmem>>) target_semaphore(%run_scoped3A_172 : memref<!tpu.dma_semaphore, #tpu.memory_space<semaphore_mem>>)
        %dma_wait3A_181 = arith.constant 0 : i32
        %dma_wait3A_182 = arith.constant 0 : i32
        %dma_wait3A_183 = tpu.memref_slice %arg3[%run_scoped3A_20, %arg1, %dma_wait3A_181, %dma_wait3A_182] : memref<3x16x49x128xi32, #tpu.memory_space<hbm>> -> memref<1x1x49x128xi32, #tpu.memory_space<hbm>>
        %dma_wait3A_184 = tpu.memref_squeeze %dma_wait3A_183 : memref<1x1x49x128xi32, #tpu.memory_space<hbm>> -> memref<49x128xi32, #tpu.memory_space<hbm>>
        %dma_wait3A_185 = arith.constant 0 : i32
        %dma_wait3A_186 = arith.constant 0 : i32
        %dma_wait3A_187 = tpu.memref_slice %arg3[%run_scoped3A_20, %arg1, %dma_wait3A_185, %dma_wait3A_186] : memref<3x16x49x128xi32, #tpu.memory_space<hbm>> -> memref<1x1x49x128xi32, #tpu.memory_space<hbm>>
        %dma_wait3A_188 = tpu.memref_squeeze %dma_wait3A_187 : memref<1x1x49x128xi32, #tpu.memory_space<hbm>> -> memref<49x128xi32, #tpu.memory_space<hbm>>
        tpu.wait_dma2 semaphore(%run_scoped3A_172 : memref<!tpu.dma_semaphore, #tpu.memory_space<semaphore_mem>>) src(%dma_wait3A_188 : memref<49x128xi32, #tpu.memory_space<hbm>>) dst(%arg8 : memref<49x128xi32, #tpu.memory_space<vmem>>)
        tpu.yield
      }) : () -> ()
      %barrier3A_21 = arith.constant 0 : index
      tpu.barrier barrier_id(%barrier3A_21)
      %dma_start3A = arith.constant 0 : i32
      %dma_start3A_22 = arith.constant 0 : i32
      %dma_start3A_23 = arith.constant 0 : i32
      %dma_start3A_24 = arith.constant 0 : i32
      %dma_start3A_25 = tpu.memref_slice %arg9[%dma_start3A_22, %dma_start3A_23, %dma_start3A_24] : memref<2x128x128xf32, #tpu.memory_space<vmem>> -> memref<1x128x128xf32, #tpu.memory_space<vmem>>
      %dma_start3A_26 = tpu.memref_squeeze %dma_start3A_25 : memref<1x128x128xf32, #tpu.memory_space<vmem>> -> memref<128x128xf32, #tpu.memory_space<vmem>>
      %dma_start3A_27 = arith.constant 0 : i32
      %dma_start3A_28 = tpu.memref_slice %arg7[%dma_start3A, %dma_start3A_27] : memref<49x128xi32, #tpu.memory_space<vmem>> -> memref<1x128xi32, #tpu.memory_space<vmem>>
      %dma_start3A_29 = tpu.memref_squeeze %dma_start3A_28 : memref<1x128xi32, #tpu.memory_space<vmem>> -> memref<128xi32, #tpu.memory_space<vmem>>
      %dma_start3A_30 = arith.constant 0 : i32
      %dma_start3A_31 = arith.constant 0 : i32
      %dma_start3A_32 = tpu.memref_slice %arg4[%dma_start3A_30, %dma_start3A_31] : memref<10000x128xf32, #tpu.memory_space<hbm>> -> memref<10000x128xf32, #tpu.memory_space<hbm>>
      tpu.enqueue_indirect_dma source(%dma_start3A_32 : memref<10000x128xf32, #tpu.memory_space<hbm>>) target(%dma_start3A_26 : memref<128x128xf32, #tpu.memory_space<vmem>>) offsets(%dma_start3A_29 : memref<128xi32, #tpu.memory_space<vmem>>) semaphore(%arg14 : memref<!tpu.dma_semaphore, #tpu.memory_space<semaphore_mem>>)
      %scan3A_33 = arith.constant 0 : i32
      %scan3A_34 = arith.constant 0 : i32
      %scan3A_35 = arith.constant 24 : i32
      %scan3A_36 = arith.addi %scan3A_34, %scan3A_35 : i32
      %scan3A_37 = arith.constant 1 : i32
      %scan3A_38 = scf.for %scan3A_172 = %scan3A_34 to %scan3A_36 step %scan3A_37 iter_args(%scan3A_173 = %scan3A_33) -> (i32)  : i32 {
        %mul3A_174 = arith.constant 2 : i32
        %mul3A_175 = arith.muli %mul3A_174, %scan3A_172 : i32
        %add3A = arith.constant 1 : i32
        %add3A_176 = arith.addi %mul3A_175, %add3A : i32
        %dma_wait3A_177 = arith.constant 0 : i32
        %dma_wait3A_178 = arith.constant 0 : i32
        %dma_wait3A_179 = arith.constant 0 : i32
        %dma_wait3A_180 = tpu.memref_slice %arg9[%dma_wait3A_177, %dma_wait3A_178, %dma_wait3A_179] : memref<2x128x128xf32, #tpu.memory_space<vmem>> -> memref<1x128x128xf32, #tpu.memory_space<vmem>>
        %dma_wait3A_181 = tpu.memref_squeeze %dma_wait3A_180 : memref<1x128x128xf32, #tpu.memory_space<vmem>> -> memref<128x128xf32, #tpu.memory_space<vmem>>
        %dma_wait3A_182 = arith.constant 0 : i32
        %dma_wait3A_183 = tpu.memref_slice %arg7[%mul3A_175, %dma_wait3A_182] : memref<49x128xi32, #tpu.memory_space<vmem>> -> memref<1x128xi32, #tpu.memory_space<vmem>>
        %dma_wait3A_184 = tpu.memref_squeeze %dma_wait3A_183 : memref<1x128xi32, #tpu.memory_space<vmem>> -> memref<128xi32, #tpu.memory_space<vmem>>
        %dma_wait3A_185 = arith.constant 0 : i32
        %dma_wait3A_186 = arith.constant 0 : i32
        %dma_wait3A_187 = tpu.memref_slice %arg4[%dma_wait3A_185, %dma_wait3A_186] : memref<10000x128xf32, #tpu.memory_space<hbm>> -> memref<10000x128xf32, #tpu.memory_space<hbm>>
        tpu.wait_indirect_dma semaphore(%arg14 : memref<!tpu.dma_semaphore, #tpu.memory_space<semaphore_mem>>) src(%dma_wait3A_187 : memref<10000x128xf32, #tpu.memory_space<hbm>>) dst(%dma_wait3A_181 : memref<128x128xf32, #tpu.memory_space<vmem>>)
        %dma_start3A_188 = arith.constant 1 : i32
        %dma_start3A_189 = arith.constant 0 : i32
        %dma_start3A_190 = arith.constant 0 : i32
        %dma_start3A_191 = tpu.memref_slice %arg9[%dma_start3A_188, %dma_start3A_189, %dma_start3A_190] : memref<2x128x128xf32, #tpu.memory_space<vmem>> -> memref<1x128x128xf32, #tpu.memory_space<vmem>>
        %dma_start3A_192 = tpu.memref_squeeze %dma_start3A_191 : memref<1x128x128xf32, #tpu.memory_space<vmem>> -> memref<128x128xf32, #tpu.memory_space<vmem>>
        %dma_start3A_193 = arith.constant 0 : i32
        %dma_start3A_194 = tpu.memref_slice %arg7[%add3A_176, %dma_start3A_193] : memref<49x128xi32, #tpu.memory_space<vmem>> -> memref<1x128xi32, #tpu.memory_space<vmem>>
        %dma_start3A_195 = tpu.memref_squeeze %dma_start3A_194 : memref<1x128xi32, #tpu.memory_space<vmem>> -> memref<128xi32, #tpu.memory_space<vmem>>
        %dma_start3A_196 = arith.constant 0 : i32
        %dma_start3A_197 = arith.constant 0 : i32
        %dma_start3A_198 = tpu.memref_slice %arg4[%dma_start3A_196, %dma_start3A_197] : memref<10000x128xf32, #tpu.memory_space<hbm>> -> memref<10000x128xf32, #tpu.memory_space<hbm>>
        tpu.enqueue_indirect_dma source(%dma_start3A_198 : memref<10000x128xf32, #tpu.memory_space<hbm>>) target(%dma_start3A_192 : memref<128x128xf32, #tpu.memory_space<vmem>>) offsets(%dma_start3A_195 : memref<128xi32, #tpu.memory_space<vmem>>) semaphore(%arg15 : memref<!tpu.dma_semaphore, #tpu.memory_space<semaphore_mem>>)
        %dma_start3A_199 = arith.constant 0 : i32
        %dma_start3A_200 = arith.constant 0 : i32
        %dma_start3A_201 = arith.constant 0 : i32
        %dma_start3A_202 = tpu.memref_slice %arg9[%dma_start3A_199, %dma_start3A_200, %dma_start3A_201] : memref<2x128x128xf32, #tpu.memory_space<vmem>> -> memref<1x128x128xf32, #tpu.memory_space<vmem>>
        %dma_start3A_203 = tpu.memref_squeeze %dma_start3A_202 : memref<1x128x128xf32, #tpu.memory_space<vmem>> -> memref<128x128xf32, #tpu.memory_space<vmem>>
        %dma_start3A_204 = arith.constant 0 : i32
        %dma_start3A_205 = tpu.memref_slice %arg8[%mul3A_175, %dma_start3A_204] : memref<49x128xi32, #tpu.memory_space<vmem>> -> memref<1x128xi32, #tpu.memory_space<vmem>>
        %dma_start3A_206 = tpu.memref_squeeze %dma_start3A_205 : memref<1x128xi32, #tpu.memory_space<vmem>> -> memref<128xi32, #tpu.memory_space<vmem>>
        %dma_start3A_207 = arith.constant 0 : i32
        %dma_start3A_208 = arith.constant 0 : i32
        %dma_start3A_209 = tpu.memref_slice %arg12[%dma_start3A_207, %dma_start3A_208] : memref<10240x128xf32, #tpu.memory_space<vmem_shared>> -> memref<10240x128xf32, #tpu.memory_space<vmem_shared>>
        tpu.enqueue_indirect_dma source(%dma_start3A_203 : memref<128x128xf32, #tpu.memory_space<vmem>>) target(%dma_start3A_209 : memref<10240x128xf32, #tpu.memory_space<vmem_shared>>) offsets(%dma_start3A_206 : memref<128xi32, #tpu.memory_space<vmem>>) semaphore(%arg16 : memref<!tpu.dma_semaphore, #tpu.memory_space<semaphore_mem>>) {add = true}
        %dma_wait3A_210 = arith.constant 0 : i32
        %dma_wait3A_211 = arith.constant 0 : i32
        %dma_wait3A_212 = arith.constant 0 : i32
        %dma_wait3A_213 = tpu.memref_slice %arg9[%dma_wait3A_210, %dma_wait3A_211, %dma_wait3A_212] : memref<2x128x128xf32, #tpu.memory_space<vmem>> -> memref<1x128x128xf32, #tpu.memory_space<vmem>>
        %dma_wait3A_214 = tpu.memref_squeeze %dma_wait3A_213 : memref<1x128x128xf32, #tpu.memory_space<vmem>> -> memref<128x128xf32, #tpu.memory_space<vmem>>
        %dma_wait3A_215 = arith.constant 0 : i32
        %dma_wait3A_216 = tpu.memref_slice %arg8[%mul3A_175, %dma_wait3A_215] : memref<49x128xi32, #tpu.memory_space<vmem>> -> memref<1x128xi32, #tpu.memory_space<vmem>>
        %dma_wait3A_217 = tpu.memref_squeeze %dma_wait3A_216 : memref<1x128xi32, #tpu.memory_space<vmem>> -> memref<128xi32, #tpu.memory_space<vmem>>
        %dma_wait3A_218 = arith.constant 0 : i32
        %dma_wait3A_219 = arith.constant 0 : i32
        %dma_wait3A_220 = tpu.memref_slice %arg12[%dma_wait3A_218, %dma_wait3A_219] : memref<10240x128xf32, #tpu.memory_space<vmem_shared>> -> memref<10240x128xf32, #tpu.memory_space<vmem_shared>>
        tpu.wait_indirect_dma semaphore(%arg16 : memref<!tpu.dma_semaphore, #tpu.memory_space<semaphore_mem>>) src(%dma_wait3A_214 : memref<128x128xf32, #tpu.memory_space<vmem>>) dst(%dma_wait3A_220 : memref<10240x128xf32, #tpu.memory_space<vmem_shared>>)
        %add3A_221 = arith.constant 2 : i32
        %add3A_222 = arith.addi %mul3A_175, %add3A_221 : i32
        %dma_start3A_223 = arith.constant 0 : i32
        %dma_start3A_224 = arith.constant 0 : i32
        %dma_start3A_225 = arith.constant 0 : i32
        %dma_start3A_226 = tpu.memref_slice %arg9[%dma_start3A_223, %dma_start3A_224, %dma_start3A_225] : memref<2x128x128xf32, #tpu.memory_space<vmem>> -> memref<1x128x128xf32, #tpu.memory_space<vmem>>
        %dma_start3A_227 = tpu.memref_squeeze %dma_start3A_226 : memref<1x128x128xf32, #tpu.memory_space<vmem>> -> memref<128x128xf32, #tpu.memory_space<vmem>>
        %dma_start3A_228 = arith.constant 0 : i32
        %dma_start3A_229 = tpu.memref_slice %arg7[%add3A_222, %dma_start3A_228] : memref<49x128xi32, #tpu.memory_space<vmem>> -> memref<1x128xi32, #tpu.memory_space<vmem>>
        %dma_start3A_230 = tpu.memref_squeeze %dma_start3A_229 : memref<1x128xi32, #tpu.memory_space<vmem>> -> memref<128xi32, #tpu.memory_space<vmem>>
        %dma_start3A_231 = arith.constant 0 : i32
        %dma_start3A_232 = arith.constant 0 : i32
        %dma_start3A_233 = tpu.memref_slice %arg4[%dma_start3A_231, %dma_start3A_232] : memref<10000x128xf32, #tpu.memory_space<hbm>> -> memref<10000x128xf32, #tpu.memory_space<hbm>>
        tpu.enqueue_indirect_dma source(%dma_start3A_233 : memref<10000x128xf32, #tpu.memory_space<hbm>>) target(%dma_start3A_227 : memref<128x128xf32, #tpu.memory_space<vmem>>) offsets(%dma_start3A_230 : memref<128xi32, #tpu.memory_space<vmem>>) semaphore(%arg14 : memref<!tpu.dma_semaphore, #tpu.memory_space<semaphore_mem>>)
        %dma_wait3A_234 = arith.constant 1 : i32
        %dma_wait3A_235 = arith.constant 0 : i32
        %dma_wait3A_236 = arith.constant 0 : i32
        %dma_wait3A_237 = tpu.memref_slice %arg9[%dma_wait3A_234, %dma_wait3A_235, %dma_wait3A_236] : memref<2x128x128xf32, #tpu.memory_space<vmem>> -> memref<1x128x128xf32, #tpu.memory_space<vmem>>
        %dma_wait3A_238 = tpu.memref_squeeze %dma_wait3A_237 : memref<1x128x128xf32, #tpu.memory_space<vmem>> -> memref<128x128xf32, #tpu.memory_space<vmem>>
        %dma_wait3A_239 = arith.constant 0 : i32
        %dma_wait3A_240 = tpu.memref_slice %arg7[%add3A_176, %dma_wait3A_239] : memref<49x128xi32, #tpu.memory_space<vmem>> -> memref<1x128xi32, #tpu.memory_space<vmem>>
        %dma_wait3A_241 = tpu.memref_squeeze %dma_wait3A_240 : memref<1x128xi32, #tpu.memory_space<vmem>> -> memref<128xi32, #tpu.memory_space<vmem>>
        %dma_wait3A_242 = arith.constant 0 : i32
        %dma_wait3A_243 = arith.constant 0 : i32
        %dma_wait3A_244 = tpu.memref_slice %arg4[%dma_wait3A_242, %dma_wait3A_243] : memref<10000x128xf32, #tpu.memory_space<hbm>> -> memref<10000x128xf32, #tpu.memory_space<hbm>>
        tpu.wait_indirect_dma semaphore(%arg15 : memref<!tpu.dma_semaphore, #tpu.memory_space<semaphore_mem>>) src(%dma_wait3A_244 : memref<10000x128xf32, #tpu.memory_space<hbm>>) dst(%dma_wait3A_238 : memref<128x128xf32, #tpu.memory_space<vmem>>)
        %dma_start3A_245 = arith.constant 1 : i32
        %dma_start3A_246 = arith.constant 0 : i32
        %dma_start3A_247 = arith.constant 0 : i32
        %dma_start3A_248 = tpu.memref_slice %arg9[%dma_start3A_245, %dma_start3A_246, %dma_start3A_247] : memref<2x128x128xf32, #tpu.memory_space<vmem>> -> memref<1x128x128xf32, #tpu.memory_space<vmem>>
        %dma_start3A_249 = tpu.memref_squeeze %dma_start3A_248 : memref<1x128x128xf32, #tpu.memory_space<vmem>> -> memref<128x128xf32, #tpu.memory_space<vmem>>
        %dma_start3A_250 = arith.constant 0 : i32
        %dma_start3A_251 = tpu.memref_slice %arg8[%add3A_176, %dma_start3A_250] : memref<49x128xi32, #tpu.memory_space<vmem>> -> memref<1x128xi32, #tpu.memory_space<vmem>>
        %dma_start3A_252 = tpu.memref_squeeze %dma_start3A_251 : memref<1x128xi32, #tpu.memory_space<vmem>> -> memref<128xi32, #tpu.memory_space<vmem>>
        %dma_start3A_253 = arith.constant 0 : i32
        %dma_start3A_254 = arith.constant 0 : i32
        %dma_start3A_255 = tpu.memref_slice %arg12[%dma_start3A_253, %dma_start3A_254] : memref<10240x128xf32, #tpu.memory_space<vmem_shared>> -> memref<10240x128xf32, #tpu.memory_space<vmem_shared>>
        tpu.enqueue_indirect_dma source(%dma_start3A_249 : memref<128x128xf32, #tpu.memory_space<vmem>>) target(%dma_start3A_255 : memref<10240x128xf32, #tpu.memory_space<vmem_shared>>) offsets(%dma_start3A_252 : memref<128xi32, #tpu.memory_space<vmem>>) semaphore(%arg17 : memref<!tpu.dma_semaphore, #tpu.memory_space<semaphore_mem>>) {add = true}
        %dma_wait3A_256 = arith.constant 1 : i32
        %dma_wait3A_257 = arith.constant 0 : i32
        %dma_wait3A_258 = arith.constant 0 : i32
        %dma_wait3A_259 = tpu.memref_slice %arg9[%dma_wait3A_256, %dma_wait3A_257, %dma_wait3A_258] : memref<2x128x128xf32, #tpu.memory_space<vmem>> -> memref<1x128x128xf32, #tpu.memory_space<vmem>>
        %dma_wait3A_260 = tpu.memref_squeeze %dma_wait3A_259 : memref<1x128x128xf32, #tpu.memory_space<vmem>> -> memref<128x128xf32, #tpu.memory_space<vmem>>
        %dma_wait3A_261 = arith.constant 0 : i32
        %dma_wait3A_262 = tpu.memref_slice %arg8[%add3A_176, %dma_wait3A_261] : memref<49x128xi32, #tpu.memory_space<vmem>> -> memref<1x128xi32, #tpu.memory_space<vmem>>
        %dma_wait3A_263 = tpu.memref_squeeze %dma_wait3A_262 : memref<1x128xi32, #tpu.memory_space<vmem>> -> memref<128xi32, #tpu.memory_space<vmem>>
        %dma_wait3A_264 = arith.constant 0 : i32
        %dma_wait3A_265 = arith.constant 0 : i32
        %dma_wait3A_266 = tpu.memref_slice %arg12[%dma_wait3A_264, %dma_wait3A_265] : memref<10240x128xf32, #tpu.memory_space<vmem_shared>> -> memref<10240x128xf32, #tpu.memory_space<vmem_shared>>
        tpu.wait_indirect_dma semaphore(%arg17 : memref<!tpu.dma_semaphore, #tpu.memory_space<semaphore_mem>>) src(%dma_wait3A_260 : memref<128x128xf32, #tpu.memory_space<vmem>>) dst(%dma_wait3A_266 : memref<10240x128xf32, #tpu.memory_space<vmem_shared>>)
        %scan3A_267 = arith.constant 0 : i32
        scf.yield %scan3A_267 : i32
      }
      %scan3A_39 = arith.constant 24 : i32
      %dma_wait3A = arith.constant 48 : i32
      %dma_wait3A_40 = arith.constant 0 : i32
      %dma_wait3A_41 = arith.constant 0 : i32
      %dma_wait3A_42 = arith.constant 0 : i32
      %dma_wait3A_43 = tpu.memref_slice %arg9[%dma_wait3A_40, %dma_wait3A_41, %dma_wait3A_42] : memref<2x128x128xf32, #tpu.memory_space<vmem>> -> memref<1x128x128xf32, #tpu.memory_space<vmem>>
      %dma_wait3A_44 = tpu.memref_squeeze %dma_wait3A_43 : memref<1x128x128xf32, #tpu.memory_space<vmem>> -> memref<128x128xf32, #tpu.memory_space<vmem>>
      %dma_wait3A_45 = arith.constant 0 : i32
      %dma_wait3A_46 = tpu.memref_slice %arg7[%dma_wait3A, %dma_wait3A_45] : memref<49x128xi32, #tpu.memory_space<vmem>> -> memref<1x128xi32, #tpu.memory_space<vmem>>
      %dma_wait3A_47 = tpu.memref_squeeze %dma_wait3A_46 : memref<1x128xi32, #tpu.memory_space<vmem>> -> memref<128xi32, #tpu.memory_space<vmem>>
      %dma_wait3A_48 = arith.constant 0 : i32
      %dma_wait3A_49 = arith.constant 0 : i32
      %dma_wait3A_50 = tpu.memref_slice %arg4[%dma_wait3A_48, %dma_wait3A_49] : memref<10000x128xf32, #tpu.memory_space<hbm>> -> memref<10000x128xf32, #tpu.memory_space<hbm>>
      tpu.wait_indirect_dma semaphore(%arg14 : memref<!tpu.dma_semaphore, #tpu.memory_space<semaphore_mem>>) src(%dma_wait3A_50 : memref<10000x128xf32, #tpu.memory_space<hbm>>) dst(%dma_wait3A_44 : memref<128x128xf32, #tpu.memory_space<vmem>>)
      %run_scoped3A_51 = arith.constant 0 : i32
      %run_scoped3A_52 = arith.constant 48 : i32
      "tpu.region"() ({
        %run_scoped3A_172 = tpu.sem_alloc : memref<!tpu.dma_semaphore, #tpu.memory_space<semaphore_mem>>
        %dma_start3A_173 = arith.constant 0 : i32
        %dma_start3A_174 = arith.constant 0 : i32
        %dma_start3A_175 = tpu.memref_slice %arg9[%run_scoped3A_51, %dma_start3A_173, %dma_start3A_174] : memref<2x128x128xf32, #tpu.memory_space<vmem>> -> memref<1x128x128xf32, #tpu.memory_space<vmem>>
        %dma_start3A_176 = tpu.memref_squeeze %dma_start3A_175 : memref<1x128x128xf32, #tpu.memory_space<vmem>> -> memref<128x128xf32, #tpu.memory_space<vmem>>
        %dma_start3A_177 = arith.constant 0 : i32
        %dma_start3A_178 = tpu.memref_slice %arg8[%run_scoped3A_52, %dma_start3A_177] : memref<49x128xi32, #tpu.memory_space<vmem>> -> memref<1x128xi32, #tpu.memory_space<vmem>>
        %dma_start3A_179 = tpu.memref_squeeze %dma_start3A_178 : memref<1x128xi32, #tpu.memory_space<vmem>> -> memref<128xi32, #tpu.memory_space<vmem>>
        %dma_start3A_180 = arith.constant 0 : i32
        %dma_start3A_181 = arith.constant 0 : i32
        %dma_start3A_182 = tpu.memref_slice %arg12[%dma_start3A_180, %dma_start3A_181] : memref<10240x128xf32, #tpu.memory_space<vmem_shared>> -> memref<10240x128xf32, #tpu.memory_space<vmem_shared>>
        tpu.enqueue_indirect_dma source(%dma_start3A_176 : memref<128x128xf32, #tpu.memory_space<vmem>>) target(%dma_start3A_182 : memref<10240x128xf32, #tpu.memory_space<vmem_shared>>) offsets(%dma_start3A_179 : memref<128xi32, #tpu.memory_space<vmem>>) semaphore(%run_scoped3A_172 : memref<!tpu.dma_semaphore, #tpu.memory_space<semaphore_mem>>) {add = true}
        %dma_wait3A_183 = arith.constant 0 : i32
        %dma_wait3A_184 = arith.constant 0 : i32
        %dma_wait3A_185 = tpu.memref_slice %arg9[%run_scoped3A_51, %dma_wait3A_183, %dma_wait3A_184] : memref<2x128x128xf32, #tpu.memory_space<vmem>> -> memref<1x128x128xf32, #tpu.memory_space<vmem>>
        %dma_wait3A_186 = tpu.memref_squeeze %dma_wait3A_185 : memref<1x128x128xf32, #tpu.memory_space<vmem>> -> memref<128x128xf32, #tpu.memory_space<vmem>>
        %dma_wait3A_187 = arith.constant 0 : i32
        %dma_wait3A_188 = tpu.memref_slice %arg8[%run_scoped3A_52, %dma_wait3A_187] : memref<49x128xi32, #tpu.memory_space<vmem>> -> memref<1x128xi32, #tpu.memory_space<vmem>>
        %dma_wait3A_189 = tpu.memref_squeeze %dma_wait3A_188 : memref<1x128xi32, #tpu.memory_space<vmem>> -> memref<128xi32, #tpu.memory_space<vmem>>
        %dma_wait3A_190 = arith.constant 0 : i32
        %dma_wait3A_191 = arith.constant 0 : i32
        %dma_wait3A_192 = tpu.memref_slice %arg12[%dma_wait3A_190, %dma_wait3A_191] : memref<10240x128xf32, #tpu.memory_space<vmem_shared>> -> memref<10240x128xf32, #tpu.memory_space<vmem_shared>>
        tpu.wait_indirect_dma semaphore(%run_scoped3A_172 : memref<!tpu.dma_semaphore, #tpu.memory_space<semaphore_mem>>) src(%dma_wait3A_186 : memref<128x128xf32, #tpu.memory_space<vmem>>) dst(%dma_wait3A_192 : memref<10240x128xf32, #tpu.memory_space<vmem_shared>>)
        tpu.yield
      }) : () -> ()
      %barrier3A_53 = arith.constant 0 : index
      tpu.barrier barrier_id(%barrier3A_53)
      %mul3A = arith.constant 640 : i32
      %mul3A_54 = arith.muli %arg1, %mul3A : i32
      %mul3A_55 = arith.constant 640 : i32
      %mul3A_56 = arith.muli %arg1, %mul3A_55 : i32
      %run_scoped3A_57 = arith.constant 0 : i32
      "tpu.region"() ({
        %run_scoped3A_172 = tpu.sem_alloc : memref<!tpu.dma_semaphore, #tpu.memory_space<semaphore_mem>>
        %dma_start3A_173 = arith.constant 0 : i32
        %dma_start3A_174 = tpu.memref_slice %arg5[%run_scoped3A_57, %mul3A_56, %dma_start3A_173] : memref<3x10240x128xf32, #tpu.memory_space<hbm>> -> memref<1x640x128xf32, #tpu.memory_space<hbm>>
        %dma_start3A_175 = tpu.memref_squeeze %dma_start3A_174 : memref<1x640x128xf32, #tpu.memory_space<hbm>> -> memref<640x128xf32, #tpu.memory_space<hbm>>
        %dma_start3A_176 = arith.constant 0 : i32
        %dma_start3A_177 = tpu.memref_slice %arg12[%mul3A_54, %dma_start3A_176] : memref<10240x128xf32, #tpu.memory_space<vmem_shared>> -> memref<640x128xf32, #tpu.memory_space<vmem_shared>>
        tpu.enqueue_dma source(%dma_start3A_177 : memref<640x128xf32, #tpu.memory_space<vmem_shared>>) target(%dma_start3A_175 : memref<640x128xf32, #tpu.memory_space<hbm>>) target_semaphore(%run_scoped3A_172 : memref<!tpu.dma_semaphore, #tpu.memory_space<semaphore_mem>>)
        %dma_wait3A_178 = arith.constant 0 : i32
        %dma_wait3A_179 = tpu.memref_slice %arg5[%run_scoped3A_57, %mul3A_56, %dma_wait3A_178] : memref<3x10240x128xf32, #tpu.memory_space<hbm>> -> memref<1x640x128xf32, #tpu.memory_space<hbm>>
        %dma_wait3A_180 = tpu.memref_squeeze %dma_wait3A_179 : memref<1x640x128xf32, #tpu.memory_space<hbm>> -> memref<640x128xf32, #tpu.memory_space<hbm>>
        %dma_wait3A_181 = arith.constant 0 : i32
        %dma_wait3A_182 = tpu.memref_slice %arg12[%mul3A_54, %dma_wait3A_181] : memref<10240x128xf32, #tpu.memory_space<vmem_shared>> -> memref<640x128xf32, #tpu.memory_space<vmem_shared>>
        tpu.wait_dma2 semaphore(%run_scoped3A_172 : memref<!tpu.dma_semaphore, #tpu.memory_space<semaphore_mem>>) src(%dma_wait3A_182 : memref<640x128xf32, #tpu.memory_space<vmem_shared>>) dst(%dma_wait3A_180 : memref<640x128xf32, #tpu.memory_space<hbm>>)
        tpu.yield
      }) : () -> ()
      %barrier3A_58 = arith.constant 0 : index
      tpu.barrier barrier_id(%barrier3A_58)
      %scan3A_59 = arith.constant 0 : i32
      %scan3A_60 = arith.constant 0 : i32
      %scan3A_61 = arith.constant 128 : i32
      %scan3A_62 = arith.addi %scan3A_60, %scan3A_61 : i32
      %scan3A_63 = arith.constant 1 : i32
      %scan3A_64 = scf.for %scan3A_172 = %scan3A_60 to %scan3A_62 step %scan3A_63 iter_args(%scan3A_173 = %scan3A_59) -> (i32)  : i32 {
        %broadcast_in_dim3A = arith.constant 0.000000e+00 : f32
        %broadcast_in_dim3A_174 = vector.broadcast %broadcast_in_dim3A : f32 to vector<16xf32>
        %swap3A = arith.constant 0 : i32
        %swap3A_175 = arith.index_cast %swap3A : i32 to index
        %swap3A_176 = arith.index_cast %scan3A_172 : i32 to index
        %swap3A_177 = arith.constant 0 : index
        %swap3A_178 = tpu.vector_load %arg9[%swap3A_175, %swap3A_176, %swap3A_177] {strides = array<i32>} : memref<2x128x128xf32, #tpu.memory_space<vmem>>, vector<1x1x16xf32>,
        %swap3A_179 = vector.shape_cast %swap3A_178 : vector<1x1x16xf32> to vector<16xf32>
        %swap3A_180 = vector.shape_cast %broadcast_in_dim3A_174 : vector<16xf32> to vector<1x1x16xf32>
        tpu.vector_store %arg9[%swap3A_175, %swap3A_176, %swap3A_177], %swap3A_180 {strides = array<i32>} : memref<2x128x128xf32, #tpu.memory_space<vmem>>, vector<1x1x16xf32>,
        %broadcast_in_dim3A_181 = arith.constant 0.000000e+00 : f32
        %broadcast_in_dim3A_182 = vector.broadcast %broadcast_in_dim3A_181 : f32 to vector<16xf32>
        %swap3A_183 = arith.constant 0 : i32
        %swap3A_184 = arith.index_cast %swap3A_183 : i32 to index
        %swap3A_185 = arith.index_cast %scan3A_172 : i32 to index
        %swap3A_186 = arith.constant 16 : index
        %swap3A_187 = tpu.vector_load %arg9[%swap3A_184, %swap3A_185, %swap3A_186] {strides = array<i32>} : memref<2x128x128xf32, #tpu.memory_space<vmem>>, vector<1x1x16xf32>,
        %swap3A_188 = vector.shape_cast %swap3A_187 : vector<1x1x16xf32> to vector<16xf32>
        %swap3A_189 = vector.shape_cast %broadcast_in_dim3A_182 : vector<16xf32> to vector<1x1x16xf32>
        tpu.vector_store %arg9[%swap3A_184, %swap3A_185, %swap3A_186], %swap3A_189 {strides = array<i32>} : memref<2x128x128xf32, #tpu.memory_space<vmem>>, vector<1x1x16xf32>,
        %broadcast_in_dim3A_190 = arith.constant 0.000000e+00 : f32
        %broadcast_in_dim3A_191 = vector.broadcast %broadcast_in_dim3A_190 : f32 to vector<16xf32>
        %swap3A_192 = arith.constant 0 : i32
        %swap3A_193 = arith.index_cast %swap3A_192 : i32 to index
        %swap3A_194 = arith.index_cast %scan3A_172 : i32 to index
        %swap3A_195 = arith.constant 32 : index
        %swap3A_196 = tpu.vector_load %arg9[%swap3A_193, %swap3A_194, %swap3A_195] {strides = array<i32>} : memref<2x128x128xf32, #tpu.memory_space<vmem>>, vector<1x1x16xf32>,
        %swap3A_197 = vector.shape_cast %swap3A_196 : vector<1x1x16xf32> to vector<16xf32>
        %swap3A_198 = vector.shape_cast %broadcast_in_dim3A_191 : vector<16xf32> to vector<1x1x16xf32>
        tpu.vector_store %arg9[%swap3A_193, %swap3A_194, %swap3A_195], %swap3A_198 {strides = array<i32>} : memref<2x128x128xf32, #tpu.memory_space<vmem>>, vector<1x1x16xf32>,
        %broadcast_in_dim3A_199 = arith.constant 0.000000e+00 : f32
        %broadcast_in_dim3A_200 = vector.broadcast %broadcast_in_dim3A_199 : f32 to vector<16xf32>
        %swap3A_201 = arith.constant 0 : i32
        %swap3A_202 = arith.index_cast %swap3A_201 : i32 to index
        %swap3A_203 = arith.index_cast %scan3A_172 : i32 to index
        %swap3A_204 = arith.constant 48 : index
        %swap3A_205 = tpu.vector_load %arg9[%swap3A_202, %swap3A_203, %swap3A_204] {strides = array<i32>} : memref<2x128x128xf32, #tpu.memory_space<vmem>>, vector<1x1x16xf32>,
        %swap3A_206 = vector.shape_cast %swap3A_205 : vector<1x1x16xf32> to vector<16xf32>
        %swap3A_207 = vector.shape_cast %broadcast_in_dim3A_200 : vector<16xf32> to vector<1x1x16xf32>
        tpu.vector_store %arg9[%swap3A_202, %swap3A_203, %swap3A_204], %swap3A_207 {strides = array<i32>} : memref<2x128x128xf32, #tpu.memory_space<vmem>>, vector<1x1x16xf32>,
        %broadcast_in_dim3A_208 = arith.constant 0.000000e+00 : f32
        %broadcast_in_dim3A_209 = vector.broadcast %broadcast_in_dim3A_208 : f32 to vector<16xf32>
        %swap3A_210 = arith.constant 0 : i32
        %swap3A_211 = arith.index_cast %swap3A_210 : i32 to index
        %swap3A_212 = arith.index_cast %scan3A_172 : i32 to index
        %swap3A_213 = arith.constant 64 : index
        %swap3A_214 = tpu.vector_load %arg9[%swap3A_211, %swap3A_212, %swap3A_213] {strides = array<i32>} : memref<2x128x128xf32, #tpu.memory_space<vmem>>, vector<1x1x16xf32>,
        %swap3A_215 = vector.shape_cast %swap3A_214 : vector<1x1x16xf32> to vector<16xf32>
        %swap3A_216 = vector.shape_cast %broadcast_in_dim3A_209 : vector<16xf32> to vector<1x1x16xf32>
        tpu.vector_store %arg9[%swap3A_211, %swap3A_212, %swap3A_213], %swap3A_216 {strides = array<i32>} : memref<2x128x128xf32, #tpu.memory_space<vmem>>, vector<1x1x16xf32>,
        %broadcast_in_dim3A_217 = arith.constant 0.000000e+00 : f32
        %broadcast_in_dim3A_218 = vector.broadcast %broadcast_in_dim3A_217 : f32 to vector<16xf32>
        %swap3A_219 = arith.constant 0 : i32
        %swap3A_220 = arith.index_cast %swap3A_219 : i32 to index
        %swap3A_221 = arith.index_cast %scan3A_172 : i32 to index
        %swap3A_222 = arith.constant 80 : index
        %swap3A_223 = tpu.vector_load %arg9[%swap3A_220, %swap3A_221, %swap3A_222] {strides = array<i32>} : memref<2x128x128xf32, #tpu.memory_space<vmem>>, vector<1x1x16xf32>,
        %swap3A_224 = vector.shape_cast %swap3A_223 : vector<1x1x16xf32> to vector<16xf32>
        %swap3A_225 = vector.shape_cast %broadcast_in_dim3A_218 : vector<16xf32> to vector<1x1x16xf32>
        tpu.vector_store %arg9[%swap3A_220, %swap3A_221, %swap3A_222], %swap3A_225 {strides = array<i32>} : memref<2x128x128xf32, #tpu.memory_space<vmem>>, vector<1x1x16xf32>,
        %broadcast_in_dim3A_226 = arith.constant 0.000000e+00 : f32
        %broadcast_in_dim3A_227 = vector.broadcast %broadcast_in_dim3A_226 : f32 to vector<16xf32>
        %swap3A_228 = arith.constant 0 : i32
        %swap3A_229 = arith.index_cast %swap3A_228 : i32 to index
        %swap3A_230 = arith.index_cast %scan3A_172 : i32 to index
        %swap3A_231 = arith.constant 96 : index
        %swap3A_232 = tpu.vector_load %arg9[%swap3A_229, %swap3A_230, %swap3A_231] {strides = array<i32>} : memref<2x128x128xf32, #tpu.memory_space<vmem>>, vector<1x1x16xf32>,
        %swap3A_233 = vector.shape_cast %swap3A_232 : vector<1x1x16xf32> to vector<16xf32>
        %swap3A_234 = vector.shape_cast %broadcast_in_dim3A_227 : vector<16xf32> to vector<1x1x16xf32>
        tpu.vector_store %arg9[%swap3A_229, %swap3A_230, %swap3A_231], %swap3A_234 {strides = array<i32>} : memref<2x128x128xf32, #tpu.memory_space<vmem>>, vector<1x1x16xf32>,
        %broadcast_in_dim3A_235 = arith.constant 0.000000e+00 : f32
        %broadcast_in_dim3A_236 = vector.broadcast %broadcast_in_dim3A_235 : f32 to vector<16xf32>
        %swap3A_237 = arith.constant 0 : i32
        %swap3A_238 = arith.index_cast %swap3A_237 : i32 to index
        %swap3A_239 = arith.index_cast %scan3A_172 : i32 to index
        %swap3A_240 = arith.constant 112 : index
        %swap3A_241 = tpu.vector_load %arg9[%swap3A_238, %swap3A_239, %swap3A_240] {strides = array<i32>} : memref<2x128x128xf32, #tpu.memory_space<vmem>>, vector<1x1x16xf32>,
        %swap3A_242 = vector.shape_cast %swap3A_241 : vector<1x1x16xf32> to vector<16xf32>
        %swap3A_243 = vector.shape_cast %broadcast_in_dim3A_236 : vector<16xf32> to vector<1x1x16xf32>
        tpu.vector_store %arg9[%swap3A_238, %swap3A_239, %swap3A_240], %swap3A_243 {strides = array<i32>} : memref<2x128x128xf32, #tpu.memory_space<vmem>>, vector<1x1x16xf32>,
        %scan3A_244 = arith.constant 0 : i32
        scf.yield %scan3A_244 : i32
      }
      %scan3A_65 = arith.constant 128 : i32
      %scan3A_66 = arith.constant 0 : i32
      %scan3A_67 = arith.constant 0 : i32
      %scan3A_68 = arith.constant 5 : i32
      %scan3A_69 = arith.addi %scan3A_67, %scan3A_68 : i32
      %scan3A_70 = arith.constant 1 : i32
      %scan3A_71 = scf.for %scan3A_172 = %scan3A_67 to %scan3A_69 step %scan3A_70 iter_args(%scan3A_173 = %scan3A_66) -> (i32)  : i32 {
        %mul3A_174 = arith.constant 640 : i32
        %mul3A_175 = arith.muli %arg1, %mul3A_174 : i32
        %mul3A_176 = arith.constant 128 : i32
        %mul3A_177 = arith.muli %scan3A_172, %mul3A_176 : i32
        %add3A = arith.addi %mul3A_175, %mul3A_177 : i32
        %run_scoped3A_178 = arith.constant 0 : i32
        "tpu.region"() ({
          %run_scoped3A_180 = tpu.sem_alloc : memref<!tpu.dma_semaphore, #tpu.memory_space<semaphore_mem>>
          %dma_start3A_181 = arith.constant 0 : i32
          %dma_start3A_182 = arith.constant 0 : i32
          %dma_start3A_183 = tpu.memref_slice %arg9[%run_scoped3A_178, %dma_start3A_181, %dma_start3A_182] : memref<2x128x128xf32, #tpu.memory_space<vmem>> -> memref<1x128x128xf32, #tpu.memory_space<vmem>>
          %dma_start3A_184 = tpu.memref_squeeze %dma_start3A_183 : memref<1x128x128xf32, #tpu.memory_space<vmem>> -> memref<128x128xf32, #tpu.memory_space<vmem>>
          %dma_start3A_185 = arith.constant 0 : i32
          %dma_start3A_186 = tpu.memref_slice %arg12[%add3A, %dma_start3A_185] : memref<10240x128xf32, #tpu.memory_space<vmem_shared>> -> memref<128x128xf32, #tpu.memory_space<vmem_shared>>
          %dma_start3A_187 = arith.constant 0 : i32
          %dma_start3A_188 = tpu.memref_slice %arg12[%add3A, %dma_start3A_187] : memref<10240x128xf32, #tpu.memory_space<vmem_shared>> -> memref<128x128xf32, #tpu.memory_space<vmem_shared>>
          %dma_start3A_189 = arith.constant 0 : i32
          %dma_start3A_190 = arith.constant 0 : i32
          %dma_start3A_191 = tpu.memref_slice %arg9[%run_scoped3A_178, %dma_start3A_189, %dma_start3A_190] : memref<2x128x128xf32, #tpu.memory_space<vmem>> -> memref<1x128x128xf32, #tpu.memory_space<vmem>>
          %dma_start3A_192 = tpu.memref_squeeze %dma_start3A_191 : memref<1x128x128xf32, #tpu.memory_space<vmem>> -> memref<128x128xf32, #tpu.memory_space<vmem>>
          tpu.enqueue_dma source(%dma_start3A_192 : memref<128x128xf32, #tpu.memory_space<vmem>>) target(%dma_start3A_188 : memref<128x128xf32, #tpu.memory_space<vmem_shared>>) target_semaphore(%run_scoped3A_180 : memref<!tpu.dma_semaphore, #tpu.memory_space<semaphore_mem>>)
          %dma_wait3A_193 = arith.constant 0 : i32
          %dma_wait3A_194 = arith.constant 0 : i32
          %dma_wait3A_195 = tpu.memref_slice %arg9[%run_scoped3A_178, %dma_wait3A_193, %dma_wait3A_194] : memref<2x128x128xf32, #tpu.memory_space<vmem>> -> memref<1x128x128xf32, #tpu.memory_space<vmem>>
          %dma_wait3A_196 = tpu.memref_squeeze %dma_wait3A_195 : memref<1x128x128xf32, #tpu.memory_space<vmem>> -> memref<128x128xf32, #tpu.memory_space<vmem>>
          %dma_wait3A_197 = arith.constant 0 : i32
          %dma_wait3A_198 = tpu.memref_slice %arg12[%add3A, %dma_wait3A_197] : memref<10240x128xf32, #tpu.memory_space<vmem_shared>> -> memref<128x128xf32, #tpu.memory_space<vmem_shared>>
          %dma_wait3A_199 = arith.constant 0 : i32
          %dma_wait3A_200 = tpu.memref_slice %arg12[%add3A, %dma_wait3A_199] : memref<10240x128xf32, #tpu.memory_space<vmem_shared>> -> memref<128x128xf32, #tpu.memory_space<vmem_shared>>
          %dma_wait3A_201 = arith.constant 0 : i32
          %dma_wait3A_202 = arith.constant 0 : i32
          %dma_wait3A_203 = tpu.memref_slice %arg9[%run_scoped3A_178, %dma_wait3A_201, %dma_wait3A_202] : memref<2x128x128xf32, #tpu.memory_space<vmem>> -> memref<1x128x128xf32, #tpu.memory_space<vmem>>
          %dma_wait3A_204 = tpu.memref_squeeze %dma_wait3A_203 : memref<1x128x128xf32, #tpu.memory_space<vmem>> -> memref<128x128xf32, #tpu.memory_space<vmem>>
          tpu.wait_dma2 semaphore(%run_scoped3A_180 : memref<!tpu.dma_semaphore, #tpu.memory_space<semaphore_mem>>) src(%dma_wait3A_204 : memref<128x128xf32, #tpu.memory_space<vmem>>) dst(%dma_wait3A_200 : memref<128x128xf32, #tpu.memory_space<vmem_shared>>)
          tpu.yield
        }) : () -> ()
        %scan3A_179 = arith.constant 0 : i32
        scf.yield %scan3A_179 : i32
      }
      %scan3A_72 = arith.constant 5 : i32
      %run_scoped3A_73 = arith.constant 1 : i32
      "tpu.region"() ({
        %run_scoped3A_172 = tpu.sem_alloc : memref<!tpu.dma_semaphore, #tpu.memory_space<semaphore_mem>>
        %dma_start3A_173 = arith.constant 0 : i32
        %dma_start3A_174 = arith.constant 0 : i32
        %dma_start3A_175 = tpu.memref_slice %arg2[%run_scoped3A_73, %arg1, %dma_start3A_173, %dma_start3A_174] : memref<3x16x49x128xi32, #tpu.memory_space<hbm>> -> memref<1x1x49x128xi32, #tpu.memory_space<hbm>>
        %dma_start3A_176 = tpu.memref_squeeze %dma_start3A_175 : memref<1x1x49x128xi32, #tpu.memory_space<hbm>> -> memref<49x128xi32, #tpu.memory_space<hbm>>
        %dma_start3A_177 = arith.constant 0 : i32
        %dma_start3A_178 = arith.constant 0 : i32
        %dma_start3A_179 = tpu.memref_slice %arg2[%run_scoped3A_73, %arg1, %dma_start3A_177, %dma_start3A_178] : memref<3x16x49x128xi32, #tpu.memory_space<hbm>> -> memref<1x1x49x128xi32, #tpu.memory_space<hbm>>
        %dma_start3A_180 = tpu.memref_squeeze %dma_start3A_179 : memref<1x1x49x128xi32, #tpu.memory_space<hbm>> -> memref<49x128xi32, #tpu.memory_space<hbm>>
        tpu.enqueue_dma source(%dma_start3A_180 : memref<49x128xi32, #tpu.memory_space<hbm>>) target(%arg7 : memref<49x128xi32, #tpu.memory_space<vmem>>) target_semaphore(%run_scoped3A_172 : memref<!tpu.dma_semaphore, #tpu.memory_space<semaphore_mem>>)
        %dma_wait3A_181 = arith.constant 0 : i32
        %dma_wait3A_182 = arith.constant 0 : i32
        %dma_wait3A_183 = tpu.memref_slice %arg2[%run_scoped3A_73, %arg1, %dma_wait3A_181, %dma_wait3A_182] : memref<3x16x49x128xi32, #tpu.memory_space<hbm>> -> memref<1x1x49x128xi32, #tpu.memory_space<hbm>>
        %dma_wait3A_184 = tpu.memref_squeeze %dma_wait3A_183 : memref<1x1x49x128xi32, #tpu.memory_space<hbm>> -> memref<49x128xi32, #tpu.memory_space<hbm>>
        %dma_wait3A_185 = arith.constant 0 : i32
        %dma_wait3A_186 = arith.constant 0 : i32
        %dma_wait3A_187 = tpu.memref_slice %arg2[%run_scoped3A_73, %arg1, %dma_wait3A_185, %dma_wait3A_186] : memref<3x16x49x128xi32, #tpu.memory_space<hbm>> -> memref<1x1x49x128xi32, #tpu.memory_space<hbm>>
        %dma_wait3A_188 = tpu.memref_squeeze %dma_wait3A_187 : memref<1x1x49x128xi32, #tpu.memory_space<hbm>> -> memref<49x128xi32, #tpu.memory_space<hbm>>
        tpu.wait_dma2 semaphore(%run_scoped3A_172 : memref<!tpu.dma_semaphore, #tpu.memory_space<semaphore_mem>>) src(%dma_wait3A_188 : memref<49x128xi32, #tpu.memory_space<hbm>>) dst(%arg7 : memref<49x128xi32, #tpu.memory_space<vmem>>)
        tpu.yield
      }) : () -> ()
      %run_scoped3A_74 = arith.constant 1 : i32
      "tpu.region"() ({
        %run_scoped3A_172 = tpu.sem_alloc : memref<!tpu.dma_semaphore, #tpu.memory_space<semaphore_mem>>
        %dma_start3A_173 = arith.constant 0 : i32
        %dma_start3A_174 = arith.constant 0 : i32
        %dma_start3A_175 = tpu.memref_slice %arg3[%run_scoped3A_74, %arg1, %dma_start3A_173, %dma_start3A_174] : memref<3x16x49x128xi32, #tpu.memory_space<hbm>> -> memref<1x1x49x128xi32, #tpu.memory_space<hbm>>
        %dma_start3A_176 = tpu.memref_squeeze %dma_start3A_175 : memref<1x1x49x128xi32, #tpu.memory_space<hbm>> -> memref<49x128xi32, #tpu.memory_space<hbm>>
        %dma_start3A_177 = arith.constant 0 : i32
        %dma_start3A_178 = arith.constant 0 : i32
        %dma_start3A_179 = tpu.memref_slice %arg3[%run_scoped3A_74, %arg1, %dma_start3A_177, %dma_start3A_178] : memref<3x16x49x128xi32, #tpu.memory_space<hbm>> -> memref<1x1x49x128xi32, #tpu.memory_space<hbm>>
        %dma_start3A_180 = tpu.memref_squeeze %dma_start3A_179 : memref<1x1x49x128xi32, #tpu.memory_space<hbm>> -> memref<49x128xi32, #tpu.memory_space<hbm>>
        tpu.enqueue_dma source(%dma_start3A_180 : memref<49x128xi32, #tpu.memory_space<hbm>>) target(%arg8 : memref<49x128xi32, #tpu.memory_space<vmem>>) target_semaphore(%run_scoped3A_172 : memref<!tpu.dma_semaphore, #tpu.memory_space<semaphore_mem>>)
        %dma_wait3A_181 = arith.constant 0 : i32
        %dma_wait3A_182 = arith.constant 0 : i32
        %dma_wait3A_183 = tpu.memref_slice %arg3[%run_scoped3A_74, %arg1, %dma_wait3A_181, %dma_wait3A_182] : memref<3x16x49x128xi32, #tpu.memory_space<hbm>> -> memref<1x1x49x128xi32, #tpu.memory_space<hbm>>
        %dma_wait3A_184 = tpu.memref_squeeze %dma_wait3A_183 : memref<1x1x49x128xi32, #tpu.memory_space<hbm>> -> memref<49x128xi32, #tpu.memory_space<hbm>>
        %dma_wait3A_185 = arith.constant 0 : i32
        %dma_wait3A_186 = arith.constant 0 : i32
        %dma_wait3A_187 = tpu.memref_slice %arg3[%run_scoped3A_74, %arg1, %dma_wait3A_185, %dma_wait3A_186] : memref<3x16x49x128xi32, #tpu.memory_space<hbm>> -> memref<1x1x49x128xi32, #tpu.memory_space<hbm>>
        %dma_wait3A_188 = tpu.memref_squeeze %dma_wait3A_187 : memref<1x1x49x128xi32, #tpu.memory_space<hbm>> -> memref<49x128xi32, #tpu.memory_space<hbm>>
        tpu.wait_dma2 semaphore(%run_scoped3A_172 : memref<!tpu.dma_semaphore, #tpu.memory_space<semaphore_mem>>) src(%dma_wait3A_188 : memref<49x128xi32, #tpu.memory_space<hbm>>) dst(%arg8 : memref<49x128xi32, #tpu.memory_space<vmem>>)
        tpu.yield
      }) : () -> ()
      %barrier3A_75 = arith.constant 0 : index
      tpu.barrier barrier_id(%barrier3A_75)
      %dma_start3A_76 = arith.constant 0 : i32
      %dma_start3A_77 = arith.constant 0 : i32
      %dma_start3A_78 = arith.constant 0 : i32
      %dma_start3A_79 = arith.constant 0 : i32
      %dma_start3A_80 = tpu.memref_slice %arg9[%dma_start3A_77, %dma_start3A_78, %dma_start3A_79] : memref<2x128x128xf32, #tpu.memory_space<vmem>> -> memref<1x128x128xf32, #tpu.memory_space<vmem>>
      %dma_start3A_81 = tpu.memref_squeeze %dma_start3A_80 : memref<1x128x128xf32, #tpu.memory_space<vmem>> -> memref<128x128xf32, #tpu.memory_space<vmem>>
      %dma_start3A_82 = arith.constant 0 : i32
      %dma_start3A_83 = tpu.memref_slice %arg7[%dma_start3A_76, %dma_start3A_82] : memref<49x128xi32, #tpu.memory_space<vmem>> -> memref<1x128xi32, #tpu.memory_space<vmem>>
      %dma_start3A_84 = tpu.memref_squeeze %dma_start3A_83 : memref<1x128xi32, #tpu.memory_space<vmem>> -> memref<128xi32, #tpu.memory_space<vmem>>
      %dma_start3A_85 = arith.constant 0 : i32
      %dma_start3A_86 = arith.constant 0 : i32
      %dma_start3A_87 = tpu.memref_slice %arg4[%dma_start3A_85, %dma_start3A_86] : memref<10000x128xf32, #tpu.memory_space<hbm>> -> memref<10000x128xf32, #tpu.memory_space<hbm>>
      tpu.enqueue_indirect_dma source(%dma_start3A_87 : memref<10000x128xf32, #tpu.memory_space<hbm>>) target(%dma_start3A_81 : memref<128x128xf32, #tpu.memory_space<vmem>>) offsets(%dma_start3A_84 : memref<128xi32, #tpu.memory_space<vmem>>) semaphore(%arg14 : memref<!tpu.dma_semaphore, #tpu.memory_space<semaphore_mem>>)
      %scan3A_88 = arith.constant 0 : i32
      %scan3A_89 = arith.constant 0 : i32
      %scan3A_90 = arith.constant 24 : i32
      %scan3A_91 = arith.addi %scan3A_89, %scan3A_90 : i32
      %scan3A_92 = arith.constant 1 : i32
      %scan3A_93 = scf.for %scan3A_172 = %scan3A_89 to %scan3A_91 step %scan3A_92 iter_args(%scan3A_173 = %scan3A_88) -> (i32)  : i32 {
        %mul3A_174 = arith.constant 2 : i32
        %mul3A_175 = arith.muli %mul3A_174, %scan3A_172 : i32
        %add3A = arith.constant 1 : i32
        %add3A_176 = arith.addi %mul3A_175, %add3A : i32
        %dma_wait3A_177 = arith.constant 0 : i32
        %dma_wait3A_178 = arith.constant 0 : i32
        %dma_wait3A_179 = arith.constant 0 : i32
        %dma_wait3A_180 = tpu.memref_slice %arg9[%dma_wait3A_177, %dma_wait3A_178, %dma_wait3A_179] : memref<2x128x128xf32, #tpu.memory_space<vmem>> -> memref<1x128x128xf32, #tpu.memory_space<vmem>>
        %dma_wait3A_181 = tpu.memref_squeeze %dma_wait3A_180 : memref<1x128x128xf32, #tpu.memory_space<vmem>> -> memref<128x128xf32, #tpu.memory_space<vmem>>
        %dma_wait3A_182 = arith.constant 0 : i32
        %dma_wait3A_183 = tpu.memref_slice %arg7[%mul3A_175, %dma_wait3A_182] : memref<49x128xi32, #tpu.memory_space<vmem>> -> memref<1x128xi32, #tpu.memory_space<vmem>>
        %dma_wait3A_184 = tpu.memref_squeeze %dma_wait3A_183 : memref<1x128xi32, #tpu.memory_space<vmem>> -> memref<128xi32, #tpu.memory_space<vmem>>
        %dma_wait3A_185 = arith.constant 0 : i32
        %dma_wait3A_186 = arith.constant 0 : i32
        %dma_wait3A_187 = tpu.memref_slice %arg4[%dma_wait3A_185, %dma_wait3A_186] : memref<10000x128xf32, #tpu.memory_space<hbm>> -> memref<10000x128xf32, #tpu.memory_space<hbm>>
        tpu.wait_indirect_dma semaphore(%arg14 : memref<!tpu.dma_semaphore, #tpu.memory_space<semaphore_mem>>) src(%dma_wait3A_187 : memref<10000x128xf32, #tpu.memory_space<hbm>>) dst(%dma_wait3A_181 : memref<128x128xf32, #tpu.memory_space<vmem>>)
        %dma_start3A_188 = arith.constant 1 : i32
        %dma_start3A_189 = arith.constant 0 : i32
        %dma_start3A_190 = arith.constant 0 : i32
        %dma_start3A_191 = tpu.memref_slice %arg9[%dma_start3A_188, %dma_start3A_189, %dma_start3A_190] : memref<2x128x128xf32, #tpu.memory_space<vmem>> -> memref<1x128x128xf32, #tpu.memory_space<vmem>>
        %dma_start3A_192 = tpu.memref_squeeze %dma_start3A_191 : memref<1x128x128xf32, #tpu.memory_space<vmem>> -> memref<128x128xf32, #tpu.memory_space<vmem>>
        %dma_start3A_193 = arith.constant 0 : i32
        %dma_start3A_194 = tpu.memref_slice %arg7[%add3A_176, %dma_start3A_193] : memref<49x128xi32, #tpu.memory_space<vmem>> -> memref<1x128xi32, #tpu.memory_space<vmem>>
        %dma_start3A_195 = tpu.memref_squeeze %dma_start3A_194 : memref<1x128xi32, #tpu.memory_space<vmem>> -> memref<128xi32, #tpu.memory_space<vmem>>
        %dma_start3A_196 = arith.constant 0 : i32
        %dma_start3A_197 = arith.constant 0 : i32
        %dma_start3A_198 = tpu.memref_slice %arg4[%dma_start3A_196, %dma_start3A_197] : memref<10000x128xf32, #tpu.memory_space<hbm>> -> memref<10000x128xf32, #tpu.memory_space<hbm>>
        tpu.enqueue_indirect_dma source(%dma_start3A_198 : memref<10000x128xf32, #tpu.memory_space<hbm>>) target(%dma_start3A_192 : memref<128x128xf32, #tpu.memory_space<vmem>>) offsets(%dma_start3A_195 : memref<128xi32, #tpu.memory_space<vmem>>) semaphore(%arg15 : memref<!tpu.dma_semaphore, #tpu.memory_space<semaphore_mem>>)
        %dma_start3A_199 = arith.constant 0 : i32
        %dma_start3A_200 = arith.constant 0 : i32
        %dma_start3A_201 = arith.constant 0 : i32
        %dma_start3A_202 = tpu.memref_slice %arg9[%dma_start3A_199, %dma_start3A_200, %dma_start3A_201] : memref<2x128x128xf32, #tpu.memory_space<vmem>> -> memref<1x128x128xf32, #tpu.memory_space<vmem>>
        %dma_start3A_203 = tpu.memref_squeeze %dma_start3A_202 : memref<1x128x128xf32, #tpu.memory_space<vmem>> -> memref<128x128xf32, #tpu.memory_space<vmem>>
        %dma_start3A_204 = arith.constant 0 : i32
        %dma_start3A_205 = tpu.memref_slice %arg8[%mul3A_175, %dma_start3A_204] : memref<49x128xi32, #tpu.memory_space<vmem>> -> memref<1x128xi32, #tpu.memory_space<vmem>>
        %dma_start3A_206 = tpu.memref_squeeze %dma_start3A_205 : memref<1x128xi32, #tpu.memory_space<vmem>> -> memref<128xi32, #tpu.memory_space<vmem>>
        %dma_start3A_207 = arith.constant 0 : i32
        %dma_start3A_208 = arith.constant 0 : i32
        %dma_start3A_209 = tpu.memref_slice %arg12[%dma_start3A_207, %dma_start3A_208] : memref<10240x128xf32, #tpu.memory_space<vmem_shared>> -> memref<10240x128xf32, #tpu.memory_space<vmem_shared>>
        tpu.enqueue_indirect_dma source(%dma_start3A_203 : memref<128x128xf32, #tpu.memory_space<vmem>>) target(%dma_start3A_209 : memref<10240x128xf32, #tpu.memory_space<vmem_shared>>) offsets(%dma_start3A_206 : memref<128xi32, #tpu.memory_space<vmem>>) semaphore(%arg16 : memref<!tpu.dma_semaphore, #tpu.memory_space<semaphore_mem>>) {add = true}
        %dma_wait3A_210 = arith.constant 0 : i32
        %dma_wait3A_211 = arith.constant 0 : i32
        %dma_wait3A_212 = arith.constant 0 : i32
        %dma_wait3A_213 = tpu.memref_slice %arg9[%dma_wait3A_210, %dma_wait3A_211, %dma_wait3A_212] : memref<2x128x128xf32, #tpu.memory_space<vmem>> -> memref<1x128x128xf32, #tpu.memory_space<vmem>>
        %dma_wait3A_214 = tpu.memref_squeeze %dma_wait3A_213 : memref<1x128x128xf32, #tpu.memory_space<vmem>> -> memref<128x128xf32, #tpu.memory_space<vmem>>
        %dma_wait3A_215 = arith.constant 0 : i32
        %dma_wait3A_216 = tpu.memref_slice %arg8[%mul3A_175, %dma_wait3A_215] : memref<49x128xi32, #tpu.memory_space<vmem>> -> memref<1x128xi32, #tpu.memory_space<vmem>>
        %dma_wait3A_217 = tpu.memref_squeeze %dma_wait3A_216 : memref<1x128xi32, #tpu.memory_space<vmem>> -> memref<128xi32, #tpu.memory_space<vmem>>
        %dma_wait3A_218 = arith.constant 0 : i32
        %dma_wait3A_219 = arith.constant 0 : i32
        %dma_wait3A_220 = tpu.memref_slice %arg12[%dma_wait3A_218, %dma_wait3A_219] : memref<10240x128xf32, #tpu.memory_space<vmem_shared>> -> memref<10240x128xf32, #tpu.memory_space<vmem_shared>>
        tpu.wait_indirect_dma semaphore(%arg16 : memref<!tpu.dma_semaphore, #tpu.memory_space<semaphore_mem>>) src(%dma_wait3A_214 : memref<128x128xf32, #tpu.memory_space<vmem>>) dst(%dma_wait3A_220 : memref<10240x128xf32, #tpu.memory_space<vmem_shared>>)
        %add3A_221 = arith.constant 2 : i32
        %add3A_222 = arith.addi %mul3A_175, %add3A_221 : i32
        %dma_start3A_223 = arith.constant 0 : i32
        %dma_start3A_224 = arith.constant 0 : i32
        %dma_start3A_225 = arith.constant 0 : i32
        %dma_start3A_226 = tpu.memref_slice %arg9[%dma_start3A_223, %dma_start3A_224, %dma_start3A_225] : memref<2x128x128xf32, #tpu.memory_space<vmem>> -> memref<1x128x128xf32, #tpu.memory_space<vmem>>
        %dma_start3A_227 = tpu.memref_squeeze %dma_start3A_226 : memref<1x128x128xf32, #tpu.memory_space<vmem>> -> memref<128x128xf32, #tpu.memory_space<vmem>>
        %dma_start3A_228 = arith.constant 0 : i32
        %dma_start3A_229 = tpu.memref_slice %arg7[%add3A_222, %dma_start3A_228] : memref<49x128xi32, #tpu.memory_space<vmem>> -> memref<1x128xi32, #tpu.memory_space<vmem>>
        %dma_start3A_230 = tpu.memref_squeeze %dma_start3A_229 : memref<1x128xi32, #tpu.memory_space<vmem>> -> memref<128xi32, #tpu.memory_space<vmem>>
        %dma_start3A_231 = arith.constant 0 : i32
        %dma_start3A_232 = arith.constant 0 : i32
        %dma_start3A_233 = tpu.memref_slice %arg4[%dma_start3A_231, %dma_start3A_232] : memref<10000x128xf32, #tpu.memory_space<hbm>> -> memref<10000x128xf32, #tpu.memory_space<hbm>>
        tpu.enqueue_indirect_dma source(%dma_start3A_233 : memref<10000x128xf32, #tpu.memory_space<hbm>>) target(%dma_start3A_227 : memref<128x128xf32, #tpu.memory_space<vmem>>) offsets(%dma_start3A_230 : memref<128xi32, #tpu.memory_space<vmem>>) semaphore(%arg14 : memref<!tpu.dma_semaphore, #tpu.memory_space<semaphore_mem>>)
        %dma_wait3A_234 = arith.constant 1 : i32
        %dma_wait3A_235 = arith.constant 0 : i32
        %dma_wait3A_236 = arith.constant 0 : i32
        %dma_wait3A_237 = tpu.memref_slice %arg9[%dma_wait3A_234, %dma_wait3A_235, %dma_wait3A_236] : memref<2x128x128xf32, #tpu.memory_space<vmem>> -> memref<1x128x128xf32, #tpu.memory_space<vmem>>
        %dma_wait3A_238 = tpu.memref_squeeze %dma_wait3A_237 : memref<1x128x128xf32, #tpu.memory_space<vmem>> -> memref<128x128xf32, #tpu.memory_space<vmem>>
        %dma_wait3A_239 = arith.constant 0 : i32
        %dma_wait3A_240 = tpu.memref_slice %arg7[%add3A_176, %dma_wait3A_239] : memref<49x128xi32, #tpu.memory_space<vmem>> -> memref<1x128xi32, #tpu.memory_space<vmem>>
        %dma_wait3A_241 = tpu.memref_squeeze %dma_wait3A_240 : memref<1x128xi32, #tpu.memory_space<vmem>> -> memref<128xi32, #tpu.memory_space<vmem>>
        %dma_wait3A_242 = arith.constant 0 : i32
        %dma_wait3A_243 = arith.constant 0 : i32
        %dma_wait3A_244 = tpu.memref_slice %arg4[%dma_wait3A_242, %dma_wait3A_243] : memref<10000x128xf32, #tpu.memory_space<hbm>> -> memref<10000x128xf32, #tpu.memory_space<hbm>>
        tpu.wait_indirect_dma semaphore(%arg15 : memref<!tpu.dma_semaphore, #tpu.memory_space<semaphore_mem>>) src(%dma_wait3A_244 : memref<10000x128xf32, #tpu.memory_space<hbm>>) dst(%dma_wait3A_238 : memref<128x128xf32, #tpu.memory_space<vmem>>)
        %dma_start3A_245 = arith.constant 1 : i32
        %dma_start3A_246 = arith.constant 0 : i32
        %dma_start3A_247 = arith.constant 0 : i32
        %dma_start3A_248 = tpu.memref_slice %arg9[%dma_start3A_245, %dma_start3A_246, %dma_start3A_247] : memref<2x128x128xf32, #tpu.memory_space<vmem>> -> memref<1x128x128xf32, #tpu.memory_space<vmem>>
        %dma_start3A_249 = tpu.memref_squeeze %dma_start3A_248 : memref<1x128x128xf32, #tpu.memory_space<vmem>> -> memref<128x128xf32, #tpu.memory_space<vmem>>
        %dma_start3A_250 = arith.constant 0 : i32
        %dma_start3A_251 = tpu.memref_slice %arg8[%add3A_176, %dma_start3A_250] : memref<49x128xi32, #tpu.memory_space<vmem>> -> memref<1x128xi32, #tpu.memory_space<vmem>>
        %dma_start3A_252 = tpu.memref_squeeze %dma_start3A_251 : memref<1x128xi32, #tpu.memory_space<vmem>> -> memref<128xi32, #tpu.memory_space<vmem>>
        %dma_start3A_253 = arith.constant 0 : i32
        %dma_start3A_254 = arith.constant 0 : i32
        %dma_start3A_255 = tpu.memref_slice %arg12[%dma_start3A_253, %dma_start3A_254] : memref<10240x128xf32, #tpu.memory_space<vmem_shared>> -> memref<10240x128xf32, #tpu.memory_space<vmem_shared>>
        tpu.enqueue_indirect_dma source(%dma_start3A_249 : memref<128x128xf32, #tpu.memory_space<vmem>>) target(%dma_start3A_255 : memref<10240x128xf32, #tpu.memory_space<vmem_shared>>) offsets(%dma_start3A_252 : memref<128xi32, #tpu.memory_space<vmem>>) semaphore(%arg17 : memref<!tpu.dma_semaphore, #tpu.memory_space<semaphore_mem>>) {add = true}
        %dma_wait3A_256 = arith.constant 1 : i32
        %dma_wait3A_257 = arith.constant 0 : i32
        %dma_wait3A_258 = arith.constant 0 : i32
        %dma_wait3A_259 = tpu.memref_slice %arg9[%dma_wait3A_256, %dma_wait3A_257, %dma_wait3A_258] : memref<2x128x128xf32, #tpu.memory_space<vmem>> -> memref<1x128x128xf32, #tpu.memory_space<vmem>>
        %dma_wait3A_260 = tpu.memref_squeeze %dma_wait3A_259 : memref<1x128x128xf32, #tpu.memory_space<vmem>> -> memref<128x128xf32, #tpu.memory_space<vmem>>
        %dma_wait3A_261 = arith.constant 0 : i32
        %dma_wait3A_262 = tpu.memref_slice %arg8[%add3A_176, %dma_wait3A_261] : memref<49x128xi32, #tpu.memory_space<vmem>> -> memref<1x128xi32, #tpu.memory_space<vmem>>
        %dma_wait3A_263 = tpu.memref_squeeze %dma_wait3A_262 : memref<1x128xi32, #tpu.memory_space<vmem>> -> memref<128xi32, #tpu.memory_space<vmem>>
        %dma_wait3A_264 = arith.constant 0 : i32
        %dma_wait3A_265 = arith.constant 0 : i32
        %dma_wait3A_266 = tpu.memref_slice %arg12[%dma_wait3A_264, %dma_wait3A_265] : memref<10240x128xf32, #tpu.memory_space<vmem_shared>> -> memref<10240x128xf32, #tpu.memory_space<vmem_shared>>
        tpu.wait_indirect_dma semaphore(%arg17 : memref<!tpu.dma_semaphore, #tpu.memory_space<semaphore_mem>>) src(%dma_wait3A_260 : memref<128x128xf32, #tpu.memory_space<vmem>>) dst(%dma_wait3A_266 : memref<10240x128xf32, #tpu.memory_space<vmem_shared>>)
        %scan3A_267 = arith.constant 0 : i32
        scf.yield %scan3A_267 : i32
      }
      %scan3A_94 = arith.constant 24 : i32
      %dma_wait3A_95 = arith.constant 48 : i32
      %dma_wait3A_96 = arith.constant 0 : i32
      %dma_wait3A_97 = arith.constant 0 : i32
      %dma_wait3A_98 = arith.constant 0 : i32
      %dma_wait3A_99 = tpu.memref_slice %arg9[%dma_wait3A_96, %dma_wait3A_97, %dma_wait3A_98] : memref<2x128x128xf32, #tpu.memory_space<vmem>> -> memref<1x128x128xf32, #tpu.memory_space<vmem>>
      %dma_wait3A_100 = tpu.memref_squeeze %dma_wait3A_99 : memref<1x128x128xf32, #tpu.memory_space<vmem>> -> memref<128x128xf32, #tpu.memory_space<vmem>>
      %dma_wait3A_101 = arith.constant 0 : i32
      %dma_wait3A_102 = tpu.memref_slice %arg7[%dma_wait3A_95, %dma_wait3A_101] : memref<49x128xi32, #tpu.memory_space<vmem>> -> memref<1x128xi32, #tpu.memory_space<vmem>>
      %dma_wait3A_103 = tpu.memref_squeeze %dma_wait3A_102 : memref<1x128xi32, #tpu.memory_space<vmem>> -> memref<128xi32, #tpu.memory_space<vmem>>
      %dma_wait3A_104 = arith.constant 0 : i32
      %dma_wait3A_105 = arith.constant 0 : i32
      %dma_wait3A_106 = tpu.memref_slice %arg4[%dma_wait3A_104, %dma_wait3A_105] : memref<10000x128xf32, #tpu.memory_space<hbm>> -> memref<10000x128xf32, #tpu.memory_space<hbm>>
      tpu.wait_indirect_dma semaphore(%arg14 : memref<!tpu.dma_semaphore, #tpu.memory_space<semaphore_mem>>) src(%dma_wait3A_106 : memref<10000x128xf32, #tpu.memory_space<hbm>>) dst(%dma_wait3A_100 : memref<128x128xf32, #tpu.memory_space<vmem>>)
      %run_scoped3A_107 = arith.constant 0 : i32
      %run_scoped3A_108 = arith.constant 48 : i32
      "tpu.region"() ({
        %run_scoped3A_172 = tpu.sem_alloc : memref<!tpu.dma_semaphore, #tpu.memory_space<semaphore_mem>>
        %dma_start3A_173 = arith.constant 0 : i32
        %dma_start3A_174 = arith.constant 0 : i32
        %dma_start3A_175 = tpu.memref_slice %arg9[%run_scoped3A_107, %dma_start3A_173, %dma_start3A_174] : memref<2x128x128xf32, #tpu.memory_space<vmem>> -> memref<1x128x128xf32, #tpu.memory_space<vmem>>
        %dma_start3A_176 = tpu.memref_squeeze %dma_start3A_175 : memref<1x128x128xf32, #tpu.memory_space<vmem>> -> memref<128x128xf32, #tpu.memory_space<vmem>>
        %dma_start3A_177 = arith.constant 0 : i32
        %dma_start3A_178 = tpu.memref_slice %arg8[%run_scoped3A_108, %dma_start3A_177] : memref<49x128xi32, #tpu.memory_space<vmem>> -> memref<1x128xi32, #tpu.memory_space<vmem>>
        %dma_start3A_179 = tpu.memref_squeeze %dma_start3A_178 : memref<1x128xi32, #tpu.memory_space<vmem>> -> memref<128xi32, #tpu.memory_space<vmem>>
        %dma_start3A_180 = arith.constant 0 : i32
        %dma_start3A_181 = arith.constant 0 : i32
        %dma_start3A_182 = tpu.memref_slice %arg12[%dma_start3A_180, %dma_start3A_181] : memref<10240x128xf32, #tpu.memory_space<vmem_shared>> -> memref<10240x128xf32, #tpu.memory_space<vmem_shared>>
        tpu.enqueue_indirect_dma source(%dma_start3A_176 : memref<128x128xf32, #tpu.memory_space<vmem>>) target(%dma_start3A_182 : memref<10240x128xf32, #tpu.memory_space<vmem_shared>>) offsets(%dma_start3A_179 : memref<128xi32, #tpu.memory_space<vmem>>) semaphore(%run_scoped3A_172 : memref<!tpu.dma_semaphore, #tpu.memory_space<semaphore_mem>>) {add = true}
        %dma_wait3A_183 = arith.constant 0 : i32
        %dma_wait3A_184 = arith.constant 0 : i32
        %dma_wait3A_185 = tpu.memref_slice %arg9[%run_scoped3A_107, %dma_wait3A_183, %dma_wait3A_184] : memref<2x128x128xf32, #tpu.memory_space<vmem>> -> memref<1x128x128xf32, #tpu.memory_space<vmem>>
        %dma_wait3A_186 = tpu.memref_squeeze %dma_wait3A_185 : memref<1x128x128xf32, #tpu.memory_space<vmem>> -> memref<128x128xf32, #tpu.memory_space<vmem>>
        %dma_wait3A_187 = arith.constant 0 : i32
        %dma_wait3A_188 = tpu.memref_slice %arg8[%run_scoped3A_108, %dma_wait3A_187] : memref<49x128xi32, #tpu.memory_space<vmem>> -> memref<1x128xi32, #tpu.memory_space<vmem>>
        %dma_wait3A_189 = tpu.memref_squeeze %dma_wait3A_188 : memref<1x128xi32, #tpu.memory_space<vmem>> -> memref<128xi32, #tpu.memory_space<vmem>>
        %dma_wait3A_190 = arith.constant 0 : i32
        %dma_wait3A_191 = arith.constant 0 : i32
        %dma_wait3A_192 = tpu.memref_slice %arg12[%dma_wait3A_190, %dma_wait3A_191] : memref<10240x128xf32, #tpu.memory_space<vmem_shared>> -> memref<10240x128xf32, #tpu.memory_space<vmem_shared>>
        tpu.wait_indirect_dma semaphore(%run_scoped3A_172 : memref<!tpu.dma_semaphore, #tpu.memory_space<semaphore_mem>>) src(%dma_wait3A_186 : memref<128x128xf32, #tpu.memory_space<vmem>>) dst(%dma_wait3A_192 : memref<10240x128xf32, #tpu.memory_space<vmem_shared>>)
        tpu.yield
      }) : () -> ()
      %barrier3A_109 = arith.constant 0 : index
      tpu.barrier barrier_id(%barrier3A_109)
      %mul3A_110 = arith.constant 640 : i32
      %mul3A_111 = arith.muli %arg1, %mul3A_110 : i32
      %mul3A_112 = arith.constant 640 : i32
      %mul3A_113 = arith.muli %arg1, %mul3A_112 : i32
      %run_scoped3A_114 = arith.constant 1 : i32
      "tpu.region"() ({
        %run_scoped3A_172 = tpu.sem_alloc : memref<!tpu.dma_semaphore, #tpu.memory_space<semaphore_mem>>
        %dma_start3A_173 = arith.constant 0 : i32
        %dma_start3A_174 = tpu.memref_slice %arg5[%run_scoped3A_114, %mul3A_113, %dma_start3A_173] : memref<3x10240x128xf32, #tpu.memory_space<hbm>> -> memref<1x640x128xf32, #tpu.memory_space<hbm>>
        %dma_start3A_175 = tpu.memref_squeeze %dma_start3A_174 : memref<1x640x128xf32, #tpu.memory_space<hbm>> -> memref<640x128xf32, #tpu.memory_space<hbm>>
        %dma_start3A_176 = arith.constant 0 : i32
        %dma_start3A_177 = tpu.memref_slice %arg12[%mul3A_111, %dma_start3A_176] : memref<10240x128xf32, #tpu.memory_space<vmem_shared>> -> memref<640x128xf32, #tpu.memory_space<vmem_shared>>
        tpu.enqueue_dma source(%dma_start3A_177 : memref<640x128xf32, #tpu.memory_space<vmem_shared>>) target(%dma_start3A_175 : memref<640x128xf32, #tpu.memory_space<hbm>>) target_semaphore(%run_scoped3A_172 : memref<!tpu.dma_semaphore, #tpu.memory_space<semaphore_mem>>)
        %dma_wait3A_178 = arith.constant 0 : i32
        %dma_wait3A_179 = tpu.memref_slice %arg5[%run_scoped3A_114, %mul3A_113, %dma_wait3A_178] : memref<3x10240x128xf32, #tpu.memory_space<hbm>> -> memref<1x640x128xf32, #tpu.memory_space<hbm>>
        %dma_wait3A_180 = tpu.memref_squeeze %dma_wait3A_179 : memref<1x640x128xf32, #tpu.memory_space<hbm>> -> memref<640x128xf32, #tpu.memory_space<hbm>>
        %dma_wait3A_181 = arith.constant 0 : i32
        %dma_wait3A_182 = tpu.memref_slice %arg12[%mul3A_111, %dma_wait3A_181] : memref<10240x128xf32, #tpu.memory_space<vmem_shared>> -> memref<640x128xf32, #tpu.memory_space<vmem_shared>>
        tpu.wait_dma2 semaphore(%run_scoped3A_172 : memref<!tpu.dma_semaphore, #tpu.memory_space<semaphore_mem>>) src(%dma_wait3A_182 : memref<640x128xf32, #tpu.memory_space<vmem_shared>>) dst(%dma_wait3A_180 : memref<640x128xf32, #tpu.memory_space<hbm>>)
        tpu.yield
      }) : () -> ()
      %barrier3A_115 = arith.constant 0 : index
      tpu.barrier barrier_id(%barrier3A_115)
      %scan3A_116 = arith.constant 0 : i32
      %scan3A_117 = arith.constant 0 : i32
      %scan3A_118 = arith.constant 128 : i32
      %scan3A_119 = arith.addi %scan3A_117, %scan3A_118 : i32
      %scan3A_120 = arith.constant 1 : i32
      %scan3A_121 = scf.for %scan3A_172 = %scan3A_117 to %scan3A_119 step %scan3A_120 iter_args(%scan3A_173 = %scan3A_116) -> (i32)  : i32 {
        %broadcast_in_dim3A = arith.constant 0.000000e+00 : f32
        %broadcast_in_dim3A_174 = vector.broadcast %broadcast_in_dim3A : f32 to vector<16xf32>
        %swap3A = arith.constant 0 : i32
        %swap3A_175 = arith.index_cast %swap3A : i32 to index
        %swap3A_176 = arith.index_cast %scan3A_172 : i32 to index
        %swap3A_177 = arith.constant 0 : index
        %swap3A_178 = tpu.vector_load %arg9[%swap3A_175, %swap3A_176, %swap3A_177] {strides = array<i32>} : memref<2x128x128xf32, #tpu.memory_space<vmem>>, vector<1x1x16xf32>,
        %swap3A_179 = vector.shape_cast %swap3A_178 : vector<1x1x16xf32> to vector<16xf32>
        %swap3A_180 = vector.shape_cast %broadcast_in_dim3A_174 : vector<16xf32> to vector<1x1x16xf32>
        tpu.vector_store %arg9[%swap3A_175, %swap3A_176, %swap3A_177], %swap3A_180 {strides = array<i32>} : memref<2x128x128xf32, #tpu.memory_space<vmem>>, vector<1x1x16xf32>,
        %broadcast_in_dim3A_181 = arith.constant 0.000000e+00 : f32
        %broadcast_in_dim3A_182 = vector.broadcast %broadcast_in_dim3A_181 : f32 to vector<16xf32>
        %swap3A_183 = arith.constant 0 : i32
        %swap3A_184 = arith.index_cast %swap3A_183 : i32 to index
        %swap3A_185 = arith.index_cast %scan3A_172 : i32 to index
        %swap3A_186 = arith.constant 16 : index
        %swap3A_187 = tpu.vector_load %arg9[%swap3A_184, %swap3A_185, %swap3A_186] {strides = array<i32>} : memref<2x128x128xf32, #tpu.memory_space<vmem>>, vector<1x1x16xf32>,
        %swap3A_188 = vector.shape_cast %swap3A_187 : vector<1x1x16xf32> to vector<16xf32>
        %swap3A_189 = vector.shape_cast %broadcast_in_dim3A_182 : vector<16xf32> to vector<1x1x16xf32>
        tpu.vector_store %arg9[%swap3A_184, %swap3A_185, %swap3A_186], %swap3A_189 {strides = array<i32>} : memref<2x128x128xf32, #tpu.memory_space<vmem>>, vector<1x1x16xf32>,
        %broadcast_in_dim3A_190 = arith.constant 0.000000e+00 : f32
        %broadcast_in_dim3A_191 = vector.broadcast %broadcast_in_dim3A_190 : f32 to vector<16xf32>
        %swap3A_192 = arith.constant 0 : i32
        %swap3A_193 = arith.index_cast %swap3A_192 : i32 to index
        %swap3A_194 = arith.index_cast %scan3A_172 : i32 to index
        %swap3A_195 = arith.constant 32 : index
        %swap3A_196 = tpu.vector_load %arg9[%swap3A_193, %swap3A_194, %swap3A_195] {strides = array<i32>} : memref<2x128x128xf32, #tpu.memory_space<vmem>>, vector<1x1x16xf32>,
        %swap3A_197 = vector.shape_cast %swap3A_196 : vector<1x1x16xf32> to vector<16xf32>
        %swap3A_198 = vector.shape_cast %broadcast_in_dim3A_191 : vector<16xf32> to vector<1x1x16xf32>
        tpu.vector_store %arg9[%swap3A_193, %swap3A_194, %swap3A_195], %swap3A_198 {strides = array<i32>} : memref<2x128x128xf32, #tpu.memory_space<vmem>>, vector<1x1x16xf32>,
        %broadcast_in_dim3A_199 = arith.constant 0.000000e+00 : f32
        %broadcast_in_dim3A_200 = vector.broadcast %broadcast_in_dim3A_199 : f32 to vector<16xf32>
        %swap3A_201 = arith.constant 0 : i32
        %swap3A_202 = arith.index_cast %swap3A_201 : i32 to index
        %swap3A_203 = arith.index_cast %scan3A_172 : i32 to index
        %swap3A_204 = arith.constant 48 : index
        %swap3A_205 = tpu.vector_load %arg9[%swap3A_202, %swap3A_203, %swap3A_204] {strides = array<i32>} : memref<2x128x128xf32, #tpu.memory_space<vmem>>, vector<1x1x16xf32>,
        %swap3A_206 = vector.shape_cast %swap3A_205 : vector<1x1x16xf32> to vector<16xf32>
        %swap3A_207 = vector.shape_cast %broadcast_in_dim3A_200 : vector<16xf32> to vector<1x1x16xf32>
        tpu.vector_store %arg9[%swap3A_202, %swap3A_203, %swap3A_204], %swap3A_207 {strides = array<i32>} : memref<2x128x128xf32, #tpu.memory_space<vmem>>, vector<1x1x16xf32>,
        %broadcast_in_dim3A_208 = arith.constant 0.000000e+00 : f32
        %broadcast_in_dim3A_209 = vector.broadcast %broadcast_in_dim3A_208 : f32 to vector<16xf32>
        %swap3A_210 = arith.constant 0 : i32
        %swap3A_211 = arith.index_cast %swap3A_210 : i32 to index
        %swap3A_212 = arith.index_cast %scan3A_172 : i32 to index
        %swap3A_213 = arith.constant 64 : index
        %swap3A_214 = tpu.vector_load %arg9[%swap3A_211, %swap3A_212, %swap3A_213] {strides = array<i32>} : memref<2x128x128xf32, #tpu.memory_space<vmem>>, vector<1x1x16xf32>,
        %swap3A_215 = vector.shape_cast %swap3A_214 : vector<1x1x16xf32> to vector<16xf32>
        %swap3A_216 = vector.shape_cast %broadcast_in_dim3A_209 : vector<16xf32> to vector<1x1x16xf32>
        tpu.vector_store %arg9[%swap3A_211, %swap3A_212, %swap3A_213], %swap3A_216 {strides = array<i32>} : memref<2x128x128xf32, #tpu.memory_space<vmem>>, vector<1x1x16xf32>,
        %broadcast_in_dim3A_217 = arith.constant 0.000000e+00 : f32
        %broadcast_in_dim3A_218 = vector.broadcast %broadcast_in_dim3A_217 : f32 to vector<16xf32>
        %swap3A_219 = arith.constant 0 : i32
        %swap3A_220 = arith.index_cast %swap3A_219 : i32 to index
        %swap3A_221 = arith.index_cast %scan3A_172 : i32 to index
        %swap3A_222 = arith.constant 80 : index
        %swap3A_223 = tpu.vector_load %arg9[%swap3A_220, %swap3A_221, %swap3A_222] {strides = array<i32>} : memref<2x128x128xf32, #tpu.memory_space<vmem>>, vector<1x1x16xf32>,
        %swap3A_224 = vector.shape_cast %swap3A_223 : vector<1x1x16xf32> to vector<16xf32>
        %swap3A_225 = vector.shape_cast %broadcast_in_dim3A_218 : vector<16xf32> to vector<1x1x16xf32>
        tpu.vector_store %arg9[%swap3A_220, %swap3A_221, %swap3A_222], %swap3A_225 {strides = array<i32>} : memref<2x128x128xf32, #tpu.memory_space<vmem>>, vector<1x1x16xf32>,
        %broadcast_in_dim3A_226 = arith.constant 0.000000e+00 : f32
        %broadcast_in_dim3A_227 = vector.broadcast %broadcast_in_dim3A_226 : f32 to vector<16xf32>
        %swap3A_228 = arith.constant 0 : i32
        %swap3A_229 = arith.index_cast %swap3A_228 : i32 to index
        %swap3A_230 = arith.index_cast %scan3A_172 : i32 to index
        %swap3A_231 = arith.constant 96 : index
        %swap3A_232 = tpu.vector_load %arg9[%swap3A_229, %swap3A_230, %swap3A_231] {strides = array<i32>} : memref<2x128x128xf32, #tpu.memory_space<vmem>>, vector<1x1x16xf32>,
        %swap3A_233 = vector.shape_cast %swap3A_232 : vector<1x1x16xf32> to vector<16xf32>
        %swap3A_234 = vector.shape_cast %broadcast_in_dim3A_227 : vector<16xf32> to vector<1x1x16xf32>
        tpu.vector_store %arg9[%swap3A_229, %swap3A_230, %swap3A_231], %swap3A_234 {strides = array<i32>} : memref<2x128x128xf32, #tpu.memory_space<vmem>>, vector<1x1x16xf32>,
        %broadcast_in_dim3A_235 = arith.constant 0.000000e+00 : f32
        %broadcast_in_dim3A_236 = vector.broadcast %broadcast_in_dim3A_235 : f32 to vector<16xf32>
        %swap3A_237 = arith.constant 0 : i32
        %swap3A_238 = arith.index_cast %swap3A_237 : i32 to index
        %swap3A_239 = arith.index_cast %scan3A_172 : i32 to index
        %swap3A_240 = arith.constant 112 : index
        %swap3A_241 = tpu.vector_load %arg9[%swap3A_238, %swap3A_239, %swap3A_240] {strides = array<i32>} : memref<2x128x128xf32, #tpu.memory_space<vmem>>, vector<1x1x16xf32>,
        %swap3A_242 = vector.shape_cast %swap3A_241 : vector<1x1x16xf32> to vector<16xf32>
        %swap3A_243 = vector.shape_cast %broadcast_in_dim3A_236 : vector<16xf32> to vector<1x1x16xf32>
        tpu.vector_store %arg9[%swap3A_238, %swap3A_239, %swap3A_240], %swap3A_243 {strides = array<i32>} : memref<2x128x128xf32, #tpu.memory_space<vmem>>, vector<1x1x16xf32>,
        %scan3A_244 = arith.constant 0 : i32
        scf.yield %scan3A_244 : i32
      }
      %scan3A_122 = arith.constant 128 : i32
      %scan3A_123 = arith.constant 0 : i32
      %scan3A_124 = arith.constant 0 : i32
      %scan3A_125 = arith.constant 5 : i32
      %scan3A_126 = arith.addi %scan3A_124, %scan3A_125 : i32
      %scan3A_127 = arith.constant 1 : i32
      %scan3A_128 = scf.for %scan3A_172 = %scan3A_124 to %scan3A_126 step %scan3A_127 iter_args(%scan3A_173 = %scan3A_123) -> (i32)  : i32 {
        %mul3A_174 = arith.constant 640 : i32
        %mul3A_175 = arith.muli %arg1, %mul3A_174 : i32
        %mul3A_176 = arith.constant 128 : i32
        %mul3A_177 = arith.muli %scan3A_172, %mul3A_176 : i32
        %add3A = arith.addi %mul3A_175, %mul3A_177 : i32
        %run_scoped3A_178 = arith.constant 0 : i32
        "tpu.region"() ({
          %run_scoped3A_180 = tpu.sem_alloc : memref<!tpu.dma_semaphore, #tpu.memory_space<semaphore_mem>>
          %dma_start3A_181 = arith.constant 0 : i32
          %dma_start3A_182 = arith.constant 0 : i32
          %dma_start3A_183 = tpu.memref_slice %arg9[%run_scoped3A_178, %dma_start3A_181, %dma_start3A_182] : memref<2x128x128xf32, #tpu.memory_space<vmem>> -> memref<1x128x128xf32, #tpu.memory_space<vmem>>
          %dma_start3A_184 = tpu.memref_squeeze %dma_start3A_183 : memref<1x128x128xf32, #tpu.memory_space<vmem>> -> memref<128x128xf32, #tpu.memory_space<vmem>>
          %dma_start3A_185 = arith.constant 0 : i32
          %dma_start3A_186 = tpu.memref_slice %arg12[%add3A, %dma_start3A_185] : memref<10240x128xf32, #tpu.memory_space<vmem_shared>> -> memref<128x128xf32, #tpu.memory_space<vmem_shared>>
          %dma_start3A_187 = arith.constant 0 : i32
          %dma_start3A_188 = tpu.memref_slice %arg12[%add3A, %dma_start3A_187] : memref<10240x128xf32, #tpu.memory_space<vmem_shared>> -> memref<128x128xf32, #tpu.memory_space<vmem_shared>>
          %dma_start3A_189 = arith.constant 0 : i32
          %dma_start3A_190 = arith.constant 0 : i32
          %dma_start3A_191 = tpu.memref_slice %arg9[%run_scoped3A_178, %dma_start3A_189, %dma_start3A_190] : memref<2x128x128xf32, #tpu.memory_space<vmem>> -> memref<1x128x128xf32, #tpu.memory_space<vmem>>
          %dma_start3A_192 = tpu.memref_squeeze %dma_start3A_191 : memref<1x128x128xf32, #tpu.memory_space<vmem>> -> memref<128x128xf32, #tpu.memory_space<vmem>>
          tpu.enqueue_dma source(%dma_start3A_192 : memref<128x128xf32, #tpu.memory_space<vmem>>) target(%dma_start3A_188 : memref<128x128xf32, #tpu.memory_space<vmem_shared>>) target_semaphore(%run_scoped3A_180 : memref<!tpu.dma_semaphore, #tpu.memory_space<semaphore_mem>>)
          %dma_wait3A_193 = arith.constant 0 : i32
          %dma_wait3A_194 = arith.constant 0 : i32
          %dma_wait3A_195 = tpu.memref_slice %arg9[%run_scoped3A_178, %dma_wait3A_193, %dma_wait3A_194] : memref<2x128x128xf32, #tpu.memory_space<vmem>> -> memref<1x128x128xf32, #tpu.memory_space<vmem>>
          %dma_wait3A_196 = tpu.memref_squeeze %dma_wait3A_195 : memref<1x128x128xf32, #tpu.memory_space<vmem>> -> memref<128x128xf32, #tpu.memory_space<vmem>>
          %dma_wait3A_197 = arith.constant 0 : i32
          %dma_wait3A_198 = tpu.memref_slice %arg12[%add3A, %dma_wait3A_197] : memref<10240x128xf32, #tpu.memory_space<vmem_shared>> -> memref<128x128xf32, #tpu.memory_space<vmem_shared>>
          %dma_wait3A_199 = arith.constant 0 : i32
          %dma_wait3A_200 = tpu.memref_slice %arg12[%add3A, %dma_wait3A_199] : memref<10240x128xf32, #tpu.memory_space<vmem_shared>> -> memref<128x128xf32, #tpu.memory_space<vmem_shared>>
          %dma_wait3A_201 = arith.constant 0 : i32
          %dma_wait3A_202 = arith.constant 0 : i32
          %dma_wait3A_203 = tpu.memref_slice %arg9[%run_scoped3A_178, %dma_wait3A_201, %dma_wait3A_202] : memref<2x128x128xf32, #tpu.memory_space<vmem>> -> memref<1x128x128xf32, #tpu.memory_space<vmem>>
          %dma_wait3A_204 = tpu.memref_squeeze %dma_wait3A_203 : memref<1x128x128xf32, #tpu.memory_space<vmem>> -> memref<128x128xf32, #tpu.memory_space<vmem>>
          tpu.wait_dma2 semaphore(%run_scoped3A_180 : memref<!tpu.dma_semaphore, #tpu.memory_space<semaphore_mem>>) src(%dma_wait3A_204 : memref<128x128xf32, #tpu.memory_space<vmem>>) dst(%dma_wait3A_200 : memref<128x128xf32, #tpu.memory_space<vmem_shared>>)
          tpu.yield
        }) : () -> ()
        %scan3A_179 = arith.constant 0 : i32
        scf.yield %scan3A_179 : i32
      }
      %scan3A_129 = arith.constant 5 : i32
      %run_scoped3A_130 = arith.constant 2 : i32
      "tpu.region"() ({
        %run_scoped3A_172 = tpu.sem_alloc : memref<!tpu.dma_semaphore, #tpu.memory_space<semaphore_mem>>
        %dma_start3A_173 = arith.constant 0 : i32
        %dma_start3A_174 = arith.constant 0 : i32
        %dma_start3A_175 = tpu.memref_slice %arg2[%run_scoped3A_130, %arg1, %dma_start3A_173, %dma_start3A_174] : memref<3x16x49x128xi32, #tpu.memory_space<hbm>> -> memref<1x1x49x128xi32, #tpu.memory_space<hbm>>
        %dma_start3A_176 = tpu.memref_squeeze %dma_start3A_175 : memref<1x1x49x128xi32, #tpu.memory_space<hbm>> -> memref<49x128xi32, #tpu.memory_space<hbm>>
        %dma_start3A_177 = arith.constant 0 : i32
        %dma_start3A_178 = arith.constant 0 : i32
        %dma_start3A_179 = tpu.memref_slice %arg2[%run_scoped3A_130, %arg1, %dma_start3A_177, %dma_start3A_178] : memref<3x16x49x128xi32, #tpu.memory_space<hbm>> -> memref<1x1x49x128xi32, #tpu.memory_space<hbm>>
        %dma_start3A_180 = tpu.memref_squeeze %dma_start3A_179 : memref<1x1x49x128xi32, #tpu.memory_space<hbm>> -> memref<49x128xi32, #tpu.memory_space<hbm>>
        tpu.enqueue_dma source(%dma_start3A_180 : memref<49x128xi32, #tpu.memory_space<hbm>>) target(%arg7 : memref<49x128xi32, #tpu.memory_space<vmem>>) target_semaphore(%run_scoped3A_172 : memref<!tpu.dma_semaphore, #tpu.memory_space<semaphore_mem>>)
        %dma_wait3A_181 = arith.constant 0 : i32
        %dma_wait3A_182 = arith.constant 0 : i32
        %dma_wait3A_183 = tpu.memref_slice %arg2[%run_scoped3A_130, %arg1, %dma_wait3A_181, %dma_wait3A_182] : memref<3x16x49x128xi32, #tpu.memory_space<hbm>> -> memref<1x1x49x128xi32, #tpu.memory_space<hbm>>
        %dma_wait3A_184 = tpu.memref_squeeze %dma_wait3A_183 : memref<1x1x49x128xi32, #tpu.memory_space<hbm>> -> memref<49x128xi32, #tpu.memory_space<hbm>>
        %dma_wait3A_185 = arith.constant 0 : i32
        %dma_wait3A_186 = arith.constant 0 : i32
        %dma_wait3A_187 = tpu.memref_slice %arg2[%run_scoped3A_130, %arg1, %dma_wait3A_185, %dma_wait3A_186] : memref<3x16x49x128xi32, #tpu.memory_space<hbm>> -> memref<1x1x49x128xi32, #tpu.memory_space<hbm>>
        %dma_wait3A_188 = tpu.memref_squeeze %dma_wait3A_187 : memref<1x1x49x128xi32, #tpu.memory_space<hbm>> -> memref<49x128xi32, #tpu.memory_space<hbm>>
        tpu.wait_dma2 semaphore(%run_scoped3A_172 : memref<!tpu.dma_semaphore, #tpu.memory_space<semaphore_mem>>) src(%dma_wait3A_188 : memref<49x128xi32, #tpu.memory_space<hbm>>) dst(%arg7 : memref<49x128xi32, #tpu.memory_space<vmem>>)
        tpu.yield
      }) : () -> ()
      %run_scoped3A_131 = arith.constant 2 : i32
      "tpu.region"() ({
        %run_scoped3A_172 = tpu.sem_alloc : memref<!tpu.dma_semaphore, #tpu.memory_space<semaphore_mem>>
        %dma_start3A_173 = arith.constant 0 : i32
        %dma_start3A_174 = arith.constant 0 : i32
        %dma_start3A_175 = tpu.memref_slice %arg3[%run_scoped3A_131, %arg1, %dma_start3A_173, %dma_start3A_174] : memref<3x16x49x128xi32, #tpu.memory_space<hbm>> -> memref<1x1x49x128xi32, #tpu.memory_space<hbm>>
        %dma_start3A_176 = tpu.memref_squeeze %dma_start3A_175 : memref<1x1x49x128xi32, #tpu.memory_space<hbm>> -> memref<49x128xi32, #tpu.memory_space<hbm>>
        %dma_start3A_177 = arith.constant 0 : i32
        %dma_start3A_178 = arith.constant 0 : i32
        %dma_start3A_179 = tpu.memref_slice %arg3[%run_scoped3A_131, %arg1, %dma_start3A_177, %dma_start3A_178] : memref<3x16x49x128xi32, #tpu.memory_space<hbm>> -> memref<1x1x49x128xi32, #tpu.memory_space<hbm>>
        %dma_start3A_180 = tpu.memref_squeeze %dma_start3A_179 : memref<1x1x49x128xi32, #tpu.memory_space<hbm>> -> memref<49x128xi32, #tpu.memory_space<hbm>>
        tpu.enqueue_dma source(%dma_start3A_180 : memref<49x128xi32, #tpu.memory_space<hbm>>) target(%arg8 : memref<49x128xi32, #tpu.memory_space<vmem>>) target_semaphore(%run_scoped3A_172 : memref<!tpu.dma_semaphore, #tpu.memory_space<semaphore_mem>>)
        %dma_wait3A_181 = arith.constant 0 : i32
        %dma_wait3A_182 = arith.constant 0 : i32
        %dma_wait3A_183 = tpu.memref_slice %arg3[%run_scoped3A_131, %arg1, %dma_wait3A_181, %dma_wait3A_182] : memref<3x16x49x128xi32, #tpu.memory_space<hbm>> -> memref<1x1x49x128xi32, #tpu.memory_space<hbm>>
        %dma_wait3A_184 = tpu.memref_squeeze %dma_wait3A_183 : memref<1x1x49x128xi32, #tpu.memory_space<hbm>> -> memref<49x128xi32, #tpu.memory_space<hbm>>
        %dma_wait3A_185 = arith.constant 0 : i32
        %dma_wait3A_186 = arith.constant 0 : i32
        %dma_wait3A_187 = tpu.memref_slice %arg3[%run_scoped3A_131, %arg1, %dma_wait3A_185, %dma_wait3A_186] : memref<3x16x49x128xi32, #tpu.memory_space<hbm>> -> memref<1x1x49x128xi32, #tpu.memory_space<hbm>>
        %dma_wait3A_188 = tpu.memref_squeeze %dma_wait3A_187 : memref<1x1x49x128xi32, #tpu.memory_space<hbm>> -> memref<49x128xi32, #tpu.memory_space<hbm>>
        tpu.wait_dma2 semaphore(%run_scoped3A_172 : memref<!tpu.dma_semaphore, #tpu.memory_space<semaphore_mem>>) src(%dma_wait3A_188 : memref<49x128xi32, #tpu.memory_space<hbm>>) dst(%arg8 : memref<49x128xi32, #tpu.memory_space<vmem>>)
        tpu.yield
      }) : () -> ()
      %barrier3A_132 = arith.constant 0 : index
      tpu.barrier barrier_id(%barrier3A_132)
      %dma_start3A_133 = arith.constant 0 : i32
      %dma_start3A_134 = arith.constant 0 : i32
      %dma_start3A_135 = arith.constant 0 : i32
      %dma_start3A_136 = arith.constant 0 : i32
      %dma_start3A_137 = tpu.memref_slice %arg9[%dma_start3A_134, %dma_start3A_135, %dma_start3A_136] : memref<2x128x128xf32, #tpu.memory_space<vmem>> -> memref<1x128x128xf32, #tpu.memory_space<vmem>>
      %dma_start3A_138 = tpu.memref_squeeze %dma_start3A_137 : memref<1x128x128xf32, #tpu.memory_space<vmem>> -> memref<128x128xf32, #tpu.memory_space<vmem>>
      %dma_start3A_139 = arith.constant 0 : i32
      %dma_start3A_140 = tpu.memref_slice %arg7[%dma_start3A_133, %dma_start3A_139] : memref<49x128xi32, #tpu.memory_space<vmem>> -> memref<1x128xi32, #tpu.memory_space<vmem>>
      %dma_start3A_141 = tpu.memref_squeeze %dma_start3A_140 : memref<1x128xi32, #tpu.memory_space<vmem>> -> memref<128xi32, #tpu.memory_space<vmem>>
      %dma_start3A_142 = arith.constant 0 : i32
      %dma_start3A_143 = arith.constant 0 : i32
      %dma_start3A_144 = tpu.memref_slice %arg4[%dma_start3A_142, %dma_start3A_143] : memref<10000x128xf32, #tpu.memory_space<hbm>> -> memref<10000x128xf32, #tpu.memory_space<hbm>>
      tpu.enqueue_indirect_dma source(%dma_start3A_144 : memref<10000x128xf32, #tpu.memory_space<hbm>>) target(%dma_start3A_138 : memref<128x128xf32, #tpu.memory_space<vmem>>) offsets(%dma_start3A_141 : memref<128xi32, #tpu.memory_space<vmem>>) semaphore(%arg14 : memref<!tpu.dma_semaphore, #tpu.memory_space<semaphore_mem>>)
      %scan3A_145 = arith.constant 0 : i32
      %scan3A_146 = arith.constant 0 : i32
      %scan3A_147 = arith.constant 24 : i32
      %scan3A_148 = arith.addi %scan3A_146, %scan3A_147 : i32
      %scan3A_149 = arith.constant 1 : i32
      %scan3A_150 = scf.for %scan3A_172 = %scan3A_146 to %scan3A_148 step %scan3A_149 iter_args(%scan3A_173 = %scan3A_145) -> (i32)  : i32 {
        %mul3A_174 = arith.constant 2 : i32
        %mul3A_175 = arith.muli %mul3A_174, %scan3A_172 : i32
        %add3A = arith.constant 1 : i32
        %add3A_176 = arith.addi %mul3A_175, %add3A : i32
        %dma_wait3A_177 = arith.constant 0 : i32
        %dma_wait3A_178 = arith.constant 0 : i32
        %dma_wait3A_179 = arith.constant 0 : i32
        %dma_wait3A_180 = tpu.memref_slice %arg9[%dma_wait3A_177, %dma_wait3A_178, %dma_wait3A_179] : memref<2x128x128xf32, #tpu.memory_space<vmem>> -> memref<1x128x128xf32, #tpu.memory_space<vmem>>
        %dma_wait3A_181 = tpu.memref_squeeze %dma_wait3A_180 : memref<1x128x128xf32, #tpu.memory_space<vmem>> -> memref<128x128xf32, #tpu.memory_space<vmem>>
        %dma_wait3A_182 = arith.constant 0 : i32
        %dma_wait3A_183 = tpu.memref_slice %arg7[%mul3A_175, %dma_wait3A_182] : memref<49x128xi32, #tpu.memory_space<vmem>> -> memref<1x128xi32, #tpu.memory_space<vmem>>
        %dma_wait3A_184 = tpu.memref_squeeze %dma_wait3A_183 : memref<1x128xi32, #tpu.memory_space<vmem>> -> memref<128xi32, #tpu.memory_space<vmem>>
        %dma_wait3A_185 = arith.constant 0 : i32
        %dma_wait3A_186 = arith.constant 0 : i32
        %dma_wait3A_187 = tpu.memref_slice %arg4[%dma_wait3A_185, %dma_wait3A_186] : memref<10000x128xf32, #tpu.memory_space<hbm>> -> memref<10000x128xf32, #tpu.memory_space<hbm>>
        tpu.wait_indirect_dma semaphore(%arg14 : memref<!tpu.dma_semaphore, #tpu.memory_space<semaphore_mem>>) src(%dma_wait3A_187 : memref<10000x128xf32, #tpu.memory_space<hbm>>) dst(%dma_wait3A_181 : memref<128x128xf32, #tpu.memory_space<vmem>>)
        %dma_start3A_188 = arith.constant 1 : i32
        %dma_start3A_189 = arith.constant 0 : i32
        %dma_start3A_190 = arith.constant 0 : i32
        %dma_start3A_191 = tpu.memref_slice %arg9[%dma_start3A_188, %dma_start3A_189, %dma_start3A_190] : memref<2x128x128xf32, #tpu.memory_space<vmem>> -> memref<1x128x128xf32, #tpu.memory_space<vmem>>
        %dma_start3A_192 = tpu.memref_squeeze %dma_start3A_191 : memref<1x128x128xf32, #tpu.memory_space<vmem>> -> memref<128x128xf32, #tpu.memory_space<vmem>>
        %dma_start3A_193 = arith.constant 0 : i32
        %dma_start3A_194 = tpu.memref_slice %arg7[%add3A_176, %dma_start3A_193] : memref<49x128xi32, #tpu.memory_space<vmem>> -> memref<1x128xi32, #tpu.memory_space<vmem>>
        %dma_start3A_195 = tpu.memref_squeeze %dma_start3A_194 : memref<1x128xi32, #tpu.memory_space<vmem>> -> memref<128xi32, #tpu.memory_space<vmem>>
        %dma_start3A_196 = arith.constant 0 : i32
        %dma_start3A_197 = arith.constant 0 : i32
        %dma_start3A_198 = tpu.memref_slice %arg4[%dma_start3A_196, %dma_start3A_197] : memref<10000x128xf32, #tpu.memory_space<hbm>> -> memref<10000x128xf32, #tpu.memory_space<hbm>>
        tpu.enqueue_indirect_dma source(%dma_start3A_198 : memref<10000x128xf32, #tpu.memory_space<hbm>>) target(%dma_start3A_192 : memref<128x128xf32, #tpu.memory_space<vmem>>) offsets(%dma_start3A_195 : memref<128xi32, #tpu.memory_space<vmem>>) semaphore(%arg15 : memref<!tpu.dma_semaphore, #tpu.memory_space<semaphore_mem>>)
        %dma_start3A_199 = arith.constant 0 : i32
        %dma_start3A_200 = arith.constant 0 : i32
        %dma_start3A_201 = arith.constant 0 : i32
        %dma_start3A_202 = tpu.memref_slice %arg9[%dma_start3A_199, %dma_start3A_200, %dma_start3A_201] : memref<2x128x128xf32, #tpu.memory_space<vmem>> -> memref<1x128x128xf32, #tpu.memory_space<vmem>>
        %dma_start3A_203 = tpu.memref_squeeze %dma_start3A_202 : memref<1x128x128xf32, #tpu.memory_space<vmem>> -> memref<128x128xf32, #tpu.memory_space<vmem>>
        %dma_start3A_204 = arith.constant 0 : i32
        %dma_start3A_205 = tpu.memref_slice %arg8[%mul3A_175, %dma_start3A_204] : memref<49x128xi32, #tpu.memory_space<vmem>> -> memref<1x128xi32, #tpu.memory_space<vmem>>
        %dma_start3A_206 = tpu.memref_squeeze %dma_start3A_205 : memref<1x128xi32, #tpu.memory_space<vmem>> -> memref<128xi32, #tpu.memory_space<vmem>>
        %dma_start3A_207 = arith.constant 0 : i32
        %dma_start3A_208 = arith.constant 0 : i32
        %dma_start3A_209 = tpu.memref_slice %arg12[%dma_start3A_207, %dma_start3A_208] : memref<10240x128xf32, #tpu.memory_space<vmem_shared>> -> memref<10240x128xf32, #tpu.memory_space<vmem_shared>>
        tpu.enqueue_indirect_dma source(%dma_start3A_203 : memref<128x128xf32, #tpu.memory_space<vmem>>) target(%dma_start3A_209 : memref<10240x128xf32, #tpu.memory_space<vmem_shared>>) offsets(%dma_start3A_206 : memref<128xi32, #tpu.memory_space<vmem>>) semaphore(%arg16 : memref<!tpu.dma_semaphore, #tpu.memory_space<semaphore_mem>>) {add = true}
        %dma_wait3A_210 = arith.constant 0 : i32
        %dma_wait3A_211 = arith.constant 0 : i32
        %dma_wait3A_212 = arith.constant 0 : i32
        %dma_wait3A_213 = tpu.memref_slice %arg9[%dma_wait3A_210, %dma_wait3A_211, %dma_wait3A_212] : memref<2x128x128xf32, #tpu.memory_space<vmem>> -> memref<1x128x128xf32, #tpu.memory_space<vmem>>
        %dma_wait3A_214 = tpu.memref_squeeze %dma_wait3A_213 : memref<1x128x128xf32, #tpu.memory_space<vmem>> -> memref<128x128xf32, #tpu.memory_space<vmem>>
        %dma_wait3A_215 = arith.constant 0 : i32
        %dma_wait3A_216 = tpu.memref_slice %arg8[%mul3A_175, %dma_wait3A_215] : memref<49x128xi32, #tpu.memory_space<vmem>> -> memref<1x128xi32, #tpu.memory_space<vmem>>
        %dma_wait3A_217 = tpu.memref_squeeze %dma_wait3A_216 : memref<1x128xi32, #tpu.memory_space<vmem>> -> memref<128xi32, #tpu.memory_space<vmem>>
        %dma_wait3A_218 = arith.constant 0 : i32
        %dma_wait3A_219 = arith.constant 0 : i32
        %dma_wait3A_220 = tpu.memref_slice %arg12[%dma_wait3A_218, %dma_wait3A_219] : memref<10240x128xf32, #tpu.memory_space<vmem_shared>> -> memref<10240x128xf32, #tpu.memory_space<vmem_shared>>
        tpu.wait_indirect_dma semaphore(%arg16 : memref<!tpu.dma_semaphore, #tpu.memory_space<semaphore_mem>>) src(%dma_wait3A_214 : memref<128x128xf32, #tpu.memory_space<vmem>>) dst(%dma_wait3A_220 : memref<10240x128xf32, #tpu.memory_space<vmem_shared>>)
        %add3A_221 = arith.constant 2 : i32
        %add3A_222 = arith.addi %mul3A_175, %add3A_221 : i32
        %dma_start3A_223 = arith.constant 0 : i32
        %dma_start3A_224 = arith.constant 0 : i32
        %dma_start3A_225 = arith.constant 0 : i32
        %dma_start3A_226 = tpu.memref_slice %arg9[%dma_start3A_223, %dma_start3A_224, %dma_start3A_225] : memref<2x128x128xf32, #tpu.memory_space<vmem>> -> memref<1x128x128xf32, #tpu.memory_space<vmem>>
        %dma_start3A_227 = tpu.memref_squeeze %dma_start3A_226 : memref<1x128x128xf32, #tpu.memory_space<vmem>> -> memref<128x128xf32, #tpu.memory_space<vmem>>
        %dma_start3A_228 = arith.constant 0 : i32
        %dma_start3A_229 = tpu.memref_slice %arg7[%add3A_222, %dma_start3A_228] : memref<49x128xi32, #tpu.memory_space<vmem>> -> memref<1x128xi32, #tpu.memory_space<vmem>>
        %dma_start3A_230 = tpu.memref_squeeze %dma_start3A_229 : memref<1x128xi32, #tpu.memory_space<vmem>> -> memref<128xi32, #tpu.memory_space<vmem>>
        %dma_start3A_231 = arith.constant 0 : i32
        %dma_start3A_232 = arith.constant 0 : i32
        %dma_start3A_233 = tpu.memref_slice %arg4[%dma_start3A_231, %dma_start3A_232] : memref<10000x128xf32, #tpu.memory_space<hbm>> -> memref<10000x128xf32, #tpu.memory_space<hbm>>
        tpu.enqueue_indirect_dma source(%dma_start3A_233 : memref<10000x128xf32, #tpu.memory_space<hbm>>) target(%dma_start3A_227 : memref<128x128xf32, #tpu.memory_space<vmem>>) offsets(%dma_start3A_230 : memref<128xi32, #tpu.memory_space<vmem>>) semaphore(%arg14 : memref<!tpu.dma_semaphore, #tpu.memory_space<semaphore_mem>>)
        %dma_wait3A_234 = arith.constant 1 : i32
        %dma_wait3A_235 = arith.constant 0 : i32
        %dma_wait3A_236 = arith.constant 0 : i32
        %dma_wait3A_237 = tpu.memref_slice %arg9[%dma_wait3A_234, %dma_wait3A_235, %dma_wait3A_236] : memref<2x128x128xf32, #tpu.memory_space<vmem>> -> memref<1x128x128xf32, #tpu.memory_space<vmem>>
        %dma_wait3A_238 = tpu.memref_squeeze %dma_wait3A_237 : memref<1x128x128xf32, #tpu.memory_space<vmem>> -> memref<128x128xf32, #tpu.memory_space<vmem>>
        %dma_wait3A_239 = arith.constant 0 : i32
        %dma_wait3A_240 = tpu.memref_slice %arg7[%add3A_176, %dma_wait3A_239] : memref<49x128xi32, #tpu.memory_space<vmem>> -> memref<1x128xi32, #tpu.memory_space<vmem>>
        %dma_wait3A_241 = tpu.memref_squeeze %dma_wait3A_240 : memref<1x128xi32, #tpu.memory_space<vmem>> -> memref<128xi32, #tpu.memory_space<vmem>>
        %dma_wait3A_242 = arith.constant 0 : i32
        %dma_wait3A_243 = arith.constant 0 : i32
        %dma_wait3A_244 = tpu.memref_slice %arg4[%dma_wait3A_242, %dma_wait3A_243] : memref<10000x128xf32, #tpu.memory_space<hbm>> -> memref<10000x128xf32, #tpu.memory_space<hbm>>
        tpu.wait_indirect_dma semaphore(%arg15 : memref<!tpu.dma_semaphore, #tpu.memory_space<semaphore_mem>>) src(%dma_wait3A_244 : memref<10000x128xf32, #tpu.memory_space<hbm>>) dst(%dma_wait3A_238 : memref<128x128xf32, #tpu.memory_space<vmem>>)
        %dma_start3A_245 = arith.constant 1 : i32
        %dma_start3A_246 = arith.constant 0 : i32
        %dma_start3A_247 = arith.constant 0 : i32
        %dma_start3A_248 = tpu.memref_slice %arg9[%dma_start3A_245, %dma_start3A_246, %dma_start3A_247] : memref<2x128x128xf32, #tpu.memory_space<vmem>> -> memref<1x128x128xf32, #tpu.memory_space<vmem>>
        %dma_start3A_249 = tpu.memref_squeeze %dma_start3A_248 : memref<1x128x128xf32, #tpu.memory_space<vmem>> -> memref<128x128xf32, #tpu.memory_space<vmem>>
        %dma_start3A_250 = arith.constant 0 : i32
        %dma_start3A_251 = tpu.memref_slice %arg8[%add3A_176, %dma_start3A_250] : memref<49x128xi32, #tpu.memory_space<vmem>> -> memref<1x128xi32, #tpu.memory_space<vmem>>
        %dma_start3A_252 = tpu.memref_squeeze %dma_start3A_251 : memref<1x128xi32, #tpu.memory_space<vmem>> -> memref<128xi32, #tpu.memory_space<vmem>>
        %dma_start3A_253 = arith.constant 0 : i32
        %dma_start3A_254 = arith.constant 0 : i32
        %dma_start3A_255 = tpu.memref_slice %arg12[%dma_start3A_253, %dma_start3A_254] : memref<10240x128xf32, #tpu.memory_space<vmem_shared>> -> memref<10240x128xf32, #tpu.memory_space<vmem_shared>>
        tpu.enqueue_indirect_dma source(%dma_start3A_249 : memref<128x128xf32, #tpu.memory_space<vmem>>) target(%dma_start3A_255 : memref<10240x128xf32, #tpu.memory_space<vmem_shared>>) offsets(%dma_start3A_252 : memref<128xi32, #tpu.memory_space<vmem>>) semaphore(%arg17 : memref<!tpu.dma_semaphore, #tpu.memory_space<semaphore_mem>>) {add = true}
        %dma_wait3A_256 = arith.constant 1 : i32
        %dma_wait3A_257 = arith.constant 0 : i32
        %dma_wait3A_258 = arith.constant 0 : i32
        %dma_wait3A_259 = tpu.memref_slice %arg9[%dma_wait3A_256, %dma_wait3A_257, %dma_wait3A_258] : memref<2x128x128xf32, #tpu.memory_space<vmem>> -> memref<1x128x128xf32, #tpu.memory_space<vmem>>
        %dma_wait3A_260 = tpu.memref_squeeze %dma_wait3A_259 : memref<1x128x128xf32, #tpu.memory_space<vmem>> -> memref<128x128xf32, #tpu.memory_space<vmem>>
        %dma_wait3A_261 = arith.constant 0 : i32
        %dma_wait3A_262 = tpu.memref_slice %arg8[%add3A_176, %dma_wait3A_261] : memref<49x128xi32, #tpu.memory_space<vmem>> -> memref<1x128xi32, #tpu.memory_space<vmem>>
        %dma_wait3A_263 = tpu.memref_squeeze %dma_wait3A_262 : memref<1x128xi32, #tpu.memory_space<vmem>> -> memref<128xi32, #tpu.memory_space<vmem>>
        %dma_wait3A_264 = arith.constant 0 : i32
        %dma_wait3A_265 = arith.constant 0 : i32
        %dma_wait3A_266 = tpu.memref_slice %arg12[%dma_wait3A_264, %dma_wait3A_265] : memref<10240x128xf32, #tpu.memory_space<vmem_shared>> -> memref<10240x128xf32, #tpu.memory_space<vmem_shared>>
        tpu.wait_indirect_dma semaphore(%arg17 : memref<!tpu.dma_semaphore, #tpu.memory_space<semaphore_mem>>) src(%dma_wait3A_260 : memref<128x128xf32, #tpu.memory_space<vmem>>) dst(%dma_wait3A_266 : memref<10240x128xf32, #tpu.memory_space<vmem_shared>>)
        %scan3A_267 = arith.constant 0 : i32
        scf.yield %scan3A_267 : i32
      }
      %scan3A_151 = arith.constant 24 : i32
      %dma_wait3A_152 = arith.constant 48 : i32
      %dma_wait3A_153 = arith.constant 0 : i32
      %dma_wait3A_154 = arith.constant 0 : i32
      %dma_wait3A_155 = arith.constant 0 : i32
      %dma_wait3A_156 = tpu.memref_slice %arg9[%dma_wait3A_153, %dma_wait3A_154, %dma_wait3A_155] : memref<2x128x128xf32, #tpu.memory_space<vmem>> -> memref<1x128x128xf32, #tpu.memory_space<vmem>>
      %dma_wait3A_157 = tpu.memref_squeeze %dma_wait3A_156 : memref<1x128x128xf32, #tpu.memory_space<vmem>> -> memref<128x128xf32, #tpu.memory_space<vmem>>
      %dma_wait3A_158 = arith.constant 0 : i32
      %dma_wait3A_159 = tpu.memref_slice %arg7[%dma_wait3A_152, %dma_wait3A_158] : memref<49x128xi32, #tpu.memory_space<vmem>> -> memref<1x128xi32, #tpu.memory_space<vmem>>
      %dma_wait3A_160 = tpu.memref_squeeze %dma_wait3A_159 : memref<1x128xi32, #tpu.memory_space<vmem>> -> memref<128xi32, #tpu.memory_space<vmem>>
      %dma_wait3A_161 = arith.constant 0 : i32
      %dma_wait3A_162 = arith.constant 0 : i32
      %dma_wait3A_163 = tpu.memref_slice %arg4[%dma_wait3A_161, %dma_wait3A_162] : memref<10000x128xf32, #tpu.memory_space<hbm>> -> memref<10000x128xf32, #tpu.memory_space<hbm>>
      tpu.wait_indirect_dma semaphore(%arg14 : memref<!tpu.dma_semaphore, #tpu.memory_space<semaphore_mem>>) src(%dma_wait3A_163 : memref<10000x128xf32, #tpu.memory_space<hbm>>) dst(%dma_wait3A_157 : memref<128x128xf32, #tpu.memory_space<vmem>>)
      %run_scoped3A_164 = arith.constant 0 : i32
      %run_scoped3A_165 = arith.constant 48 : i32
      "tpu.region"() ({
        %run_scoped3A_172 = tpu.sem_alloc : memref<!tpu.dma_semaphore, #tpu.memory_space<semaphore_mem>>
        %dma_start3A_173 = arith.constant 0 : i32
        %dma_start3A_174 = arith.constant 0 : i32
        %dma_start3A_175 = tpu.memref_slice %arg9[%run_scoped3A_164, %dma_start3A_173, %dma_start3A_174] : memref<2x128x128xf32, #tpu.memory_space<vmem>> -> memref<1x128x128xf32, #tpu.memory_space<vmem>>
        %dma_start3A_176 = tpu.memref_squeeze %dma_start3A_175 : memref<1x128x128xf32, #tpu.memory_space<vmem>> -> memref<128x128xf32, #tpu.memory_space<vmem>>
        %dma_start3A_177 = arith.constant 0 : i32
        %dma_start3A_178 = tpu.memref_slice %arg8[%run_scoped3A_165, %dma_start3A_177] : memref<49x128xi32, #tpu.memory_space<vmem>> -> memref<1x128xi32, #tpu.memory_space<vmem>>
        %dma_start3A_179 = tpu.memref_squeeze %dma_start3A_178 : memref<1x128xi32, #tpu.memory_space<vmem>> -> memref<128xi32, #tpu.memory_space<vmem>>
        %dma_start3A_180 = arith.constant 0 : i32
        %dma_start3A_181 = arith.constant 0 : i32
        %dma_start3A_182 = tpu.memref_slice %arg12[%dma_start3A_180, %dma_start3A_181] : memref<10240x128xf32, #tpu.memory_space<vmem_shared>> -> memref<10240x128xf32, #tpu.memory_space<vmem_shared>>
        tpu.enqueue_indirect_dma source(%dma_start3A_176 : memref<128x128xf32, #tpu.memory_space<vmem>>) target(%dma_start3A_182 : memref<10240x128xf32, #tpu.memory_space<vmem_shared>>) offsets(%dma_start3A_179 : memref<128xi32, #tpu.memory_space<vmem>>) semaphore(%run_scoped3A_172 : memref<!tpu.dma_semaphore, #tpu.memory_space<semaphore_mem>>) {add = true}
        %dma_wait3A_183 = arith.constant 0 : i32
        %dma_wait3A_184 = arith.constant 0 : i32
        %dma_wait3A_185 = tpu.memref_slice %arg9[%run_scoped3A_164, %dma_wait3A_183, %dma_wait3A_184] : memref<2x128x128xf32, #tpu.memory_space<vmem>> -> memref<1x128x128xf32, #tpu.memory_space<vmem>>
        %dma_wait3A_186 = tpu.memref_squeeze %dma_wait3A_185 : memref<1x128x128xf32, #tpu.memory_space<vmem>> -> memref<128x128xf32, #tpu.memory_space<vmem>>
        %dma_wait3A_187 = arith.constant 0 : i32
        %dma_wait3A_188 = tpu.memref_slice %arg8[%run_scoped3A_165, %dma_wait3A_187] : memref<49x128xi32, #tpu.memory_space<vmem>> -> memref<1x128xi32, #tpu.memory_space<vmem>>
        %dma_wait3A_189 = tpu.memref_squeeze %dma_wait3A_188 : memref<1x128xi32, #tpu.memory_space<vmem>> -> memref<128xi32, #tpu.memory_space<vmem>>
        %dma_wait3A_190 = arith.constant 0 : i32
        %dma_wait3A_191 = arith.constant 0 : i32
        %dma_wait3A_192 = tpu.memref_slice %arg12[%dma_wait3A_190, %dma_wait3A_191] : memref<10240x128xf32, #tpu.memory_space<vmem_shared>> -> memref<10240x128xf32, #tpu.memory_space<vmem_shared>>
        tpu.wait_indirect_dma semaphore(%run_scoped3A_172 : memref<!tpu.dma_semaphore, #tpu.memory_space<semaphore_mem>>) src(%dma_wait3A_186 : memref<128x128xf32, #tpu.memory_space<vmem>>) dst(%dma_wait3A_192 : memref<10240x128xf32, #tpu.memory_space<vmem_shared>>)
        tpu.yield
      }) : () -> ()
      %barrier3A_166 = arith.constant 0 : index
      tpu.barrier barrier_id(%barrier3A_166)
      %mul3A_167 = arith.constant 640 : i32
      %mul3A_168 = arith.muli %arg1, %mul3A_167 : i32
      %mul3A_169 = arith.constant 640 : i32
      %mul3A_170 = arith.muli %arg1, %mul3A_169 : i32
      %run_scoped3A_171 = arith.constant 2 : i32
      "tpu.region"() ({
        %run_scoped3A_172 = tpu.sem_alloc : memref<!tpu.dma_semaphore, #tpu.memory_space<semaphore_mem>>
        %dma_start3A_173 = arith.constant 0 : i32
        %dma_start3A_174 = tpu.memref_slice %arg5[%run_scoped3A_171, %mul3A_170, %dma_start3A_173] : memref<3x10240x128xf32, #tpu.memory_space<hbm>> -> memref<1x640x128xf32, #tpu.memory_space<hbm>>
        %dma_start3A_175 = tpu.memref_squeeze %dma_start3A_174 : memref<1x640x128xf32, #tpu.memory_space<hbm>> -> memref<640x128xf32, #tpu.memory_space<hbm>>
        %dma_start3A_176 = arith.constant 0 : i32
        %dma_start3A_177 = tpu.memref_slice %arg12[%mul3A_168, %dma_start3A_176] : memref<10240x128xf32, #tpu.memory_space<vmem_shared>> -> memref<640x128xf32, #tpu.memory_space<vmem_shared>>
        tpu.enqueue_dma source(%dma_start3A_177 : memref<640x128xf32, #tpu.memory_space<vmem_shared>>) target(%dma_start3A_175 : memref<640x128xf32, #tpu.memory_space<hbm>>) target_semaphore(%run_scoped3A_172 : memref<!tpu.dma_semaphore, #tpu.memory_space<semaphore_mem>>)
        %dma_wait3A_178 = arith.constant 0 : i32
        %dma_wait3A_179 = tpu.memref_slice %arg5[%run_scoped3A_171, %mul3A_170, %dma_wait3A_178] : memref<3x10240x128xf32, #tpu.memory_space<hbm>> -> memref<1x640x128xf32, #tpu.memory_space<hbm>>
        %dma_wait3A_180 = tpu.memref_squeeze %dma_wait3A_179 : memref<1x640x128xf32, #tpu.memory_space<hbm>> -> memref<640x128xf32, #tpu.memory_space<hbm>>
        %dma_wait3A_181 = arith.constant 0 : i32
        %dma_wait3A_182 = tpu.memref_slice %arg12[%mul3A_168, %dma_wait3A_181] : memref<10240x128xf32, #tpu.memory_space<vmem_shared>> -> memref<640x128xf32, #tpu.memory_space<vmem_shared>>
        tpu.wait_dma2 semaphore(%run_scoped3A_172 : memref<!tpu.dma_semaphore, #tpu.memory_space<semaphore_mem>>) src(%dma_wait3A_182 : memref<640x128xf32, #tpu.memory_space<vmem_shared>>) dst(%dma_wait3A_180 : memref<640x128xf32, #tpu.memory_space<hbm>>)
        tpu.yield
      }) : () -> ()
    } else {
    }
    %eq3A_2 = arith.constant 1 : i32
    %eq3A_3 = arith.cmpi eq, %arg0, %eq3A_2 : i32
    %convert_element_type3A_4 = arith.extui %eq3A_3 : i1 to i32
    %cond3A_5 = arith.constant 0 : i32
    %cond3A_6 = arith.cmpi ne, %convert_element_type3A_4, %cond3A_5 : i32
    scf.if %cond3A_6 {
      %scan3A = arith.constant 0 : i32
      %scan3A_7 = arith.constant 0 : i32
      %scan3A_8 = arith.constant 40 : i32
      %scan3A_9 = arith.addi %scan3A_7, %scan3A_8 : i32
      %scan3A_10 = arith.constant 1 : i32
      %scan3A_11 = scf.for %scan3A_113 = %scan3A_7 to %scan3A_9 step %scan3A_10 iter_args(%scan3A_114 = %scan3A) -> (i32)  : i32 {
        %broadcast_in_dim3A_115 = arith.constant 0.000000e+00 : f32
        %broadcast_in_dim3A_116 = vector.broadcast %broadcast_in_dim3A_115 : f32 to vector<16xf32>
        %mul3A_117 = arith.constant 16 : i32
        %mul3A_118 = arith.muli %scan3A_113, %mul3A_117 : i32
        %swap3A_119 = arith.index_cast %mul3A_118 : i32 to index
        %swap3A_120 = tpu.vector_load %arg10[%swap3A_119] {strides = array<i32>} : memref<640xf32, #tpu.memory_space<vmem>>, vector<16xf32>,
        %swap3A_121 = vector.shape_cast %swap3A_120 : vector<16xf32> to vector<16xf32>
        %swap3A_122 = vector.shape_cast %broadcast_in_dim3A_116 : vector<16xf32> to vector<16xf32>
        tpu.vector_store %arg10[%swap3A_119], %swap3A_122 {strides = array<i32>} : memref<640xf32, #tpu.memory_space<vmem>>, vector<16xf32>,
        %scan3A_123 = arith.constant 0 : i32
        scf.yield %scan3A_123 : i32
      }
      %scan3A_12 = arith.constant 40 : i32
      %broadcast_in_dim3A = arith.constant 1.000000e+00 : f32
      %broadcast_in_dim3A_13 = vector.broadcast %broadcast_in_dim3A : f32 to vector<16xf32>
      %swap3A = arith.constant 0 : index
      %swap3A_14 = tpu.vector_load %arg11[%swap3A] {strides = array<i32>} : memref<128xf32, #tpu.memory_space<vmem>>, vector<16xf32>,
      %swap3A_15 = vector.shape_cast %swap3A_14 : vector<16xf32> to vector<16xf32>
      %swap3A_16 = vector.shape_cast %broadcast_in_dim3A_13 : vector<16xf32> to vector<16xf32>
      tpu.vector_store %arg11[%swap3A], %swap3A_16 {strides = array<i32>} : memref<128xf32, #tpu.memory_space<vmem>>, vector<16xf32>,
      %broadcast_in_dim3A_17 = arith.constant 1.000000e+00 : f32
      %broadcast_in_dim3A_18 = vector.broadcast %broadcast_in_dim3A_17 : f32 to vector<16xf32>
      %swap3A_19 = arith.constant 16 : index
      %swap3A_20 = tpu.vector_load %arg11[%swap3A_19] {strides = array<i32>} : memref<128xf32, #tpu.memory_space<vmem>>, vector<16xf32>,
      %swap3A_21 = vector.shape_cast %swap3A_20 : vector<16xf32> to vector<16xf32>
      %swap3A_22 = vector.shape_cast %broadcast_in_dim3A_18 : vector<16xf32> to vector<16xf32>
      tpu.vector_store %arg11[%swap3A_19], %swap3A_22 {strides = array<i32>} : memref<128xf32, #tpu.memory_space<vmem>>, vector<16xf32>,
      %broadcast_in_dim3A_23 = arith.constant 1.000000e+00 : f32
      %broadcast_in_dim3A_24 = vector.broadcast %broadcast_in_dim3A_23 : f32 to vector<16xf32>
      %swap3A_25 = arith.constant 32 : index
      %swap3A_26 = tpu.vector_load %arg11[%swap3A_25] {strides = array<i32>} : memref<128xf32, #tpu.memory_space<vmem>>, vector<16xf32>,
      %swap3A_27 = vector.shape_cast %swap3A_26 : vector<16xf32> to vector<16xf32>
      %swap3A_28 = vector.shape_cast %broadcast_in_dim3A_24 : vector<16xf32> to vector<16xf32>
      tpu.vector_store %arg11[%swap3A_25], %swap3A_28 {strides = array<i32>} : memref<128xf32, #tpu.memory_space<vmem>>, vector<16xf32>,
      %broadcast_in_dim3A_29 = arith.constant 1.000000e+00 : f32
      %broadcast_in_dim3A_30 = vector.broadcast %broadcast_in_dim3A_29 : f32 to vector<16xf32>
      %swap3A_31 = arith.constant 48 : index
      %swap3A_32 = tpu.vector_load %arg11[%swap3A_31] {strides = array<i32>} : memref<128xf32, #tpu.memory_space<vmem>>, vector<16xf32>,
      %swap3A_33 = vector.shape_cast %swap3A_32 : vector<16xf32> to vector<16xf32>
      %swap3A_34 = vector.shape_cast %broadcast_in_dim3A_30 : vector<16xf32> to vector<16xf32>
      tpu.vector_store %arg11[%swap3A_31], %swap3A_34 {strides = array<i32>} : memref<128xf32, #tpu.memory_space<vmem>>, vector<16xf32>,
      %broadcast_in_dim3A_35 = arith.constant 1.000000e+00 : f32
      %broadcast_in_dim3A_36 = vector.broadcast %broadcast_in_dim3A_35 : f32 to vector<16xf32>
      %swap3A_37 = arith.constant 64 : index
      %swap3A_38 = tpu.vector_load %arg11[%swap3A_37] {strides = array<i32>} : memref<128xf32, #tpu.memory_space<vmem>>, vector<16xf32>,
      %swap3A_39 = vector.shape_cast %swap3A_38 : vector<16xf32> to vector<16xf32>
      %swap3A_40 = vector.shape_cast %broadcast_in_dim3A_36 : vector<16xf32> to vector<16xf32>
      tpu.vector_store %arg11[%swap3A_37], %swap3A_40 {strides = array<i32>} : memref<128xf32, #tpu.memory_space<vmem>>, vector<16xf32>,
      %broadcast_in_dim3A_41 = arith.constant 1.000000e+00 : f32
      %broadcast_in_dim3A_42 = vector.broadcast %broadcast_in_dim3A_41 : f32 to vector<16xf32>
      %swap3A_43 = arith.constant 80 : index
      %swap3A_44 = tpu.vector_load %arg11[%swap3A_43] {strides = array<i32>} : memref<128xf32, #tpu.memory_space<vmem>>, vector<16xf32>,
      %swap3A_45 = vector.shape_cast %swap3A_44 : vector<16xf32> to vector<16xf32>
      %swap3A_46 = vector.shape_cast %broadcast_in_dim3A_42 : vector<16xf32> to vector<16xf32>
      tpu.vector_store %arg11[%swap3A_43], %swap3A_46 {strides = array<i32>} : memref<128xf32, #tpu.memory_space<vmem>>, vector<16xf32>,
      %broadcast_in_dim3A_47 = arith.constant 1.000000e+00 : f32
      %broadcast_in_dim3A_48 = vector.broadcast %broadcast_in_dim3A_47 : f32 to vector<16xf32>
      %swap3A_49 = arith.constant 96 : index
      %swap3A_50 = tpu.vector_load %arg11[%swap3A_49] {strides = array<i32>} : memref<128xf32, #tpu.memory_space<vmem>>, vector<16xf32>,
      %swap3A_51 = vector.shape_cast %swap3A_50 : vector<16xf32> to vector<16xf32>
      %swap3A_52 = vector.shape_cast %broadcast_in_dim3A_48 : vector<16xf32> to vector<16xf32>
      tpu.vector_store %arg11[%swap3A_49], %swap3A_52 {strides = array<i32>} : memref<128xf32, #tpu.memory_space<vmem>>, vector<16xf32>,
      %broadcast_in_dim3A_53 = arith.constant 1.000000e+00 : f32
      %broadcast_in_dim3A_54 = vector.broadcast %broadcast_in_dim3A_53 : f32 to vector<16xf32>
      %swap3A_55 = arith.constant 112 : index
      %swap3A_56 = tpu.vector_load %arg11[%swap3A_55] {strides = array<i32>} : memref<128xf32, #tpu.memory_space<vmem>>, vector<16xf32>,
      %swap3A_57 = vector.shape_cast %swap3A_56 : vector<16xf32> to vector<16xf32>
      %swap3A_58 = vector.shape_cast %broadcast_in_dim3A_54 : vector<16xf32> to vector<16xf32>
      tpu.vector_store %arg11[%swap3A_55], %swap3A_58 {strides = array<i32>} : memref<128xf32, #tpu.memory_space<vmem>>, vector<16xf32>,
      %barrier3A = arith.constant 0 : index
      tpu.barrier barrier_id(%barrier3A)
      %mul3A = arith.constant 640 : i32
      %mul3A_59 = arith.muli %arg1, %mul3A : i32
      "tpu.region"() ({
        %run_scoped3A_113 = tpu.sem_alloc : memref<!tpu.dma_semaphore, #tpu.memory_space<semaphore_mem>>
        %dma_start3A = tpu.memref_slice %arg13[%mul3A_59] : memref<10240xf32, #tpu.memory_space<vmem_shared>> -> memref<640xf32, #tpu.memory_space<vmem_shared>>
        %dma_start3A_114 = tpu.memref_slice %arg13[%mul3A_59] : memref<10240xf32, #tpu.memory_space<vmem_shared>> -> memref<640xf32, #tpu.memory_space<vmem_shared>>
        tpu.enqueue_dma source(%arg10 : memref<640xf32, #tpu.memory_space<vmem>>) target(%dma_start3A_114 : memref<640xf32, #tpu.memory_space<vmem_shared>>) target_semaphore(%run_scoped3A_113 : memref<!tpu.dma_semaphore, #tpu.memory_space<semaphore_mem>>)
        %dma_wait3A = tpu.memref_slice %arg13[%mul3A_59] : memref<10240xf32, #tpu.memory_space<vmem_shared>> -> memref<640xf32, #tpu.memory_space<vmem_shared>>
        %dma_wait3A_115 = tpu.memref_slice %arg13[%mul3A_59] : memref<10240xf32, #tpu.memory_space<vmem_shared>> -> memref<640xf32, #tpu.memory_space<vmem_shared>>
        tpu.wait_dma2 semaphore(%run_scoped3A_113 : memref<!tpu.dma_semaphore, #tpu.memory_space<semaphore_mem>>) src(%arg10 : memref<640xf32, #tpu.memory_space<vmem>>) dst(%dma_wait3A_115 : memref<640xf32, #tpu.memory_space<vmem_shared>>)
        tpu.yield
      }) : () -> ()
      %run_scoped3A = arith.constant 0 : i32
      "tpu.region"() ({
        %run_scoped3A_113 = tpu.sem_alloc : memref<!tpu.dma_semaphore, #tpu.memory_space<semaphore_mem>>
        %dma_start3A = arith.constant 0 : i32
        %dma_start3A_114 = arith.constant 0 : i32
        %dma_start3A_115 = tpu.memref_slice %arg3[%run_scoped3A, %arg1, %dma_start3A, %dma_start3A_114] : memref<3x16x49x128xi32, #tpu.memory_space<hbm>> -> memref<1x1x49x128xi32, #tpu.memory_space<hbm>>
        %dma_start3A_116 = tpu.memref_squeeze %dma_start3A_115 : memref<1x1x49x128xi32, #tpu.memory_space<hbm>> -> memref<49x128xi32, #tpu.memory_space<hbm>>
        %dma_start3A_117 = arith.constant 0 : i32
        %dma_start3A_118 = arith.constant 0 : i32
        %dma_start3A_119 = tpu.memref_slice %arg3[%run_scoped3A, %arg1, %dma_start3A_117, %dma_start3A_118] : memref<3x16x49x128xi32, #tpu.memory_space<hbm>> -> memref<1x1x49x128xi32, #tpu.memory_space<hbm>>
        %dma_start3A_120 = tpu.memref_squeeze %dma_start3A_119 : memref<1x1x49x128xi32, #tpu.memory_space<hbm>> -> memref<49x128xi32, #tpu.memory_space<hbm>>
        tpu.enqueue_dma source(%dma_start3A_120 : memref<49x128xi32, #tpu.memory_space<hbm>>) target(%arg8 : memref<49x128xi32, #tpu.memory_space<vmem>>) target_semaphore(%run_scoped3A_113 : memref<!tpu.dma_semaphore, #tpu.memory_space<semaphore_mem>>)
        %dma_wait3A = arith.constant 0 : i32
        %dma_wait3A_121 = arith.constant 0 : i32
        %dma_wait3A_122 = tpu.memref_slice %arg3[%run_scoped3A, %arg1, %dma_wait3A, %dma_wait3A_121] : memref<3x16x49x128xi32, #tpu.memory_space<hbm>> -> memref<1x1x49x128xi32, #tpu.memory_space<hbm>>
        %dma_wait3A_123 = tpu.memref_squeeze %dma_wait3A_122 : memref<1x1x49x128xi32, #tpu.memory_space<hbm>> -> memref<49x128xi32, #tpu.memory_space<hbm>>
        %dma_wait3A_124 = arith.constant 0 : i32
        %dma_wait3A_125 = arith.constant 0 : i32
        %dma_wait3A_126 = tpu.memref_slice %arg3[%run_scoped3A, %arg1, %dma_wait3A_124, %dma_wait3A_125] : memref<3x16x49x128xi32, #tpu.memory_space<hbm>> -> memref<1x1x49x128xi32, #tpu.memory_space<hbm>>
        %dma_wait3A_127 = tpu.memref_squeeze %dma_wait3A_126 : memref<1x1x49x128xi32, #tpu.memory_space<hbm>> -> memref<49x128xi32, #tpu.memory_space<hbm>>
        tpu.wait_dma2 semaphore(%run_scoped3A_113 : memref<!tpu.dma_semaphore, #tpu.memory_space<semaphore_mem>>) src(%dma_wait3A_127 : memref<49x128xi32, #tpu.memory_space<hbm>>) dst(%arg8 : memref<49x128xi32, #tpu.memory_space<vmem>>)
        tpu.yield
      }) : () -> ()
      %barrier3A_60 = arith.constant 0 : index
      tpu.barrier barrier_id(%barrier3A_60)
      %scan3A_61 = arith.constant 0 : i32
      %scan3A_62 = arith.constant 0 : i32
      %scan3A_63 = arith.constant 7 : i32
      %scan3A_64 = arith.addi %scan3A_62, %scan3A_63 : i32
      %scan3A_65 = arith.constant 1 : i32
      %scan3A_66 = scf.for %scan3A_113 = %scan3A_62 to %scan3A_64 step %scan3A_65 iter_args(%scan3A_114 = %scan3A_61) -> (i32)  : i32 {
        %mul3A_115 = arith.constant 7 : i32
        %mul3A_116 = arith.muli %scan3A_113, %mul3A_115 : i32
        %add3A = arith.constant 0 : i32
        %add3A_117 = arith.addi %mul3A_116, %add3A : i32
        %dma_start3A = arith.constant 0 : i32
        %dma_start3A_118 = tpu.memref_slice %arg8[%add3A_117, %dma_start3A] : memref<49x128xi32, #tpu.memory_space<vmem>> -> memref<1x128xi32, #tpu.memory_space<vmem>>
        %dma_start3A_119 = tpu.memref_squeeze %dma_start3A_118 : memref<1x128xi32, #tpu.memory_space<vmem>> -> memref<128xi32, #tpu.memory_space<vmem>>
        %dma_start3A_120 = arith.constant 0 : i32
        %dma_start3A_121 = tpu.memref_slice %arg13[%dma_start3A_120] : memref<10240xf32, #tpu.memory_space<vmem_shared>> -> memref<10240xf32, #tpu.memory_space<vmem_shared>>
        tpu.enqueue_indirect_dma source(%arg11 : memref<128xf32, #tpu.memory_space<vmem>>) target(%dma_start3A_121 : memref<10240xf32, #tpu.memory_space<vmem_shared>>) offsets(%dma_start3A_119 : memref<128xi32, #tpu.memory_space<vmem>>) semaphore(%arg18 : memref<!tpu.dma_semaphore, #tpu.memory_space<semaphore_mem>>) {add = true}
        %mul3A_122 = arith.constant 7 : i32
        %mul3A_123 = arith.muli %scan3A_113, %mul3A_122 : i32
        %add3A_124 = arith.constant 1 : i32
        %add3A_125 = arith.addi %mul3A_123, %add3A_124 : i32
        %dma_start3A_126 = arith.constant 0 : i32
        %dma_start3A_127 = tpu.memref_slice %arg8[%add3A_125, %dma_start3A_126] : memref<49x128xi32, #tpu.memory_space<vmem>> -> memref<1x128xi32, #tpu.memory_space<vmem>>
        %dma_start3A_128 = tpu.memref_squeeze %dma_start3A_127 : memref<1x128xi32, #tpu.memory_space<vmem>> -> memref<128xi32, #tpu.memory_space<vmem>>
        %dma_start3A_129 = arith.constant 0 : i32
        %dma_start3A_130 = tpu.memref_slice %arg13[%dma_start3A_129] : memref<10240xf32, #tpu.memory_space<vmem_shared>> -> memref<10240xf32, #tpu.memory_space<vmem_shared>>
        tpu.enqueue_indirect_dma source(%arg11 : memref<128xf32, #tpu.memory_space<vmem>>) target(%dma_start3A_130 : memref<10240xf32, #tpu.memory_space<vmem_shared>>) offsets(%dma_start3A_128 : memref<128xi32, #tpu.memory_space<vmem>>) semaphore(%arg18 : memref<!tpu.dma_semaphore, #tpu.memory_space<semaphore_mem>>) {add = true}
        %mul3A_131 = arith.constant 7 : i32
        %mul3A_132 = arith.muli %scan3A_113, %mul3A_131 : i32
        %add3A_133 = arith.constant 2 : i32
        %add3A_134 = arith.addi %mul3A_132, %add3A_133 : i32
        %dma_start3A_135 = arith.constant 0 : i32
        %dma_start3A_136 = tpu.memref_slice %arg8[%add3A_134, %dma_start3A_135] : memref<49x128xi32, #tpu.memory_space<vmem>> -> memref<1x128xi32, #tpu.memory_space<vmem>>
        %dma_start3A_137 = tpu.memref_squeeze %dma_start3A_136 : memref<1x128xi32, #tpu.memory_space<vmem>> -> memref<128xi32, #tpu.memory_space<vmem>>
        %dma_start3A_138 = arith.constant 0 : i32
        %dma_start3A_139 = tpu.memref_slice %arg13[%dma_start3A_138] : memref<10240xf32, #tpu.memory_space<vmem_shared>> -> memref<10240xf32, #tpu.memory_space<vmem_shared>>
        tpu.enqueue_indirect_dma source(%arg11 : memref<128xf32, #tpu.memory_space<vmem>>) target(%dma_start3A_139 : memref<10240xf32, #tpu.memory_space<vmem_shared>>) offsets(%dma_start3A_137 : memref<128xi32, #tpu.memory_space<vmem>>) semaphore(%arg18 : memref<!tpu.dma_semaphore, #tpu.memory_space<semaphore_mem>>) {add = true}
        %mul3A_140 = arith.constant 7 : i32
        %mul3A_141 = arith.muli %scan3A_113, %mul3A_140 : i32
        %add3A_142 = arith.constant 3 : i32
        %add3A_143 = arith.addi %mul3A_141, %add3A_142 : i32
        %dma_start3A_144 = arith.constant 0 : i32
        %dma_start3A_145 = tpu.memref_slice %arg8[%add3A_143, %dma_start3A_144] : memref<49x128xi32, #tpu.memory_space<vmem>> -> memref<1x128xi32, #tpu.memory_space<vmem>>
        %dma_start3A_146 = tpu.memref_squeeze %dma_start3A_145 : memref<1x128xi32, #tpu.memory_space<vmem>> -> memref<128xi32, #tpu.memory_space<vmem>>
        %dma_start3A_147 = arith.constant 0 : i32
        %dma_start3A_148 = tpu.memref_slice %arg13[%dma_start3A_147] : memref<10240xf32, #tpu.memory_space<vmem_shared>> -> memref<10240xf32, #tpu.memory_space<vmem_shared>>
        tpu.enqueue_indirect_dma source(%arg11 : memref<128xf32, #tpu.memory_space<vmem>>) target(%dma_start3A_148 : memref<10240xf32, #tpu.memory_space<vmem_shared>>) offsets(%dma_start3A_146 : memref<128xi32, #tpu.memory_space<vmem>>) semaphore(%arg18 : memref<!tpu.dma_semaphore, #tpu.memory_space<semaphore_mem>>) {add = true}
        %mul3A_149 = arith.constant 7 : i32
        %mul3A_150 = arith.muli %scan3A_113, %mul3A_149 : i32
        %add3A_151 = arith.constant 4 : i32
        %add3A_152 = arith.addi %mul3A_150, %add3A_151 : i32
        %dma_start3A_153 = arith.constant 0 : i32
        %dma_start3A_154 = tpu.memref_slice %arg8[%add3A_152, %dma_start3A_153] : memref<49x128xi32, #tpu.memory_space<vmem>> -> memref<1x128xi32, #tpu.memory_space<vmem>>
        %dma_start3A_155 = tpu.memref_squeeze %dma_start3A_154 : memref<1x128xi32, #tpu.memory_space<vmem>> -> memref<128xi32, #tpu.memory_space<vmem>>
        %dma_start3A_156 = arith.constant 0 : i32
        %dma_start3A_157 = tpu.memref_slice %arg13[%dma_start3A_156] : memref<10240xf32, #tpu.memory_space<vmem_shared>> -> memref<10240xf32, #tpu.memory_space<vmem_shared>>
        tpu.enqueue_indirect_dma source(%arg11 : memref<128xf32, #tpu.memory_space<vmem>>) target(%dma_start3A_157 : memref<10240xf32, #tpu.memory_space<vmem_shared>>) offsets(%dma_start3A_155 : memref<128xi32, #tpu.memory_space<vmem>>) semaphore(%arg18 : memref<!tpu.dma_semaphore, #tpu.memory_space<semaphore_mem>>) {add = true}
        %mul3A_158 = arith.constant 7 : i32
        %mul3A_159 = arith.muli %scan3A_113, %mul3A_158 : i32
        %add3A_160 = arith.constant 5 : i32
        %add3A_161 = arith.addi %mul3A_159, %add3A_160 : i32
        %dma_start3A_162 = arith.constant 0 : i32
        %dma_start3A_163 = tpu.memref_slice %arg8[%add3A_161, %dma_start3A_162] : memref<49x128xi32, #tpu.memory_space<vmem>> -> memref<1x128xi32, #tpu.memory_space<vmem>>
        %dma_start3A_164 = tpu.memref_squeeze %dma_start3A_163 : memref<1x128xi32, #tpu.memory_space<vmem>> -> memref<128xi32, #tpu.memory_space<vmem>>
        %dma_start3A_165 = arith.constant 0 : i32
        %dma_start3A_166 = tpu.memref_slice %arg13[%dma_start3A_165] : memref<10240xf32, #tpu.memory_space<vmem_shared>> -> memref<10240xf32, #tpu.memory_space<vmem_shared>>
        tpu.enqueue_indirect_dma source(%arg11 : memref<128xf32, #tpu.memory_space<vmem>>) target(%dma_start3A_166 : memref<10240xf32, #tpu.memory_space<vmem_shared>>) offsets(%dma_start3A_164 : memref<128xi32, #tpu.memory_space<vmem>>) semaphore(%arg18 : memref<!tpu.dma_semaphore, #tpu.memory_space<semaphore_mem>>) {add = true}
        %mul3A_167 = arith.constant 7 : i32
        %mul3A_168 = arith.muli %scan3A_113, %mul3A_167 : i32
        %add3A_169 = arith.constant 6 : i32
        %add3A_170 = arith.addi %mul3A_168, %add3A_169 : i32
        %dma_start3A_171 = arith.constant 0 : i32
        %dma_start3A_172 = tpu.memref_slice %arg8[%add3A_170, %dma_start3A_171] : memref<49x128xi32, #tpu.memory_space<vmem>> -> memref<1x128xi32, #tpu.memory_space<vmem>>
        %dma_start3A_173 = tpu.memref_squeeze %dma_start3A_172 : memref<1x128xi32, #tpu.memory_space<vmem>> -> memref<128xi32, #tpu.memory_space<vmem>>
        %dma_start3A_174 = arith.constant 0 : i32
        %dma_start3A_175 = tpu.memref_slice %arg13[%dma_start3A_174] : memref<10240xf32, #tpu.memory_space<vmem_shared>> -> memref<10240xf32, #tpu.memory_space<vmem_shared>>
        tpu.enqueue_indirect_dma source(%arg11 : memref<128xf32, #tpu.memory_space<vmem>>) target(%dma_start3A_175 : memref<10240xf32, #tpu.memory_space<vmem_shared>>) offsets(%dma_start3A_173 : memref<128xi32, #tpu.memory_space<vmem>>) semaphore(%arg18 : memref<!tpu.dma_semaphore, #tpu.memory_space<semaphore_mem>>) {add = true}
        %dma_wait3A = arith.constant 0 : i32
        %dma_wait3A_176 = tpu.memref_slice %arg8[%add3A_117, %dma_wait3A] : memref<49x128xi32, #tpu.memory_space<vmem>> -> memref<1x128xi32, #tpu.memory_space<vmem>>
        %dma_wait3A_177 = tpu.memref_squeeze %dma_wait3A_176 : memref<1x128xi32, #tpu.memory_space<vmem>> -> memref<128xi32, #tpu.memory_space<vmem>>
        %dma_wait3A_178 = arith.constant 0 : i32
        %dma_wait3A_179 = tpu.memref_slice %arg13[%dma_wait3A_178] : memref<10240xf32, #tpu.memory_space<vmem_shared>> -> memref<10240xf32, #tpu.memory_space<vmem_shared>>
        tpu.wait_indirect_dma semaphore(%arg18 : memref<!tpu.dma_semaphore, #tpu.memory_space<semaphore_mem>>) src(%arg11 : memref<128xf32, #tpu.memory_space<vmem>>) dst(%dma_wait3A_179 : memref<10240xf32, #tpu.memory_space<vmem_shared>>)
        %dma_wait3A_180 = arith.constant 0 : i32
        %dma_wait3A_181 = tpu.memref_slice %arg8[%add3A_125, %dma_wait3A_180] : memref<49x128xi32, #tpu.memory_space<vmem>> -> memref<1x128xi32, #tpu.memory_space<vmem>>
        %dma_wait3A_182 = tpu.memref_squeeze %dma_wait3A_181 : memref<1x128xi32, #tpu.memory_space<vmem>> -> memref<128xi32, #tpu.memory_space<vmem>>
        %dma_wait3A_183 = arith.constant 0 : i32
        %dma_wait3A_184 = tpu.memref_slice %arg13[%dma_wait3A_183] : memref<10240xf32, #tpu.memory_space<vmem_shared>> -> memref<10240xf32, #tpu.memory_space<vmem_shared>>
        tpu.wait_indirect_dma semaphore(%arg18 : memref<!tpu.dma_semaphore, #tpu.memory_space<semaphore_mem>>) src(%arg11 : memref<128xf32, #tpu.memory_space<vmem>>) dst(%dma_wait3A_184 : memref<10240xf32, #tpu.memory_space<vmem_shared>>)
        %dma_wait3A_185 = arith.constant 0 : i32
        %dma_wait3A_186 = tpu.memref_slice %arg8[%add3A_134, %dma_wait3A_185] : memref<49x128xi32, #tpu.memory_space<vmem>> -> memref<1x128xi32, #tpu.memory_space<vmem>>
        %dma_wait3A_187 = tpu.memref_squeeze %dma_wait3A_186 : memref<1x128xi32, #tpu.memory_space<vmem>> -> memref<128xi32, #tpu.memory_space<vmem>>
        %dma_wait3A_188 = arith.constant 0 : i32
        %dma_wait3A_189 = tpu.memref_slice %arg13[%dma_wait3A_188] : memref<10240xf32, #tpu.memory_space<vmem_shared>> -> memref<10240xf32, #tpu.memory_space<vmem_shared>>
        tpu.wait_indirect_dma semaphore(%arg18 : memref<!tpu.dma_semaphore, #tpu.memory_space<semaphore_mem>>) src(%arg11 : memref<128xf32, #tpu.memory_space<vmem>>) dst(%dma_wait3A_189 : memref<10240xf32, #tpu.memory_space<vmem_shared>>)
        %dma_wait3A_190 = arith.constant 0 : i32
        %dma_wait3A_191 = tpu.memref_slice %arg8[%add3A_143, %dma_wait3A_190] : memref<49x128xi32, #tpu.memory_space<vmem>> -> memref<1x128xi32, #tpu.memory_space<vmem>>
        %dma_wait3A_192 = tpu.memref_squeeze %dma_wait3A_191 : memref<1x128xi32, #tpu.memory_space<vmem>> -> memref<128xi32, #tpu.memory_space<vmem>>
        %dma_wait3A_193 = arith.constant 0 : i32
        %dma_wait3A_194 = tpu.memref_slice %arg13[%dma_wait3A_193] : memref<10240xf32, #tpu.memory_space<vmem_shared>> -> memref<10240xf32, #tpu.memory_space<vmem_shared>>
        tpu.wait_indirect_dma semaphore(%arg18 : memref<!tpu.dma_semaphore, #tpu.memory_space<semaphore_mem>>) src(%arg11 : memref<128xf32, #tpu.memory_space<vmem>>) dst(%dma_wait3A_194 : memref<10240xf32, #tpu.memory_space<vmem_shared>>)
        %dma_wait3A_195 = arith.constant 0 : i32
        %dma_wait3A_196 = tpu.memref_slice %arg8[%add3A_152, %dma_wait3A_195] : memref<49x128xi32, #tpu.memory_space<vmem>> -> memref<1x128xi32, #tpu.memory_space<vmem>>
        %dma_wait3A_197 = tpu.memref_squeeze %dma_wait3A_196 : memref<1x128xi32, #tpu.memory_space<vmem>> -> memref<128xi32, #tpu.memory_space<vmem>>
        %dma_wait3A_198 = arith.constant 0 : i32
        %dma_wait3A_199 = tpu.memref_slice %arg13[%dma_wait3A_198] : memref<10240xf32, #tpu.memory_space<vmem_shared>> -> memref<10240xf32, #tpu.memory_space<vmem_shared>>
        tpu.wait_indirect_dma semaphore(%arg18 : memref<!tpu.dma_semaphore, #tpu.memory_space<semaphore_mem>>) src(%arg11 : memref<128xf32, #tpu.memory_space<vmem>>) dst(%dma_wait3A_199 : memref<10240xf32, #tpu.memory_space<vmem_shared>>)
        %dma_wait3A_200 = arith.constant 0 : i32
        %dma_wait3A_201 = tpu.memref_slice %arg8[%add3A_161, %dma_wait3A_200] : memref<49x128xi32, #tpu.memory_space<vmem>> -> memref<1x128xi32, #tpu.memory_space<vmem>>
        %dma_wait3A_202 = tpu.memref_squeeze %dma_wait3A_201 : memref<1x128xi32, #tpu.memory_space<vmem>> -> memref<128xi32, #tpu.memory_space<vmem>>
        %dma_wait3A_203 = arith.constant 0 : i32
        %dma_wait3A_204 = tpu.memref_slice %arg13[%dma_wait3A_203] : memref<10240xf32, #tpu.memory_space<vmem_shared>> -> memref<10240xf32, #tpu.memory_space<vmem_shared>>
        tpu.wait_indirect_dma semaphore(%arg18 : memref<!tpu.dma_semaphore, #tpu.memory_space<semaphore_mem>>) src(%arg11 : memref<128xf32, #tpu.memory_space<vmem>>) dst(%dma_wait3A_204 : memref<10240xf32, #tpu.memory_space<vmem_shared>>)
        %dma_wait3A_205 = arith.constant 0 : i32
        %dma_wait3A_206 = tpu.memref_slice %arg8[%add3A_170, %dma_wait3A_205] : memref<49x128xi32, #tpu.memory_space<vmem>> -> memref<1x128xi32, #tpu.memory_space<vmem>>
        %dma_wait3A_207 = tpu.memref_squeeze %dma_wait3A_206 : memref<1x128xi32, #tpu.memory_space<vmem>> -> memref<128xi32, #tpu.memory_space<vmem>>
        %dma_wait3A_208 = arith.constant 0 : i32
        %dma_wait3A_209 = tpu.memref_slice %arg13[%dma_wait3A_208] : memref<10240xf32, #tpu.memory_space<vmem_shared>> -> memref<10240xf32, #tpu.memory_space<vmem_shared>>
        tpu.wait_indirect_dma semaphore(%arg18 : memref<!tpu.dma_semaphore, #tpu.memory_space<semaphore_mem>>) src(%arg11 : memref<128xf32, #tpu.memory_space<vmem>>) dst(%dma_wait3A_209 : memref<10240xf32, #tpu.memory_space<vmem_shared>>)
        %scan3A_210 = arith.constant 0 : i32
        scf.yield %scan3A_210 : i32
      }
      %scan3A_67 = arith.constant 7 : i32
      %barrier3A_68 = arith.constant 0 : index
      tpu.barrier barrier_id(%barrier3A_68)
      %mul3A_69 = arith.constant 640 : i32
      %mul3A_70 = arith.muli %arg1, %mul3A_69 : i32
      %mul3A_71 = arith.constant 640 : i32
      %mul3A_72 = arith.muli %arg1, %mul3A_71 : i32
      %run_scoped3A_73 = arith.constant 0 : i32
      %run_scoped3A_74 = arith.constant 0 : i32
      "tpu.region"() ({
        %run_scoped3A_113 = tpu.sem_alloc : memref<!tpu.dma_semaphore, #tpu.memory_space<semaphore_mem>>
        %dma_start3A = tpu.memref_slice %arg6[%run_scoped3A_73, %run_scoped3A_74, %mul3A_72] : memref<3x1x10240xf32, #tpu.memory_space<hbm>> -> memref<1x1x640xf32, #tpu.memory_space<hbm>>
        %dma_start3A_114 = tpu.memref_squeeze %dma_start3A : memref<1x1x640xf32, #tpu.memory_space<hbm>> -> memref<640xf32, #tpu.memory_space<hbm>>
        %dma_start3A_115 = tpu.memref_slice %arg13[%mul3A_70] : memref<10240xf32, #tpu.memory_space<vmem_shared>> -> memref<640xf32, #tpu.memory_space<vmem_shared>>
        tpu.enqueue_dma source(%dma_start3A_115 : memref<640xf32, #tpu.memory_space<vmem_shared>>) target(%dma_start3A_114 : memref<640xf32, #tpu.memory_space<hbm>>) target_semaphore(%run_scoped3A_113 : memref<!tpu.dma_semaphore, #tpu.memory_space<semaphore_mem>>)
        %dma_wait3A = tpu.memref_slice %arg6[%run_scoped3A_73, %run_scoped3A_74, %mul3A_72] : memref<3x1x10240xf32, #tpu.memory_space<hbm>> -> memref<1x1x640xf32, #tpu.memory_space<hbm>>
        %dma_wait3A_116 = tpu.memref_squeeze %dma_wait3A : memref<1x1x640xf32, #tpu.memory_space<hbm>> -> memref<640xf32, #tpu.memory_space<hbm>>
        %dma_wait3A_117 = tpu.memref_slice %arg13[%mul3A_70] : memref<10240xf32, #tpu.memory_space<vmem_shared>> -> memref<640xf32, #tpu.memory_space<vmem_shared>>
        tpu.wait_dma2 semaphore(%run_scoped3A_113 : memref<!tpu.dma_semaphore, #tpu.memory_space<semaphore_mem>>) src(%dma_wait3A_117 : memref<640xf32, #tpu.memory_space<vmem_shared>>) dst(%dma_wait3A_116 : memref<640xf32, #tpu.memory_space<hbm>>)
        tpu.yield
      }) : () -> ()
      %barrier3A_75 = arith.constant 0 : index
      tpu.barrier barrier_id(%barrier3A_75)
      %mul3A_76 = arith.constant 640 : i32
      %mul3A_77 = arith.muli %arg1, %mul3A_76 : i32
      "tpu.region"() ({
        %run_scoped3A_113 = tpu.sem_alloc : memref<!tpu.dma_semaphore, #tpu.memory_space<semaphore_mem>>
        %dma_start3A = tpu.memref_slice %arg13[%mul3A_77] : memref<10240xf32, #tpu.memory_space<vmem_shared>> -> memref<640xf32, #tpu.memory_space<vmem_shared>>
        %dma_start3A_114 = tpu.memref_slice %arg13[%mul3A_77] : memref<10240xf32, #tpu.memory_space<vmem_shared>> -> memref<640xf32, #tpu.memory_space<vmem_shared>>
        tpu.enqueue_dma source(%arg10 : memref<640xf32, #tpu.memory_space<vmem>>) target(%dma_start3A_114 : memref<640xf32, #tpu.memory_space<vmem_shared>>) target_semaphore(%run_scoped3A_113 : memref<!tpu.dma_semaphore, #tpu.memory_space<semaphore_mem>>)
        %dma_wait3A = tpu.memref_slice %arg13[%mul3A_77] : memref<10240xf32, #tpu.memory_space<vmem_shared>> -> memref<640xf32, #tpu.memory_space<vmem_shared>>
        %dma_wait3A_115 = tpu.memref_slice %arg13[%mul3A_77] : memref<10240xf32, #tpu.memory_space<vmem_shared>> -> memref<640xf32, #tpu.memory_space<vmem_shared>>
        tpu.wait_dma2 semaphore(%run_scoped3A_113 : memref<!tpu.dma_semaphore, #tpu.memory_space<semaphore_mem>>) src(%arg10 : memref<640xf32, #tpu.memory_space<vmem>>) dst(%dma_wait3A_115 : memref<640xf32, #tpu.memory_space<vmem_shared>>)
        tpu.yield
      }) : () -> ()
      %run_scoped3A_78 = arith.constant 1 : i32
      "tpu.region"() ({
        %run_scoped3A_113 = tpu.sem_alloc : memref<!tpu.dma_semaphore, #tpu.memory_space<semaphore_mem>>
        %dma_start3A = arith.constant 0 : i32
        %dma_start3A_114 = arith.constant 0 : i32
        %dma_start3A_115 = tpu.memref_slice %arg3[%run_scoped3A_78, %arg1, %dma_start3A, %dma_start3A_114] : memref<3x16x49x128xi32, #tpu.memory_space<hbm>> -> memref<1x1x49x128xi32, #tpu.memory_space<hbm>>
        %dma_start3A_116 = tpu.memref_squeeze %dma_start3A_115 : memref<1x1x49x128xi32, #tpu.memory_space<hbm>> -> memref<49x128xi32, #tpu.memory_space<hbm>>
        %dma_start3A_117 = arith.constant 0 : i32
        %dma_start3A_118 = arith.constant 0 : i32
        %dma_start3A_119 = tpu.memref_slice %arg3[%run_scoped3A_78, %arg1, %dma_start3A_117, %dma_start3A_118] : memref<3x16x49x128xi32, #tpu.memory_space<hbm>> -> memref<1x1x49x128xi32, #tpu.memory_space<hbm>>
        %dma_start3A_120 = tpu.memref_squeeze %dma_start3A_119 : memref<1x1x49x128xi32, #tpu.memory_space<hbm>> -> memref<49x128xi32, #tpu.memory_space<hbm>>
        tpu.enqueue_dma source(%dma_start3A_120 : memref<49x128xi32, #tpu.memory_space<hbm>>) target(%arg8 : memref<49x128xi32, #tpu.memory_space<vmem>>) target_semaphore(%run_scoped3A_113 : memref<!tpu.dma_semaphore, #tpu.memory_space<semaphore_mem>>)
        %dma_wait3A = arith.constant 0 : i32
        %dma_wait3A_121 = arith.constant 0 : i32
        %dma_wait3A_122 = tpu.memref_slice %arg3[%run_scoped3A_78, %arg1, %dma_wait3A, %dma_wait3A_121] : memref<3x16x49x128xi32, #tpu.memory_space<hbm>> -> memref<1x1x49x128xi32, #tpu.memory_space<hbm>>
        %dma_wait3A_123 = tpu.memref_squeeze %dma_wait3A_122 : memref<1x1x49x128xi32, #tpu.memory_space<hbm>> -> memref<49x128xi32, #tpu.memory_space<hbm>>
        %dma_wait3A_124 = arith.constant 0 : i32
        %dma_wait3A_125 = arith.constant 0 : i32
        %dma_wait3A_126 = tpu.memref_slice %arg3[%run_scoped3A_78, %arg1, %dma_wait3A_124, %dma_wait3A_125] : memref<3x16x49x128xi32, #tpu.memory_space<hbm>> -> memref<1x1x49x128xi32, #tpu.memory_space<hbm>>
        %dma_wait3A_127 = tpu.memref_squeeze %dma_wait3A_126 : memref<1x1x49x128xi32, #tpu.memory_space<hbm>> -> memref<49x128xi32, #tpu.memory_space<hbm>>
        tpu.wait_dma2 semaphore(%run_scoped3A_113 : memref<!tpu.dma_semaphore, #tpu.memory_space<semaphore_mem>>) src(%dma_wait3A_127 : memref<49x128xi32, #tpu.memory_space<hbm>>) dst(%arg8 : memref<49x128xi32, #tpu.memory_space<vmem>>)
        tpu.yield
      }) : () -> ()
      %barrier3A_79 = arith.constant 0 : index
      tpu.barrier barrier_id(%barrier3A_79)
      %scan3A_80 = arith.constant 0 : i32
      %scan3A_81 = arith.constant 0 : i32
      %scan3A_82 = arith.constant 7 : i32
      %scan3A_83 = arith.addi %scan3A_81, %scan3A_82 : i32
      %scan3A_84 = arith.constant 1 : i32
      %scan3A_85 = scf.for %scan3A_113 = %scan3A_81 to %scan3A_83 step %scan3A_84 iter_args(%scan3A_114 = %scan3A_80) -> (i32)  : i32 {
        %mul3A_115 = arith.constant 7 : i32
        %mul3A_116 = arith.muli %scan3A_113, %mul3A_115 : i32
        %add3A = arith.constant 0 : i32
        %add3A_117 = arith.addi %mul3A_116, %add3A : i32
        %dma_start3A = arith.constant 0 : i32
        %dma_start3A_118 = tpu.memref_slice %arg8[%add3A_117, %dma_start3A] : memref<49x128xi32, #tpu.memory_space<vmem>> -> memref<1x128xi32, #tpu.memory_space<vmem>>
        %dma_start3A_119 = tpu.memref_squeeze %dma_start3A_118 : memref<1x128xi32, #tpu.memory_space<vmem>> -> memref<128xi32, #tpu.memory_space<vmem>>
        %dma_start3A_120 = arith.constant 0 : i32
        %dma_start3A_121 = tpu.memref_slice %arg13[%dma_start3A_120] : memref<10240xf32, #tpu.memory_space<vmem_shared>> -> memref<10240xf32, #tpu.memory_space<vmem_shared>>
        tpu.enqueue_indirect_dma source(%arg11 : memref<128xf32, #tpu.memory_space<vmem>>) target(%dma_start3A_121 : memref<10240xf32, #tpu.memory_space<vmem_shared>>) offsets(%dma_start3A_119 : memref<128xi32, #tpu.memory_space<vmem>>) semaphore(%arg18 : memref<!tpu.dma_semaphore, #tpu.memory_space<semaphore_mem>>) {add = true}
        %mul3A_122 = arith.constant 7 : i32
        %mul3A_123 = arith.muli %scan3A_113, %mul3A_122 : i32
        %add3A_124 = arith.constant 1 : i32
        %add3A_125 = arith.addi %mul3A_123, %add3A_124 : i32
        %dma_start3A_126 = arith.constant 0 : i32
        %dma_start3A_127 = tpu.memref_slice %arg8[%add3A_125, %dma_start3A_126] : memref<49x128xi32, #tpu.memory_space<vmem>> -> memref<1x128xi32, #tpu.memory_space<vmem>>
        %dma_start3A_128 = tpu.memref_squeeze %dma_start3A_127 : memref<1x128xi32, #tpu.memory_space<vmem>> -> memref<128xi32, #tpu.memory_space<vmem>>
        %dma_start3A_129 = arith.constant 0 : i32
        %dma_start3A_130 = tpu.memref_slice %arg13[%dma_start3A_129] : memref<10240xf32, #tpu.memory_space<vmem_shared>> -> memref<10240xf32, #tpu.memory_space<vmem_shared>>
        tpu.enqueue_indirect_dma source(%arg11 : memref<128xf32, #tpu.memory_space<vmem>>) target(%dma_start3A_130 : memref<10240xf32, #tpu.memory_space<vmem_shared>>) offsets(%dma_start3A_128 : memref<128xi32, #tpu.memory_space<vmem>>) semaphore(%arg18 : memref<!tpu.dma_semaphore, #tpu.memory_space<semaphore_mem>>) {add = true}
        %mul3A_131 = arith.constant 7 : i32
        %mul3A_132 = arith.muli %scan3A_113, %mul3A_131 : i32
        %add3A_133 = arith.constant 2 : i32
        %add3A_134 = arith.addi %mul3A_132, %add3A_133 : i32
        %dma_start3A_135 = arith.constant 0 : i32
        %dma_start3A_136 = tpu.memref_slice %arg8[%add3A_134, %dma_start3A_135] : memref<49x128xi32, #tpu.memory_space<vmem>> -> memref<1x128xi32, #tpu.memory_space<vmem>>
        %dma_start3A_137 = tpu.memref_squeeze %dma_start3A_136 : memref<1x128xi32, #tpu.memory_space<vmem>> -> memref<128xi32, #tpu.memory_space<vmem>>
        %dma_start3A_138 = arith.constant 0 : i32
        %dma_start3A_139 = tpu.memref_slice %arg13[%dma_start3A_138] : memref<10240xf32, #tpu.memory_space<vmem_shared>> -> memref<10240xf32, #tpu.memory_space<vmem_shared>>
        tpu.enqueue_indirect_dma source(%arg11 : memref<128xf32, #tpu.memory_space<vmem>>) target(%dma_start3A_139 : memref<10240xf32, #tpu.memory_space<vmem_shared>>) offsets(%dma_start3A_137 : memref<128xi32, #tpu.memory_space<vmem>>) semaphore(%arg18 : memref<!tpu.dma_semaphore, #tpu.memory_space<semaphore_mem>>) {add = true}
        %mul3A_140 = arith.constant 7 : i32
        %mul3A_141 = arith.muli %scan3A_113, %mul3A_140 : i32
        %add3A_142 = arith.constant 3 : i32
        %add3A_143 = arith.addi %mul3A_141, %add3A_142 : i32
        %dma_start3A_144 = arith.constant 0 : i32
        %dma_start3A_145 = tpu.memref_slice %arg8[%add3A_143, %dma_start3A_144] : memref<49x128xi32, #tpu.memory_space<vmem>> -> memref<1x128xi32, #tpu.memory_space<vmem>>
        %dma_start3A_146 = tpu.memref_squeeze %dma_start3A_145 : memref<1x128xi32, #tpu.memory_space<vmem>> -> memref<128xi32, #tpu.memory_space<vmem>>
        %dma_start3A_147 = arith.constant 0 : i32
        %dma_start3A_148 = tpu.memref_slice %arg13[%dma_start3A_147] : memref<10240xf32, #tpu.memory_space<vmem_shared>> -> memref<10240xf32, #tpu.memory_space<vmem_shared>>
        tpu.enqueue_indirect_dma source(%arg11 : memref<128xf32, #tpu.memory_space<vmem>>) target(%dma_start3A_148 : memref<10240xf32, #tpu.memory_space<vmem_shared>>) offsets(%dma_start3A_146 : memref<128xi32, #tpu.memory_space<vmem>>) semaphore(%arg18 : memref<!tpu.dma_semaphore, #tpu.memory_space<semaphore_mem>>) {add = true}
        %mul3A_149 = arith.constant 7 : i32
        %mul3A_150 = arith.muli %scan3A_113, %mul3A_149 : i32
        %add3A_151 = arith.constant 4 : i32
        %add3A_152 = arith.addi %mul3A_150, %add3A_151 : i32
        %dma_start3A_153 = arith.constant 0 : i32
        %dma_start3A_154 = tpu.memref_slice %arg8[%add3A_152, %dma_start3A_153] : memref<49x128xi32, #tpu.memory_space<vmem>> -> memref<1x128xi32, #tpu.memory_space<vmem>>
        %dma_start3A_155 = tpu.memref_squeeze %dma_start3A_154 : memref<1x128xi32, #tpu.memory_space<vmem>> -> memref<128xi32, #tpu.memory_space<vmem>>
        %dma_start3A_156 = arith.constant 0 : i32
        %dma_start3A_157 = tpu.memref_slice %arg13[%dma_start3A_156] : memref<10240xf32, #tpu.memory_space<vmem_shared>> -> memref<10240xf32, #tpu.memory_space<vmem_shared>>
        tpu.enqueue_indirect_dma source(%arg11 : memref<128xf32, #tpu.memory_space<vmem>>) target(%dma_start3A_157 : memref<10240xf32, #tpu.memory_space<vmem_shared>>) offsets(%dma_start3A_155 : memref<128xi32, #tpu.memory_space<vmem>>) semaphore(%arg18 : memref<!tpu.dma_semaphore, #tpu.memory_space<semaphore_mem>>) {add = true}
        %mul3A_158 = arith.constant 7 : i32
        %mul3A_159 = arith.muli %scan3A_113, %mul3A_158 : i32
        %add3A_160 = arith.constant 5 : i32
        %add3A_161 = arith.addi %mul3A_159, %add3A_160 : i32
        %dma_start3A_162 = arith.constant 0 : i32
        %dma_start3A_163 = tpu.memref_slice %arg8[%add3A_161, %dma_start3A_162] : memref<49x128xi32, #tpu.memory_space<vmem>> -> memref<1x128xi32, #tpu.memory_space<vmem>>
        %dma_start3A_164 = tpu.memref_squeeze %dma_start3A_163 : memref<1x128xi32, #tpu.memory_space<vmem>> -> memref<128xi32, #tpu.memory_space<vmem>>
        %dma_start3A_165 = arith.constant 0 : i32
        %dma_start3A_166 = tpu.memref_slice %arg13[%dma_start3A_165] : memref<10240xf32, #tpu.memory_space<vmem_shared>> -> memref<10240xf32, #tpu.memory_space<vmem_shared>>
        tpu.enqueue_indirect_dma source(%arg11 : memref<128xf32, #tpu.memory_space<vmem>>) target(%dma_start3A_166 : memref<10240xf32, #tpu.memory_space<vmem_shared>>) offsets(%dma_start3A_164 : memref<128xi32, #tpu.memory_space<vmem>>) semaphore(%arg18 : memref<!tpu.dma_semaphore, #tpu.memory_space<semaphore_mem>>) {add = true}
        %mul3A_167 = arith.constant 7 : i32
        %mul3A_168 = arith.muli %scan3A_113, %mul3A_167 : i32
        %add3A_169 = arith.constant 6 : i32
        %add3A_170 = arith.addi %mul3A_168, %add3A_169 : i32
        %dma_start3A_171 = arith.constant 0 : i32
        %dma_start3A_172 = tpu.memref_slice %arg8[%add3A_170, %dma_start3A_171] : memref<49x128xi32, #tpu.memory_space<vmem>> -> memref<1x128xi32, #tpu.memory_space<vmem>>
        %dma_start3A_173 = tpu.memref_squeeze %dma_start3A_172 : memref<1x128xi32, #tpu.memory_space<vmem>> -> memref<128xi32, #tpu.memory_space<vmem>>
        %dma_start3A_174 = arith.constant 0 : i32
        %dma_start3A_175 = tpu.memref_slice %arg13[%dma_start3A_174] : memref<10240xf32, #tpu.memory_space<vmem_shared>> -> memref<10240xf32, #tpu.memory_space<vmem_shared>>
        tpu.enqueue_indirect_dma source(%arg11 : memref<128xf32, #tpu.memory_space<vmem>>) target(%dma_start3A_175 : memref<10240xf32, #tpu.memory_space<vmem_shared>>) offsets(%dma_start3A_173 : memref<128xi32, #tpu.memory_space<vmem>>) semaphore(%arg18 : memref<!tpu.dma_semaphore, #tpu.memory_space<semaphore_mem>>) {add = true}
        %dma_wait3A = arith.constant 0 : i32
        %dma_wait3A_176 = tpu.memref_slice %arg8[%add3A_117, %dma_wait3A] : memref<49x128xi32, #tpu.memory_space<vmem>> -> memref<1x128xi32, #tpu.memory_space<vmem>>
        %dma_wait3A_177 = tpu.memref_squeeze %dma_wait3A_176 : memref<1x128xi32, #tpu.memory_space<vmem>> -> memref<128xi32, #tpu.memory_space<vmem>>
        %dma_wait3A_178 = arith.constant 0 : i32
        %dma_wait3A_179 = tpu.memref_slice %arg13[%dma_wait3A_178] : memref<10240xf32, #tpu.memory_space<vmem_shared>> -> memref<10240xf32, #tpu.memory_space<vmem_shared>>
        tpu.wait_indirect_dma semaphore(%arg18 : memref<!tpu.dma_semaphore, #tpu.memory_space<semaphore_mem>>) src(%arg11 : memref<128xf32, #tpu.memory_space<vmem>>) dst(%dma_wait3A_179 : memref<10240xf32, #tpu.memory_space<vmem_shared>>)
        %dma_wait3A_180 = arith.constant 0 : i32
        %dma_wait3A_181 = tpu.memref_slice %arg8[%add3A_125, %dma_wait3A_180] : memref<49x128xi32, #tpu.memory_space<vmem>> -> memref<1x128xi32, #tpu.memory_space<vmem>>
        %dma_wait3A_182 = tpu.memref_squeeze %dma_wait3A_181 : memref<1x128xi32, #tpu.memory_space<vmem>> -> memref<128xi32, #tpu.memory_space<vmem>>
        %dma_wait3A_183 = arith.constant 0 : i32
        %dma_wait3A_184 = tpu.memref_slice %arg13[%dma_wait3A_183] : memref<10240xf32, #tpu.memory_space<vmem_shared>> -> memref<10240xf32, #tpu.memory_space<vmem_shared>>
        tpu.wait_indirect_dma semaphore(%arg18 : memref<!tpu.dma_semaphore, #tpu.memory_space<semaphore_mem>>) src(%arg11 : memref<128xf32, #tpu.memory_space<vmem>>) dst(%dma_wait3A_184 : memref<10240xf32, #tpu.memory_space<vmem_shared>>)
        %dma_wait3A_185 = arith.constant 0 : i32
        %dma_wait3A_186 = tpu.memref_slice %arg8[%add3A_134, %dma_wait3A_185] : memref<49x128xi32, #tpu.memory_space<vmem>> -> memref<1x128xi32, #tpu.memory_space<vmem>>
        %dma_wait3A_187 = tpu.memref_squeeze %dma_wait3A_186 : memref<1x128xi32, #tpu.memory_space<vmem>> -> memref<128xi32, #tpu.memory_space<vmem>>
        %dma_wait3A_188 = arith.constant 0 : i32
        %dma_wait3A_189 = tpu.memref_slice %arg13[%dma_wait3A_188] : memref<10240xf32, #tpu.memory_space<vmem_shared>> -> memref<10240xf32, #tpu.memory_space<vmem_shared>>
        tpu.wait_indirect_dma semaphore(%arg18 : memref<!tpu.dma_semaphore, #tpu.memory_space<semaphore_mem>>) src(%arg11 : memref<128xf32, #tpu.memory_space<vmem>>) dst(%dma_wait3A_189 : memref<10240xf32, #tpu.memory_space<vmem_shared>>)
        %dma_wait3A_190 = arith.constant 0 : i32
        %dma_wait3A_191 = tpu.memref_slice %arg8[%add3A_143, %dma_wait3A_190] : memref<49x128xi32, #tpu.memory_space<vmem>> -> memref<1x128xi32, #tpu.memory_space<vmem>>
        %dma_wait3A_192 = tpu.memref_squeeze %dma_wait3A_191 : memref<1x128xi32, #tpu.memory_space<vmem>> -> memref<128xi32, #tpu.memory_space<vmem>>
        %dma_wait3A_193 = arith.constant 0 : i32
        %dma_wait3A_194 = tpu.memref_slice %arg13[%dma_wait3A_193] : memref<10240xf32, #tpu.memory_space<vmem_shared>> -> memref<10240xf32, #tpu.memory_space<vmem_shared>>
        tpu.wait_indirect_dma semaphore(%arg18 : memref<!tpu.dma_semaphore, #tpu.memory_space<semaphore_mem>>) src(%arg11 : memref<128xf32, #tpu.memory_space<vmem>>) dst(%dma_wait3A_194 : memref<10240xf32, #tpu.memory_space<vmem_shared>>)
        %dma_wait3A_195 = arith.constant 0 : i32
        %dma_wait3A_196 = tpu.memref_slice %arg8[%add3A_152, %dma_wait3A_195] : memref<49x128xi32, #tpu.memory_space<vmem>> -> memref<1x128xi32, #tpu.memory_space<vmem>>
        %dma_wait3A_197 = tpu.memref_squeeze %dma_wait3A_196 : memref<1x128xi32, #tpu.memory_space<vmem>> -> memref<128xi32, #tpu.memory_space<vmem>>
        %dma_wait3A_198 = arith.constant 0 : i32
        %dma_wait3A_199 = tpu.memref_slice %arg13[%dma_wait3A_198] : memref<10240xf32, #tpu.memory_space<vmem_shared>> -> memref<10240xf32, #tpu.memory_space<vmem_shared>>
        tpu.wait_indirect_dma semaphore(%arg18 : memref<!tpu.dma_semaphore, #tpu.memory_space<semaphore_mem>>) src(%arg11 : memref<128xf32, #tpu.memory_space<vmem>>) dst(%dma_wait3A_199 : memref<10240xf32, #tpu.memory_space<vmem_shared>>)
        %dma_wait3A_200 = arith.constant 0 : i32
        %dma_wait3A_201 = tpu.memref_slice %arg8[%add3A_161, %dma_wait3A_200] : memref<49x128xi32, #tpu.memory_space<vmem>> -> memref<1x128xi32, #tpu.memory_space<vmem>>
        %dma_wait3A_202 = tpu.memref_squeeze %dma_wait3A_201 : memref<1x128xi32, #tpu.memory_space<vmem>> -> memref<128xi32, #tpu.memory_space<vmem>>
        %dma_wait3A_203 = arith.constant 0 : i32
        %dma_wait3A_204 = tpu.memref_slice %arg13[%dma_wait3A_203] : memref<10240xf32, #tpu.memory_space<vmem_shared>> -> memref<10240xf32, #tpu.memory_space<vmem_shared>>
        tpu.wait_indirect_dma semaphore(%arg18 : memref<!tpu.dma_semaphore, #tpu.memory_space<semaphore_mem>>) src(%arg11 : memref<128xf32, #tpu.memory_space<vmem>>) dst(%dma_wait3A_204 : memref<10240xf32, #tpu.memory_space<vmem_shared>>)
        %dma_wait3A_205 = arith.constant 0 : i32
        %dma_wait3A_206 = tpu.memref_slice %arg8[%add3A_170, %dma_wait3A_205] : memref<49x128xi32, #tpu.memory_space<vmem>> -> memref<1x128xi32, #tpu.memory_space<vmem>>
        %dma_wait3A_207 = tpu.memref_squeeze %dma_wait3A_206 : memref<1x128xi32, #tpu.memory_space<vmem>> -> memref<128xi32, #tpu.memory_space<vmem>>
        %dma_wait3A_208 = arith.constant 0 : i32
        %dma_wait3A_209 = tpu.memref_slice %arg13[%dma_wait3A_208] : memref<10240xf32, #tpu.memory_space<vmem_shared>> -> memref<10240xf32, #tpu.memory_space<vmem_shared>>
        tpu.wait_indirect_dma semaphore(%arg18 : memref<!tpu.dma_semaphore, #tpu.memory_space<semaphore_mem>>) src(%arg11 : memref<128xf32, #tpu.memory_space<vmem>>) dst(%dma_wait3A_209 : memref<10240xf32, #tpu.memory_space<vmem_shared>>)
        %scan3A_210 = arith.constant 0 : i32
        scf.yield %scan3A_210 : i32
      }
      %scan3A_86 = arith.constant 7 : i32
      %barrier3A_87 = arith.constant 0 : index
      tpu.barrier barrier_id(%barrier3A_87)
      %mul3A_88 = arith.constant 640 : i32
      %mul3A_89 = arith.muli %arg1, %mul3A_88 : i32
      %mul3A_90 = arith.constant 640 : i32
      %mul3A_91 = arith.muli %arg1, %mul3A_90 : i32
      %run_scoped3A_92 = arith.constant 1 : i32
      %run_scoped3A_93 = arith.constant 0 : i32
      "tpu.region"() ({
        %run_scoped3A_113 = tpu.sem_alloc : memref<!tpu.dma_semaphore, #tpu.memory_space<semaphore_mem>>
        %dma_start3A = tpu.memref_slice %arg6[%run_scoped3A_92, %run_scoped3A_93, %mul3A_91] : memref<3x1x10240xf32, #tpu.memory_space<hbm>> -> memref<1x1x640xf32, #tpu.memory_space<hbm>>
        %dma_start3A_114 = tpu.memref_squeeze %dma_start3A : memref<1x1x640xf32, #tpu.memory_space<hbm>> -> memref<640xf32, #tpu.memory_space<hbm>>
        %dma_start3A_115 = tpu.memref_slice %arg13[%mul3A_89] : memref<10240xf32, #tpu.memory_space<vmem_shared>> -> memref<640xf32, #tpu.memory_space<vmem_shared>>
        tpu.enqueue_dma source(%dma_start3A_115 : memref<640xf32, #tpu.memory_space<vmem_shared>>) target(%dma_start3A_114 : memref<640xf32, #tpu.memory_space<hbm>>) target_semaphore(%run_scoped3A_113 : memref<!tpu.dma_semaphore, #tpu.memory_space<semaphore_mem>>)
        %dma_wait3A = tpu.memref_slice %arg6[%run_scoped3A_92, %run_scoped3A_93, %mul3A_91] : memref<3x1x10240xf32, #tpu.memory_space<hbm>> -> memref<1x1x640xf32, #tpu.memory_space<hbm>>
        %dma_wait3A_116 = tpu.memref_squeeze %dma_wait3A : memref<1x1x640xf32, #tpu.memory_space<hbm>> -> memref<640xf32, #tpu.memory_space<hbm>>
        %dma_wait3A_117 = tpu.memref_slice %arg13[%mul3A_89] : memref<10240xf32, #tpu.memory_space<vmem_shared>> -> memref<640xf32, #tpu.memory_space<vmem_shared>>
        tpu.wait_dma2 semaphore(%run_scoped3A_113 : memref<!tpu.dma_semaphore, #tpu.memory_space<semaphore_mem>>) src(%dma_wait3A_117 : memref<640xf32, #tpu.memory_space<vmem_shared>>) dst(%dma_wait3A_116 : memref<640xf32, #tpu.memory_space<hbm>>)
        tpu.yield
      }) : () -> ()
      %barrier3A_94 = arith.constant 0 : index
      tpu.barrier barrier_id(%barrier3A_94)
      %mul3A_95 = arith.constant 640 : i32
      %mul3A_96 = arith.muli %arg1, %mul3A_95 : i32
      "tpu.region"() ({
        %run_scoped3A_113 = tpu.sem_alloc : memref<!tpu.dma_semaphore, #tpu.memory_space<semaphore_mem>>
        %dma_start3A = tpu.memref_slice %arg13[%mul3A_96] : memref<10240xf32, #tpu.memory_space<vmem_shared>> -> memref<640xf32, #tpu.memory_space<vmem_shared>>
        %dma_start3A_114 = tpu.memref_slice %arg13[%mul3A_96] : memref<10240xf32, #tpu.memory_space<vmem_shared>> -> memref<640xf32, #tpu.memory_space<vmem_shared>>
        tpu.enqueue_dma source(%arg10 : memref<640xf32, #tpu.memory_space<vmem>>) target(%dma_start3A_114 : memref<640xf32, #tpu.memory_space<vmem_shared>>) target_semaphore(%run_scoped3A_113 : memref<!tpu.dma_semaphore, #tpu.memory_space<semaphore_mem>>)
        %dma_wait3A = tpu.memref_slice %arg13[%mul3A_96] : memref<10240xf32, #tpu.memory_space<vmem_shared>> -> memref<640xf32, #tpu.memory_space<vmem_shared>>
        %dma_wait3A_115 = tpu.memref_slice %arg13[%mul3A_96] : memref<10240xf32, #tpu.memory_space<vmem_shared>> -> memref<640xf32, #tpu.memory_space<vmem_shared>>
        tpu.wait_dma2 semaphore(%run_scoped3A_113 : memref<!tpu.dma_semaphore, #tpu.memory_space<semaphore_mem>>) src(%arg10 : memref<640xf32, #tpu.memory_space<vmem>>) dst(%dma_wait3A_115 : memref<640xf32, #tpu.memory_space<vmem_shared>>)
        tpu.yield
      }) : () -> ()
      %run_scoped3A_97 = arith.constant 2 : i32
      "tpu.region"() ({
        %run_scoped3A_113 = tpu.sem_alloc : memref<!tpu.dma_semaphore, #tpu.memory_space<semaphore_mem>>
        %dma_start3A = arith.constant 0 : i32
        %dma_start3A_114 = arith.constant 0 : i32
        %dma_start3A_115 = tpu.memref_slice %arg3[%run_scoped3A_97, %arg1, %dma_start3A, %dma_start3A_114] : memref<3x16x49x128xi32, #tpu.memory_space<hbm>> -> memref<1x1x49x128xi32, #tpu.memory_space<hbm>>
        %dma_start3A_116 = tpu.memref_squeeze %dma_start3A_115 : memref<1x1x49x128xi32, #tpu.memory_space<hbm>> -> memref<49x128xi32, #tpu.memory_space<hbm>>
        %dma_start3A_117 = arith.constant 0 : i32
        %dma_start3A_118 = arith.constant 0 : i32
        %dma_start3A_119 = tpu.memref_slice %arg3[%run_scoped3A_97, %arg1, %dma_start3A_117, %dma_start3A_118] : memref<3x16x49x128xi32, #tpu.memory_space<hbm>> -> memref<1x1x49x128xi32, #tpu.memory_space<hbm>>
        %dma_start3A_120 = tpu.memref_squeeze %dma_start3A_119 : memref<1x1x49x128xi32, #tpu.memory_space<hbm>> -> memref<49x128xi32, #tpu.memory_space<hbm>>
        tpu.enqueue_dma source(%dma_start3A_120 : memref<49x128xi32, #tpu.memory_space<hbm>>) target(%arg8 : memref<49x128xi32, #tpu.memory_space<vmem>>) target_semaphore(%run_scoped3A_113 : memref<!tpu.dma_semaphore, #tpu.memory_space<semaphore_mem>>)
        %dma_wait3A = arith.constant 0 : i32
        %dma_wait3A_121 = arith.constant 0 : i32
        %dma_wait3A_122 = tpu.memref_slice %arg3[%run_scoped3A_97, %arg1, %dma_wait3A, %dma_wait3A_121] : memref<3x16x49x128xi32, #tpu.memory_space<hbm>> -> memref<1x1x49x128xi32, #tpu.memory_space<hbm>>
        %dma_wait3A_123 = tpu.memref_squeeze %dma_wait3A_122 : memref<1x1x49x128xi32, #tpu.memory_space<hbm>> -> memref<49x128xi32, #tpu.memory_space<hbm>>
        %dma_wait3A_124 = arith.constant 0 : i32
        %dma_wait3A_125 = arith.constant 0 : i32
        %dma_wait3A_126 = tpu.memref_slice %arg3[%run_scoped3A_97, %arg1, %dma_wait3A_124, %dma_wait3A_125] : memref<3x16x49x128xi32, #tpu.memory_space<hbm>> -> memref<1x1x49x128xi32, #tpu.memory_space<hbm>>
        %dma_wait3A_127 = tpu.memref_squeeze %dma_wait3A_126 : memref<1x1x49x128xi32, #tpu.memory_space<hbm>> -> memref<49x128xi32, #tpu.memory_space<hbm>>
        tpu.wait_dma2 semaphore(%run_scoped3A_113 : memref<!tpu.dma_semaphore, #tpu.memory_space<semaphore_mem>>) src(%dma_wait3A_127 : memref<49x128xi32, #tpu.memory_space<hbm>>) dst(%arg8 : memref<49x128xi32, #tpu.memory_space<vmem>>)
        tpu.yield
      }) : () -> ()
      %barrier3A_98 = arith.constant 0 : index
      tpu.barrier barrier_id(%barrier3A_98)
      %scan3A_99 = arith.constant 0 : i32
      %scan3A_100 = arith.constant 0 : i32
      %scan3A_101 = arith.constant 7 : i32
      %scan3A_102 = arith.addi %scan3A_100, %scan3A_101 : i32
      %scan3A_103 = arith.constant 1 : i32
      %scan3A_104 = scf.for %scan3A_113 = %scan3A_100 to %scan3A_102 step %scan3A_103 iter_args(%scan3A_114 = %scan3A_99) -> (i32)  : i32 {
        %mul3A_115 = arith.constant 7 : i32
        %mul3A_116 = arith.muli %scan3A_113, %mul3A_115 : i32
        %add3A = arith.constant 0 : i32
        %add3A_117 = arith.addi %mul3A_116, %add3A : i32
        %dma_start3A = arith.constant 0 : i32
        %dma_start3A_118 = tpu.memref_slice %arg8[%add3A_117, %dma_start3A] : memref<49x128xi32, #tpu.memory_space<vmem>> -> memref<1x128xi32, #tpu.memory_space<vmem>>
        %dma_start3A_119 = tpu.memref_squeeze %dma_start3A_118 : memref<1x128xi32, #tpu.memory_space<vmem>> -> memref<128xi32, #tpu.memory_space<vmem>>
        %dma_start3A_120 = arith.constant 0 : i32
        %dma_start3A_121 = tpu.memref_slice %arg13[%dma_start3A_120] : memref<10240xf32, #tpu.memory_space<vmem_shared>> -> memref<10240xf32, #tpu.memory_space<vmem_shared>>
        tpu.enqueue_indirect_dma source(%arg11 : memref<128xf32, #tpu.memory_space<vmem>>) target(%dma_start3A_121 : memref<10240xf32, #tpu.memory_space<vmem_shared>>) offsets(%dma_start3A_119 : memref<128xi32, #tpu.memory_space<vmem>>) semaphore(%arg18 : memref<!tpu.dma_semaphore, #tpu.memory_space<semaphore_mem>>) {add = true}
        %mul3A_122 = arith.constant 7 : i32
        %mul3A_123 = arith.muli %scan3A_113, %mul3A_122 : i32
        %add3A_124 = arith.constant 1 : i32
        %add3A_125 = arith.addi %mul3A_123, %add3A_124 : i32
        %dma_start3A_126 = arith.constant 0 : i32
        %dma_start3A_127 = tpu.memref_slice %arg8[%add3A_125, %dma_start3A_126] : memref<49x128xi32, #tpu.memory_space<vmem>> -> memref<1x128xi32, #tpu.memory_space<vmem>>
        %dma_start3A_128 = tpu.memref_squeeze %dma_start3A_127 : memref<1x128xi32, #tpu.memory_space<vmem>> -> memref<128xi32, #tpu.memory_space<vmem>>
        %dma_start3A_129 = arith.constant 0 : i32
        %dma_start3A_130 = tpu.memref_slice %arg13[%dma_start3A_129] : memref<10240xf32, #tpu.memory_space<vmem_shared>> -> memref<10240xf32, #tpu.memory_space<vmem_shared>>
        tpu.enqueue_indirect_dma source(%arg11 : memref<128xf32, #tpu.memory_space<vmem>>) target(%dma_start3A_130 : memref<10240xf32, #tpu.memory_space<vmem_shared>>) offsets(%dma_start3A_128 : memref<128xi32, #tpu.memory_space<vmem>>) semaphore(%arg18 : memref<!tpu.dma_semaphore, #tpu.memory_space<semaphore_mem>>) {add = true}
        %mul3A_131 = arith.constant 7 : i32
        %mul3A_132 = arith.muli %scan3A_113, %mul3A_131 : i32
        %add3A_133 = arith.constant 2 : i32
        %add3A_134 = arith.addi %mul3A_132, %add3A_133 : i32
        %dma_start3A_135 = arith.constant 0 : i32
        %dma_start3A_136 = tpu.memref_slice %arg8[%add3A_134, %dma_start3A_135] : memref<49x128xi32, #tpu.memory_space<vmem>> -> memref<1x128xi32, #tpu.memory_space<vmem>>
        %dma_start3A_137 = tpu.memref_squeeze %dma_start3A_136 : memref<1x128xi32, #tpu.memory_space<vmem>> -> memref<128xi32, #tpu.memory_space<vmem>>
        %dma_start3A_138 = arith.constant 0 : i32
        %dma_start3A_139 = tpu.memref_slice %arg13[%dma_start3A_138] : memref<10240xf32, #tpu.memory_space<vmem_shared>> -> memref<10240xf32, #tpu.memory_space<vmem_shared>>
        tpu.enqueue_indirect_dma source(%arg11 : memref<128xf32, #tpu.memory_space<vmem>>) target(%dma_start3A_139 : memref<10240xf32, #tpu.memory_space<vmem_shared>>) offsets(%dma_start3A_137 : memref<128xi32, #tpu.memory_space<vmem>>) semaphore(%arg18 : memref<!tpu.dma_semaphore, #tpu.memory_space<semaphore_mem>>) {add = true}
        %mul3A_140 = arith.constant 7 : i32
        %mul3A_141 = arith.muli %scan3A_113, %mul3A_140 : i32
        %add3A_142 = arith.constant 3 : i32
        %add3A_143 = arith.addi %mul3A_141, %add3A_142 : i32
        %dma_start3A_144 = arith.constant 0 : i32
        %dma_start3A_145 = tpu.memref_slice %arg8[%add3A_143, %dma_start3A_144] : memref<49x128xi32, #tpu.memory_space<vmem>> -> memref<1x128xi32, #tpu.memory_space<vmem>>
        %dma_start3A_146 = tpu.memref_squeeze %dma_start3A_145 : memref<1x128xi32, #tpu.memory_space<vmem>> -> memref<128xi32, #tpu.memory_space<vmem>>
        %dma_start3A_147 = arith.constant 0 : i32
        %dma_start3A_148 = tpu.memref_slice %arg13[%dma_start3A_147] : memref<10240xf32, #tpu.memory_space<vmem_shared>> -> memref<10240xf32, #tpu.memory_space<vmem_shared>>
        tpu.enqueue_indirect_dma source(%arg11 : memref<128xf32, #tpu.memory_space<vmem>>) target(%dma_start3A_148 : memref<10240xf32, #tpu.memory_space<vmem_shared>>) offsets(%dma_start3A_146 : memref<128xi32, #tpu.memory_space<vmem>>) semaphore(%arg18 : memref<!tpu.dma_semaphore, #tpu.memory_space<semaphore_mem>>) {add = true}
        %mul3A_149 = arith.constant 7 : i32
        %mul3A_150 = arith.muli %scan3A_113, %mul3A_149 : i32
        %add3A_151 = arith.constant 4 : i32
        %add3A_152 = arith.addi %mul3A_150, %add3A_151 : i32
        %dma_start3A_153 = arith.constant 0 : i32
        %dma_start3A_154 = tpu.memref_slice %arg8[%add3A_152, %dma_start3A_153] : memref<49x128xi32, #tpu.memory_space<vmem>> -> memref<1x128xi32, #tpu.memory_space<vmem>>
        %dma_start3A_155 = tpu.memref_squeeze %dma_start3A_154 : memref<1x128xi32, #tpu.memory_space<vmem>> -> memref<128xi32, #tpu.memory_space<vmem>>
        %dma_start3A_156 = arith.constant 0 : i32
        %dma_start3A_157 = tpu.memref_slice %arg13[%dma_start3A_156] : memref<10240xf32, #tpu.memory_space<vmem_shared>> -> memref<10240xf32, #tpu.memory_space<vmem_shared>>
        tpu.enqueue_indirect_dma source(%arg11 : memref<128xf32, #tpu.memory_space<vmem>>) target(%dma_start3A_157 : memref<10240xf32, #tpu.memory_space<vmem_shared>>) offsets(%dma_start3A_155 : memref<128xi32, #tpu.memory_space<vmem>>) semaphore(%arg18 : memref<!tpu.dma_semaphore, #tpu.memory_space<semaphore_mem>>) {add = true}
        %mul3A_158 = arith.constant 7 : i32
        %mul3A_159 = arith.muli %scan3A_113, %mul3A_158 : i32
        %add3A_160 = arith.constant 5 : i32
        %add3A_161 = arith.addi %mul3A_159, %add3A_160 : i32
        %dma_start3A_162 = arith.constant 0 : i32
        %dma_start3A_163 = tpu.memref_slice %arg8[%add3A_161, %dma_start3A_162] : memref<49x128xi32, #tpu.memory_space<vmem>> -> memref<1x128xi32, #tpu.memory_space<vmem>>
        %dma_start3A_164 = tpu.memref_squeeze %dma_start3A_163 : memref<1x128xi32, #tpu.memory_space<vmem>> -> memref<128xi32, #tpu.memory_space<vmem>>
        %dma_start3A_165 = arith.constant 0 : i32
        %dma_start3A_166 = tpu.memref_slice %arg13[%dma_start3A_165] : memref<10240xf32, #tpu.memory_space<vmem_shared>> -> memref<10240xf32, #tpu.memory_space<vmem_shared>>
        tpu.enqueue_indirect_dma source(%arg11 : memref<128xf32, #tpu.memory_space<vmem>>) target(%dma_start3A_166 : memref<10240xf32, #tpu.memory_space<vmem_shared>>) offsets(%dma_start3A_164 : memref<128xi32, #tpu.memory_space<vmem>>) semaphore(%arg18 : memref<!tpu.dma_semaphore, #tpu.memory_space<semaphore_mem>>) {add = true}
        %mul3A_167 = arith.constant 7 : i32
        %mul3A_168 = arith.muli %scan3A_113, %mul3A_167 : i32
        %add3A_169 = arith.constant 6 : i32
        %add3A_170 = arith.addi %mul3A_168, %add3A_169 : i32
        %dma_start3A_171 = arith.constant 0 : i32
        %dma_start3A_172 = tpu.memref_slice %arg8[%add3A_170, %dma_start3A_171] : memref<49x128xi32, #tpu.memory_space<vmem>> -> memref<1x128xi32, #tpu.memory_space<vmem>>
        %dma_start3A_173 = tpu.memref_squeeze %dma_start3A_172 : memref<1x128xi32, #tpu.memory_space<vmem>> -> memref<128xi32, #tpu.memory_space<vmem>>
        %dma_start3A_174 = arith.constant 0 : i32
        %dma_start3A_175 = tpu.memref_slice %arg13[%dma_start3A_174] : memref<10240xf32, #tpu.memory_space<vmem_shared>> -> memref<10240xf32, #tpu.memory_space<vmem_shared>>
        tpu.enqueue_indirect_dma source(%arg11 : memref<128xf32, #tpu.memory_space<vmem>>) target(%dma_start3A_175 : memref<10240xf32, #tpu.memory_space<vmem_shared>>) offsets(%dma_start3A_173 : memref<128xi32, #tpu.memory_space<vmem>>) semaphore(%arg18 : memref<!tpu.dma_semaphore, #tpu.memory_space<semaphore_mem>>) {add = true}
        %dma_wait3A = arith.constant 0 : i32
        %dma_wait3A_176 = tpu.memref_slice %arg8[%add3A_117, %dma_wait3A] : memref<49x128xi32, #tpu.memory_space<vmem>> -> memref<1x128xi32, #tpu.memory_space<vmem>>
        %dma_wait3A_177 = tpu.memref_squeeze %dma_wait3A_176 : memref<1x128xi32, #tpu.memory_space<vmem>> -> memref<128xi32, #tpu.memory_space<vmem>>
        %dma_wait3A_178 = arith.constant 0 : i32
        %dma_wait3A_179 = tpu.memref_slice %arg13[%dma_wait3A_178] : memref<10240xf32, #tpu.memory_space<vmem_shared>> -> memref<10240xf32, #tpu.memory_space<vmem_shared>>
        tpu.wait_indirect_dma semaphore(%arg18 : memref<!tpu.dma_semaphore, #tpu.memory_space<semaphore_mem>>) src(%arg11 : memref<128xf32, #tpu.memory_space<vmem>>) dst(%dma_wait3A_179 : memref<10240xf32, #tpu.memory_space<vmem_shared>>)
        %dma_wait3A_180 = arith.constant 0 : i32
        %dma_wait3A_181 = tpu.memref_slice %arg8[%add3A_125, %dma_wait3A_180] : memref<49x128xi32, #tpu.memory_space<vmem>> -> memref<1x128xi32, #tpu.memory_space<vmem>>
        %dma_wait3A_182 = tpu.memref_squeeze %dma_wait3A_181 : memref<1x128xi32, #tpu.memory_space<vmem>> -> memref<128xi32, #tpu.memory_space<vmem>>
        %dma_wait3A_183 = arith.constant 0 : i32
        %dma_wait3A_184 = tpu.memref_slice %arg13[%dma_wait3A_183] : memref<10240xf32, #tpu.memory_space<vmem_shared>> -> memref<10240xf32, #tpu.memory_space<vmem_shared>>
        tpu.wait_indirect_dma semaphore(%arg18 : memref<!tpu.dma_semaphore, #tpu.memory_space<semaphore_mem>>) src(%arg11 : memref<128xf32, #tpu.memory_space<vmem>>) dst(%dma_wait3A_184 : memref<10240xf32, #tpu.memory_space<vmem_shared>>)
        %dma_wait3A_185 = arith.constant 0 : i32
        %dma_wait3A_186 = tpu.memref_slice %arg8[%add3A_134, %dma_wait3A_185] : memref<49x128xi32, #tpu.memory_space<vmem>> -> memref<1x128xi32, #tpu.memory_space<vmem>>
        %dma_wait3A_187 = tpu.memref_squeeze %dma_wait3A_186 : memref<1x128xi32, #tpu.memory_space<vmem>> -> memref<128xi32, #tpu.memory_space<vmem>>
        %dma_wait3A_188 = arith.constant 0 : i32
        %dma_wait3A_189 = tpu.memref_slice %arg13[%dma_wait3A_188] : memref<10240xf32, #tpu.memory_space<vmem_shared>> -> memref<10240xf32, #tpu.memory_space<vmem_shared>>
        tpu.wait_indirect_dma semaphore(%arg18 : memref<!tpu.dma_semaphore, #tpu.memory_space<semaphore_mem>>) src(%arg11 : memref<128xf32, #tpu.memory_space<vmem>>) dst(%dma_wait3A_189 : memref<10240xf32, #tpu.memory_space<vmem_shared>>)
        %dma_wait3A_190 = arith.constant 0 : i32
        %dma_wait3A_191 = tpu.memref_slice %arg8[%add3A_143, %dma_wait3A_190] : memref<49x128xi32, #tpu.memory_space<vmem>> -> memref<1x128xi32, #tpu.memory_space<vmem>>
        %dma_wait3A_192 = tpu.memref_squeeze %dma_wait3A_191 : memref<1x128xi32, #tpu.memory_space<vmem>> -> memref<128xi32, #tpu.memory_space<vmem>>
        %dma_wait3A_193 = arith.constant 0 : i32
        %dma_wait3A_194 = tpu.memref_slice %arg13[%dma_wait3A_193] : memref<10240xf32, #tpu.memory_space<vmem_shared>> -> memref<10240xf32, #tpu.memory_space<vmem_shared>>
        tpu.wait_indirect_dma semaphore(%arg18 : memref<!tpu.dma_semaphore, #tpu.memory_space<semaphore_mem>>) src(%arg11 : memref<128xf32, #tpu.memory_space<vmem>>) dst(%dma_wait3A_194 : memref<10240xf32, #tpu.memory_space<vmem_shared>>)
        %dma_wait3A_195 = arith.constant 0 : i32
        %dma_wait3A_196 = tpu.memref_slice %arg8[%add3A_152, %dma_wait3A_195] : memref<49x128xi32, #tpu.memory_space<vmem>> -> memref<1x128xi32, #tpu.memory_space<vmem>>
        %dma_wait3A_197 = tpu.memref_squeeze %dma_wait3A_196 : memref<1x128xi32, #tpu.memory_space<vmem>> -> memref<128xi32, #tpu.memory_space<vmem>>
        %dma_wait3A_198 = arith.constant 0 : i32
        %dma_wait3A_199 = tpu.memref_slice %arg13[%dma_wait3A_198] : memref<10240xf32, #tpu.memory_space<vmem_shared>> -> memref<10240xf32, #tpu.memory_space<vmem_shared>>
        tpu.wait_indirect_dma semaphore(%arg18 : memref<!tpu.dma_semaphore, #tpu.memory_space<semaphore_mem>>) src(%arg11 : memref<128xf32, #tpu.memory_space<vmem>>) dst(%dma_wait3A_199 : memref<10240xf32, #tpu.memory_space<vmem_shared>>)
        %dma_wait3A_200 = arith.constant 0 : i32
        %dma_wait3A_201 = tpu.memref_slice %arg8[%add3A_161, %dma_wait3A_200] : memref<49x128xi32, #tpu.memory_space<vmem>> -> memref<1x128xi32, #tpu.memory_space<vmem>>
        %dma_wait3A_202 = tpu.memref_squeeze %dma_wait3A_201 : memref<1x128xi32, #tpu.memory_space<vmem>> -> memref<128xi32, #tpu.memory_space<vmem>>
        %dma_wait3A_203 = arith.constant 0 : i32
        %dma_wait3A_204 = tpu.memref_slice %arg13[%dma_wait3A_203] : memref<10240xf32, #tpu.memory_space<vmem_shared>> -> memref<10240xf32, #tpu.memory_space<vmem_shared>>
        tpu.wait_indirect_dma semaphore(%arg18 : memref<!tpu.dma_semaphore, #tpu.memory_space<semaphore_mem>>) src(%arg11 : memref<128xf32, #tpu.memory_space<vmem>>) dst(%dma_wait3A_204 : memref<10240xf32, #tpu.memory_space<vmem_shared>>)
        %dma_wait3A_205 = arith.constant 0 : i32
        %dma_wait3A_206 = tpu.memref_slice %arg8[%add3A_170, %dma_wait3A_205] : memref<49x128xi32, #tpu.memory_space<vmem>> -> memref<1x128xi32, #tpu.memory_space<vmem>>
        %dma_wait3A_207 = tpu.memref_squeeze %dma_wait3A_206 : memref<1x128xi32, #tpu.memory_space<vmem>> -> memref<128xi32, #tpu.memory_space<vmem>>
        %dma_wait3A_208 = arith.constant 0 : i32
        %dma_wait3A_209 = tpu.memref_slice %arg13[%dma_wait3A_208] : memref<10240xf32, #tpu.memory_space<vmem_shared>> -> memref<10240xf32, #tpu.memory_space<vmem_shared>>
        tpu.wait_indirect_dma semaphore(%arg18 : memref<!tpu.dma_semaphore, #tpu.memory_space<semaphore_mem>>) src(%arg11 : memref<128xf32, #tpu.memory_space<vmem>>) dst(%dma_wait3A_209 : memref<10240xf32, #tpu.memory_space<vmem_shared>>)
        %scan3A_210 = arith.constant 0 : i32
        scf.yield %scan3A_210 : i32
      }
      %scan3A_105 = arith.constant 7 : i32
      %barrier3A_106 = arith.constant 0 : index
      tpu.barrier barrier_id(%barrier3A_106)
      %mul3A_107 = arith.constant 640 : i32
      %mul3A_108 = arith.muli %arg1, %mul3A_107 : i32
      %mul3A_109 = arith.constant 640 : i32
      %mul3A_110 = arith.muli %arg1, %mul3A_109 : i32
      %run_scoped3A_111 = arith.constant 2 : i32
      %run_scoped3A_112 = arith.constant 0 : i32
      "tpu.region"() ({
        %run_scoped3A_113 = tpu.sem_alloc : memref<!tpu.dma_semaphore, #tpu.memory_space<semaphore_mem>>
        %dma_start3A = tpu.memref_slice %arg6[%run_scoped3A_111, %run_scoped3A_112, %mul3A_110] : memref<3x1x10240xf32, #tpu.memory_space<hbm>> -> memref<1x1x640xf32, #tpu.memory_space<hbm>>
        %dma_start3A_114 = tpu.memref_squeeze %dma_start3A : memref<1x1x640xf32, #tpu.memory_space<hbm>> -> memref<640xf32, #tpu.memory_space<hbm>>
        %dma_start3A_115 = tpu.memref_slice %arg13[%mul3A_108] : memref<10240xf32, #tpu.memory_space<vmem_shared>> -> memref<640xf32, #tpu.memory_space<vmem_shared>>
        tpu.enqueue_dma source(%dma_start3A_115 : memref<640xf32, #tpu.memory_space<vmem_shared>>) target(%dma_start3A_114 : memref<640xf32, #tpu.memory_space<hbm>>) target_semaphore(%run_scoped3A_113 : memref<!tpu.dma_semaphore, #tpu.memory_space<semaphore_mem>>)
        %dma_wait3A = tpu.memref_slice %arg6[%run_scoped3A_111, %run_scoped3A_112, %mul3A_110] : memref<3x1x10240xf32, #tpu.memory_space<hbm>> -> memref<1x1x640xf32, #tpu.memory_space<hbm>>
        %dma_wait3A_116 = tpu.memref_squeeze %dma_wait3A : memref<1x1x640xf32, #tpu.memory_space<hbm>> -> memref<640xf32, #tpu.memory_space<hbm>>
        %dma_wait3A_117 = tpu.memref_slice %arg13[%mul3A_108] : memref<10240xf32, #tpu.memory_space<vmem_shared>> -> memref<640xf32, #tpu.memory_space<vmem_shared>>
        tpu.wait_dma2 semaphore(%run_scoped3A_113 : memref<!tpu.dma_semaphore, #tpu.memory_space<semaphore_mem>>) src(%dma_wait3A_117 : memref<640xf32, #tpu.memory_space<vmem_shared>>) dst(%dma_wait3A_116 : memref<640xf32, #tpu.memory_space<hbm>>)
        tpu.yield
      }) : () -> ()
    } else {
    }
    return
  }
}

#map = affine_map<(d0, d1) -> (0, 0, 0, 0)>
#map1 = affine_map<(d0, d1) -> (0, 0)>
#map2 = affine_map<(d0, d1) -> (0, 0, 0)>
module attributes {stable_mosaic.version = 14 : i64} {
  func.func @body(%arg0: i32, %arg1: i32, %arg2: memref<3x16x49x128xi32, #tpu.memory_space<hbm>>, %arg3: memref<3x16x49x128xi32, #tpu.memory_space<hbm>>, %arg4: memref<10240x128xf32, #tpu.memory_space<hbm>>, %arg5: memref<3x10240x128xf32, #tpu.memory_space<hbm>>, %arg6: memref<49x128xi32, #tpu.memory_space<vmem>>, %arg7: memref<49x128xi32, #tpu.memory_space<vmem>>, %arg8: memref<2x128x128xf32, #tpu.memory_space<vmem>>, %arg9: memref<640xf32, #tpu.memory_space<vmem>>, %arg10: memref<128xf32, #tpu.memory_space<vmem>>, %arg11: memref<10240x128xf32, #tpu.memory_space<vmem_shared>>, %arg12: memref<10240xf32, #tpu.memory_space<vmem_shared>>, %arg13: memref<!tpu.dma_semaphore, #tpu.memory_space<semaphore_mem>>, %arg14: memref<!tpu.dma_semaphore, #tpu.memory_space<semaphore_mem>>, %arg15: memref<!tpu.dma_semaphore, #tpu.memory_space<semaphore_mem>>, %arg16: memref<!tpu.dma_semaphore, #tpu.memory_space<semaphore_mem>>, %arg17: memref<!tpu.dma_semaphore, #tpu.memory_space<semaphore_mem>>) attributes {dimension_semantics = [#tpu.dimension_semantics<core_parallel>, #tpu.dimension_semantics<subcore_parallel>], iteration_bounds = array<i64: 2, 16>, scalar_prefetch = 0 : i64, scratch_operands = 12 : i64, tpu.core_type = #tpu.core_type<sc_vector_subcore>, window_params = [{transform_indices = #map}, {transform_indices = #map}, {transform_indices = #map1}, {transform_indices = #map2}]} {
    %eq3A = arith.constant 0 : i32
    %eq3A_0 = arith.cmpi eq, %arg0, %eq3A : i32
    %convert_element_type3A = arith.extui %eq3A_0 : i1 to i32
    %cond3A = arith.constant 0 : i32
    %cond3A_1 = arith.cmpi ne, %convert_element_type3A, %cond3A : i32
    scf.if %cond3A_1 {
      %barrier3A = arith.constant 0 : index
      tpu.barrier barrier_id(%barrier3A)
      %scan3A = arith.constant 0 : i32
      %scan3A_2 = arith.constant 0 : i32
      %scan3A_3 = arith.constant 128 : i32
      %scan3A_4 = arith.addi %scan3A_2, %scan3A_3 : i32
      %scan3A_5 = arith.constant 1 : i32
      %scan3A_6 = scf.for %scan3A_167 = %scan3A_2 to %scan3A_4 step %scan3A_5 iter_args(%scan3A_168 = %scan3A) -> (i32)  : i32 {
        %broadcast_in_dim3A = arith.constant 0.000000e+00 : f32
        %broadcast_in_dim3A_169 = vector.broadcast %broadcast_in_dim3A : f32 to vector<16xf32>
        %swap3A = arith.constant 0 : i32
        %swap3A_170 = arith.index_cast %swap3A : i32 to index
        %swap3A_171 = arith.index_cast %scan3A_167 : i32 to index
        %swap3A_172 = arith.constant 0 : index
        %swap3A_173 = tpu.vector_load %arg8[%swap3A_170, %swap3A_171, %swap3A_172] {strides = array<i32>} : memref<2x128x128xf32, #tpu.memory_space<vmem>>, vector<1x1x16xf32>,
        %swap3A_174 = vector.shape_cast %swap3A_173 : vector<1x1x16xf32> to vector<16xf32>
        %swap3A_175 = vector.shape_cast %broadcast_in_dim3A_169 : vector<16xf32> to vector<1x1x16xf32>
        tpu.vector_store %arg8[%swap3A_170, %swap3A_171, %swap3A_172], %swap3A_175 {strides = array<i32>} : memref<2x128x128xf32, #tpu.memory_space<vmem>>, vector<1x1x16xf32>,
        %broadcast_in_dim3A_176 = arith.constant 0.000000e+00 : f32
        %broadcast_in_dim3A_177 = vector.broadcast %broadcast_in_dim3A_176 : f32 to vector<16xf32>
        %swap3A_178 = arith.constant 0 : i32
        %swap3A_179 = arith.index_cast %swap3A_178 : i32 to index
        %swap3A_180 = arith.index_cast %scan3A_167 : i32 to index
        %swap3A_181 = arith.constant 16 : index
        %swap3A_182 = tpu.vector_load %arg8[%swap3A_179, %swap3A_180, %swap3A_181] {strides = array<i32>} : memref<2x128x128xf32, #tpu.memory_space<vmem>>, vector<1x1x16xf32>,
        %swap3A_183 = vector.shape_cast %swap3A_182 : vector<1x1x16xf32> to vector<16xf32>
        %swap3A_184 = vector.shape_cast %broadcast_in_dim3A_177 : vector<16xf32> to vector<1x1x16xf32>
        tpu.vector_store %arg8[%swap3A_179, %swap3A_180, %swap3A_181], %swap3A_184 {strides = array<i32>} : memref<2x128x128xf32, #tpu.memory_space<vmem>>, vector<1x1x16xf32>,
        %broadcast_in_dim3A_185 = arith.constant 0.000000e+00 : f32
        %broadcast_in_dim3A_186 = vector.broadcast %broadcast_in_dim3A_185 : f32 to vector<16xf32>
        %swap3A_187 = arith.constant 0 : i32
        %swap3A_188 = arith.index_cast %swap3A_187 : i32 to index
        %swap3A_189 = arith.index_cast %scan3A_167 : i32 to index
        %swap3A_190 = arith.constant 32 : index
        %swap3A_191 = tpu.vector_load %arg8[%swap3A_188, %swap3A_189, %swap3A_190] {strides = array<i32>} : memref<2x128x128xf32, #tpu.memory_space<vmem>>, vector<1x1x16xf32>,
        %swap3A_192 = vector.shape_cast %swap3A_191 : vector<1x1x16xf32> to vector<16xf32>
        %swap3A_193 = vector.shape_cast %broadcast_in_dim3A_186 : vector<16xf32> to vector<1x1x16xf32>
        tpu.vector_store %arg8[%swap3A_188, %swap3A_189, %swap3A_190], %swap3A_193 {strides = array<i32>} : memref<2x128x128xf32, #tpu.memory_space<vmem>>, vector<1x1x16xf32>,
        %broadcast_in_dim3A_194 = arith.constant 0.000000e+00 : f32
        %broadcast_in_dim3A_195 = vector.broadcast %broadcast_in_dim3A_194 : f32 to vector<16xf32>
        %swap3A_196 = arith.constant 0 : i32
        %swap3A_197 = arith.index_cast %swap3A_196 : i32 to index
        %swap3A_198 = arith.index_cast %scan3A_167 : i32 to index
        %swap3A_199 = arith.constant 48 : index
        %swap3A_200 = tpu.vector_load %arg8[%swap3A_197, %swap3A_198, %swap3A_199] {strides = array<i32>} : memref<2x128x128xf32, #tpu.memory_space<vmem>>, vector<1x1x16xf32>,
        %swap3A_201 = vector.shape_cast %swap3A_200 : vector<1x1x16xf32> to vector<16xf32>
        %swap3A_202 = vector.shape_cast %broadcast_in_dim3A_195 : vector<16xf32> to vector<1x1x16xf32>
        tpu.vector_store %arg8[%swap3A_197, %swap3A_198, %swap3A_199], %swap3A_202 {strides = array<i32>} : memref<2x128x128xf32, #tpu.memory_space<vmem>>, vector<1x1x16xf32>,
        %broadcast_in_dim3A_203 = arith.constant 0.000000e+00 : f32
        %broadcast_in_dim3A_204 = vector.broadcast %broadcast_in_dim3A_203 : f32 to vector<16xf32>
        %swap3A_205 = arith.constant 0 : i32
        %swap3A_206 = arith.index_cast %swap3A_205 : i32 to index
        %swap3A_207 = arith.index_cast %scan3A_167 : i32 to index
        %swap3A_208 = arith.constant 64 : index
        %swap3A_209 = tpu.vector_load %arg8[%swap3A_206, %swap3A_207, %swap3A_208] {strides = array<i32>} : memref<2x128x128xf32, #tpu.memory_space<vmem>>, vector<1x1x16xf32>,
        %swap3A_210 = vector.shape_cast %swap3A_209 : vector<1x1x16xf32> to vector<16xf32>
        %swap3A_211 = vector.shape_cast %broadcast_in_dim3A_204 : vector<16xf32> to vector<1x1x16xf32>
        tpu.vector_store %arg8[%swap3A_206, %swap3A_207, %swap3A_208], %swap3A_211 {strides = array<i32>} : memref<2x128x128xf32, #tpu.memory_space<vmem>>, vector<1x1x16xf32>,
        %broadcast_in_dim3A_212 = arith.constant 0.000000e+00 : f32
        %broadcast_in_dim3A_213 = vector.broadcast %broadcast_in_dim3A_212 : f32 to vector<16xf32>
        %swap3A_214 = arith.constant 0 : i32
        %swap3A_215 = arith.index_cast %swap3A_214 : i32 to index
        %swap3A_216 = arith.index_cast %scan3A_167 : i32 to index
        %swap3A_217 = arith.constant 80 : index
        %swap3A_218 = tpu.vector_load %arg8[%swap3A_215, %swap3A_216, %swap3A_217] {strides = array<i32>} : memref<2x128x128xf32, #tpu.memory_space<vmem>>, vector<1x1x16xf32>,
        %swap3A_219 = vector.shape_cast %swap3A_218 : vector<1x1x16xf32> to vector<16xf32>
        %swap3A_220 = vector.shape_cast %broadcast_in_dim3A_213 : vector<16xf32> to vector<1x1x16xf32>
        tpu.vector_store %arg8[%swap3A_215, %swap3A_216, %swap3A_217], %swap3A_220 {strides = array<i32>} : memref<2x128x128xf32, #tpu.memory_space<vmem>>, vector<1x1x16xf32>,
        %broadcast_in_dim3A_221 = arith.constant 0.000000e+00 : f32
        %broadcast_in_dim3A_222 = vector.broadcast %broadcast_in_dim3A_221 : f32 to vector<16xf32>
        %swap3A_223 = arith.constant 0 : i32
        %swap3A_224 = arith.index_cast %swap3A_223 : i32 to index
        %swap3A_225 = arith.index_cast %scan3A_167 : i32 to index
        %swap3A_226 = arith.constant 96 : index
        %swap3A_227 = tpu.vector_load %arg8[%swap3A_224, %swap3A_225, %swap3A_226] {strides = array<i32>} : memref<2x128x128xf32, #tpu.memory_space<vmem>>, vector<1x1x16xf32>,
        %swap3A_228 = vector.shape_cast %swap3A_227 : vector<1x1x16xf32> to vector<16xf32>
        %swap3A_229 = vector.shape_cast %broadcast_in_dim3A_222 : vector<16xf32> to vector<1x1x16xf32>
        tpu.vector_store %arg8[%swap3A_224, %swap3A_225, %swap3A_226], %swap3A_229 {strides = array<i32>} : memref<2x128x128xf32, #tpu.memory_space<vmem>>, vector<1x1x16xf32>,
        %broadcast_in_dim3A_230 = arith.constant 0.000000e+00 : f32
        %broadcast_in_dim3A_231 = vector.broadcast %broadcast_in_dim3A_230 : f32 to vector<16xf32>
        %swap3A_232 = arith.constant 0 : i32
        %swap3A_233 = arith.index_cast %swap3A_232 : i32 to index
        %swap3A_234 = arith.index_cast %scan3A_167 : i32 to index
        %swap3A_235 = arith.constant 112 : index
        %swap3A_236 = tpu.vector_load %arg8[%swap3A_233, %swap3A_234, %swap3A_235] {strides = array<i32>} : memref<2x128x128xf32, #tpu.memory_space<vmem>>, vector<1x1x16xf32>,
        %swap3A_237 = vector.shape_cast %swap3A_236 : vector<1x1x16xf32> to vector<16xf32>
        %swap3A_238 = vector.shape_cast %broadcast_in_dim3A_231 : vector<16xf32> to vector<1x1x16xf32>
        tpu.vector_store %arg8[%swap3A_233, %swap3A_234, %swap3A_235], %swap3A_238 {strides = array<i32>} : memref<2x128x128xf32, #tpu.memory_space<vmem>>, vector<1x1x16xf32>,
        %scan3A_239 = arith.constant 0 : i32
        scf.yield %scan3A_239 : i32
      }
      %scan3A_7 = arith.constant 128 : i32
      %scan3A_8 = arith.constant 0 : i32
      %scan3A_9 = arith.constant 0 : i32
      %scan3A_10 = arith.constant 5 : i32
      %scan3A_11 = arith.addi %scan3A_9, %scan3A_10 : i32
      %scan3A_12 = arith.constant 1 : i32
      %scan3A_13 = scf.for %scan3A_167 = %scan3A_9 to %scan3A_11 step %scan3A_12 iter_args(%scan3A_168 = %scan3A_8) -> (i32)  : i32 {
        %mul3A_169 = arith.constant 640 : i32
        %mul3A_170 = arith.muli %arg1, %mul3A_169 : i32
        %mul3A_171 = arith.constant 128 : i32
        %mul3A_172 = arith.muli %scan3A_167, %mul3A_171 : i32
        %add3A = arith.addi %mul3A_170, %mul3A_172 : i32
        %run_scoped3A_173 = arith.constant 0 : i32
        "tpu.region"() ({
          %run_scoped3A_175 = tpu.sem_alloc : memref<!tpu.dma_semaphore, #tpu.memory_space<semaphore_mem>>
          %dma_start3A_176 = arith.constant 0 : i32
          %dma_start3A_177 = arith.constant 0 : i32
          %dma_start3A_178 = tpu.memref_slice %arg8[%run_scoped3A_173, %dma_start3A_176, %dma_start3A_177] : memref<2x128x128xf32, #tpu.memory_space<vmem>> -> memref<1x128x128xf32, #tpu.memory_space<vmem>>
          %dma_start3A_179 = tpu.memref_squeeze %dma_start3A_178 : memref<1x128x128xf32, #tpu.memory_space<vmem>> -> memref<128x128xf32, #tpu.memory_space<vmem>>
          %dma_start3A_180 = arith.constant 0 : i32
          %dma_start3A_181 = tpu.memref_slice %arg11[%add3A, %dma_start3A_180] : memref<10240x128xf32, #tpu.memory_space<vmem_shared>> -> memref<128x128xf32, #tpu.memory_space<vmem_shared>>
          %dma_start3A_182 = arith.constant 0 : i32
          %dma_start3A_183 = tpu.memref_slice %arg11[%add3A, %dma_start3A_182] : memref<10240x128xf32, #tpu.memory_space<vmem_shared>> -> memref<128x128xf32, #tpu.memory_space<vmem_shared>>
          %dma_start3A_184 = arith.constant 0 : i32
          %dma_start3A_185 = arith.constant 0 : i32
          %dma_start3A_186 = tpu.memref_slice %arg8[%run_scoped3A_173, %dma_start3A_184, %dma_start3A_185] : memref<2x128x128xf32, #tpu.memory_space<vmem>> -> memref<1x128x128xf32, #tpu.memory_space<vmem>>
          %dma_start3A_187 = tpu.memref_squeeze %dma_start3A_186 : memref<1x128x128xf32, #tpu.memory_space<vmem>> -> memref<128x128xf32, #tpu.memory_space<vmem>>
          tpu.enqueue_dma source(%dma_start3A_187 : memref<128x128xf32, #tpu.memory_space<vmem>>) target(%dma_start3A_183 : memref<128x128xf32, #tpu.memory_space<vmem_shared>>) target_semaphore(%run_scoped3A_175 : memref<!tpu.dma_semaphore, #tpu.memory_space<semaphore_mem>>)
          %dma_wait3A_188 = arith.constant 0 : i32
          %dma_wait3A_189 = arith.constant 0 : i32
          %dma_wait3A_190 = tpu.memref_slice %arg8[%run_scoped3A_173, %dma_wait3A_188, %dma_wait3A_189] : memref<2x128x128xf32, #tpu.memory_space<vmem>> -> memref<1x128x128xf32, #tpu.memory_space<vmem>>
          %dma_wait3A_191 = tpu.memref_squeeze %dma_wait3A_190 : memref<1x128x128xf32, #tpu.memory_space<vmem>> -> memref<128x128xf32, #tpu.memory_space<vmem>>
          %dma_wait3A_192 = arith.constant 0 : i32
          %dma_wait3A_193 = tpu.memref_slice %arg11[%add3A, %dma_wait3A_192] : memref<10240x128xf32, #tpu.memory_space<vmem_shared>> -> memref<128x128xf32, #tpu.memory_space<vmem_shared>>
          %dma_wait3A_194 = arith.constant 0 : i32
          %dma_wait3A_195 = tpu.memref_slice %arg11[%add3A, %dma_wait3A_194] : memref<10240x128xf32, #tpu.memory_space<vmem_shared>> -> memref<128x128xf32, #tpu.memory_space<vmem_shared>>
          %dma_wait3A_196 = arith.constant 0 : i32
          %dma_wait3A_197 = arith.constant 0 : i32
          %dma_wait3A_198 = tpu.memref_slice %arg8[%run_scoped3A_173, %dma_wait3A_196, %dma_wait3A_197] : memref<2x128x128xf32, #tpu.memory_space<vmem>> -> memref<1x128x128xf32, #tpu.memory_space<vmem>>
          %dma_wait3A_199 = tpu.memref_squeeze %dma_wait3A_198 : memref<1x128x128xf32, #tpu.memory_space<vmem>> -> memref<128x128xf32, #tpu.memory_space<vmem>>
          tpu.wait_dma2 semaphore(%run_scoped3A_175 : memref<!tpu.dma_semaphore, #tpu.memory_space<semaphore_mem>>) src(%dma_wait3A_199 : memref<128x128xf32, #tpu.memory_space<vmem>>) dst(%dma_wait3A_195 : memref<128x128xf32, #tpu.memory_space<vmem_shared>>)
          tpu.yield
        }) : () -> ()
        %scan3A_174 = arith.constant 0 : i32
        scf.yield %scan3A_174 : i32
      }
      %scan3A_14 = arith.constant 5 : i32
      %run_scoped3A = arith.constant 0 : i32
      "tpu.region"() ({
        %run_scoped3A_167 = tpu.sem_alloc : memref<!tpu.dma_semaphore, #tpu.memory_space<semaphore_mem>>
        %dma_start3A_168 = arith.constant 0 : i32
        %dma_start3A_169 = arith.constant 0 : i32
        %dma_start3A_170 = tpu.memref_slice %arg2[%run_scoped3A, %arg1, %dma_start3A_168, %dma_start3A_169] : memref<3x16x49x128xi32, #tpu.memory_space<hbm>> -> memref<1x1x49x128xi32, #tpu.memory_space<hbm>>
        %dma_start3A_171 = tpu.memref_squeeze %dma_start3A_170 : memref<1x1x49x128xi32, #tpu.memory_space<hbm>> -> memref<49x128xi32, #tpu.memory_space<hbm>>
        %dma_start3A_172 = arith.constant 0 : i32
        %dma_start3A_173 = arith.constant 0 : i32
        %dma_start3A_174 = tpu.memref_slice %arg2[%run_scoped3A, %arg1, %dma_start3A_172, %dma_start3A_173] : memref<3x16x49x128xi32, #tpu.memory_space<hbm>> -> memref<1x1x49x128xi32, #tpu.memory_space<hbm>>
        %dma_start3A_175 = tpu.memref_squeeze %dma_start3A_174 : memref<1x1x49x128xi32, #tpu.memory_space<hbm>> -> memref<49x128xi32, #tpu.memory_space<hbm>>
        tpu.enqueue_dma source(%dma_start3A_175 : memref<49x128xi32, #tpu.memory_space<hbm>>) target(%arg6 : memref<49x128xi32, #tpu.memory_space<vmem>>) target_semaphore(%run_scoped3A_167 : memref<!tpu.dma_semaphore, #tpu.memory_space<semaphore_mem>>)
        %dma_wait3A_176 = arith.constant 0 : i32
        %dma_wait3A_177 = arith.constant 0 : i32
        %dma_wait3A_178 = tpu.memref_slice %arg2[%run_scoped3A, %arg1, %dma_wait3A_176, %dma_wait3A_177] : memref<3x16x49x128xi32, #tpu.memory_space<hbm>> -> memref<1x1x49x128xi32, #tpu.memory_space<hbm>>
        %dma_wait3A_179 = tpu.memref_squeeze %dma_wait3A_178 : memref<1x1x49x128xi32, #tpu.memory_space<hbm>> -> memref<49x128xi32, #tpu.memory_space<hbm>>
        %dma_wait3A_180 = arith.constant 0 : i32
        %dma_wait3A_181 = arith.constant 0 : i32
        %dma_wait3A_182 = tpu.memref_slice %arg2[%run_scoped3A, %arg1, %dma_wait3A_180, %dma_wait3A_181] : memref<3x16x49x128xi32, #tpu.memory_space<hbm>> -> memref<1x1x49x128xi32, #tpu.memory_space<hbm>>
        %dma_wait3A_183 = tpu.memref_squeeze %dma_wait3A_182 : memref<1x1x49x128xi32, #tpu.memory_space<hbm>> -> memref<49x128xi32, #tpu.memory_space<hbm>>
        tpu.wait_dma2 semaphore(%run_scoped3A_167 : memref<!tpu.dma_semaphore, #tpu.memory_space<semaphore_mem>>) src(%dma_wait3A_183 : memref<49x128xi32, #tpu.memory_space<hbm>>) dst(%arg6 : memref<49x128xi32, #tpu.memory_space<vmem>>)
        tpu.yield
      }) : () -> ()
      %run_scoped3A_15 = arith.constant 0 : i32
      "tpu.region"() ({
        %run_scoped3A_167 = tpu.sem_alloc : memref<!tpu.dma_semaphore, #tpu.memory_space<semaphore_mem>>
        %dma_start3A_168 = arith.constant 0 : i32
        %dma_start3A_169 = arith.constant 0 : i32
        %dma_start3A_170 = tpu.memref_slice %arg3[%run_scoped3A_15, %arg1, %dma_start3A_168, %dma_start3A_169] : memref<3x16x49x128xi32, #tpu.memory_space<hbm>> -> memref<1x1x49x128xi32, #tpu.memory_space<hbm>>
        %dma_start3A_171 = tpu.memref_squeeze %dma_start3A_170 : memref<1x1x49x128xi32, #tpu.memory_space<hbm>> -> memref<49x128xi32, #tpu.memory_space<hbm>>
        %dma_start3A_172 = arith.constant 0 : i32
        %dma_start3A_173 = arith.constant 0 : i32
        %dma_start3A_174 = tpu.memref_slice %arg3[%run_scoped3A_15, %arg1, %dma_start3A_172, %dma_start3A_173] : memref<3x16x49x128xi32, #tpu.memory_space<hbm>> -> memref<1x1x49x128xi32, #tpu.memory_space<hbm>>
        %dma_start3A_175 = tpu.memref_squeeze %dma_start3A_174 : memref<1x1x49x128xi32, #tpu.memory_space<hbm>> -> memref<49x128xi32, #tpu.memory_space<hbm>>
        tpu.enqueue_dma source(%dma_start3A_175 : memref<49x128xi32, #tpu.memory_space<hbm>>) target(%arg7 : memref<49x128xi32, #tpu.memory_space<vmem>>) target_semaphore(%run_scoped3A_167 : memref<!tpu.dma_semaphore, #tpu.memory_space<semaphore_mem>>)
        %dma_wait3A_176 = arith.constant 0 : i32
        %dma_wait3A_177 = arith.constant 0 : i32
        %dma_wait3A_178 = tpu.memref_slice %arg3[%run_scoped3A_15, %arg1, %dma_wait3A_176, %dma_wait3A_177] : memref<3x16x49x128xi32, #tpu.memory_space<hbm>> -> memref<1x1x49x128xi32, #tpu.memory_space<hbm>>
        %dma_wait3A_179 = tpu.memref_squeeze %dma_wait3A_178 : memref<1x1x49x128xi32, #tpu.memory_space<hbm>> -> memref<49x128xi32, #tpu.memory_space<hbm>>
        %dma_wait3A_180 = arith.constant 0 : i32
        %dma_wait3A_181 = arith.constant 0 : i32
        %dma_wait3A_182 = tpu.memref_slice %arg3[%run_scoped3A_15, %arg1, %dma_wait3A_180, %dma_wait3A_181] : memref<3x16x49x128xi32, #tpu.memory_space<hbm>> -> memref<1x1x49x128xi32, #tpu.memory_space<hbm>>
        %dma_wait3A_183 = tpu.memref_squeeze %dma_wait3A_182 : memref<1x1x49x128xi32, #tpu.memory_space<hbm>> -> memref<49x128xi32, #tpu.memory_space<hbm>>
        tpu.wait_dma2 semaphore(%run_scoped3A_167 : memref<!tpu.dma_semaphore, #tpu.memory_space<semaphore_mem>>) src(%dma_wait3A_183 : memref<49x128xi32, #tpu.memory_space<hbm>>) dst(%arg7 : memref<49x128xi32, #tpu.memory_space<vmem>>)
        tpu.yield
      }) : () -> ()
      %barrier3A_16 = arith.constant 0 : index
      tpu.barrier barrier_id(%barrier3A_16)
      %dma_start3A = arith.constant 0 : i32
      %dma_start3A_17 = arith.constant 0 : i32
      %dma_start3A_18 = arith.constant 0 : i32
      %dma_start3A_19 = arith.constant 0 : i32
      %dma_start3A_20 = tpu.memref_slice %arg8[%dma_start3A_17, %dma_start3A_18, %dma_start3A_19] : memref<2x128x128xf32, #tpu.memory_space<vmem>> -> memref<1x128x128xf32, #tpu.memory_space<vmem>>
      %dma_start3A_21 = tpu.memref_squeeze %dma_start3A_20 : memref<1x128x128xf32, #tpu.memory_space<vmem>> -> memref<128x128xf32, #tpu.memory_space<vmem>>
      %dma_start3A_22 = arith.constant 0 : i32
      %dma_start3A_23 = tpu.memref_slice %arg6[%dma_start3A, %dma_start3A_22] : memref<49x128xi32, #tpu.memory_space<vmem>> -> memref<1x128xi32, #tpu.memory_space<vmem>>
      %dma_start3A_24 = tpu.memref_squeeze %dma_start3A_23 : memref<1x128xi32, #tpu.memory_space<vmem>> -> memref<128xi32, #tpu.memory_space<vmem>>
      %dma_start3A_25 = arith.constant 0 : i32
      %dma_start3A_26 = arith.constant 0 : i32
      %dma_start3A_27 = tpu.memref_slice %arg4[%dma_start3A_25, %dma_start3A_26] : memref<10240x128xf32, #tpu.memory_space<hbm>> -> memref<10240x128xf32, #tpu.memory_space<hbm>>
      tpu.enqueue_indirect_dma source(%dma_start3A_27 : memref<10240x128xf32, #tpu.memory_space<hbm>>) target(%dma_start3A_21 : memref<128x128xf32, #tpu.memory_space<vmem>>) offsets(%dma_start3A_24 : memref<128xi32, #tpu.memory_space<vmem>>) semaphore(%arg13 : memref<!tpu.dma_semaphore, #tpu.memory_space<semaphore_mem>>)
      %scan3A_28 = arith.constant 0 : i32
      %scan3A_29 = arith.constant 0 : i32
      %scan3A_30 = arith.constant 24 : i32
      %scan3A_31 = arith.addi %scan3A_29, %scan3A_30 : i32
      %scan3A_32 = arith.constant 1 : i32
      %scan3A_33 = scf.for %scan3A_167 = %scan3A_29 to %scan3A_31 step %scan3A_32 iter_args(%scan3A_168 = %scan3A_28) -> (i32)  : i32 {
        %mul3A_169 = arith.constant 2 : i32
        %mul3A_170 = arith.muli %mul3A_169, %scan3A_167 : i32
        %add3A = arith.constant 1 : i32
        %add3A_171 = arith.addi %mul3A_170, %add3A : i32
        %dma_wait3A_172 = arith.constant 0 : i32
        %dma_wait3A_173 = arith.constant 0 : i32
        %dma_wait3A_174 = arith.constant 0 : i32
        %dma_wait3A_175 = tpu.memref_slice %arg8[%dma_wait3A_172, %dma_wait3A_173, %dma_wait3A_174] : memref<2x128x128xf32, #tpu.memory_space<vmem>> -> memref<1x128x128xf32, #tpu.memory_space<vmem>>
        %dma_wait3A_176 = tpu.memref_squeeze %dma_wait3A_175 : memref<1x128x128xf32, #tpu.memory_space<vmem>> -> memref<128x128xf32, #tpu.memory_space<vmem>>
        %dma_wait3A_177 = arith.constant 0 : i32
        %dma_wait3A_178 = tpu.memref_slice %arg6[%mul3A_170, %dma_wait3A_177] : memref<49x128xi32, #tpu.memory_space<vmem>> -> memref<1x128xi32, #tpu.memory_space<vmem>>
        %dma_wait3A_179 = tpu.memref_squeeze %dma_wait3A_178 : memref<1x128xi32, #tpu.memory_space<vmem>> -> memref<128xi32, #tpu.memory_space<vmem>>
        %dma_wait3A_180 = arith.constant 0 : i32
        %dma_wait3A_181 = arith.constant 0 : i32
        %dma_wait3A_182 = tpu.memref_slice %arg4[%dma_wait3A_180, %dma_wait3A_181] : memref<10240x128xf32, #tpu.memory_space<hbm>> -> memref<10240x128xf32, #tpu.memory_space<hbm>>
        tpu.wait_indirect_dma semaphore(%arg13 : memref<!tpu.dma_semaphore, #tpu.memory_space<semaphore_mem>>) src(%dma_wait3A_182 : memref<10240x128xf32, #tpu.memory_space<hbm>>) dst(%dma_wait3A_176 : memref<128x128xf32, #tpu.memory_space<vmem>>)
        %dma_start3A_183 = arith.constant 1 : i32
        %dma_start3A_184 = arith.constant 0 : i32
        %dma_start3A_185 = arith.constant 0 : i32
        %dma_start3A_186 = tpu.memref_slice %arg8[%dma_start3A_183, %dma_start3A_184, %dma_start3A_185] : memref<2x128x128xf32, #tpu.memory_space<vmem>> -> memref<1x128x128xf32, #tpu.memory_space<vmem>>
        %dma_start3A_187 = tpu.memref_squeeze %dma_start3A_186 : memref<1x128x128xf32, #tpu.memory_space<vmem>> -> memref<128x128xf32, #tpu.memory_space<vmem>>
        %dma_start3A_188 = arith.constant 0 : i32
        %dma_start3A_189 = tpu.memref_slice %arg6[%add3A_171, %dma_start3A_188] : memref<49x128xi32, #tpu.memory_space<vmem>> -> memref<1x128xi32, #tpu.memory_space<vmem>>
        %dma_start3A_190 = tpu.memref_squeeze %dma_start3A_189 : memref<1x128xi32, #tpu.memory_space<vmem>> -> memref<128xi32, #tpu.memory_space<vmem>>
        %dma_start3A_191 = arith.constant 0 : i32
        %dma_start3A_192 = arith.constant 0 : i32
        %dma_start3A_193 = tpu.memref_slice %arg4[%dma_start3A_191, %dma_start3A_192] : memref<10240x128xf32, #tpu.memory_space<hbm>> -> memref<10240x128xf32, #tpu.memory_space<hbm>>
        tpu.enqueue_indirect_dma source(%dma_start3A_193 : memref<10240x128xf32, #tpu.memory_space<hbm>>) target(%dma_start3A_187 : memref<128x128xf32, #tpu.memory_space<vmem>>) offsets(%dma_start3A_190 : memref<128xi32, #tpu.memory_space<vmem>>) semaphore(%arg14 : memref<!tpu.dma_semaphore, #tpu.memory_space<semaphore_mem>>)
        %dma_start3A_194 = arith.constant 0 : i32
        %dma_start3A_195 = arith.constant 0 : i32
        %dma_start3A_196 = arith.constant 0 : i32
        %dma_start3A_197 = tpu.memref_slice %arg8[%dma_start3A_194, %dma_start3A_195, %dma_start3A_196] : memref<2x128x128xf32, #tpu.memory_space<vmem>> -> memref<1x128x128xf32, #tpu.memory_space<vmem>>
        %dma_start3A_198 = tpu.memref_squeeze %dma_start3A_197 : memref<1x128x128xf32, #tpu.memory_space<vmem>> -> memref<128x128xf32, #tpu.memory_space<vmem>>
        %dma_start3A_199 = arith.constant 0 : i32
        %dma_start3A_200 = tpu.memref_slice %arg7[%mul3A_170, %dma_start3A_199] : memref<49x128xi32, #tpu.memory_space<vmem>> -> memref<1x128xi32, #tpu.memory_space<vmem>>
        %dma_start3A_201 = tpu.memref_squeeze %dma_start3A_200 : memref<1x128xi32, #tpu.memory_space<vmem>> -> memref<128xi32, #tpu.memory_space<vmem>>
        %dma_start3A_202 = arith.constant 0 : i32
        %dma_start3A_203 = arith.constant 0 : i32
        %dma_start3A_204 = tpu.memref_slice %arg11[%dma_start3A_202, %dma_start3A_203] : memref<10240x128xf32, #tpu.memory_space<vmem_shared>> -> memref<10240x128xf32, #tpu.memory_space<vmem_shared>>
        tpu.enqueue_indirect_dma source(%dma_start3A_198 : memref<128x128xf32, #tpu.memory_space<vmem>>) target(%dma_start3A_204 : memref<10240x128xf32, #tpu.memory_space<vmem_shared>>) offsets(%dma_start3A_201 : memref<128xi32, #tpu.memory_space<vmem>>) semaphore(%arg15 : memref<!tpu.dma_semaphore, #tpu.memory_space<semaphore_mem>>) {add = true}
        %dma_wait3A_205 = arith.constant 0 : i32
        %dma_wait3A_206 = arith.constant 0 : i32
        %dma_wait3A_207 = arith.constant 0 : i32
        %dma_wait3A_208 = tpu.memref_slice %arg8[%dma_wait3A_205, %dma_wait3A_206, %dma_wait3A_207] : memref<2x128x128xf32, #tpu.memory_space<vmem>> -> memref<1x128x128xf32, #tpu.memory_space<vmem>>
        %dma_wait3A_209 = tpu.memref_squeeze %dma_wait3A_208 : memref<1x128x128xf32, #tpu.memory_space<vmem>> -> memref<128x128xf32, #tpu.memory_space<vmem>>
        %dma_wait3A_210 = arith.constant 0 : i32
        %dma_wait3A_211 = tpu.memref_slice %arg7[%mul3A_170, %dma_wait3A_210] : memref<49x128xi32, #tpu.memory_space<vmem>> -> memref<1x128xi32, #tpu.memory_space<vmem>>
        %dma_wait3A_212 = tpu.memref_squeeze %dma_wait3A_211 : memref<1x128xi32, #tpu.memory_space<vmem>> -> memref<128xi32, #tpu.memory_space<vmem>>
        %dma_wait3A_213 = arith.constant 0 : i32
        %dma_wait3A_214 = arith.constant 0 : i32
        %dma_wait3A_215 = tpu.memref_slice %arg11[%dma_wait3A_213, %dma_wait3A_214] : memref<10240x128xf32, #tpu.memory_space<vmem_shared>> -> memref<10240x128xf32, #tpu.memory_space<vmem_shared>>
        tpu.wait_indirect_dma semaphore(%arg15 : memref<!tpu.dma_semaphore, #tpu.memory_space<semaphore_mem>>) src(%dma_wait3A_209 : memref<128x128xf32, #tpu.memory_space<vmem>>) dst(%dma_wait3A_215 : memref<10240x128xf32, #tpu.memory_space<vmem_shared>>)
        %add3A_216 = arith.constant 2 : i32
        %add3A_217 = arith.addi %mul3A_170, %add3A_216 : i32
        %dma_start3A_218 = arith.constant 0 : i32
        %dma_start3A_219 = arith.constant 0 : i32
        %dma_start3A_220 = arith.constant 0 : i32
        %dma_start3A_221 = tpu.memref_slice %arg8[%dma_start3A_218, %dma_start3A_219, %dma_start3A_220] : memref<2x128x128xf32, #tpu.memory_space<vmem>> -> memref<1x128x128xf32, #tpu.memory_space<vmem>>
        %dma_start3A_222 = tpu.memref_squeeze %dma_start3A_221 : memref<1x128x128xf32, #tpu.memory_space<vmem>> -> memref<128x128xf32, #tpu.memory_space<vmem>>
        %dma_start3A_223 = arith.constant 0 : i32
        %dma_start3A_224 = tpu.memref_slice %arg6[%add3A_217, %dma_start3A_223] : memref<49x128xi32, #tpu.memory_space<vmem>> -> memref<1x128xi32, #tpu.memory_space<vmem>>
        %dma_start3A_225 = tpu.memref_squeeze %dma_start3A_224 : memref<1x128xi32, #tpu.memory_space<vmem>> -> memref<128xi32, #tpu.memory_space<vmem>>
        %dma_start3A_226 = arith.constant 0 : i32
        %dma_start3A_227 = arith.constant 0 : i32
        %dma_start3A_228 = tpu.memref_slice %arg4[%dma_start3A_226, %dma_start3A_227] : memref<10240x128xf32, #tpu.memory_space<hbm>> -> memref<10240x128xf32, #tpu.memory_space<hbm>>
        tpu.enqueue_indirect_dma source(%dma_start3A_228 : memref<10240x128xf32, #tpu.memory_space<hbm>>) target(%dma_start3A_222 : memref<128x128xf32, #tpu.memory_space<vmem>>) offsets(%dma_start3A_225 : memref<128xi32, #tpu.memory_space<vmem>>) semaphore(%arg13 : memref<!tpu.dma_semaphore, #tpu.memory_space<semaphore_mem>>)
        %dma_wait3A_229 = arith.constant 1 : i32
        %dma_wait3A_230 = arith.constant 0 : i32
        %dma_wait3A_231 = arith.constant 0 : i32
        %dma_wait3A_232 = tpu.memref_slice %arg8[%dma_wait3A_229, %dma_wait3A_230, %dma_wait3A_231] : memref<2x128x128xf32, #tpu.memory_space<vmem>> -> memref<1x128x128xf32, #tpu.memory_space<vmem>>
        %dma_wait3A_233 = tpu.memref_squeeze %dma_wait3A_232 : memref<1x128x128xf32, #tpu.memory_space<vmem>> -> memref<128x128xf32, #tpu.memory_space<vmem>>
        %dma_wait3A_234 = arith.constant 0 : i32
        %dma_wait3A_235 = tpu.memref_slice %arg6[%add3A_171, %dma_wait3A_234] : memref<49x128xi32, #tpu.memory_space<vmem>> -> memref<1x128xi32, #tpu.memory_space<vmem>>
        %dma_wait3A_236 = tpu.memref_squeeze %dma_wait3A_235 : memref<1x128xi32, #tpu.memory_space<vmem>> -> memref<128xi32, #tpu.memory_space<vmem>>
        %dma_wait3A_237 = arith.constant 0 : i32
        %dma_wait3A_238 = arith.constant 0 : i32
        %dma_wait3A_239 = tpu.memref_slice %arg4[%dma_wait3A_237, %dma_wait3A_238] : memref<10240x128xf32, #tpu.memory_space<hbm>> -> memref<10240x128xf32, #tpu.memory_space<hbm>>
        tpu.wait_indirect_dma semaphore(%arg14 : memref<!tpu.dma_semaphore, #tpu.memory_space<semaphore_mem>>) src(%dma_wait3A_239 : memref<10240x128xf32, #tpu.memory_space<hbm>>) dst(%dma_wait3A_233 : memref<128x128xf32, #tpu.memory_space<vmem>>)
        %dma_start3A_240 = arith.constant 1 : i32
        %dma_start3A_241 = arith.constant 0 : i32
        %dma_start3A_242 = arith.constant 0 : i32
        %dma_start3A_243 = tpu.memref_slice %arg8[%dma_start3A_240, %dma_start3A_241, %dma_start3A_242] : memref<2x128x128xf32, #tpu.memory_space<vmem>> -> memref<1x128x128xf32, #tpu.memory_space<vmem>>
        %dma_start3A_244 = tpu.memref_squeeze %dma_start3A_243 : memref<1x128x128xf32, #tpu.memory_space<vmem>> -> memref<128x128xf32, #tpu.memory_space<vmem>>
        %dma_start3A_245 = arith.constant 0 : i32
        %dma_start3A_246 = tpu.memref_slice %arg7[%add3A_171, %dma_start3A_245] : memref<49x128xi32, #tpu.memory_space<vmem>> -> memref<1x128xi32, #tpu.memory_space<vmem>>
        %dma_start3A_247 = tpu.memref_squeeze %dma_start3A_246 : memref<1x128xi32, #tpu.memory_space<vmem>> -> memref<128xi32, #tpu.memory_space<vmem>>
        %dma_start3A_248 = arith.constant 0 : i32
        %dma_start3A_249 = arith.constant 0 : i32
        %dma_start3A_250 = tpu.memref_slice %arg11[%dma_start3A_248, %dma_start3A_249] : memref<10240x128xf32, #tpu.memory_space<vmem_shared>> -> memref<10240x128xf32, #tpu.memory_space<vmem_shared>>
        tpu.enqueue_indirect_dma source(%dma_start3A_244 : memref<128x128xf32, #tpu.memory_space<vmem>>) target(%dma_start3A_250 : memref<10240x128xf32, #tpu.memory_space<vmem_shared>>) offsets(%dma_start3A_247 : memref<128xi32, #tpu.memory_space<vmem>>) semaphore(%arg16 : memref<!tpu.dma_semaphore, #tpu.memory_space<semaphore_mem>>) {add = true}
        %dma_wait3A_251 = arith.constant 1 : i32
        %dma_wait3A_252 = arith.constant 0 : i32
        %dma_wait3A_253 = arith.constant 0 : i32
        %dma_wait3A_254 = tpu.memref_slice %arg8[%dma_wait3A_251, %dma_wait3A_252, %dma_wait3A_253] : memref<2x128x128xf32, #tpu.memory_space<vmem>> -> memref<1x128x128xf32, #tpu.memory_space<vmem>>
        %dma_wait3A_255 = tpu.memref_squeeze %dma_wait3A_254 : memref<1x128x128xf32, #tpu.memory_space<vmem>> -> memref<128x128xf32, #tpu.memory_space<vmem>>
        %dma_wait3A_256 = arith.constant 0 : i32
        %dma_wait3A_257 = tpu.memref_slice %arg7[%add3A_171, %dma_wait3A_256] : memref<49x128xi32, #tpu.memory_space<vmem>> -> memref<1x128xi32, #tpu.memory_space<vmem>>
        %dma_wait3A_258 = tpu.memref_squeeze %dma_wait3A_257 : memref<1x128xi32, #tpu.memory_space<vmem>> -> memref<128xi32, #tpu.memory_space<vmem>>
        %dma_wait3A_259 = arith.constant 0 : i32
        %dma_wait3A_260 = arith.constant 0 : i32
        %dma_wait3A_261 = tpu.memref_slice %arg11[%dma_wait3A_259, %dma_wait3A_260] : memref<10240x128xf32, #tpu.memory_space<vmem_shared>> -> memref<10240x128xf32, #tpu.memory_space<vmem_shared>>
        tpu.wait_indirect_dma semaphore(%arg16 : memref<!tpu.dma_semaphore, #tpu.memory_space<semaphore_mem>>) src(%dma_wait3A_255 : memref<128x128xf32, #tpu.memory_space<vmem>>) dst(%dma_wait3A_261 : memref<10240x128xf32, #tpu.memory_space<vmem_shared>>)
        %scan3A_262 = arith.constant 0 : i32
        scf.yield %scan3A_262 : i32
      }
      %scan3A_34 = arith.constant 24 : i32
      %dma_wait3A = arith.constant 48 : i32
      %dma_wait3A_35 = arith.constant 0 : i32
      %dma_wait3A_36 = arith.constant 0 : i32
      %dma_wait3A_37 = arith.constant 0 : i32
      %dma_wait3A_38 = tpu.memref_slice %arg8[%dma_wait3A_35, %dma_wait3A_36, %dma_wait3A_37] : memref<2x128x128xf32, #tpu.memory_space<vmem>> -> memref<1x128x128xf32, #tpu.memory_space<vmem>>
      %dma_wait3A_39 = tpu.memref_squeeze %dma_wait3A_38 : memref<1x128x128xf32, #tpu.memory_space<vmem>> -> memref<128x128xf32, #tpu.memory_space<vmem>>
      %dma_wait3A_40 = arith.constant 0 : i32
      %dma_wait3A_41 = tpu.memref_slice %arg6[%dma_wait3A, %dma_wait3A_40] : memref<49x128xi32, #tpu.memory_space<vmem>> -> memref<1x128xi32, #tpu.memory_space<vmem>>
      %dma_wait3A_42 = tpu.memref_squeeze %dma_wait3A_41 : memref<1x128xi32, #tpu.memory_space<vmem>> -> memref<128xi32, #tpu.memory_space<vmem>>
      %dma_wait3A_43 = arith.constant 0 : i32
      %dma_wait3A_44 = arith.constant 0 : i32
      %dma_wait3A_45 = tpu.memref_slice %arg4[%dma_wait3A_43, %dma_wait3A_44] : memref<10240x128xf32, #tpu.memory_space<hbm>> -> memref<10240x128xf32, #tpu.memory_space<hbm>>
      tpu.wait_indirect_dma semaphore(%arg13 : memref<!tpu.dma_semaphore, #tpu.memory_space<semaphore_mem>>) src(%dma_wait3A_45 : memref<10240x128xf32, #tpu.memory_space<hbm>>) dst(%dma_wait3A_39 : memref<128x128xf32, #tpu.memory_space<vmem>>)
      %run_scoped3A_46 = arith.constant 0 : i32
      %run_scoped3A_47 = arith.constant 48 : i32
      "tpu.region"() ({
        %run_scoped3A_167 = tpu.sem_alloc : memref<!tpu.dma_semaphore, #tpu.memory_space<semaphore_mem>>
        %dma_start3A_168 = arith.constant 0 : i32
        %dma_start3A_169 = arith.constant 0 : i32
        %dma_start3A_170 = tpu.memref_slice %arg8[%run_scoped3A_46, %dma_start3A_168, %dma_start3A_169] : memref<2x128x128xf32, #tpu.memory_space<vmem>> -> memref<1x128x128xf32, #tpu.memory_space<vmem>>
        %dma_start3A_171 = tpu.memref_squeeze %dma_start3A_170 : memref<1x128x128xf32, #tpu.memory_space<vmem>> -> memref<128x128xf32, #tpu.memory_space<vmem>>
        %dma_start3A_172 = arith.constant 0 : i32
        %dma_start3A_173 = tpu.memref_slice %arg7[%run_scoped3A_47, %dma_start3A_172] : memref<49x128xi32, #tpu.memory_space<vmem>> -> memref<1x128xi32, #tpu.memory_space<vmem>>
        %dma_start3A_174 = tpu.memref_squeeze %dma_start3A_173 : memref<1x128xi32, #tpu.memory_space<vmem>> -> memref<128xi32, #tpu.memory_space<vmem>>
        %dma_start3A_175 = arith.constant 0 : i32
        %dma_start3A_176 = arith.constant 0 : i32
        %dma_start3A_177 = tpu.memref_slice %arg11[%dma_start3A_175, %dma_start3A_176] : memref<10240x128xf32, #tpu.memory_space<vmem_shared>> -> memref<10240x128xf32, #tpu.memory_space<vmem_shared>>
        tpu.enqueue_indirect_dma source(%dma_start3A_171 : memref<128x128xf32, #tpu.memory_space<vmem>>) target(%dma_start3A_177 : memref<10240x128xf32, #tpu.memory_space<vmem_shared>>) offsets(%dma_start3A_174 : memref<128xi32, #tpu.memory_space<vmem>>) semaphore(%run_scoped3A_167 : memref<!tpu.dma_semaphore, #tpu.memory_space<semaphore_mem>>) {add = true}
        %dma_wait3A_178 = arith.constant 0 : i32
        %dma_wait3A_179 = arith.constant 0 : i32
        %dma_wait3A_180 = tpu.memref_slice %arg8[%run_scoped3A_46, %dma_wait3A_178, %dma_wait3A_179] : memref<2x128x128xf32, #tpu.memory_space<vmem>> -> memref<1x128x128xf32, #tpu.memory_space<vmem>>
        %dma_wait3A_181 = tpu.memref_squeeze %dma_wait3A_180 : memref<1x128x128xf32, #tpu.memory_space<vmem>> -> memref<128x128xf32, #tpu.memory_space<vmem>>
        %dma_wait3A_182 = arith.constant 0 : i32
        %dma_wait3A_183 = tpu.memref_slice %arg7[%run_scoped3A_47, %dma_wait3A_182] : memref<49x128xi32, #tpu.memory_space<vmem>> -> memref<1x128xi32, #tpu.memory_space<vmem>>
        %dma_wait3A_184 = tpu.memref_squeeze %dma_wait3A_183 : memref<1x128xi32, #tpu.memory_space<vmem>> -> memref<128xi32, #tpu.memory_space<vmem>>
        %dma_wait3A_185 = arith.constant 0 : i32
        %dma_wait3A_186 = arith.constant 0 : i32
        %dma_wait3A_187 = tpu.memref_slice %arg11[%dma_wait3A_185, %dma_wait3A_186] : memref<10240x128xf32, #tpu.memory_space<vmem_shared>> -> memref<10240x128xf32, #tpu.memory_space<vmem_shared>>
        tpu.wait_indirect_dma semaphore(%run_scoped3A_167 : memref<!tpu.dma_semaphore, #tpu.memory_space<semaphore_mem>>) src(%dma_wait3A_181 : memref<128x128xf32, #tpu.memory_space<vmem>>) dst(%dma_wait3A_187 : memref<10240x128xf32, #tpu.memory_space<vmem_shared>>)
        tpu.yield
      }) : () -> ()
      %barrier3A_48 = arith.constant 0 : index
      tpu.barrier barrier_id(%barrier3A_48)
      %mul3A = arith.constant 640 : i32
      %mul3A_49 = arith.muli %arg1, %mul3A : i32
      %mul3A_50 = arith.constant 640 : i32
      %mul3A_51 = arith.muli %arg1, %mul3A_50 : i32
      %run_scoped3A_52 = arith.constant 0 : i32
      "tpu.region"() ({
        %run_scoped3A_167 = tpu.sem_alloc : memref<!tpu.dma_semaphore, #tpu.memory_space<semaphore_mem>>
        %dma_start3A_168 = arith.constant 0 : i32
        %dma_start3A_169 = tpu.memref_slice %arg5[%run_scoped3A_52, %mul3A_51, %dma_start3A_168] : memref<3x10240x128xf32, #tpu.memory_space<hbm>> -> memref<1x640x128xf32, #tpu.memory_space<hbm>>
        %dma_start3A_170 = tpu.memref_squeeze %dma_start3A_169 : memref<1x640x128xf32, #tpu.memory_space<hbm>> -> memref<640x128xf32, #tpu.memory_space<hbm>>
        %dma_start3A_171 = arith.constant 0 : i32
        %dma_start3A_172 = tpu.memref_slice %arg11[%mul3A_49, %dma_start3A_171] : memref<10240x128xf32, #tpu.memory_space<vmem_shared>> -> memref<640x128xf32, #tpu.memory_space<vmem_shared>>
        tpu.enqueue_dma source(%dma_start3A_172 : memref<640x128xf32, #tpu.memory_space<vmem_shared>>) target(%dma_start3A_170 : memref<640x128xf32, #tpu.memory_space<hbm>>) target_semaphore(%run_scoped3A_167 : memref<!tpu.dma_semaphore, #tpu.memory_space<semaphore_mem>>)
        %dma_wait3A_173 = arith.constant 0 : i32
        %dma_wait3A_174 = tpu.memref_slice %arg5[%run_scoped3A_52, %mul3A_51, %dma_wait3A_173] : memref<3x10240x128xf32, #tpu.memory_space<hbm>> -> memref<1x640x128xf32, #tpu.memory_space<hbm>>
        %dma_wait3A_175 = tpu.memref_squeeze %dma_wait3A_174 : memref<1x640x128xf32, #tpu.memory_space<hbm>> -> memref<640x128xf32, #tpu.memory_space<hbm>>
        %dma_wait3A_176 = arith.constant 0 : i32
        %dma_wait3A_177 = tpu.memref_slice %arg11[%mul3A_49, %dma_wait3A_176] : memref<10240x128xf32, #tpu.memory_space<vmem_shared>> -> memref<640x128xf32, #tpu.memory_space<vmem_shared>>
        tpu.wait_dma2 semaphore(%run_scoped3A_167 : memref<!tpu.dma_semaphore, #tpu.memory_space<semaphore_mem>>) src(%dma_wait3A_177 : memref<640x128xf32, #tpu.memory_space<vmem_shared>>) dst(%dma_wait3A_175 : memref<640x128xf32, #tpu.memory_space<hbm>>)
        tpu.yield
      }) : () -> ()
      %barrier3A_53 = arith.constant 0 : index
      tpu.barrier barrier_id(%barrier3A_53)
      %scan3A_54 = arith.constant 0 : i32
      %scan3A_55 = arith.constant 0 : i32
      %scan3A_56 = arith.constant 128 : i32
      %scan3A_57 = arith.addi %scan3A_55, %scan3A_56 : i32
      %scan3A_58 = arith.constant 1 : i32
      %scan3A_59 = scf.for %scan3A_167 = %scan3A_55 to %scan3A_57 step %scan3A_58 iter_args(%scan3A_168 = %scan3A_54) -> (i32)  : i32 {
        %broadcast_in_dim3A = arith.constant 0.000000e+00 : f32
        %broadcast_in_dim3A_169 = vector.broadcast %broadcast_in_dim3A : f32 to vector<16xf32>
        %swap3A = arith.constant 0 : i32
        %swap3A_170 = arith.index_cast %swap3A : i32 to index
        %swap3A_171 = arith.index_cast %scan3A_167 : i32 to index
        %swap3A_172 = arith.constant 0 : index
        %swap3A_173 = tpu.vector_load %arg8[%swap3A_170, %swap3A_171, %swap3A_172] {strides = array<i32>} : memref<2x128x128xf32, #tpu.memory_space<vmem>>, vector<1x1x16xf32>,
        %swap3A_174 = vector.shape_cast %swap3A_173 : vector<1x1x16xf32> to vector<16xf32>
        %swap3A_175 = vector.shape_cast %broadcast_in_dim3A_169 : vector<16xf32> to vector<1x1x16xf32>
        tpu.vector_store %arg8[%swap3A_170, %swap3A_171, %swap3A_172], %swap3A_175 {strides = array<i32>} : memref<2x128x128xf32, #tpu.memory_space<vmem>>, vector<1x1x16xf32>,
        %broadcast_in_dim3A_176 = arith.constant 0.000000e+00 : f32
        %broadcast_in_dim3A_177 = vector.broadcast %broadcast_in_dim3A_176 : f32 to vector<16xf32>
        %swap3A_178 = arith.constant 0 : i32
        %swap3A_179 = arith.index_cast %swap3A_178 : i32 to index
        %swap3A_180 = arith.index_cast %scan3A_167 : i32 to index
        %swap3A_181 = arith.constant 16 : index
        %swap3A_182 = tpu.vector_load %arg8[%swap3A_179, %swap3A_180, %swap3A_181] {strides = array<i32>} : memref<2x128x128xf32, #tpu.memory_space<vmem>>, vector<1x1x16xf32>,
        %swap3A_183 = vector.shape_cast %swap3A_182 : vector<1x1x16xf32> to vector<16xf32>
        %swap3A_184 = vector.shape_cast %broadcast_in_dim3A_177 : vector<16xf32> to vector<1x1x16xf32>
        tpu.vector_store %arg8[%swap3A_179, %swap3A_180, %swap3A_181], %swap3A_184 {strides = array<i32>} : memref<2x128x128xf32, #tpu.memory_space<vmem>>, vector<1x1x16xf32>,
        %broadcast_in_dim3A_185 = arith.constant 0.000000e+00 : f32
        %broadcast_in_dim3A_186 = vector.broadcast %broadcast_in_dim3A_185 : f32 to vector<16xf32>
        %swap3A_187 = arith.constant 0 : i32
        %swap3A_188 = arith.index_cast %swap3A_187 : i32 to index
        %swap3A_189 = arith.index_cast %scan3A_167 : i32 to index
        %swap3A_190 = arith.constant 32 : index
        %swap3A_191 = tpu.vector_load %arg8[%swap3A_188, %swap3A_189, %swap3A_190] {strides = array<i32>} : memref<2x128x128xf32, #tpu.memory_space<vmem>>, vector<1x1x16xf32>,
        %swap3A_192 = vector.shape_cast %swap3A_191 : vector<1x1x16xf32> to vector<16xf32>
        %swap3A_193 = vector.shape_cast %broadcast_in_dim3A_186 : vector<16xf32> to vector<1x1x16xf32>
        tpu.vector_store %arg8[%swap3A_188, %swap3A_189, %swap3A_190], %swap3A_193 {strides = array<i32>} : memref<2x128x128xf32, #tpu.memory_space<vmem>>, vector<1x1x16xf32>,
        %broadcast_in_dim3A_194 = arith.constant 0.000000e+00 : f32
        %broadcast_in_dim3A_195 = vector.broadcast %broadcast_in_dim3A_194 : f32 to vector<16xf32>
        %swap3A_196 = arith.constant 0 : i32
        %swap3A_197 = arith.index_cast %swap3A_196 : i32 to index
        %swap3A_198 = arith.index_cast %scan3A_167 : i32 to index
        %swap3A_199 = arith.constant 48 : index
        %swap3A_200 = tpu.vector_load %arg8[%swap3A_197, %swap3A_198, %swap3A_199] {strides = array<i32>} : memref<2x128x128xf32, #tpu.memory_space<vmem>>, vector<1x1x16xf32>,
        %swap3A_201 = vector.shape_cast %swap3A_200 : vector<1x1x16xf32> to vector<16xf32>
        %swap3A_202 = vector.shape_cast %broadcast_in_dim3A_195 : vector<16xf32> to vector<1x1x16xf32>
        tpu.vector_store %arg8[%swap3A_197, %swap3A_198, %swap3A_199], %swap3A_202 {strides = array<i32>} : memref<2x128x128xf32, #tpu.memory_space<vmem>>, vector<1x1x16xf32>,
        %broadcast_in_dim3A_203 = arith.constant 0.000000e+00 : f32
        %broadcast_in_dim3A_204 = vector.broadcast %broadcast_in_dim3A_203 : f32 to vector<16xf32>
        %swap3A_205 = arith.constant 0 : i32
        %swap3A_206 = arith.index_cast %swap3A_205 : i32 to index
        %swap3A_207 = arith.index_cast %scan3A_167 : i32 to index
        %swap3A_208 = arith.constant 64 : index
        %swap3A_209 = tpu.vector_load %arg8[%swap3A_206, %swap3A_207, %swap3A_208] {strides = array<i32>} : memref<2x128x128xf32, #tpu.memory_space<vmem>>, vector<1x1x16xf32>,
        %swap3A_210 = vector.shape_cast %swap3A_209 : vector<1x1x16xf32> to vector<16xf32>
        %swap3A_211 = vector.shape_cast %broadcast_in_dim3A_204 : vector<16xf32> to vector<1x1x16xf32>
        tpu.vector_store %arg8[%swap3A_206, %swap3A_207, %swap3A_208], %swap3A_211 {strides = array<i32>} : memref<2x128x128xf32, #tpu.memory_space<vmem>>, vector<1x1x16xf32>,
        %broadcast_in_dim3A_212 = arith.constant 0.000000e+00 : f32
        %broadcast_in_dim3A_213 = vector.broadcast %broadcast_in_dim3A_212 : f32 to vector<16xf32>
        %swap3A_214 = arith.constant 0 : i32
        %swap3A_215 = arith.index_cast %swap3A_214 : i32 to index
        %swap3A_216 = arith.index_cast %scan3A_167 : i32 to index
        %swap3A_217 = arith.constant 80 : index
        %swap3A_218 = tpu.vector_load %arg8[%swap3A_215, %swap3A_216, %swap3A_217] {strides = array<i32>} : memref<2x128x128xf32, #tpu.memory_space<vmem>>, vector<1x1x16xf32>,
        %swap3A_219 = vector.shape_cast %swap3A_218 : vector<1x1x16xf32> to vector<16xf32>
        %swap3A_220 = vector.shape_cast %broadcast_in_dim3A_213 : vector<16xf32> to vector<1x1x16xf32>
        tpu.vector_store %arg8[%swap3A_215, %swap3A_216, %swap3A_217], %swap3A_220 {strides = array<i32>} : memref<2x128x128xf32, #tpu.memory_space<vmem>>, vector<1x1x16xf32>,
        %broadcast_in_dim3A_221 = arith.constant 0.000000e+00 : f32
        %broadcast_in_dim3A_222 = vector.broadcast %broadcast_in_dim3A_221 : f32 to vector<16xf32>
        %swap3A_223 = arith.constant 0 : i32
        %swap3A_224 = arith.index_cast %swap3A_223 : i32 to index
        %swap3A_225 = arith.index_cast %scan3A_167 : i32 to index
        %swap3A_226 = arith.constant 96 : index
        %swap3A_227 = tpu.vector_load %arg8[%swap3A_224, %swap3A_225, %swap3A_226] {strides = array<i32>} : memref<2x128x128xf32, #tpu.memory_space<vmem>>, vector<1x1x16xf32>,
        %swap3A_228 = vector.shape_cast %swap3A_227 : vector<1x1x16xf32> to vector<16xf32>
        %swap3A_229 = vector.shape_cast %broadcast_in_dim3A_222 : vector<16xf32> to vector<1x1x16xf32>
        tpu.vector_store %arg8[%swap3A_224, %swap3A_225, %swap3A_226], %swap3A_229 {strides = array<i32>} : memref<2x128x128xf32, #tpu.memory_space<vmem>>, vector<1x1x16xf32>,
        %broadcast_in_dim3A_230 = arith.constant 0.000000e+00 : f32
        %broadcast_in_dim3A_231 = vector.broadcast %broadcast_in_dim3A_230 : f32 to vector<16xf32>
        %swap3A_232 = arith.constant 0 : i32
        %swap3A_233 = arith.index_cast %swap3A_232 : i32 to index
        %swap3A_234 = arith.index_cast %scan3A_167 : i32 to index
        %swap3A_235 = arith.constant 112 : index
        %swap3A_236 = tpu.vector_load %arg8[%swap3A_233, %swap3A_234, %swap3A_235] {strides = array<i32>} : memref<2x128x128xf32, #tpu.memory_space<vmem>>, vector<1x1x16xf32>,
        %swap3A_237 = vector.shape_cast %swap3A_236 : vector<1x1x16xf32> to vector<16xf32>
        %swap3A_238 = vector.shape_cast %broadcast_in_dim3A_231 : vector<16xf32> to vector<1x1x16xf32>
        tpu.vector_store %arg8[%swap3A_233, %swap3A_234, %swap3A_235], %swap3A_238 {strides = array<i32>} : memref<2x128x128xf32, #tpu.memory_space<vmem>>, vector<1x1x16xf32>,
        %scan3A_239 = arith.constant 0 : i32
        scf.yield %scan3A_239 : i32
      }
      %scan3A_60 = arith.constant 128 : i32
      %scan3A_61 = arith.constant 0 : i32
      %scan3A_62 = arith.constant 0 : i32
      %scan3A_63 = arith.constant 5 : i32
      %scan3A_64 = arith.addi %scan3A_62, %scan3A_63 : i32
      %scan3A_65 = arith.constant 1 : i32
      %scan3A_66 = scf.for %scan3A_167 = %scan3A_62 to %scan3A_64 step %scan3A_65 iter_args(%scan3A_168 = %scan3A_61) -> (i32)  : i32 {
        %mul3A_169 = arith.constant 640 : i32
        %mul3A_170 = arith.muli %arg1, %mul3A_169 : i32
        %mul3A_171 = arith.constant 128 : i32
        %mul3A_172 = arith.muli %scan3A_167, %mul3A_171 : i32
        %add3A = arith.addi %mul3A_170, %mul3A_172 : i32
        %run_scoped3A_173 = arith.constant 0 : i32
        "tpu.region"() ({
          %run_scoped3A_175 = tpu.sem_alloc : memref<!tpu.dma_semaphore, #tpu.memory_space<semaphore_mem>>
          %dma_start3A_176 = arith.constant 0 : i32
          %dma_start3A_177 = arith.constant 0 : i32
          %dma_start3A_178 = tpu.memref_slice %arg8[%run_scoped3A_173, %dma_start3A_176, %dma_start3A_177] : memref<2x128x128xf32, #tpu.memory_space<vmem>> -> memref<1x128x128xf32, #tpu.memory_space<vmem>>
          %dma_start3A_179 = tpu.memref_squeeze %dma_start3A_178 : memref<1x128x128xf32, #tpu.memory_space<vmem>> -> memref<128x128xf32, #tpu.memory_space<vmem>>
          %dma_start3A_180 = arith.constant 0 : i32
          %dma_start3A_181 = tpu.memref_slice %arg11[%add3A, %dma_start3A_180] : memref<10240x128xf32, #tpu.memory_space<vmem_shared>> -> memref<128x128xf32, #tpu.memory_space<vmem_shared>>
          %dma_start3A_182 = arith.constant 0 : i32
          %dma_start3A_183 = tpu.memref_slice %arg11[%add3A, %dma_start3A_182] : memref<10240x128xf32, #tpu.memory_space<vmem_shared>> -> memref<128x128xf32, #tpu.memory_space<vmem_shared>>
          %dma_start3A_184 = arith.constant 0 : i32
          %dma_start3A_185 = arith.constant 0 : i32
          %dma_start3A_186 = tpu.memref_slice %arg8[%run_scoped3A_173, %dma_start3A_184, %dma_start3A_185] : memref<2x128x128xf32, #tpu.memory_space<vmem>> -> memref<1x128x128xf32, #tpu.memory_space<vmem>>
          %dma_start3A_187 = tpu.memref_squeeze %dma_start3A_186 : memref<1x128x128xf32, #tpu.memory_space<vmem>> -> memref<128x128xf32, #tpu.memory_space<vmem>>
          tpu.enqueue_dma source(%dma_start3A_187 : memref<128x128xf32, #tpu.memory_space<vmem>>) target(%dma_start3A_183 : memref<128x128xf32, #tpu.memory_space<vmem_shared>>) target_semaphore(%run_scoped3A_175 : memref<!tpu.dma_semaphore, #tpu.memory_space<semaphore_mem>>)
          %dma_wait3A_188 = arith.constant 0 : i32
          %dma_wait3A_189 = arith.constant 0 : i32
          %dma_wait3A_190 = tpu.memref_slice %arg8[%run_scoped3A_173, %dma_wait3A_188, %dma_wait3A_189] : memref<2x128x128xf32, #tpu.memory_space<vmem>> -> memref<1x128x128xf32, #tpu.memory_space<vmem>>
          %dma_wait3A_191 = tpu.memref_squeeze %dma_wait3A_190 : memref<1x128x128xf32, #tpu.memory_space<vmem>> -> memref<128x128xf32, #tpu.memory_space<vmem>>
          %dma_wait3A_192 = arith.constant 0 : i32
          %dma_wait3A_193 = tpu.memref_slice %arg11[%add3A, %dma_wait3A_192] : memref<10240x128xf32, #tpu.memory_space<vmem_shared>> -> memref<128x128xf32, #tpu.memory_space<vmem_shared>>
          %dma_wait3A_194 = arith.constant 0 : i32
          %dma_wait3A_195 = tpu.memref_slice %arg11[%add3A, %dma_wait3A_194] : memref<10240x128xf32, #tpu.memory_space<vmem_shared>> -> memref<128x128xf32, #tpu.memory_space<vmem_shared>>
          %dma_wait3A_196 = arith.constant 0 : i32
          %dma_wait3A_197 = arith.constant 0 : i32
          %dma_wait3A_198 = tpu.memref_slice %arg8[%run_scoped3A_173, %dma_wait3A_196, %dma_wait3A_197] : memref<2x128x128xf32, #tpu.memory_space<vmem>> -> memref<1x128x128xf32, #tpu.memory_space<vmem>>
          %dma_wait3A_199 = tpu.memref_squeeze %dma_wait3A_198 : memref<1x128x128xf32, #tpu.memory_space<vmem>> -> memref<128x128xf32, #tpu.memory_space<vmem>>
          tpu.wait_dma2 semaphore(%run_scoped3A_175 : memref<!tpu.dma_semaphore, #tpu.memory_space<semaphore_mem>>) src(%dma_wait3A_199 : memref<128x128xf32, #tpu.memory_space<vmem>>) dst(%dma_wait3A_195 : memref<128x128xf32, #tpu.memory_space<vmem_shared>>)
          tpu.yield
        }) : () -> ()
        %scan3A_174 = arith.constant 0 : i32
        scf.yield %scan3A_174 : i32
      }
      %scan3A_67 = arith.constant 5 : i32
      %run_scoped3A_68 = arith.constant 1 : i32
      "tpu.region"() ({
        %run_scoped3A_167 = tpu.sem_alloc : memref<!tpu.dma_semaphore, #tpu.memory_space<semaphore_mem>>
        %dma_start3A_168 = arith.constant 0 : i32
        %dma_start3A_169 = arith.constant 0 : i32
        %dma_start3A_170 = tpu.memref_slice %arg2[%run_scoped3A_68, %arg1, %dma_start3A_168, %dma_start3A_169] : memref<3x16x49x128xi32, #tpu.memory_space<hbm>> -> memref<1x1x49x128xi32, #tpu.memory_space<hbm>>
        %dma_start3A_171 = tpu.memref_squeeze %dma_start3A_170 : memref<1x1x49x128xi32, #tpu.memory_space<hbm>> -> memref<49x128xi32, #tpu.memory_space<hbm>>
        %dma_start3A_172 = arith.constant 0 : i32
        %dma_start3A_173 = arith.constant 0 : i32
        %dma_start3A_174 = tpu.memref_slice %arg2[%run_scoped3A_68, %arg1, %dma_start3A_172, %dma_start3A_173] : memref<3x16x49x128xi32, #tpu.memory_space<hbm>> -> memref<1x1x49x128xi32, #tpu.memory_space<hbm>>
        %dma_start3A_175 = tpu.memref_squeeze %dma_start3A_174 : memref<1x1x49x128xi32, #tpu.memory_space<hbm>> -> memref<49x128xi32, #tpu.memory_space<hbm>>
        tpu.enqueue_dma source(%dma_start3A_175 : memref<49x128xi32, #tpu.memory_space<hbm>>) target(%arg6 : memref<49x128xi32, #tpu.memory_space<vmem>>) target_semaphore(%run_scoped3A_167 : memref<!tpu.dma_semaphore, #tpu.memory_space<semaphore_mem>>)
        %dma_wait3A_176 = arith.constant 0 : i32
        %dma_wait3A_177 = arith.constant 0 : i32
        %dma_wait3A_178 = tpu.memref_slice %arg2[%run_scoped3A_68, %arg1, %dma_wait3A_176, %dma_wait3A_177] : memref<3x16x49x128xi32, #tpu.memory_space<hbm>> -> memref<1x1x49x128xi32, #tpu.memory_space<hbm>>
        %dma_wait3A_179 = tpu.memref_squeeze %dma_wait3A_178 : memref<1x1x49x128xi32, #tpu.memory_space<hbm>> -> memref<49x128xi32, #tpu.memory_space<hbm>>
        %dma_wait3A_180 = arith.constant 0 : i32
        %dma_wait3A_181 = arith.constant 0 : i32
        %dma_wait3A_182 = tpu.memref_slice %arg2[%run_scoped3A_68, %arg1, %dma_wait3A_180, %dma_wait3A_181] : memref<3x16x49x128xi32, #tpu.memory_space<hbm>> -> memref<1x1x49x128xi32, #tpu.memory_space<hbm>>
        %dma_wait3A_183 = tpu.memref_squeeze %dma_wait3A_182 : memref<1x1x49x128xi32, #tpu.memory_space<hbm>> -> memref<49x128xi32, #tpu.memory_space<hbm>>
        tpu.wait_dma2 semaphore(%run_scoped3A_167 : memref<!tpu.dma_semaphore, #tpu.memory_space<semaphore_mem>>) src(%dma_wait3A_183 : memref<49x128xi32, #tpu.memory_space<hbm>>) dst(%arg6 : memref<49x128xi32, #tpu.memory_space<vmem>>)
        tpu.yield
      }) : () -> ()
      %run_scoped3A_69 = arith.constant 1 : i32
      "tpu.region"() ({
        %run_scoped3A_167 = tpu.sem_alloc : memref<!tpu.dma_semaphore, #tpu.memory_space<semaphore_mem>>
        %dma_start3A_168 = arith.constant 0 : i32
        %dma_start3A_169 = arith.constant 0 : i32
        %dma_start3A_170 = tpu.memref_slice %arg3[%run_scoped3A_69, %arg1, %dma_start3A_168, %dma_start3A_169] : memref<3x16x49x128xi32, #tpu.memory_space<hbm>> -> memref<1x1x49x128xi32, #tpu.memory_space<hbm>>
        %dma_start3A_171 = tpu.memref_squeeze %dma_start3A_170 : memref<1x1x49x128xi32, #tpu.memory_space<hbm>> -> memref<49x128xi32, #tpu.memory_space<hbm>>
        %dma_start3A_172 = arith.constant 0 : i32
        %dma_start3A_173 = arith.constant 0 : i32
        %dma_start3A_174 = tpu.memref_slice %arg3[%run_scoped3A_69, %arg1, %dma_start3A_172, %dma_start3A_173] : memref<3x16x49x128xi32, #tpu.memory_space<hbm>> -> memref<1x1x49x128xi32, #tpu.memory_space<hbm>>
        %dma_start3A_175 = tpu.memref_squeeze %dma_start3A_174 : memref<1x1x49x128xi32, #tpu.memory_space<hbm>> -> memref<49x128xi32, #tpu.memory_space<hbm>>
        tpu.enqueue_dma source(%dma_start3A_175 : memref<49x128xi32, #tpu.memory_space<hbm>>) target(%arg7 : memref<49x128xi32, #tpu.memory_space<vmem>>) target_semaphore(%run_scoped3A_167 : memref<!tpu.dma_semaphore, #tpu.memory_space<semaphore_mem>>)
        %dma_wait3A_176 = arith.constant 0 : i32
        %dma_wait3A_177 = arith.constant 0 : i32
        %dma_wait3A_178 = tpu.memref_slice %arg3[%run_scoped3A_69, %arg1, %dma_wait3A_176, %dma_wait3A_177] : memref<3x16x49x128xi32, #tpu.memory_space<hbm>> -> memref<1x1x49x128xi32, #tpu.memory_space<hbm>>
        %dma_wait3A_179 = tpu.memref_squeeze %dma_wait3A_178 : memref<1x1x49x128xi32, #tpu.memory_space<hbm>> -> memref<49x128xi32, #tpu.memory_space<hbm>>
        %dma_wait3A_180 = arith.constant 0 : i32
        %dma_wait3A_181 = arith.constant 0 : i32
        %dma_wait3A_182 = tpu.memref_slice %arg3[%run_scoped3A_69, %arg1, %dma_wait3A_180, %dma_wait3A_181] : memref<3x16x49x128xi32, #tpu.memory_space<hbm>> -> memref<1x1x49x128xi32, #tpu.memory_space<hbm>>
        %dma_wait3A_183 = tpu.memref_squeeze %dma_wait3A_182 : memref<1x1x49x128xi32, #tpu.memory_space<hbm>> -> memref<49x128xi32, #tpu.memory_space<hbm>>
        tpu.wait_dma2 semaphore(%run_scoped3A_167 : memref<!tpu.dma_semaphore, #tpu.memory_space<semaphore_mem>>) src(%dma_wait3A_183 : memref<49x128xi32, #tpu.memory_space<hbm>>) dst(%arg7 : memref<49x128xi32, #tpu.memory_space<vmem>>)
        tpu.yield
      }) : () -> ()
      %barrier3A_70 = arith.constant 0 : index
      tpu.barrier barrier_id(%barrier3A_70)
      %dma_start3A_71 = arith.constant 0 : i32
      %dma_start3A_72 = arith.constant 0 : i32
      %dma_start3A_73 = arith.constant 0 : i32
      %dma_start3A_74 = arith.constant 0 : i32
      %dma_start3A_75 = tpu.memref_slice %arg8[%dma_start3A_72, %dma_start3A_73, %dma_start3A_74] : memref<2x128x128xf32, #tpu.memory_space<vmem>> -> memref<1x128x128xf32, #tpu.memory_space<vmem>>
      %dma_start3A_76 = tpu.memref_squeeze %dma_start3A_75 : memref<1x128x128xf32, #tpu.memory_space<vmem>> -> memref<128x128xf32, #tpu.memory_space<vmem>>
      %dma_start3A_77 = arith.constant 0 : i32
      %dma_start3A_78 = tpu.memref_slice %arg6[%dma_start3A_71, %dma_start3A_77] : memref<49x128xi32, #tpu.memory_space<vmem>> -> memref<1x128xi32, #tpu.memory_space<vmem>>
      %dma_start3A_79 = tpu.memref_squeeze %dma_start3A_78 : memref<1x128xi32, #tpu.memory_space<vmem>> -> memref<128xi32, #tpu.memory_space<vmem>>
      %dma_start3A_80 = arith.constant 0 : i32
      %dma_start3A_81 = arith.constant 0 : i32
      %dma_start3A_82 = tpu.memref_slice %arg4[%dma_start3A_80, %dma_start3A_81] : memref<10240x128xf32, #tpu.memory_space<hbm>> -> memref<10240x128xf32, #tpu.memory_space<hbm>>
      tpu.enqueue_indirect_dma source(%dma_start3A_82 : memref<10240x128xf32, #tpu.memory_space<hbm>>) target(%dma_start3A_76 : memref<128x128xf32, #tpu.memory_space<vmem>>) offsets(%dma_start3A_79 : memref<128xi32, #tpu.memory_space<vmem>>) semaphore(%arg13 : memref<!tpu.dma_semaphore, #tpu.memory_space<semaphore_mem>>)
      %scan3A_83 = arith.constant 0 : i32
      %scan3A_84 = arith.constant 0 : i32
      %scan3A_85 = arith.constant 24 : i32
      %scan3A_86 = arith.addi %scan3A_84, %scan3A_85 : i32
      %scan3A_87 = arith.constant 1 : i32
      %scan3A_88 = scf.for %scan3A_167 = %scan3A_84 to %scan3A_86 step %scan3A_87 iter_args(%scan3A_168 = %scan3A_83) -> (i32)  : i32 {
        %mul3A_169 = arith.constant 2 : i32
        %mul3A_170 = arith.muli %mul3A_169, %scan3A_167 : i32
        %add3A = arith.constant 1 : i32
        %add3A_171 = arith.addi %mul3A_170, %add3A : i32
        %dma_wait3A_172 = arith.constant 0 : i32
        %dma_wait3A_173 = arith.constant 0 : i32
        %dma_wait3A_174 = arith.constant 0 : i32
        %dma_wait3A_175 = tpu.memref_slice %arg8[%dma_wait3A_172, %dma_wait3A_173, %dma_wait3A_174] : memref<2x128x128xf32, #tpu.memory_space<vmem>> -> memref<1x128x128xf32, #tpu.memory_space<vmem>>
        %dma_wait3A_176 = tpu.memref_squeeze %dma_wait3A_175 : memref<1x128x128xf32, #tpu.memory_space<vmem>> -> memref<128x128xf32, #tpu.memory_space<vmem>>
        %dma_wait3A_177 = arith.constant 0 : i32
        %dma_wait3A_178 = tpu.memref_slice %arg6[%mul3A_170, %dma_wait3A_177] : memref<49x128xi32, #tpu.memory_space<vmem>> -> memref<1x128xi32, #tpu.memory_space<vmem>>
        %dma_wait3A_179 = tpu.memref_squeeze %dma_wait3A_178 : memref<1x128xi32, #tpu.memory_space<vmem>> -> memref<128xi32, #tpu.memory_space<vmem>>
        %dma_wait3A_180 = arith.constant 0 : i32
        %dma_wait3A_181 = arith.constant 0 : i32
        %dma_wait3A_182 = tpu.memref_slice %arg4[%dma_wait3A_180, %dma_wait3A_181] : memref<10240x128xf32, #tpu.memory_space<hbm>> -> memref<10240x128xf32, #tpu.memory_space<hbm>>
        tpu.wait_indirect_dma semaphore(%arg13 : memref<!tpu.dma_semaphore, #tpu.memory_space<semaphore_mem>>) src(%dma_wait3A_182 : memref<10240x128xf32, #tpu.memory_space<hbm>>) dst(%dma_wait3A_176 : memref<128x128xf32, #tpu.memory_space<vmem>>)
        %dma_start3A_183 = arith.constant 1 : i32
        %dma_start3A_184 = arith.constant 0 : i32
        %dma_start3A_185 = arith.constant 0 : i32
        %dma_start3A_186 = tpu.memref_slice %arg8[%dma_start3A_183, %dma_start3A_184, %dma_start3A_185] : memref<2x128x128xf32, #tpu.memory_space<vmem>> -> memref<1x128x128xf32, #tpu.memory_space<vmem>>
        %dma_start3A_187 = tpu.memref_squeeze %dma_start3A_186 : memref<1x128x128xf32, #tpu.memory_space<vmem>> -> memref<128x128xf32, #tpu.memory_space<vmem>>
        %dma_start3A_188 = arith.constant 0 : i32
        %dma_start3A_189 = tpu.memref_slice %arg6[%add3A_171, %dma_start3A_188] : memref<49x128xi32, #tpu.memory_space<vmem>> -> memref<1x128xi32, #tpu.memory_space<vmem>>
        %dma_start3A_190 = tpu.memref_squeeze %dma_start3A_189 : memref<1x128xi32, #tpu.memory_space<vmem>> -> memref<128xi32, #tpu.memory_space<vmem>>
        %dma_start3A_191 = arith.constant 0 : i32
        %dma_start3A_192 = arith.constant 0 : i32
        %dma_start3A_193 = tpu.memref_slice %arg4[%dma_start3A_191, %dma_start3A_192] : memref<10240x128xf32, #tpu.memory_space<hbm>> -> memref<10240x128xf32, #tpu.memory_space<hbm>>
        tpu.enqueue_indirect_dma source(%dma_start3A_193 : memref<10240x128xf32, #tpu.memory_space<hbm>>) target(%dma_start3A_187 : memref<128x128xf32, #tpu.memory_space<vmem>>) offsets(%dma_start3A_190 : memref<128xi32, #tpu.memory_space<vmem>>) semaphore(%arg14 : memref<!tpu.dma_semaphore, #tpu.memory_space<semaphore_mem>>)
        %dma_start3A_194 = arith.constant 0 : i32
        %dma_start3A_195 = arith.constant 0 : i32
        %dma_start3A_196 = arith.constant 0 : i32
        %dma_start3A_197 = tpu.memref_slice %arg8[%dma_start3A_194, %dma_start3A_195, %dma_start3A_196] : memref<2x128x128xf32, #tpu.memory_space<vmem>> -> memref<1x128x128xf32, #tpu.memory_space<vmem>>
        %dma_start3A_198 = tpu.memref_squeeze %dma_start3A_197 : memref<1x128x128xf32, #tpu.memory_space<vmem>> -> memref<128x128xf32, #tpu.memory_space<vmem>>
        %dma_start3A_199 = arith.constant 0 : i32
        %dma_start3A_200 = tpu.memref_slice %arg7[%mul3A_170, %dma_start3A_199] : memref<49x128xi32, #tpu.memory_space<vmem>> -> memref<1x128xi32, #tpu.memory_space<vmem>>
        %dma_start3A_201 = tpu.memref_squeeze %dma_start3A_200 : memref<1x128xi32, #tpu.memory_space<vmem>> -> memref<128xi32, #tpu.memory_space<vmem>>
        %dma_start3A_202 = arith.constant 0 : i32
        %dma_start3A_203 = arith.constant 0 : i32
        %dma_start3A_204 = tpu.memref_slice %arg11[%dma_start3A_202, %dma_start3A_203] : memref<10240x128xf32, #tpu.memory_space<vmem_shared>> -> memref<10240x128xf32, #tpu.memory_space<vmem_shared>>
        tpu.enqueue_indirect_dma source(%dma_start3A_198 : memref<128x128xf32, #tpu.memory_space<vmem>>) target(%dma_start3A_204 : memref<10240x128xf32, #tpu.memory_space<vmem_shared>>) offsets(%dma_start3A_201 : memref<128xi32, #tpu.memory_space<vmem>>) semaphore(%arg15 : memref<!tpu.dma_semaphore, #tpu.memory_space<semaphore_mem>>) {add = true}
        %dma_wait3A_205 = arith.constant 0 : i32
        %dma_wait3A_206 = arith.constant 0 : i32
        %dma_wait3A_207 = arith.constant 0 : i32
        %dma_wait3A_208 = tpu.memref_slice %arg8[%dma_wait3A_205, %dma_wait3A_206, %dma_wait3A_207] : memref<2x128x128xf32, #tpu.memory_space<vmem>> -> memref<1x128x128xf32, #tpu.memory_space<vmem>>
        %dma_wait3A_209 = tpu.memref_squeeze %dma_wait3A_208 : memref<1x128x128xf32, #tpu.memory_space<vmem>> -> memref<128x128xf32, #tpu.memory_space<vmem>>
        %dma_wait3A_210 = arith.constant 0 : i32
        %dma_wait3A_211 = tpu.memref_slice %arg7[%mul3A_170, %dma_wait3A_210] : memref<49x128xi32, #tpu.memory_space<vmem>> -> memref<1x128xi32, #tpu.memory_space<vmem>>
        %dma_wait3A_212 = tpu.memref_squeeze %dma_wait3A_211 : memref<1x128xi32, #tpu.memory_space<vmem>> -> memref<128xi32, #tpu.memory_space<vmem>>
        %dma_wait3A_213 = arith.constant 0 : i32
        %dma_wait3A_214 = arith.constant 0 : i32
        %dma_wait3A_215 = tpu.memref_slice %arg11[%dma_wait3A_213, %dma_wait3A_214] : memref<10240x128xf32, #tpu.memory_space<vmem_shared>> -> memref<10240x128xf32, #tpu.memory_space<vmem_shared>>
        tpu.wait_indirect_dma semaphore(%arg15 : memref<!tpu.dma_semaphore, #tpu.memory_space<semaphore_mem>>) src(%dma_wait3A_209 : memref<128x128xf32, #tpu.memory_space<vmem>>) dst(%dma_wait3A_215 : memref<10240x128xf32, #tpu.memory_space<vmem_shared>>)
        %add3A_216 = arith.constant 2 : i32
        %add3A_217 = arith.addi %mul3A_170, %add3A_216 : i32
        %dma_start3A_218 = arith.constant 0 : i32
        %dma_start3A_219 = arith.constant 0 : i32
        %dma_start3A_220 = arith.constant 0 : i32
        %dma_start3A_221 = tpu.memref_slice %arg8[%dma_start3A_218, %dma_start3A_219, %dma_start3A_220] : memref<2x128x128xf32, #tpu.memory_space<vmem>> -> memref<1x128x128xf32, #tpu.memory_space<vmem>>
        %dma_start3A_222 = tpu.memref_squeeze %dma_start3A_221 : memref<1x128x128xf32, #tpu.memory_space<vmem>> -> memref<128x128xf32, #tpu.memory_space<vmem>>
        %dma_start3A_223 = arith.constant 0 : i32
        %dma_start3A_224 = tpu.memref_slice %arg6[%add3A_217, %dma_start3A_223] : memref<49x128xi32, #tpu.memory_space<vmem>> -> memref<1x128xi32, #tpu.memory_space<vmem>>
        %dma_start3A_225 = tpu.memref_squeeze %dma_start3A_224 : memref<1x128xi32, #tpu.memory_space<vmem>> -> memref<128xi32, #tpu.memory_space<vmem>>
        %dma_start3A_226 = arith.constant 0 : i32
        %dma_start3A_227 = arith.constant 0 : i32
        %dma_start3A_228 = tpu.memref_slice %arg4[%dma_start3A_226, %dma_start3A_227] : memref<10240x128xf32, #tpu.memory_space<hbm>> -> memref<10240x128xf32, #tpu.memory_space<hbm>>
        tpu.enqueue_indirect_dma source(%dma_start3A_228 : memref<10240x128xf32, #tpu.memory_space<hbm>>) target(%dma_start3A_222 : memref<128x128xf32, #tpu.memory_space<vmem>>) offsets(%dma_start3A_225 : memref<128xi32, #tpu.memory_space<vmem>>) semaphore(%arg13 : memref<!tpu.dma_semaphore, #tpu.memory_space<semaphore_mem>>)
        %dma_wait3A_229 = arith.constant 1 : i32
        %dma_wait3A_230 = arith.constant 0 : i32
        %dma_wait3A_231 = arith.constant 0 : i32
        %dma_wait3A_232 = tpu.memref_slice %arg8[%dma_wait3A_229, %dma_wait3A_230, %dma_wait3A_231] : memref<2x128x128xf32, #tpu.memory_space<vmem>> -> memref<1x128x128xf32, #tpu.memory_space<vmem>>
        %dma_wait3A_233 = tpu.memref_squeeze %dma_wait3A_232 : memref<1x128x128xf32, #tpu.memory_space<vmem>> -> memref<128x128xf32, #tpu.memory_space<vmem>>
        %dma_wait3A_234 = arith.constant 0 : i32
        %dma_wait3A_235 = tpu.memref_slice %arg6[%add3A_171, %dma_wait3A_234] : memref<49x128xi32, #tpu.memory_space<vmem>> -> memref<1x128xi32, #tpu.memory_space<vmem>>
        %dma_wait3A_236 = tpu.memref_squeeze %dma_wait3A_235 : memref<1x128xi32, #tpu.memory_space<vmem>> -> memref<128xi32, #tpu.memory_space<vmem>>
        %dma_wait3A_237 = arith.constant 0 : i32
        %dma_wait3A_238 = arith.constant 0 : i32
        %dma_wait3A_239 = tpu.memref_slice %arg4[%dma_wait3A_237, %dma_wait3A_238] : memref<10240x128xf32, #tpu.memory_space<hbm>> -> memref<10240x128xf32, #tpu.memory_space<hbm>>
        tpu.wait_indirect_dma semaphore(%arg14 : memref<!tpu.dma_semaphore, #tpu.memory_space<semaphore_mem>>) src(%dma_wait3A_239 : memref<10240x128xf32, #tpu.memory_space<hbm>>) dst(%dma_wait3A_233 : memref<128x128xf32, #tpu.memory_space<vmem>>)
        %dma_start3A_240 = arith.constant 1 : i32
        %dma_start3A_241 = arith.constant 0 : i32
        %dma_start3A_242 = arith.constant 0 : i32
        %dma_start3A_243 = tpu.memref_slice %arg8[%dma_start3A_240, %dma_start3A_241, %dma_start3A_242] : memref<2x128x128xf32, #tpu.memory_space<vmem>> -> memref<1x128x128xf32, #tpu.memory_space<vmem>>
        %dma_start3A_244 = tpu.memref_squeeze %dma_start3A_243 : memref<1x128x128xf32, #tpu.memory_space<vmem>> -> memref<128x128xf32, #tpu.memory_space<vmem>>
        %dma_start3A_245 = arith.constant 0 : i32
        %dma_start3A_246 = tpu.memref_slice %arg7[%add3A_171, %dma_start3A_245] : memref<49x128xi32, #tpu.memory_space<vmem>> -> memref<1x128xi32, #tpu.memory_space<vmem>>
        %dma_start3A_247 = tpu.memref_squeeze %dma_start3A_246 : memref<1x128xi32, #tpu.memory_space<vmem>> -> memref<128xi32, #tpu.memory_space<vmem>>
        %dma_start3A_248 = arith.constant 0 : i32
        %dma_start3A_249 = arith.constant 0 : i32
        %dma_start3A_250 = tpu.memref_slice %arg11[%dma_start3A_248, %dma_start3A_249] : memref<10240x128xf32, #tpu.memory_space<vmem_shared>> -> memref<10240x128xf32, #tpu.memory_space<vmem_shared>>
        tpu.enqueue_indirect_dma source(%dma_start3A_244 : memref<128x128xf32, #tpu.memory_space<vmem>>) target(%dma_start3A_250 : memref<10240x128xf32, #tpu.memory_space<vmem_shared>>) offsets(%dma_start3A_247 : memref<128xi32, #tpu.memory_space<vmem>>) semaphore(%arg16 : memref<!tpu.dma_semaphore, #tpu.memory_space<semaphore_mem>>) {add = true}
        %dma_wait3A_251 = arith.constant 1 : i32
        %dma_wait3A_252 = arith.constant 0 : i32
        %dma_wait3A_253 = arith.constant 0 : i32
        %dma_wait3A_254 = tpu.memref_slice %arg8[%dma_wait3A_251, %dma_wait3A_252, %dma_wait3A_253] : memref<2x128x128xf32, #tpu.memory_space<vmem>> -> memref<1x128x128xf32, #tpu.memory_space<vmem>>
        %dma_wait3A_255 = tpu.memref_squeeze %dma_wait3A_254 : memref<1x128x128xf32, #tpu.memory_space<vmem>> -> memref<128x128xf32, #tpu.memory_space<vmem>>
        %dma_wait3A_256 = arith.constant 0 : i32
        %dma_wait3A_257 = tpu.memref_slice %arg7[%add3A_171, %dma_wait3A_256] : memref<49x128xi32, #tpu.memory_space<vmem>> -> memref<1x128xi32, #tpu.memory_space<vmem>>
        %dma_wait3A_258 = tpu.memref_squeeze %dma_wait3A_257 : memref<1x128xi32, #tpu.memory_space<vmem>> -> memref<128xi32, #tpu.memory_space<vmem>>
        %dma_wait3A_259 = arith.constant 0 : i32
        %dma_wait3A_260 = arith.constant 0 : i32
        %dma_wait3A_261 = tpu.memref_slice %arg11[%dma_wait3A_259, %dma_wait3A_260] : memref<10240x128xf32, #tpu.memory_space<vmem_shared>> -> memref<10240x128xf32, #tpu.memory_space<vmem_shared>>
        tpu.wait_indirect_dma semaphore(%arg16 : memref<!tpu.dma_semaphore, #tpu.memory_space<semaphore_mem>>) src(%dma_wait3A_255 : memref<128x128xf32, #tpu.memory_space<vmem>>) dst(%dma_wait3A_261 : memref<10240x128xf32, #tpu.memory_space<vmem_shared>>)
        %scan3A_262 = arith.constant 0 : i32
        scf.yield %scan3A_262 : i32
      }
      %scan3A_89 = arith.constant 24 : i32
      %dma_wait3A_90 = arith.constant 48 : i32
      %dma_wait3A_91 = arith.constant 0 : i32
      %dma_wait3A_92 = arith.constant 0 : i32
      %dma_wait3A_93 = arith.constant 0 : i32
      %dma_wait3A_94 = tpu.memref_slice %arg8[%dma_wait3A_91, %dma_wait3A_92, %dma_wait3A_93] : memref<2x128x128xf32, #tpu.memory_space<vmem>> -> memref<1x128x128xf32, #tpu.memory_space<vmem>>
      %dma_wait3A_95 = tpu.memref_squeeze %dma_wait3A_94 : memref<1x128x128xf32, #tpu.memory_space<vmem>> -> memref<128x128xf32, #tpu.memory_space<vmem>>
      %dma_wait3A_96 = arith.constant 0 : i32
      %dma_wait3A_97 = tpu.memref_slice %arg6[%dma_wait3A_90, %dma_wait3A_96] : memref<49x128xi32, #tpu.memory_space<vmem>> -> memref<1x128xi32, #tpu.memory_space<vmem>>
      %dma_wait3A_98 = tpu.memref_squeeze %dma_wait3A_97 : memref<1x128xi32, #tpu.memory_space<vmem>> -> memref<128xi32, #tpu.memory_space<vmem>>
      %dma_wait3A_99 = arith.constant 0 : i32
      %dma_wait3A_100 = arith.constant 0 : i32
      %dma_wait3A_101 = tpu.memref_slice %arg4[%dma_wait3A_99, %dma_wait3A_100] : memref<10240x128xf32, #tpu.memory_space<hbm>> -> memref<10240x128xf32, #tpu.memory_space<hbm>>
      tpu.wait_indirect_dma semaphore(%arg13 : memref<!tpu.dma_semaphore, #tpu.memory_space<semaphore_mem>>) src(%dma_wait3A_101 : memref<10240x128xf32, #tpu.memory_space<hbm>>) dst(%dma_wait3A_95 : memref<128x128xf32, #tpu.memory_space<vmem>>)
      %run_scoped3A_102 = arith.constant 0 : i32
      %run_scoped3A_103 = arith.constant 48 : i32
      "tpu.region"() ({
        %run_scoped3A_167 = tpu.sem_alloc : memref<!tpu.dma_semaphore, #tpu.memory_space<semaphore_mem>>
        %dma_start3A_168 = arith.constant 0 : i32
        %dma_start3A_169 = arith.constant 0 : i32
        %dma_start3A_170 = tpu.memref_slice %arg8[%run_scoped3A_102, %dma_start3A_168, %dma_start3A_169] : memref<2x128x128xf32, #tpu.memory_space<vmem>> -> memref<1x128x128xf32, #tpu.memory_space<vmem>>
        %dma_start3A_171 = tpu.memref_squeeze %dma_start3A_170 : memref<1x128x128xf32, #tpu.memory_space<vmem>> -> memref<128x128xf32, #tpu.memory_space<vmem>>
        %dma_start3A_172 = arith.constant 0 : i32
        %dma_start3A_173 = tpu.memref_slice %arg7[%run_scoped3A_103, %dma_start3A_172] : memref<49x128xi32, #tpu.memory_space<vmem>> -> memref<1x128xi32, #tpu.memory_space<vmem>>
        %dma_start3A_174 = tpu.memref_squeeze %dma_start3A_173 : memref<1x128xi32, #tpu.memory_space<vmem>> -> memref<128xi32, #tpu.memory_space<vmem>>
        %dma_start3A_175 = arith.constant 0 : i32
        %dma_start3A_176 = arith.constant 0 : i32
        %dma_start3A_177 = tpu.memref_slice %arg11[%dma_start3A_175, %dma_start3A_176] : memref<10240x128xf32, #tpu.memory_space<vmem_shared>> -> memref<10240x128xf32, #tpu.memory_space<vmem_shared>>
        tpu.enqueue_indirect_dma source(%dma_start3A_171 : memref<128x128xf32, #tpu.memory_space<vmem>>) target(%dma_start3A_177 : memref<10240x128xf32, #tpu.memory_space<vmem_shared>>) offsets(%dma_start3A_174 : memref<128xi32, #tpu.memory_space<vmem>>) semaphore(%run_scoped3A_167 : memref<!tpu.dma_semaphore, #tpu.memory_space<semaphore_mem>>) {add = true}
        %dma_wait3A_178 = arith.constant 0 : i32
        %dma_wait3A_179 = arith.constant 0 : i32
        %dma_wait3A_180 = tpu.memref_slice %arg8[%run_scoped3A_102, %dma_wait3A_178, %dma_wait3A_179] : memref<2x128x128xf32, #tpu.memory_space<vmem>> -> memref<1x128x128xf32, #tpu.memory_space<vmem>>
        %dma_wait3A_181 = tpu.memref_squeeze %dma_wait3A_180 : memref<1x128x128xf32, #tpu.memory_space<vmem>> -> memref<128x128xf32, #tpu.memory_space<vmem>>
        %dma_wait3A_182 = arith.constant 0 : i32
        %dma_wait3A_183 = tpu.memref_slice %arg7[%run_scoped3A_103, %dma_wait3A_182] : memref<49x128xi32, #tpu.memory_space<vmem>> -> memref<1x128xi32, #tpu.memory_space<vmem>>
        %dma_wait3A_184 = tpu.memref_squeeze %dma_wait3A_183 : memref<1x128xi32, #tpu.memory_space<vmem>> -> memref<128xi32, #tpu.memory_space<vmem>>
        %dma_wait3A_185 = arith.constant 0 : i32
        %dma_wait3A_186 = arith.constant 0 : i32
        %dma_wait3A_187 = tpu.memref_slice %arg11[%dma_wait3A_185, %dma_wait3A_186] : memref<10240x128xf32, #tpu.memory_space<vmem_shared>> -> memref<10240x128xf32, #tpu.memory_space<vmem_shared>>
        tpu.wait_indirect_dma semaphore(%run_scoped3A_167 : memref<!tpu.dma_semaphore, #tpu.memory_space<semaphore_mem>>) src(%dma_wait3A_181 : memref<128x128xf32, #tpu.memory_space<vmem>>) dst(%dma_wait3A_187 : memref<10240x128xf32, #tpu.memory_space<vmem_shared>>)
        tpu.yield
      }) : () -> ()
      %barrier3A_104 = arith.constant 0 : index
      tpu.barrier barrier_id(%barrier3A_104)
      %mul3A_105 = arith.constant 640 : i32
      %mul3A_106 = arith.muli %arg1, %mul3A_105 : i32
      %mul3A_107 = arith.constant 640 : i32
      %mul3A_108 = arith.muli %arg1, %mul3A_107 : i32
      %run_scoped3A_109 = arith.constant 1 : i32
      "tpu.region"() ({
        %run_scoped3A_167 = tpu.sem_alloc : memref<!tpu.dma_semaphore, #tpu.memory_space<semaphore_mem>>
        %dma_start3A_168 = arith.constant 0 : i32
        %dma_start3A_169 = tpu.memref_slice %arg5[%run_scoped3A_109, %mul3A_108, %dma_start3A_168] : memref<3x10240x128xf32, #tpu.memory_space<hbm>> -> memref<1x640x128xf32, #tpu.memory_space<hbm>>
        %dma_start3A_170 = tpu.memref_squeeze %dma_start3A_169 : memref<1x640x128xf32, #tpu.memory_space<hbm>> -> memref<640x128xf32, #tpu.memory_space<hbm>>
        %dma_start3A_171 = arith.constant 0 : i32
        %dma_start3A_172 = tpu.memref_slice %arg11[%mul3A_106, %dma_start3A_171] : memref<10240x128xf32, #tpu.memory_space<vmem_shared>> -> memref<640x128xf32, #tpu.memory_space<vmem_shared>>
        tpu.enqueue_dma source(%dma_start3A_172 : memref<640x128xf32, #tpu.memory_space<vmem_shared>>) target(%dma_start3A_170 : memref<640x128xf32, #tpu.memory_space<hbm>>) target_semaphore(%run_scoped3A_167 : memref<!tpu.dma_semaphore, #tpu.memory_space<semaphore_mem>>)
        %dma_wait3A_173 = arith.constant 0 : i32
        %dma_wait3A_174 = tpu.memref_slice %arg5[%run_scoped3A_109, %mul3A_108, %dma_wait3A_173] : memref<3x10240x128xf32, #tpu.memory_space<hbm>> -> memref<1x640x128xf32, #tpu.memory_space<hbm>>
        %dma_wait3A_175 = tpu.memref_squeeze %dma_wait3A_174 : memref<1x640x128xf32, #tpu.memory_space<hbm>> -> memref<640x128xf32, #tpu.memory_space<hbm>>
        %dma_wait3A_176 = arith.constant 0 : i32
        %dma_wait3A_177 = tpu.memref_slice %arg11[%mul3A_106, %dma_wait3A_176] : memref<10240x128xf32, #tpu.memory_space<vmem_shared>> -> memref<640x128xf32, #tpu.memory_space<vmem_shared>>
        tpu.wait_dma2 semaphore(%run_scoped3A_167 : memref<!tpu.dma_semaphore, #tpu.memory_space<semaphore_mem>>) src(%dma_wait3A_177 : memref<640x128xf32, #tpu.memory_space<vmem_shared>>) dst(%dma_wait3A_175 : memref<640x128xf32, #tpu.memory_space<hbm>>)
        tpu.yield
      }) : () -> ()
      %barrier3A_110 = arith.constant 0 : index
      tpu.barrier barrier_id(%barrier3A_110)
      %scan3A_111 = arith.constant 0 : i32
      %scan3A_112 = arith.constant 0 : i32
      %scan3A_113 = arith.constant 128 : i32
      %scan3A_114 = arith.addi %scan3A_112, %scan3A_113 : i32
      %scan3A_115 = arith.constant 1 : i32
      %scan3A_116 = scf.for %scan3A_167 = %scan3A_112 to %scan3A_114 step %scan3A_115 iter_args(%scan3A_168 = %scan3A_111) -> (i32)  : i32 {
        %broadcast_in_dim3A = arith.constant 0.000000e+00 : f32
        %broadcast_in_dim3A_169 = vector.broadcast %broadcast_in_dim3A : f32 to vector<16xf32>
        %swap3A = arith.constant 0 : i32
        %swap3A_170 = arith.index_cast %swap3A : i32 to index
        %swap3A_171 = arith.index_cast %scan3A_167 : i32 to index
        %swap3A_172 = arith.constant 0 : index
        %swap3A_173 = tpu.vector_load %arg8[%swap3A_170, %swap3A_171, %swap3A_172] {strides = array<i32>} : memref<2x128x128xf32, #tpu.memory_space<vmem>>, vector<1x1x16xf32>,
        %swap3A_174 = vector.shape_cast %swap3A_173 : vector<1x1x16xf32> to vector<16xf32>
        %swap3A_175 = vector.shape_cast %broadcast_in_dim3A_169 : vector<16xf32> to vector<1x1x16xf32>
        tpu.vector_store %arg8[%swap3A_170, %swap3A_171, %swap3A_172], %swap3A_175 {strides = array<i32>} : memref<2x128x128xf32, #tpu.memory_space<vmem>>, vector<1x1x16xf32>,
        %broadcast_in_dim3A_176 = arith.constant 0.000000e+00 : f32
        %broadcast_in_dim3A_177 = vector.broadcast %broadcast_in_dim3A_176 : f32 to vector<16xf32>
        %swap3A_178 = arith.constant 0 : i32
        %swap3A_179 = arith.index_cast %swap3A_178 : i32 to index
        %swap3A_180 = arith.index_cast %scan3A_167 : i32 to index
        %swap3A_181 = arith.constant 16 : index
        %swap3A_182 = tpu.vector_load %arg8[%swap3A_179, %swap3A_180, %swap3A_181] {strides = array<i32>} : memref<2x128x128xf32, #tpu.memory_space<vmem>>, vector<1x1x16xf32>,
        %swap3A_183 = vector.shape_cast %swap3A_182 : vector<1x1x16xf32> to vector<16xf32>
        %swap3A_184 = vector.shape_cast %broadcast_in_dim3A_177 : vector<16xf32> to vector<1x1x16xf32>
        tpu.vector_store %arg8[%swap3A_179, %swap3A_180, %swap3A_181], %swap3A_184 {strides = array<i32>} : memref<2x128x128xf32, #tpu.memory_space<vmem>>, vector<1x1x16xf32>,
        %broadcast_in_dim3A_185 = arith.constant 0.000000e+00 : f32
        %broadcast_in_dim3A_186 = vector.broadcast %broadcast_in_dim3A_185 : f32 to vector<16xf32>
        %swap3A_187 = arith.constant 0 : i32
        %swap3A_188 = arith.index_cast %swap3A_187 : i32 to index
        %swap3A_189 = arith.index_cast %scan3A_167 : i32 to index
        %swap3A_190 = arith.constant 32 : index
        %swap3A_191 = tpu.vector_load %arg8[%swap3A_188, %swap3A_189, %swap3A_190] {strides = array<i32>} : memref<2x128x128xf32, #tpu.memory_space<vmem>>, vector<1x1x16xf32>,
        %swap3A_192 = vector.shape_cast %swap3A_191 : vector<1x1x16xf32> to vector<16xf32>
        %swap3A_193 = vector.shape_cast %broadcast_in_dim3A_186 : vector<16xf32> to vector<1x1x16xf32>
        tpu.vector_store %arg8[%swap3A_188, %swap3A_189, %swap3A_190], %swap3A_193 {strides = array<i32>} : memref<2x128x128xf32, #tpu.memory_space<vmem>>, vector<1x1x16xf32>,
        %broadcast_in_dim3A_194 = arith.constant 0.000000e+00 : f32
        %broadcast_in_dim3A_195 = vector.broadcast %broadcast_in_dim3A_194 : f32 to vector<16xf32>
        %swap3A_196 = arith.constant 0 : i32
        %swap3A_197 = arith.index_cast %swap3A_196 : i32 to index
        %swap3A_198 = arith.index_cast %scan3A_167 : i32 to index
        %swap3A_199 = arith.constant 48 : index
        %swap3A_200 = tpu.vector_load %arg8[%swap3A_197, %swap3A_198, %swap3A_199] {strides = array<i32>} : memref<2x128x128xf32, #tpu.memory_space<vmem>>, vector<1x1x16xf32>,
        %swap3A_201 = vector.shape_cast %swap3A_200 : vector<1x1x16xf32> to vector<16xf32>
        %swap3A_202 = vector.shape_cast %broadcast_in_dim3A_195 : vector<16xf32> to vector<1x1x16xf32>
        tpu.vector_store %arg8[%swap3A_197, %swap3A_198, %swap3A_199], %swap3A_202 {strides = array<i32>} : memref<2x128x128xf32, #tpu.memory_space<vmem>>, vector<1x1x16xf32>,
        %broadcast_in_dim3A_203 = arith.constant 0.000000e+00 : f32
        %broadcast_in_dim3A_204 = vector.broadcast %broadcast_in_dim3A_203 : f32 to vector<16xf32>
        %swap3A_205 = arith.constant 0 : i32
        %swap3A_206 = arith.index_cast %swap3A_205 : i32 to index
        %swap3A_207 = arith.index_cast %scan3A_167 : i32 to index
        %swap3A_208 = arith.constant 64 : index
        %swap3A_209 = tpu.vector_load %arg8[%swap3A_206, %swap3A_207, %swap3A_208] {strides = array<i32>} : memref<2x128x128xf32, #tpu.memory_space<vmem>>, vector<1x1x16xf32>,
        %swap3A_210 = vector.shape_cast %swap3A_209 : vector<1x1x16xf32> to vector<16xf32>
        %swap3A_211 = vector.shape_cast %broadcast_in_dim3A_204 : vector<16xf32> to vector<1x1x16xf32>
        tpu.vector_store %arg8[%swap3A_206, %swap3A_207, %swap3A_208], %swap3A_211 {strides = array<i32>} : memref<2x128x128xf32, #tpu.memory_space<vmem>>, vector<1x1x16xf32>,
        %broadcast_in_dim3A_212 = arith.constant 0.000000e+00 : f32
        %broadcast_in_dim3A_213 = vector.broadcast %broadcast_in_dim3A_212 : f32 to vector<16xf32>
        %swap3A_214 = arith.constant 0 : i32
        %swap3A_215 = arith.index_cast %swap3A_214 : i32 to index
        %swap3A_216 = arith.index_cast %scan3A_167 : i32 to index
        %swap3A_217 = arith.constant 80 : index
        %swap3A_218 = tpu.vector_load %arg8[%swap3A_215, %swap3A_216, %swap3A_217] {strides = array<i32>} : memref<2x128x128xf32, #tpu.memory_space<vmem>>, vector<1x1x16xf32>,
        %swap3A_219 = vector.shape_cast %swap3A_218 : vector<1x1x16xf32> to vector<16xf32>
        %swap3A_220 = vector.shape_cast %broadcast_in_dim3A_213 : vector<16xf32> to vector<1x1x16xf32>
        tpu.vector_store %arg8[%swap3A_215, %swap3A_216, %swap3A_217], %swap3A_220 {strides = array<i32>} : memref<2x128x128xf32, #tpu.memory_space<vmem>>, vector<1x1x16xf32>,
        %broadcast_in_dim3A_221 = arith.constant 0.000000e+00 : f32
        %broadcast_in_dim3A_222 = vector.broadcast %broadcast_in_dim3A_221 : f32 to vector<16xf32>
        %swap3A_223 = arith.constant 0 : i32
        %swap3A_224 = arith.index_cast %swap3A_223 : i32 to index
        %swap3A_225 = arith.index_cast %scan3A_167 : i32 to index
        %swap3A_226 = arith.constant 96 : index
        %swap3A_227 = tpu.vector_load %arg8[%swap3A_224, %swap3A_225, %swap3A_226] {strides = array<i32>} : memref<2x128x128xf32, #tpu.memory_space<vmem>>, vector<1x1x16xf32>,
        %swap3A_228 = vector.shape_cast %swap3A_227 : vector<1x1x16xf32> to vector<16xf32>
        %swap3A_229 = vector.shape_cast %broadcast_in_dim3A_222 : vector<16xf32> to vector<1x1x16xf32>
        tpu.vector_store %arg8[%swap3A_224, %swap3A_225, %swap3A_226], %swap3A_229 {strides = array<i32>} : memref<2x128x128xf32, #tpu.memory_space<vmem>>, vector<1x1x16xf32>,
        %broadcast_in_dim3A_230 = arith.constant 0.000000e+00 : f32
        %broadcast_in_dim3A_231 = vector.broadcast %broadcast_in_dim3A_230 : f32 to vector<16xf32>
        %swap3A_232 = arith.constant 0 : i32
        %swap3A_233 = arith.index_cast %swap3A_232 : i32 to index
        %swap3A_234 = arith.index_cast %scan3A_167 : i32 to index
        %swap3A_235 = arith.constant 112 : index
        %swap3A_236 = tpu.vector_load %arg8[%swap3A_233, %swap3A_234, %swap3A_235] {strides = array<i32>} : memref<2x128x128xf32, #tpu.memory_space<vmem>>, vector<1x1x16xf32>,
        %swap3A_237 = vector.shape_cast %swap3A_236 : vector<1x1x16xf32> to vector<16xf32>
        %swap3A_238 = vector.shape_cast %broadcast_in_dim3A_231 : vector<16xf32> to vector<1x1x16xf32>
        tpu.vector_store %arg8[%swap3A_233, %swap3A_234, %swap3A_235], %swap3A_238 {strides = array<i32>} : memref<2x128x128xf32, #tpu.memory_space<vmem>>, vector<1x1x16xf32>,
        %scan3A_239 = arith.constant 0 : i32
        scf.yield %scan3A_239 : i32
      }
      %scan3A_117 = arith.constant 128 : i32
      %scan3A_118 = arith.constant 0 : i32
      %scan3A_119 = arith.constant 0 : i32
      %scan3A_120 = arith.constant 5 : i32
      %scan3A_121 = arith.addi %scan3A_119, %scan3A_120 : i32
      %scan3A_122 = arith.constant 1 : i32
      %scan3A_123 = scf.for %scan3A_167 = %scan3A_119 to %scan3A_121 step %scan3A_122 iter_args(%scan3A_168 = %scan3A_118) -> (i32)  : i32 {
        %mul3A_169 = arith.constant 640 : i32
        %mul3A_170 = arith.muli %arg1, %mul3A_169 : i32
        %mul3A_171 = arith.constant 128 : i32
        %mul3A_172 = arith.muli %scan3A_167, %mul3A_171 : i32
        %add3A = arith.addi %mul3A_170, %mul3A_172 : i32
        %run_scoped3A_173 = arith.constant 0 : i32
        "tpu.region"() ({
          %run_scoped3A_175 = tpu.sem_alloc : memref<!tpu.dma_semaphore, #tpu.memory_space<semaphore_mem>>
          %dma_start3A_176 = arith.constant 0 : i32
          %dma_start3A_177 = arith.constant 0 : i32
          %dma_start3A_178 = tpu.memref_slice %arg8[%run_scoped3A_173, %dma_start3A_176, %dma_start3A_177] : memref<2x128x128xf32, #tpu.memory_space<vmem>> -> memref<1x128x128xf32, #tpu.memory_space<vmem>>
          %dma_start3A_179 = tpu.memref_squeeze %dma_start3A_178 : memref<1x128x128xf32, #tpu.memory_space<vmem>> -> memref<128x128xf32, #tpu.memory_space<vmem>>
          %dma_start3A_180 = arith.constant 0 : i32
          %dma_start3A_181 = tpu.memref_slice %arg11[%add3A, %dma_start3A_180] : memref<10240x128xf32, #tpu.memory_space<vmem_shared>> -> memref<128x128xf32, #tpu.memory_space<vmem_shared>>
          %dma_start3A_182 = arith.constant 0 : i32
          %dma_start3A_183 = tpu.memref_slice %arg11[%add3A, %dma_start3A_182] : memref<10240x128xf32, #tpu.memory_space<vmem_shared>> -> memref<128x128xf32, #tpu.memory_space<vmem_shared>>
          %dma_start3A_184 = arith.constant 0 : i32
          %dma_start3A_185 = arith.constant 0 : i32
          %dma_start3A_186 = tpu.memref_slice %arg8[%run_scoped3A_173, %dma_start3A_184, %dma_start3A_185] : memref<2x128x128xf32, #tpu.memory_space<vmem>> -> memref<1x128x128xf32, #tpu.memory_space<vmem>>
          %dma_start3A_187 = tpu.memref_squeeze %dma_start3A_186 : memref<1x128x128xf32, #tpu.memory_space<vmem>> -> memref<128x128xf32, #tpu.memory_space<vmem>>
          tpu.enqueue_dma source(%dma_start3A_187 : memref<128x128xf32, #tpu.memory_space<vmem>>) target(%dma_start3A_183 : memref<128x128xf32, #tpu.memory_space<vmem_shared>>) target_semaphore(%run_scoped3A_175 : memref<!tpu.dma_semaphore, #tpu.memory_space<semaphore_mem>>)
          %dma_wait3A_188 = arith.constant 0 : i32
          %dma_wait3A_189 = arith.constant 0 : i32
          %dma_wait3A_190 = tpu.memref_slice %arg8[%run_scoped3A_173, %dma_wait3A_188, %dma_wait3A_189] : memref<2x128x128xf32, #tpu.memory_space<vmem>> -> memref<1x128x128xf32, #tpu.memory_space<vmem>>
          %dma_wait3A_191 = tpu.memref_squeeze %dma_wait3A_190 : memref<1x128x128xf32, #tpu.memory_space<vmem>> -> memref<128x128xf32, #tpu.memory_space<vmem>>
          %dma_wait3A_192 = arith.constant 0 : i32
          %dma_wait3A_193 = tpu.memref_slice %arg11[%add3A, %dma_wait3A_192] : memref<10240x128xf32, #tpu.memory_space<vmem_shared>> -> memref<128x128xf32, #tpu.memory_space<vmem_shared>>
          %dma_wait3A_194 = arith.constant 0 : i32
          %dma_wait3A_195 = tpu.memref_slice %arg11[%add3A, %dma_wait3A_194] : memref<10240x128xf32, #tpu.memory_space<vmem_shared>> -> memref<128x128xf32, #tpu.memory_space<vmem_shared>>
          %dma_wait3A_196 = arith.constant 0 : i32
          %dma_wait3A_197 = arith.constant 0 : i32
          %dma_wait3A_198 = tpu.memref_slice %arg8[%run_scoped3A_173, %dma_wait3A_196, %dma_wait3A_197] : memref<2x128x128xf32, #tpu.memory_space<vmem>> -> memref<1x128x128xf32, #tpu.memory_space<vmem>>
          %dma_wait3A_199 = tpu.memref_squeeze %dma_wait3A_198 : memref<1x128x128xf32, #tpu.memory_space<vmem>> -> memref<128x128xf32, #tpu.memory_space<vmem>>
          tpu.wait_dma2 semaphore(%run_scoped3A_175 : memref<!tpu.dma_semaphore, #tpu.memory_space<semaphore_mem>>) src(%dma_wait3A_199 : memref<128x128xf32, #tpu.memory_space<vmem>>) dst(%dma_wait3A_195 : memref<128x128xf32, #tpu.memory_space<vmem_shared>>)
          tpu.yield
        }) : () -> ()
        %scan3A_174 = arith.constant 0 : i32
        scf.yield %scan3A_174 : i32
      }
      %scan3A_124 = arith.constant 5 : i32
      %run_scoped3A_125 = arith.constant 2 : i32
      "tpu.region"() ({
        %run_scoped3A_167 = tpu.sem_alloc : memref<!tpu.dma_semaphore, #tpu.memory_space<semaphore_mem>>
        %dma_start3A_168 = arith.constant 0 : i32
        %dma_start3A_169 = arith.constant 0 : i32
        %dma_start3A_170 = tpu.memref_slice %arg2[%run_scoped3A_125, %arg1, %dma_start3A_168, %dma_start3A_169] : memref<3x16x49x128xi32, #tpu.memory_space<hbm>> -> memref<1x1x49x128xi32, #tpu.memory_space<hbm>>
        %dma_start3A_171 = tpu.memref_squeeze %dma_start3A_170 : memref<1x1x49x128xi32, #tpu.memory_space<hbm>> -> memref<49x128xi32, #tpu.memory_space<hbm>>
        %dma_start3A_172 = arith.constant 0 : i32
        %dma_start3A_173 = arith.constant 0 : i32
        %dma_start3A_174 = tpu.memref_slice %arg2[%run_scoped3A_125, %arg1, %dma_start3A_172, %dma_start3A_173] : memref<3x16x49x128xi32, #tpu.memory_space<hbm>> -> memref<1x1x49x128xi32, #tpu.memory_space<hbm>>
        %dma_start3A_175 = tpu.memref_squeeze %dma_start3A_174 : memref<1x1x49x128xi32, #tpu.memory_space<hbm>> -> memref<49x128xi32, #tpu.memory_space<hbm>>
        tpu.enqueue_dma source(%dma_start3A_175 : memref<49x128xi32, #tpu.memory_space<hbm>>) target(%arg6 : memref<49x128xi32, #tpu.memory_space<vmem>>) target_semaphore(%run_scoped3A_167 : memref<!tpu.dma_semaphore, #tpu.memory_space<semaphore_mem>>)
        %dma_wait3A_176 = arith.constant 0 : i32
        %dma_wait3A_177 = arith.constant 0 : i32
        %dma_wait3A_178 = tpu.memref_slice %arg2[%run_scoped3A_125, %arg1, %dma_wait3A_176, %dma_wait3A_177] : memref<3x16x49x128xi32, #tpu.memory_space<hbm>> -> memref<1x1x49x128xi32, #tpu.memory_space<hbm>>
        %dma_wait3A_179 = tpu.memref_squeeze %dma_wait3A_178 : memref<1x1x49x128xi32, #tpu.memory_space<hbm>> -> memref<49x128xi32, #tpu.memory_space<hbm>>
        %dma_wait3A_180 = arith.constant 0 : i32
        %dma_wait3A_181 = arith.constant 0 : i32
        %dma_wait3A_182 = tpu.memref_slice %arg2[%run_scoped3A_125, %arg1, %dma_wait3A_180, %dma_wait3A_181] : memref<3x16x49x128xi32, #tpu.memory_space<hbm>> -> memref<1x1x49x128xi32, #tpu.memory_space<hbm>>
        %dma_wait3A_183 = tpu.memref_squeeze %dma_wait3A_182 : memref<1x1x49x128xi32, #tpu.memory_space<hbm>> -> memref<49x128xi32, #tpu.memory_space<hbm>>
        tpu.wait_dma2 semaphore(%run_scoped3A_167 : memref<!tpu.dma_semaphore, #tpu.memory_space<semaphore_mem>>) src(%dma_wait3A_183 : memref<49x128xi32, #tpu.memory_space<hbm>>) dst(%arg6 : memref<49x128xi32, #tpu.memory_space<vmem>>)
        tpu.yield
      }) : () -> ()
      %run_scoped3A_126 = arith.constant 2 : i32
      "tpu.region"() ({
        %run_scoped3A_167 = tpu.sem_alloc : memref<!tpu.dma_semaphore, #tpu.memory_space<semaphore_mem>>
        %dma_start3A_168 = arith.constant 0 : i32
        %dma_start3A_169 = arith.constant 0 : i32
        %dma_start3A_170 = tpu.memref_slice %arg3[%run_scoped3A_126, %arg1, %dma_start3A_168, %dma_start3A_169] : memref<3x16x49x128xi32, #tpu.memory_space<hbm>> -> memref<1x1x49x128xi32, #tpu.memory_space<hbm>>
        %dma_start3A_171 = tpu.memref_squeeze %dma_start3A_170 : memref<1x1x49x128xi32, #tpu.memory_space<hbm>> -> memref<49x128xi32, #tpu.memory_space<hbm>>
        %dma_start3A_172 = arith.constant 0 : i32
        %dma_start3A_173 = arith.constant 0 : i32
        %dma_start3A_174 = tpu.memref_slice %arg3[%run_scoped3A_126, %arg1, %dma_start3A_172, %dma_start3A_173] : memref<3x16x49x128xi32, #tpu.memory_space<hbm>> -> memref<1x1x49x128xi32, #tpu.memory_space<hbm>>
        %dma_start3A_175 = tpu.memref_squeeze %dma_start3A_174 : memref<1x1x49x128xi32, #tpu.memory_space<hbm>> -> memref<49x128xi32, #tpu.memory_space<hbm>>
        tpu.enqueue_dma source(%dma_start3A_175 : memref<49x128xi32, #tpu.memory_space<hbm>>) target(%arg7 : memref<49x128xi32, #tpu.memory_space<vmem>>) target_semaphore(%run_scoped3A_167 : memref<!tpu.dma_semaphore, #tpu.memory_space<semaphore_mem>>)
        %dma_wait3A_176 = arith.constant 0 : i32
        %dma_wait3A_177 = arith.constant 0 : i32
        %dma_wait3A_178 = tpu.memref_slice %arg3[%run_scoped3A_126, %arg1, %dma_wait3A_176, %dma_wait3A_177] : memref<3x16x49x128xi32, #tpu.memory_space<hbm>> -> memref<1x1x49x128xi32, #tpu.memory_space<hbm>>
        %dma_wait3A_179 = tpu.memref_squeeze %dma_wait3A_178 : memref<1x1x49x128xi32, #tpu.memory_space<hbm>> -> memref<49x128xi32, #tpu.memory_space<hbm>>
        %dma_wait3A_180 = arith.constant 0 : i32
        %dma_wait3A_181 = arith.constant 0 : i32
        %dma_wait3A_182 = tpu.memref_slice %arg3[%run_scoped3A_126, %arg1, %dma_wait3A_180, %dma_wait3A_181] : memref<3x16x49x128xi32, #tpu.memory_space<hbm>> -> memref<1x1x49x128xi32, #tpu.memory_space<hbm>>
        %dma_wait3A_183 = tpu.memref_squeeze %dma_wait3A_182 : memref<1x1x49x128xi32, #tpu.memory_space<hbm>> -> memref<49x128xi32, #tpu.memory_space<hbm>>
        tpu.wait_dma2 semaphore(%run_scoped3A_167 : memref<!tpu.dma_semaphore, #tpu.memory_space<semaphore_mem>>) src(%dma_wait3A_183 : memref<49x128xi32, #tpu.memory_space<hbm>>) dst(%arg7 : memref<49x128xi32, #tpu.memory_space<vmem>>)
        tpu.yield
      }) : () -> ()
      %barrier3A_127 = arith.constant 0 : index
      tpu.barrier barrier_id(%barrier3A_127)
      %dma_start3A_128 = arith.constant 0 : i32
      %dma_start3A_129 = arith.constant 0 : i32
      %dma_start3A_130 = arith.constant 0 : i32
      %dma_start3A_131 = arith.constant 0 : i32
      %dma_start3A_132 = tpu.memref_slice %arg8[%dma_start3A_129, %dma_start3A_130, %dma_start3A_131] : memref<2x128x128xf32, #tpu.memory_space<vmem>> -> memref<1x128x128xf32, #tpu.memory_space<vmem>>
      %dma_start3A_133 = tpu.memref_squeeze %dma_start3A_132 : memref<1x128x128xf32, #tpu.memory_space<vmem>> -> memref<128x128xf32, #tpu.memory_space<vmem>>
      %dma_start3A_134 = arith.constant 0 : i32
      %dma_start3A_135 = tpu.memref_slice %arg6[%dma_start3A_128, %dma_start3A_134] : memref<49x128xi32, #tpu.memory_space<vmem>> -> memref<1x128xi32, #tpu.memory_space<vmem>>
      %dma_start3A_136 = tpu.memref_squeeze %dma_start3A_135 : memref<1x128xi32, #tpu.memory_space<vmem>> -> memref<128xi32, #tpu.memory_space<vmem>>
      %dma_start3A_137 = arith.constant 0 : i32
      %dma_start3A_138 = arith.constant 0 : i32
      %dma_start3A_139 = tpu.memref_slice %arg4[%dma_start3A_137, %dma_start3A_138] : memref<10240x128xf32, #tpu.memory_space<hbm>> -> memref<10240x128xf32, #tpu.memory_space<hbm>>
      tpu.enqueue_indirect_dma source(%dma_start3A_139 : memref<10240x128xf32, #tpu.memory_space<hbm>>) target(%dma_start3A_133 : memref<128x128xf32, #tpu.memory_space<vmem>>) offsets(%dma_start3A_136 : memref<128xi32, #tpu.memory_space<vmem>>) semaphore(%arg13 : memref<!tpu.dma_semaphore, #tpu.memory_space<semaphore_mem>>)
      %scan3A_140 = arith.constant 0 : i32
      %scan3A_141 = arith.constant 0 : i32
      %scan3A_142 = arith.constant 24 : i32
      %scan3A_143 = arith.addi %scan3A_141, %scan3A_142 : i32
      %scan3A_144 = arith.constant 1 : i32
      %scan3A_145 = scf.for %scan3A_167 = %scan3A_141 to %scan3A_143 step %scan3A_144 iter_args(%scan3A_168 = %scan3A_140) -> (i32)  : i32 {
        %mul3A_169 = arith.constant 2 : i32
        %mul3A_170 = arith.muli %mul3A_169, %scan3A_167 : i32
        %add3A = arith.constant 1 : i32
        %add3A_171 = arith.addi %mul3A_170, %add3A : i32
        %dma_wait3A_172 = arith.constant 0 : i32
        %dma_wait3A_173 = arith.constant 0 : i32
        %dma_wait3A_174 = arith.constant 0 : i32
        %dma_wait3A_175 = tpu.memref_slice %arg8[%dma_wait3A_172, %dma_wait3A_173, %dma_wait3A_174] : memref<2x128x128xf32, #tpu.memory_space<vmem>> -> memref<1x128x128xf32, #tpu.memory_space<vmem>>
        %dma_wait3A_176 = tpu.memref_squeeze %dma_wait3A_175 : memref<1x128x128xf32, #tpu.memory_space<vmem>> -> memref<128x128xf32, #tpu.memory_space<vmem>>
        %dma_wait3A_177 = arith.constant 0 : i32
        %dma_wait3A_178 = tpu.memref_slice %arg6[%mul3A_170, %dma_wait3A_177] : memref<49x128xi32, #tpu.memory_space<vmem>> -> memref<1x128xi32, #tpu.memory_space<vmem>>
        %dma_wait3A_179 = tpu.memref_squeeze %dma_wait3A_178 : memref<1x128xi32, #tpu.memory_space<vmem>> -> memref<128xi32, #tpu.memory_space<vmem>>
        %dma_wait3A_180 = arith.constant 0 : i32
        %dma_wait3A_181 = arith.constant 0 : i32
        %dma_wait3A_182 = tpu.memref_slice %arg4[%dma_wait3A_180, %dma_wait3A_181] : memref<10240x128xf32, #tpu.memory_space<hbm>> -> memref<10240x128xf32, #tpu.memory_space<hbm>>
        tpu.wait_indirect_dma semaphore(%arg13 : memref<!tpu.dma_semaphore, #tpu.memory_space<semaphore_mem>>) src(%dma_wait3A_182 : memref<10240x128xf32, #tpu.memory_space<hbm>>) dst(%dma_wait3A_176 : memref<128x128xf32, #tpu.memory_space<vmem>>)
        %dma_start3A_183 = arith.constant 1 : i32
        %dma_start3A_184 = arith.constant 0 : i32
        %dma_start3A_185 = arith.constant 0 : i32
        %dma_start3A_186 = tpu.memref_slice %arg8[%dma_start3A_183, %dma_start3A_184, %dma_start3A_185] : memref<2x128x128xf32, #tpu.memory_space<vmem>> -> memref<1x128x128xf32, #tpu.memory_space<vmem>>
        %dma_start3A_187 = tpu.memref_squeeze %dma_start3A_186 : memref<1x128x128xf32, #tpu.memory_space<vmem>> -> memref<128x128xf32, #tpu.memory_space<vmem>>
        %dma_start3A_188 = arith.constant 0 : i32
        %dma_start3A_189 = tpu.memref_slice %arg6[%add3A_171, %dma_start3A_188] : memref<49x128xi32, #tpu.memory_space<vmem>> -> memref<1x128xi32, #tpu.memory_space<vmem>>
        %dma_start3A_190 = tpu.memref_squeeze %dma_start3A_189 : memref<1x128xi32, #tpu.memory_space<vmem>> -> memref<128xi32, #tpu.memory_space<vmem>>
        %dma_start3A_191 = arith.constant 0 : i32
        %dma_start3A_192 = arith.constant 0 : i32
        %dma_start3A_193 = tpu.memref_slice %arg4[%dma_start3A_191, %dma_start3A_192] : memref<10240x128xf32, #tpu.memory_space<hbm>> -> memref<10240x128xf32, #tpu.memory_space<hbm>>
        tpu.enqueue_indirect_dma source(%dma_start3A_193 : memref<10240x128xf32, #tpu.memory_space<hbm>>) target(%dma_start3A_187 : memref<128x128xf32, #tpu.memory_space<vmem>>) offsets(%dma_start3A_190 : memref<128xi32, #tpu.memory_space<vmem>>) semaphore(%arg14 : memref<!tpu.dma_semaphore, #tpu.memory_space<semaphore_mem>>)
        %dma_start3A_194 = arith.constant 0 : i32
        %dma_start3A_195 = arith.constant 0 : i32
        %dma_start3A_196 = arith.constant 0 : i32
        %dma_start3A_197 = tpu.memref_slice %arg8[%dma_start3A_194, %dma_start3A_195, %dma_start3A_196] : memref<2x128x128xf32, #tpu.memory_space<vmem>> -> memref<1x128x128xf32, #tpu.memory_space<vmem>>
        %dma_start3A_198 = tpu.memref_squeeze %dma_start3A_197 : memref<1x128x128xf32, #tpu.memory_space<vmem>> -> memref<128x128xf32, #tpu.memory_space<vmem>>
        %dma_start3A_199 = arith.constant 0 : i32
        %dma_start3A_200 = tpu.memref_slice %arg7[%mul3A_170, %dma_start3A_199] : memref<49x128xi32, #tpu.memory_space<vmem>> -> memref<1x128xi32, #tpu.memory_space<vmem>>
        %dma_start3A_201 = tpu.memref_squeeze %dma_start3A_200 : memref<1x128xi32, #tpu.memory_space<vmem>> -> memref<128xi32, #tpu.memory_space<vmem>>
        %dma_start3A_202 = arith.constant 0 : i32
        %dma_start3A_203 = arith.constant 0 : i32
        %dma_start3A_204 = tpu.memref_slice %arg11[%dma_start3A_202, %dma_start3A_203] : memref<10240x128xf32, #tpu.memory_space<vmem_shared>> -> memref<10240x128xf32, #tpu.memory_space<vmem_shared>>
        tpu.enqueue_indirect_dma source(%dma_start3A_198 : memref<128x128xf32, #tpu.memory_space<vmem>>) target(%dma_start3A_204 : memref<10240x128xf32, #tpu.memory_space<vmem_shared>>) offsets(%dma_start3A_201 : memref<128xi32, #tpu.memory_space<vmem>>) semaphore(%arg15 : memref<!tpu.dma_semaphore, #tpu.memory_space<semaphore_mem>>) {add = true}
        %dma_wait3A_205 = arith.constant 0 : i32
        %dma_wait3A_206 = arith.constant 0 : i32
        %dma_wait3A_207 = arith.constant 0 : i32
        %dma_wait3A_208 = tpu.memref_slice %arg8[%dma_wait3A_205, %dma_wait3A_206, %dma_wait3A_207] : memref<2x128x128xf32, #tpu.memory_space<vmem>> -> memref<1x128x128xf32, #tpu.memory_space<vmem>>
        %dma_wait3A_209 = tpu.memref_squeeze %dma_wait3A_208 : memref<1x128x128xf32, #tpu.memory_space<vmem>> -> memref<128x128xf32, #tpu.memory_space<vmem>>
        %dma_wait3A_210 = arith.constant 0 : i32
        %dma_wait3A_211 = tpu.memref_slice %arg7[%mul3A_170, %dma_wait3A_210] : memref<49x128xi32, #tpu.memory_space<vmem>> -> memref<1x128xi32, #tpu.memory_space<vmem>>
        %dma_wait3A_212 = tpu.memref_squeeze %dma_wait3A_211 : memref<1x128xi32, #tpu.memory_space<vmem>> -> memref<128xi32, #tpu.memory_space<vmem>>
        %dma_wait3A_213 = arith.constant 0 : i32
        %dma_wait3A_214 = arith.constant 0 : i32
        %dma_wait3A_215 = tpu.memref_slice %arg11[%dma_wait3A_213, %dma_wait3A_214] : memref<10240x128xf32, #tpu.memory_space<vmem_shared>> -> memref<10240x128xf32, #tpu.memory_space<vmem_shared>>
        tpu.wait_indirect_dma semaphore(%arg15 : memref<!tpu.dma_semaphore, #tpu.memory_space<semaphore_mem>>) src(%dma_wait3A_209 : memref<128x128xf32, #tpu.memory_space<vmem>>) dst(%dma_wait3A_215 : memref<10240x128xf32, #tpu.memory_space<vmem_shared>>)
        %add3A_216 = arith.constant 2 : i32
        %add3A_217 = arith.addi %mul3A_170, %add3A_216 : i32
        %dma_start3A_218 = arith.constant 0 : i32
        %dma_start3A_219 = arith.constant 0 : i32
        %dma_start3A_220 = arith.constant 0 : i32
        %dma_start3A_221 = tpu.memref_slice %arg8[%dma_start3A_218, %dma_start3A_219, %dma_start3A_220] : memref<2x128x128xf32, #tpu.memory_space<vmem>> -> memref<1x128x128xf32, #tpu.memory_space<vmem>>
        %dma_start3A_222 = tpu.memref_squeeze %dma_start3A_221 : memref<1x128x128xf32, #tpu.memory_space<vmem>> -> memref<128x128xf32, #tpu.memory_space<vmem>>
        %dma_start3A_223 = arith.constant 0 : i32
        %dma_start3A_224 = tpu.memref_slice %arg6[%add3A_217, %dma_start3A_223] : memref<49x128xi32, #tpu.memory_space<vmem>> -> memref<1x128xi32, #tpu.memory_space<vmem>>
        %dma_start3A_225 = tpu.memref_squeeze %dma_start3A_224 : memref<1x128xi32, #tpu.memory_space<vmem>> -> memref<128xi32, #tpu.memory_space<vmem>>
        %dma_start3A_226 = arith.constant 0 : i32
        %dma_start3A_227 = arith.constant 0 : i32
        %dma_start3A_228 = tpu.memref_slice %arg4[%dma_start3A_226, %dma_start3A_227] : memref<10240x128xf32, #tpu.memory_space<hbm>> -> memref<10240x128xf32, #tpu.memory_space<hbm>>
        tpu.enqueue_indirect_dma source(%dma_start3A_228 : memref<10240x128xf32, #tpu.memory_space<hbm>>) target(%dma_start3A_222 : memref<128x128xf32, #tpu.memory_space<vmem>>) offsets(%dma_start3A_225 : memref<128xi32, #tpu.memory_space<vmem>>) semaphore(%arg13 : memref<!tpu.dma_semaphore, #tpu.memory_space<semaphore_mem>>)
        %dma_wait3A_229 = arith.constant 1 : i32
        %dma_wait3A_230 = arith.constant 0 : i32
        %dma_wait3A_231 = arith.constant 0 : i32
        %dma_wait3A_232 = tpu.memref_slice %arg8[%dma_wait3A_229, %dma_wait3A_230, %dma_wait3A_231] : memref<2x128x128xf32, #tpu.memory_space<vmem>> -> memref<1x128x128xf32, #tpu.memory_space<vmem>>
        %dma_wait3A_233 = tpu.memref_squeeze %dma_wait3A_232 : memref<1x128x128xf32, #tpu.memory_space<vmem>> -> memref<128x128xf32, #tpu.memory_space<vmem>>
        %dma_wait3A_234 = arith.constant 0 : i32
        %dma_wait3A_235 = tpu.memref_slice %arg6[%add3A_171, %dma_wait3A_234] : memref<49x128xi32, #tpu.memory_space<vmem>> -> memref<1x128xi32, #tpu.memory_space<vmem>>
        %dma_wait3A_236 = tpu.memref_squeeze %dma_wait3A_235 : memref<1x128xi32, #tpu.memory_space<vmem>> -> memref<128xi32, #tpu.memory_space<vmem>>
        %dma_wait3A_237 = arith.constant 0 : i32
        %dma_wait3A_238 = arith.constant 0 : i32
        %dma_wait3A_239 = tpu.memref_slice %arg4[%dma_wait3A_237, %dma_wait3A_238] : memref<10240x128xf32, #tpu.memory_space<hbm>> -> memref<10240x128xf32, #tpu.memory_space<hbm>>
        tpu.wait_indirect_dma semaphore(%arg14 : memref<!tpu.dma_semaphore, #tpu.memory_space<semaphore_mem>>) src(%dma_wait3A_239 : memref<10240x128xf32, #tpu.memory_space<hbm>>) dst(%dma_wait3A_233 : memref<128x128xf32, #tpu.memory_space<vmem>>)
        %dma_start3A_240 = arith.constant 1 : i32
        %dma_start3A_241 = arith.constant 0 : i32
        %dma_start3A_242 = arith.constant 0 : i32
        %dma_start3A_243 = tpu.memref_slice %arg8[%dma_start3A_240, %dma_start3A_241, %dma_start3A_242] : memref<2x128x128xf32, #tpu.memory_space<vmem>> -> memref<1x128x128xf32, #tpu.memory_space<vmem>>
        %dma_start3A_244 = tpu.memref_squeeze %dma_start3A_243 : memref<1x128x128xf32, #tpu.memory_space<vmem>> -> memref<128x128xf32, #tpu.memory_space<vmem>>
        %dma_start3A_245 = arith.constant 0 : i32
        %dma_start3A_246 = tpu.memref_slice %arg7[%add3A_171, %dma_start3A_245] : memref<49x128xi32, #tpu.memory_space<vmem>> -> memref<1x128xi32, #tpu.memory_space<vmem>>
        %dma_start3A_247 = tpu.memref_squeeze %dma_start3A_246 : memref<1x128xi32, #tpu.memory_space<vmem>> -> memref<128xi32, #tpu.memory_space<vmem>>
        %dma_start3A_248 = arith.constant 0 : i32
        %dma_start3A_249 = arith.constant 0 : i32
        %dma_start3A_250 = tpu.memref_slice %arg11[%dma_start3A_248, %dma_start3A_249] : memref<10240x128xf32, #tpu.memory_space<vmem_shared>> -> memref<10240x128xf32, #tpu.memory_space<vmem_shared>>
        tpu.enqueue_indirect_dma source(%dma_start3A_244 : memref<128x128xf32, #tpu.memory_space<vmem>>) target(%dma_start3A_250 : memref<10240x128xf32, #tpu.memory_space<vmem_shared>>) offsets(%dma_start3A_247 : memref<128xi32, #tpu.memory_space<vmem>>) semaphore(%arg16 : memref<!tpu.dma_semaphore, #tpu.memory_space<semaphore_mem>>) {add = true}
        %dma_wait3A_251 = arith.constant 1 : i32
        %dma_wait3A_252 = arith.constant 0 : i32
        %dma_wait3A_253 = arith.constant 0 : i32
        %dma_wait3A_254 = tpu.memref_slice %arg8[%dma_wait3A_251, %dma_wait3A_252, %dma_wait3A_253] : memref<2x128x128xf32, #tpu.memory_space<vmem>> -> memref<1x128x128xf32, #tpu.memory_space<vmem>>
        %dma_wait3A_255 = tpu.memref_squeeze %dma_wait3A_254 : memref<1x128x128xf32, #tpu.memory_space<vmem>> -> memref<128x128xf32, #tpu.memory_space<vmem>>
        %dma_wait3A_256 = arith.constant 0 : i32
        %dma_wait3A_257 = tpu.memref_slice %arg7[%add3A_171, %dma_wait3A_256] : memref<49x128xi32, #tpu.memory_space<vmem>> -> memref<1x128xi32, #tpu.memory_space<vmem>>
        %dma_wait3A_258 = tpu.memref_squeeze %dma_wait3A_257 : memref<1x128xi32, #tpu.memory_space<vmem>> -> memref<128xi32, #tpu.memory_space<vmem>>
        %dma_wait3A_259 = arith.constant 0 : i32
        %dma_wait3A_260 = arith.constant 0 : i32
        %dma_wait3A_261 = tpu.memref_slice %arg11[%dma_wait3A_259, %dma_wait3A_260] : memref<10240x128xf32, #tpu.memory_space<vmem_shared>> -> memref<10240x128xf32, #tpu.memory_space<vmem_shared>>
        tpu.wait_indirect_dma semaphore(%arg16 : memref<!tpu.dma_semaphore, #tpu.memory_space<semaphore_mem>>) src(%dma_wait3A_255 : memref<128x128xf32, #tpu.memory_space<vmem>>) dst(%dma_wait3A_261 : memref<10240x128xf32, #tpu.memory_space<vmem_shared>>)
        %scan3A_262 = arith.constant 0 : i32
        scf.yield %scan3A_262 : i32
      }
      %scan3A_146 = arith.constant 24 : i32
      %dma_wait3A_147 = arith.constant 48 : i32
      %dma_wait3A_148 = arith.constant 0 : i32
      %dma_wait3A_149 = arith.constant 0 : i32
      %dma_wait3A_150 = arith.constant 0 : i32
      %dma_wait3A_151 = tpu.memref_slice %arg8[%dma_wait3A_148, %dma_wait3A_149, %dma_wait3A_150] : memref<2x128x128xf32, #tpu.memory_space<vmem>> -> memref<1x128x128xf32, #tpu.memory_space<vmem>>
      %dma_wait3A_152 = tpu.memref_squeeze %dma_wait3A_151 : memref<1x128x128xf32, #tpu.memory_space<vmem>> -> memref<128x128xf32, #tpu.memory_space<vmem>>
      %dma_wait3A_153 = arith.constant 0 : i32
      %dma_wait3A_154 = tpu.memref_slice %arg6[%dma_wait3A_147, %dma_wait3A_153] : memref<49x128xi32, #tpu.memory_space<vmem>> -> memref<1x128xi32, #tpu.memory_space<vmem>>
      %dma_wait3A_155 = tpu.memref_squeeze %dma_wait3A_154 : memref<1x128xi32, #tpu.memory_space<vmem>> -> memref<128xi32, #tpu.memory_space<vmem>>
      %dma_wait3A_156 = arith.constant 0 : i32
      %dma_wait3A_157 = arith.constant 0 : i32
      %dma_wait3A_158 = tpu.memref_slice %arg4[%dma_wait3A_156, %dma_wait3A_157] : memref<10240x128xf32, #tpu.memory_space<hbm>> -> memref<10240x128xf32, #tpu.memory_space<hbm>>
      tpu.wait_indirect_dma semaphore(%arg13 : memref<!tpu.dma_semaphore, #tpu.memory_space<semaphore_mem>>) src(%dma_wait3A_158 : memref<10240x128xf32, #tpu.memory_space<hbm>>) dst(%dma_wait3A_152 : memref<128x128xf32, #tpu.memory_space<vmem>>)
      %run_scoped3A_159 = arith.constant 0 : i32
      %run_scoped3A_160 = arith.constant 48 : i32
      "tpu.region"() ({
        %run_scoped3A_167 = tpu.sem_alloc : memref<!tpu.dma_semaphore, #tpu.memory_space<semaphore_mem>>
        %dma_start3A_168 = arith.constant 0 : i32
        %dma_start3A_169 = arith.constant 0 : i32
        %dma_start3A_170 = tpu.memref_slice %arg8[%run_scoped3A_159, %dma_start3A_168, %dma_start3A_169] : memref<2x128x128xf32, #tpu.memory_space<vmem>> -> memref<1x128x128xf32, #tpu.memory_space<vmem>>
        %dma_start3A_171 = tpu.memref_squeeze %dma_start3A_170 : memref<1x128x128xf32, #tpu.memory_space<vmem>> -> memref<128x128xf32, #tpu.memory_space<vmem>>
        %dma_start3A_172 = arith.constant 0 : i32
        %dma_start3A_173 = tpu.memref_slice %arg7[%run_scoped3A_160, %dma_start3A_172] : memref<49x128xi32, #tpu.memory_space<vmem>> -> memref<1x128xi32, #tpu.memory_space<vmem>>
        %dma_start3A_174 = tpu.memref_squeeze %dma_start3A_173 : memref<1x128xi32, #tpu.memory_space<vmem>> -> memref<128xi32, #tpu.memory_space<vmem>>
        %dma_start3A_175 = arith.constant 0 : i32
        %dma_start3A_176 = arith.constant 0 : i32
        %dma_start3A_177 = tpu.memref_slice %arg11[%dma_start3A_175, %dma_start3A_176] : memref<10240x128xf32, #tpu.memory_space<vmem_shared>> -> memref<10240x128xf32, #tpu.memory_space<vmem_shared>>
        tpu.enqueue_indirect_dma source(%dma_start3A_171 : memref<128x128xf32, #tpu.memory_space<vmem>>) target(%dma_start3A_177 : memref<10240x128xf32, #tpu.memory_space<vmem_shared>>) offsets(%dma_start3A_174 : memref<128xi32, #tpu.memory_space<vmem>>) semaphore(%run_scoped3A_167 : memref<!tpu.dma_semaphore, #tpu.memory_space<semaphore_mem>>) {add = true}
        %dma_wait3A_178 = arith.constant 0 : i32
        %dma_wait3A_179 = arith.constant 0 : i32
        %dma_wait3A_180 = tpu.memref_slice %arg8[%run_scoped3A_159, %dma_wait3A_178, %dma_wait3A_179] : memref<2x128x128xf32, #tpu.memory_space<vmem>> -> memref<1x128x128xf32, #tpu.memory_space<vmem>>
        %dma_wait3A_181 = tpu.memref_squeeze %dma_wait3A_180 : memref<1x128x128xf32, #tpu.memory_space<vmem>> -> memref<128x128xf32, #tpu.memory_space<vmem>>
        %dma_wait3A_182 = arith.constant 0 : i32
        %dma_wait3A_183 = tpu.memref_slice %arg7[%run_scoped3A_160, %dma_wait3A_182] : memref<49x128xi32, #tpu.memory_space<vmem>> -> memref<1x128xi32, #tpu.memory_space<vmem>>
        %dma_wait3A_184 = tpu.memref_squeeze %dma_wait3A_183 : memref<1x128xi32, #tpu.memory_space<vmem>> -> memref<128xi32, #tpu.memory_space<vmem>>
        %dma_wait3A_185 = arith.constant 0 : i32
        %dma_wait3A_186 = arith.constant 0 : i32
        %dma_wait3A_187 = tpu.memref_slice %arg11[%dma_wait3A_185, %dma_wait3A_186] : memref<10240x128xf32, #tpu.memory_space<vmem_shared>> -> memref<10240x128xf32, #tpu.memory_space<vmem_shared>>
        tpu.wait_indirect_dma semaphore(%run_scoped3A_167 : memref<!tpu.dma_semaphore, #tpu.memory_space<semaphore_mem>>) src(%dma_wait3A_181 : memref<128x128xf32, #tpu.memory_space<vmem>>) dst(%dma_wait3A_187 : memref<10240x128xf32, #tpu.memory_space<vmem_shared>>)
        tpu.yield
      }) : () -> ()
      %barrier3A_161 = arith.constant 0 : index
      tpu.barrier barrier_id(%barrier3A_161)
      %mul3A_162 = arith.constant 640 : i32
      %mul3A_163 = arith.muli %arg1, %mul3A_162 : i32
      %mul3A_164 = arith.constant 640 : i32
      %mul3A_165 = arith.muli %arg1, %mul3A_164 : i32
      %run_scoped3A_166 = arith.constant 2 : i32
      "tpu.region"() ({
        %run_scoped3A_167 = tpu.sem_alloc : memref<!tpu.dma_semaphore, #tpu.memory_space<semaphore_mem>>
        %dma_start3A_168 = arith.constant 0 : i32
        %dma_start3A_169 = tpu.memref_slice %arg5[%run_scoped3A_166, %mul3A_165, %dma_start3A_168] : memref<3x10240x128xf32, #tpu.memory_space<hbm>> -> memref<1x640x128xf32, #tpu.memory_space<hbm>>
        %dma_start3A_170 = tpu.memref_squeeze %dma_start3A_169 : memref<1x640x128xf32, #tpu.memory_space<hbm>> -> memref<640x128xf32, #tpu.memory_space<hbm>>
        %dma_start3A_171 = arith.constant 0 : i32
        %dma_start3A_172 = tpu.memref_slice %arg11[%mul3A_163, %dma_start3A_171] : memref<10240x128xf32, #tpu.memory_space<vmem_shared>> -> memref<640x128xf32, #tpu.memory_space<vmem_shared>>
        tpu.enqueue_dma source(%dma_start3A_172 : memref<640x128xf32, #tpu.memory_space<vmem_shared>>) target(%dma_start3A_170 : memref<640x128xf32, #tpu.memory_space<hbm>>) target_semaphore(%run_scoped3A_167 : memref<!tpu.dma_semaphore, #tpu.memory_space<semaphore_mem>>)
        %dma_wait3A_173 = arith.constant 0 : i32
        %dma_wait3A_174 = tpu.memref_slice %arg5[%run_scoped3A_166, %mul3A_165, %dma_wait3A_173] : memref<3x10240x128xf32, #tpu.memory_space<hbm>> -> memref<1x640x128xf32, #tpu.memory_space<hbm>>
        %dma_wait3A_175 = tpu.memref_squeeze %dma_wait3A_174 : memref<1x640x128xf32, #tpu.memory_space<hbm>> -> memref<640x128xf32, #tpu.memory_space<hbm>>
        %dma_wait3A_176 = arith.constant 0 : i32
        %dma_wait3A_177 = tpu.memref_slice %arg11[%mul3A_163, %dma_wait3A_176] : memref<10240x128xf32, #tpu.memory_space<vmem_shared>> -> memref<640x128xf32, #tpu.memory_space<vmem_shared>>
        tpu.wait_dma2 semaphore(%run_scoped3A_167 : memref<!tpu.dma_semaphore, #tpu.memory_space<semaphore_mem>>) src(%dma_wait3A_177 : memref<640x128xf32, #tpu.memory_space<vmem_shared>>) dst(%dma_wait3A_175 : memref<640x128xf32, #tpu.memory_space<hbm>>)
        tpu.yield
      }) : () -> ()
    } else {
    }
    return
  }
}

#map = affine_map<(d0, d1) -> (0, 0, 0)>
#map1 = affine_map<(d0, d1) -> (0, 0)>
module attributes {stable_mosaic.version = 14 : i64} {
  func.func @body(%arg0: i32, %arg1: i32, %arg2: memref<16x49x128xi32, #tpu.memory_space<hbm>>, %arg3: memref<16x49x128xi32, #tpu.memory_space<hbm>>, %arg4: memref<10240x128xf32, #tpu.memory_space<hbm>>, %arg5: memref<100352x128xf32, #tpu.memory_space<hbm>>, %arg6: memref<49x128xi32, #tpu.memory_space<vmem>>, %arg7: memref<49x128xi32, #tpu.memory_space<vmem>>, %arg8: memref<2x128x128xf32, #tpu.memory_space<vmem>>, %arg9: memref<2x128x128xf32, #tpu.memory_space<vmem>>, %arg10: memref<2x128x128xf32, #tpu.memory_space<vmem>>, %arg11: memref<!tpu.dma_semaphore, #tpu.memory_space<semaphore_mem>>, %arg12: memref<!tpu.dma_semaphore, #tpu.memory_space<semaphore_mem>>, %arg13: memref<!tpu.dma_semaphore, #tpu.memory_space<semaphore_mem>>) attributes {dimension_semantics = [#tpu.dimension_semantics<core_parallel>, #tpu.dimension_semantics<subcore_parallel>], iteration_bounds = array<i64: 2, 16>, scalar_prefetch = 0 : i64, scratch_operands = 8 : i64, tpu.core_type = #tpu.core_type<sc_vector_subcore>, window_params = [{transform_indices = #map}, {transform_indices = #map}, {transform_indices = #map1}, {transform_indices = #map1}]} {
    %mul3A = arith.constant 49 : i32
    %mul3A_0 = arith.muli %arg1, %mul3A : i32
    %mul3A_1 = arith.constant 128 : i32
    %mul3A_2 = arith.muli %mul3A_0, %mul3A_1 : i32
    %eq3A = arith.constant 0 : i32
    %eq3A_3 = arith.cmpi eq, %arg0, %eq3A : i32
    %convert_element_type3A = arith.extui %eq3A_3 : i1 to i32
    %cond3A = arith.constant 0 : i32
    %cond3A_4 = arith.cmpi ne, %convert_element_type3A, %cond3A : i32
    scf.if %cond3A_4 {
      "tpu.region"() ({
        %run_scoped3A = tpu.sem_alloc : memref<!tpu.dma_semaphore, #tpu.memory_space<semaphore_mem>>
        %dma_start3A_47 = arith.constant 0 : i32
        %dma_start3A_48 = arith.constant 0 : i32
        %dma_start3A_49 = tpu.memref_slice %arg2[%arg1, %dma_start3A_47, %dma_start3A_48] : memref<16x49x128xi32, #tpu.memory_space<hbm>> -> memref<1x49x128xi32, #tpu.memory_space<hbm>>
        %dma_start3A_50 = tpu.memref_squeeze %dma_start3A_49 : memref<1x49x128xi32, #tpu.memory_space<hbm>> -> memref<49x128xi32, #tpu.memory_space<hbm>>
        %dma_start3A_51 = arith.constant 0 : i32
        %dma_start3A_52 = arith.constant 0 : i32
        %dma_start3A_53 = tpu.memref_slice %arg2[%arg1, %dma_start3A_51, %dma_start3A_52] : memref<16x49x128xi32, #tpu.memory_space<hbm>> -> memref<1x49x128xi32, #tpu.memory_space<hbm>>
        %dma_start3A_54 = tpu.memref_squeeze %dma_start3A_53 : memref<1x49x128xi32, #tpu.memory_space<hbm>> -> memref<49x128xi32, #tpu.memory_space<hbm>>
        tpu.enqueue_dma source(%dma_start3A_54 : memref<49x128xi32, #tpu.memory_space<hbm>>) target(%arg6 : memref<49x128xi32, #tpu.memory_space<vmem>>) target_semaphore(%run_scoped3A : memref<!tpu.dma_semaphore, #tpu.memory_space<semaphore_mem>>)
        %dma_wait3A_55 = arith.constant 0 : i32
        %dma_wait3A_56 = arith.constant 0 : i32
        %dma_wait3A_57 = tpu.memref_slice %arg2[%arg1, %dma_wait3A_55, %dma_wait3A_56] : memref<16x49x128xi32, #tpu.memory_space<hbm>> -> memref<1x49x128xi32, #tpu.memory_space<hbm>>
        %dma_wait3A_58 = tpu.memref_squeeze %dma_wait3A_57 : memref<1x49x128xi32, #tpu.memory_space<hbm>> -> memref<49x128xi32, #tpu.memory_space<hbm>>
        %dma_wait3A_59 = arith.constant 0 : i32
        %dma_wait3A_60 = arith.constant 0 : i32
        %dma_wait3A_61 = tpu.memref_slice %arg2[%arg1, %dma_wait3A_59, %dma_wait3A_60] : memref<16x49x128xi32, #tpu.memory_space<hbm>> -> memref<1x49x128xi32, #tpu.memory_space<hbm>>
        %dma_wait3A_62 = tpu.memref_squeeze %dma_wait3A_61 : memref<1x49x128xi32, #tpu.memory_space<hbm>> -> memref<49x128xi32, #tpu.memory_space<hbm>>
        tpu.wait_dma2 semaphore(%run_scoped3A : memref<!tpu.dma_semaphore, #tpu.memory_space<semaphore_mem>>) src(%dma_wait3A_62 : memref<49x128xi32, #tpu.memory_space<hbm>>) dst(%arg6 : memref<49x128xi32, #tpu.memory_space<vmem>>)
        tpu.yield
      }) : () -> ()
      "tpu.region"() ({
        %run_scoped3A = tpu.sem_alloc : memref<!tpu.dma_semaphore, #tpu.memory_space<semaphore_mem>>
        %dma_start3A_47 = arith.constant 0 : i32
        %dma_start3A_48 = arith.constant 0 : i32
        %dma_start3A_49 = tpu.memref_slice %arg3[%arg1, %dma_start3A_47, %dma_start3A_48] : memref<16x49x128xi32, #tpu.memory_space<hbm>> -> memref<1x49x128xi32, #tpu.memory_space<hbm>>
        %dma_start3A_50 = tpu.memref_squeeze %dma_start3A_49 : memref<1x49x128xi32, #tpu.memory_space<hbm>> -> memref<49x128xi32, #tpu.memory_space<hbm>>
        %dma_start3A_51 = arith.constant 0 : i32
        %dma_start3A_52 = arith.constant 0 : i32
        %dma_start3A_53 = tpu.memref_slice %arg3[%arg1, %dma_start3A_51, %dma_start3A_52] : memref<16x49x128xi32, #tpu.memory_space<hbm>> -> memref<1x49x128xi32, #tpu.memory_space<hbm>>
        %dma_start3A_54 = tpu.memref_squeeze %dma_start3A_53 : memref<1x49x128xi32, #tpu.memory_space<hbm>> -> memref<49x128xi32, #tpu.memory_space<hbm>>
        tpu.enqueue_dma source(%dma_start3A_54 : memref<49x128xi32, #tpu.memory_space<hbm>>) target(%arg7 : memref<49x128xi32, #tpu.memory_space<vmem>>) target_semaphore(%run_scoped3A : memref<!tpu.dma_semaphore, #tpu.memory_space<semaphore_mem>>)
        %dma_wait3A_55 = arith.constant 0 : i32
        %dma_wait3A_56 = arith.constant 0 : i32
        %dma_wait3A_57 = tpu.memref_slice %arg3[%arg1, %dma_wait3A_55, %dma_wait3A_56] : memref<16x49x128xi32, #tpu.memory_space<hbm>> -> memref<1x49x128xi32, #tpu.memory_space<hbm>>
        %dma_wait3A_58 = tpu.memref_squeeze %dma_wait3A_57 : memref<1x49x128xi32, #tpu.memory_space<hbm>> -> memref<49x128xi32, #tpu.memory_space<hbm>>
        %dma_wait3A_59 = arith.constant 0 : i32
        %dma_wait3A_60 = arith.constant 0 : i32
        %dma_wait3A_61 = tpu.memref_slice %arg3[%arg1, %dma_wait3A_59, %dma_wait3A_60] : memref<16x49x128xi32, #tpu.memory_space<hbm>> -> memref<1x49x128xi32, #tpu.memory_space<hbm>>
        %dma_wait3A_62 = tpu.memref_squeeze %dma_wait3A_61 : memref<1x49x128xi32, #tpu.memory_space<hbm>> -> memref<49x128xi32, #tpu.memory_space<hbm>>
        tpu.wait_dma2 semaphore(%run_scoped3A : memref<!tpu.dma_semaphore, #tpu.memory_space<semaphore_mem>>) src(%dma_wait3A_62 : memref<49x128xi32, #tpu.memory_space<hbm>>) dst(%arg7 : memref<49x128xi32, #tpu.memory_space<vmem>>)
        tpu.yield
      }) : () -> ()
      %dma_start3A = arith.constant 0 : i32
      %dma_start3A_5 = arith.constant 0 : i32
      %dma_start3A_6 = arith.constant 0 : i32
      %dma_start3A_7 = arith.constant 0 : i32
      %dma_start3A_8 = tpu.memref_slice %arg8[%dma_start3A_5, %dma_start3A_6, %dma_start3A_7] : memref<2x128x128xf32, #tpu.memory_space<vmem>> -> memref<1x128x128xf32, #tpu.memory_space<vmem>>
      %dma_start3A_9 = tpu.memref_squeeze %dma_start3A_8 : memref<1x128x128xf32, #tpu.memory_space<vmem>> -> memref<128x128xf32, #tpu.memory_space<vmem>>
      %dma_start3A_10 = arith.constant 0 : i32
      %dma_start3A_11 = tpu.memref_slice %arg6[%dma_start3A, %dma_start3A_10] : memref<49x128xi32, #tpu.memory_space<vmem>> -> memref<1x128xi32, #tpu.memory_space<vmem>>
      %dma_start3A_12 = tpu.memref_squeeze %dma_start3A_11 : memref<1x128xi32, #tpu.memory_space<vmem>> -> memref<128xi32, #tpu.memory_space<vmem>>
      %dma_start3A_13 = arith.constant 0 : i32
      %dma_start3A_14 = arith.constant 0 : i32
      %dma_start3A_15 = tpu.memref_slice %arg4[%dma_start3A_13, %dma_start3A_14] : memref<10240x128xf32, #tpu.memory_space<hbm>> -> memref<10240x128xf32, #tpu.memory_space<hbm>>
      tpu.enqueue_indirect_dma source(%dma_start3A_15 : memref<10240x128xf32, #tpu.memory_space<hbm>>) target(%dma_start3A_9 : memref<128x128xf32, #tpu.memory_space<vmem>>) offsets(%dma_start3A_12 : memref<128xi32, #tpu.memory_space<vmem>>) semaphore(%arg11 : memref<!tpu.dma_semaphore, #tpu.memory_space<semaphore_mem>>)
      %dma_start3A_16 = arith.constant 0 : i32
      %dma_start3A_17 = arith.constant 0 : i32
      %dma_start3A_18 = arith.constant 0 : i32
      %dma_start3A_19 = arith.constant 0 : i32
      %dma_start3A_20 = tpu.memref_slice %arg9[%dma_start3A_17, %dma_start3A_18, %dma_start3A_19] : memref<2x128x128xf32, #tpu.memory_space<vmem>> -> memref<1x128x128xf32, #tpu.memory_space<vmem>>
      %dma_start3A_21 = tpu.memref_squeeze %dma_start3A_20 : memref<1x128x128xf32, #tpu.memory_space<vmem>> -> memref<128x128xf32, #tpu.memory_space<vmem>>
      %dma_start3A_22 = arith.constant 0 : i32
      %dma_start3A_23 = tpu.memref_slice %arg7[%dma_start3A_16, %dma_start3A_22] : memref<49x128xi32, #tpu.memory_space<vmem>> -> memref<1x128xi32, #tpu.memory_space<vmem>>
      %dma_start3A_24 = tpu.memref_squeeze %dma_start3A_23 : memref<1x128xi32, #tpu.memory_space<vmem>> -> memref<128xi32, #tpu.memory_space<vmem>>
      %dma_start3A_25 = arith.constant 0 : i32
      %dma_start3A_26 = arith.constant 0 : i32
      %dma_start3A_27 = tpu.memref_slice %arg4[%dma_start3A_25, %dma_start3A_26] : memref<10240x128xf32, #tpu.memory_space<hbm>> -> memref<10240x128xf32, #tpu.memory_space<hbm>>
      tpu.enqueue_indirect_dma source(%dma_start3A_27 : memref<10240x128xf32, #tpu.memory_space<hbm>>) target(%dma_start3A_21 : memref<128x128xf32, #tpu.memory_space<vmem>>) offsets(%dma_start3A_24 : memref<128xi32, #tpu.memory_space<vmem>>) semaphore(%arg12 : memref<!tpu.dma_semaphore, #tpu.memory_space<semaphore_mem>>)
      %scan3A = arith.constant 0 : i32
      %scan3A_28 = arith.constant 0 : i32
      %scan3A_29 = arith.constant 49 : i32
      %scan3A_30 = arith.addi %scan3A_28, %scan3A_29 : i32
      %scan3A_31 = arith.constant 1 : i32
      %scan3A_32 = scf.for %scan3A_47 = %scan3A_28 to %scan3A_30 step %scan3A_31 iter_args(%scan3A_48 = %scan3A) -> (i32)  : i32 {
        %and3A = arith.constant 1 : i32
        %and3A_49 = arith.andi %scan3A_47, %and3A : i32
        %sub3A = arith.constant 1 : i32
        %sub3A_50 = arith.subi %sub3A, %and3A_49 : i32
        %dma_wait3A_51 = arith.constant 0 : i32
        %dma_wait3A_52 = arith.constant 0 : i32
        %dma_wait3A_53 = tpu.memref_slice %arg8[%and3A_49, %dma_wait3A_51, %dma_wait3A_52] : memref<2x128x128xf32, #tpu.memory_space<vmem>> -> memref<1x128x128xf32, #tpu.memory_space<vmem>>
        %dma_wait3A_54 = tpu.memref_squeeze %dma_wait3A_53 : memref<1x128x128xf32, #tpu.memory_space<vmem>> -> memref<128x128xf32, #tpu.memory_space<vmem>>
        %dma_wait3A_55 = arith.constant 0 : i32
        %dma_wait3A_56 = tpu.memref_slice %arg6[%scan3A_47, %dma_wait3A_55] : memref<49x128xi32, #tpu.memory_space<vmem>> -> memref<1x128xi32, #tpu.memory_space<vmem>>
        %dma_wait3A_57 = tpu.memref_squeeze %dma_wait3A_56 : memref<1x128xi32, #tpu.memory_space<vmem>> -> memref<128xi32, #tpu.memory_space<vmem>>
        %dma_wait3A_58 = arith.constant 0 : i32
        %dma_wait3A_59 = arith.constant 0 : i32
        %dma_wait3A_60 = tpu.memref_slice %arg4[%dma_wait3A_58, %dma_wait3A_59] : memref<10240x128xf32, #tpu.memory_space<hbm>> -> memref<10240x128xf32, #tpu.memory_space<hbm>>
        tpu.wait_indirect_dma semaphore(%arg11 : memref<!tpu.dma_semaphore, #tpu.memory_space<semaphore_mem>>) src(%dma_wait3A_60 : memref<10240x128xf32, #tpu.memory_space<hbm>>) dst(%dma_wait3A_54 : memref<128x128xf32, #tpu.memory_space<vmem>>)
        %dma_wait3A_61 = arith.constant 0 : i32
        %dma_wait3A_62 = arith.constant 0 : i32
        %dma_wait3A_63 = tpu.memref_slice %arg9[%and3A_49, %dma_wait3A_61, %dma_wait3A_62] : memref<2x128x128xf32, #tpu.memory_space<vmem>> -> memref<1x128x128xf32, #tpu.memory_space<vmem>>
        %dma_wait3A_64 = tpu.memref_squeeze %dma_wait3A_63 : memref<1x128x128xf32, #tpu.memory_space<vmem>> -> memref<128x128xf32, #tpu.memory_space<vmem>>
        %dma_wait3A_65 = arith.constant 0 : i32
        %dma_wait3A_66 = tpu.memref_slice %arg7[%scan3A_47, %dma_wait3A_65] : memref<49x128xi32, #tpu.memory_space<vmem>> -> memref<1x128xi32, #tpu.memory_space<vmem>>
        %dma_wait3A_67 = tpu.memref_squeeze %dma_wait3A_66 : memref<1x128xi32, #tpu.memory_space<vmem>> -> memref<128xi32, #tpu.memory_space<vmem>>
        %dma_wait3A_68 = arith.constant 0 : i32
        %dma_wait3A_69 = arith.constant 0 : i32
        %dma_wait3A_70 = tpu.memref_slice %arg4[%dma_wait3A_68, %dma_wait3A_69] : memref<10240x128xf32, #tpu.memory_space<hbm>> -> memref<10240x128xf32, #tpu.memory_space<hbm>>
        tpu.wait_indirect_dma semaphore(%arg12 : memref<!tpu.dma_semaphore, #tpu.memory_space<semaphore_mem>>) src(%dma_wait3A_70 : memref<10240x128xf32, #tpu.memory_space<hbm>>) dst(%dma_wait3A_64 : memref<128x128xf32, #tpu.memory_space<vmem>>)
        %ge3A = arith.constant 1 : i32
        %ge3A_71 = arith.cmpi sge, %scan3A_47, %ge3A : i32
        %convert_element_type3A_72 = arith.extui %ge3A_71 : i1 to i32
        %cond3A_73 = arith.constant 0 : i32
        %cond3A_74 = arith.cmpi ne, %convert_element_type3A_72, %cond3A_73 : i32
        scf.if %cond3A_74 {
          %sub3A_99 = arith.constant 1 : i32
          %sub3A_100 = arith.subi %scan3A_47, %sub3A_99 : i32
          %mul3A_101 = arith.constant 128 : i32
          %mul3A_102 = arith.muli %sub3A_100, %mul3A_101 : i32
          %add3A_103 = arith.addi %mul3A_2, %mul3A_102 : i32
          %dma_wait3A_104 = arith.constant 0 : i32
          %dma_wait3A_105 = arith.constant 0 : i32
          %dma_wait3A_106 = tpu.memref_slice %arg10[%sub3A_50, %dma_wait3A_104, %dma_wait3A_105] : memref<2x128x128xf32, #tpu.memory_space<vmem>> -> memref<1x128x128xf32, #tpu.memory_space<vmem>>
          %dma_wait3A_107 = tpu.memref_squeeze %dma_wait3A_106 : memref<1x128x128xf32, #tpu.memory_space<vmem>> -> memref<128x128xf32, #tpu.memory_space<vmem>>
          %dma_wait3A_108 = arith.constant 0 : i32
          %dma_wait3A_109 = tpu.memref_slice %arg5[%add3A_103, %dma_wait3A_108] : memref<100352x128xf32, #tpu.memory_space<hbm>> -> memref<128x128xf32, #tpu.memory_space<hbm>>
          %dma_wait3A_110 = arith.constant 0 : i32
          %dma_wait3A_111 = tpu.memref_slice %arg5[%add3A_103, %dma_wait3A_110] : memref<100352x128xf32, #tpu.memory_space<hbm>> -> memref<128x128xf32, #tpu.memory_space<hbm>>
          %dma_wait3A_112 = arith.constant 0 : i32
          %dma_wait3A_113 = arith.constant 0 : i32
          %dma_wait3A_114 = tpu.memref_slice %arg10[%sub3A_50, %dma_wait3A_112, %dma_wait3A_113] : memref<2x128x128xf32, #tpu.memory_space<vmem>> -> memref<1x128x128xf32, #tpu.memory_space<vmem>>
          %dma_wait3A_115 = tpu.memref_squeeze %dma_wait3A_114 : memref<1x128x128xf32, #tpu.memory_space<vmem>> -> memref<128x128xf32, #tpu.memory_space<vmem>>
          tpu.wait_dma2 semaphore(%arg13 : memref<!tpu.dma_semaphore, #tpu.memory_space<semaphore_mem>>) src(%dma_wait3A_115 : memref<128x128xf32, #tpu.memory_space<vmem>>) dst(%dma_wait3A_111 : memref<128x128xf32, #tpu.memory_space<hbm>>)
        } else {
        }
        %add3A_75 = arith.constant 1 : i32
        %add3A_76 = arith.addi %scan3A_47, %add3A_75 : i32
        %lt3A = arith.constant 49 : i32
        %lt3A_77 = arith.cmpi slt, %add3A_76, %lt3A : i32
        %convert_element_type3A_78 = arith.extui %lt3A_77 : i1 to i32
        %cond3A_79 = arith.constant 0 : i32
        %cond3A_80 = arith.cmpi ne, %convert_element_type3A_78, %cond3A_79 : i32
        scf.if %cond3A_80 {
          %add3A_99 = arith.constant 1 : i32
          %add3A_100 = arith.addi %scan3A_47, %add3A_99 : i32
          %dma_start3A_101 = arith.constant 0 : i32
          %dma_start3A_102 = arith.constant 0 : i32
          %dma_start3A_103 = tpu.memref_slice %arg8[%sub3A_50, %dma_start3A_101, %dma_start3A_102] : memref<2x128x128xf32, #tpu.memory_space<vmem>> -> memref<1x128x128xf32, #tpu.memory_space<vmem>>
          %dma_start3A_104 = tpu.memref_squeeze %dma_start3A_103 : memref<1x128x128xf32, #tpu.memory_space<vmem>> -> memref<128x128xf32, #tpu.memory_space<vmem>>
          %dma_start3A_105 = arith.constant 0 : i32
          %dma_start3A_106 = tpu.memref_slice %arg6[%add3A_100, %dma_start3A_105] : memref<49x128xi32, #tpu.memory_space<vmem>> -> memref<1x128xi32, #tpu.memory_space<vmem>>
          %dma_start3A_107 = tpu.memref_squeeze %dma_start3A_106 : memref<1x128xi32, #tpu.memory_space<vmem>> -> memref<128xi32, #tpu.memory_space<vmem>>
          %dma_start3A_108 = arith.constant 0 : i32
          %dma_start3A_109 = arith.constant 0 : i32
          %dma_start3A_110 = tpu.memref_slice %arg4[%dma_start3A_108, %dma_start3A_109] : memref<10240x128xf32, #tpu.memory_space<hbm>> -> memref<10240x128xf32, #tpu.memory_space<hbm>>
          tpu.enqueue_indirect_dma source(%dma_start3A_110 : memref<10240x128xf32, #tpu.memory_space<hbm>>) target(%dma_start3A_104 : memref<128x128xf32, #tpu.memory_space<vmem>>) offsets(%dma_start3A_107 : memref<128xi32, #tpu.memory_space<vmem>>) semaphore(%arg11 : memref<!tpu.dma_semaphore, #tpu.memory_space<semaphore_mem>>)
          %add3A_111 = arith.constant 1 : i32
          %add3A_112 = arith.addi %scan3A_47, %add3A_111 : i32
          %dma_start3A_113 = arith.constant 0 : i32
          %dma_start3A_114 = arith.constant 0 : i32
          %dma_start3A_115 = tpu.memref_slice %arg9[%sub3A_50, %dma_start3A_113, %dma_start3A_114] : memref<2x128x128xf32, #tpu.memory_space<vmem>> -> memref<1x128x128xf32, #tpu.memory_space<vmem>>
          %dma_start3A_116 = tpu.memref_squeeze %dma_start3A_115 : memref<1x128x128xf32, #tpu.memory_space<vmem>> -> memref<128x128xf32, #tpu.memory_space<vmem>>
          %dma_start3A_117 = arith.constant 0 : i32
          %dma_start3A_118 = tpu.memref_slice %arg7[%add3A_112, %dma_start3A_117] : memref<49x128xi32, #tpu.memory_space<vmem>> -> memref<1x128xi32, #tpu.memory_space<vmem>>
          %dma_start3A_119 = tpu.memref_squeeze %dma_start3A_118 : memref<1x128xi32, #tpu.memory_space<vmem>> -> memref<128xi32, #tpu.memory_space<vmem>>
          %dma_start3A_120 = arith.constant 0 : i32
          %dma_start3A_121 = arith.constant 0 : i32
          %dma_start3A_122 = tpu.memref_slice %arg4[%dma_start3A_120, %dma_start3A_121] : memref<10240x128xf32, #tpu.memory_space<hbm>> -> memref<10240x128xf32, #tpu.memory_space<hbm>>
          tpu.enqueue_indirect_dma source(%dma_start3A_122 : memref<10240x128xf32, #tpu.memory_space<hbm>>) target(%dma_start3A_116 : memref<128x128xf32, #tpu.memory_space<vmem>>) offsets(%dma_start3A_119 : memref<128xi32, #tpu.memory_space<vmem>>) semaphore(%arg12 : memref<!tpu.dma_semaphore, #tpu.memory_space<semaphore_mem>>)
        } else {
        }
        %parallel_loop3A = arith.constant 0 : i32
        %parallel_loop3A_81 = arith.constant 128 : i32
        %parallel_loop3A_82 = arith.constant 1 : i32
        scf.for %parallel_loop3A_99 = %parallel_loop3A to %parallel_loop3A_81 step %parallel_loop3A_82  : i32 {
          %parallel_loop3A_100 = arith.index_cast %and3A_49 : i32 to index
          %parallel_loop3A_101 = arith.index_cast %parallel_loop3A_99 : i32 to index
          %parallel_loop3A_102 = arith.constant 0 : index
          %parallel_loop3A_103 = tpu.vector_load %arg8[%parallel_loop3A_100, %parallel_loop3A_101, %parallel_loop3A_102] {strides = array<i32>} : memref<2x128x128xf32, #tpu.memory_space<vmem>>, vector<1x1x16xf32>,
          %parallel_loop3A_104 = vector.shape_cast %parallel_loop3A_103 : vector<1x1x16xf32> to vector<16xf32>
          %parallel_loop3A_105 = arith.index_cast %and3A_49 : i32 to index
          %parallel_loop3A_106 = arith.index_cast %parallel_loop3A_99 : i32 to index
          %parallel_loop3A_107 = arith.constant 0 : index
          %parallel_loop3A_108 = tpu.vector_load %arg9[%parallel_loop3A_105, %parallel_loop3A_106, %parallel_loop3A_107] {strides = array<i32>} : memref<2x128x128xf32, #tpu.memory_space<vmem>>, vector<1x1x16xf32>,
          %parallel_loop3A_109 = vector.shape_cast %parallel_loop3A_108 : vector<1x1x16xf32> to vector<16xf32>
          %parallel_loop3A_110 = arith.mulf %parallel_loop3A_104, %parallel_loop3A_109 : vector<16xf32>
          %parallel_loop3A_111 = arith.index_cast %and3A_49 : i32 to index
          %parallel_loop3A_112 = arith.index_cast %parallel_loop3A_99 : i32 to index
          %parallel_loop3A_113 = arith.constant 0 : index
          %parallel_loop3A_114 = tpu.vector_load %arg10[%parallel_loop3A_111, %parallel_loop3A_112, %parallel_loop3A_113] {strides = array<i32>} : memref<2x128x128xf32, #tpu.memory_space<vmem>>, vector<1x1x16xf32>,
          %parallel_loop3A_115 = vector.shape_cast %parallel_loop3A_114 : vector<1x1x16xf32> to vector<16xf32>
          %parallel_loop3A_116 = vector.shape_cast %parallel_loop3A_110 : vector<16xf32> to vector<1x1x16xf32>
          tpu.vector_store %arg10[%parallel_loop3A_111, %parallel_loop3A_112, %parallel_loop3A_113], %parallel_loop3A_116 {strides = array<i32>} : memref<2x128x128xf32, #tpu.memory_space<vmem>>, vector<1x1x16xf32>,
          %parallel_loop3A_117 = arith.index_cast %and3A_49 : i32 to index
          %parallel_loop3A_118 = arith.index_cast %parallel_loop3A_99 : i32 to index
          %parallel_loop3A_119 = arith.constant 16 : index
          %parallel_loop3A_120 = tpu.vector_load %arg8[%parallel_loop3A_117, %parallel_loop3A_118, %parallel_loop3A_119] {strides = array<i32>} : memref<2x128x128xf32, #tpu.memory_space<vmem>>, vector<1x1x16xf32>,
          %parallel_loop3A_121 = vector.shape_cast %parallel_loop3A_120 : vector<1x1x16xf32> to vector<16xf32>
          %parallel_loop3A_122 = arith.index_cast %and3A_49 : i32 to index
          %parallel_loop3A_123 = arith.index_cast %parallel_loop3A_99 : i32 to index
          %parallel_loop3A_124 = arith.constant 16 : index
          %parallel_loop3A_125 = tpu.vector_load %arg9[%parallel_loop3A_122, %parallel_loop3A_123, %parallel_loop3A_124] {strides = array<i32>} : memref<2x128x128xf32, #tpu.memory_space<vmem>>, vector<1x1x16xf32>,
          %parallel_loop3A_126 = vector.shape_cast %parallel_loop3A_125 : vector<1x1x16xf32> to vector<16xf32>
          %parallel_loop3A_127 = arith.mulf %parallel_loop3A_121, %parallel_loop3A_126 : vector<16xf32>
          %parallel_loop3A_128 = arith.index_cast %and3A_49 : i32 to index
          %parallel_loop3A_129 = arith.index_cast %parallel_loop3A_99 : i32 to index
          %parallel_loop3A_130 = arith.constant 16 : index
          %parallel_loop3A_131 = tpu.vector_load %arg10[%parallel_loop3A_128, %parallel_loop3A_129, %parallel_loop3A_130] {strides = array<i32>} : memref<2x128x128xf32, #tpu.memory_space<vmem>>, vector<1x1x16xf32>,
          %parallel_loop3A_132 = vector.shape_cast %parallel_loop3A_131 : vector<1x1x16xf32> to vector<16xf32>
          %parallel_loop3A_133 = vector.shape_cast %parallel_loop3A_127 : vector<16xf32> to vector<1x1x16xf32>
          tpu.vector_store %arg10[%parallel_loop3A_128, %parallel_loop3A_129, %parallel_loop3A_130], %parallel_loop3A_133 {strides = array<i32>} : memref<2x128x128xf32, #tpu.memory_space<vmem>>, vector<1x1x16xf32>,
          %parallel_loop3A_134 = arith.index_cast %and3A_49 : i32 to index
          %parallel_loop3A_135 = arith.index_cast %parallel_loop3A_99 : i32 to index
          %parallel_loop3A_136 = arith.constant 32 : index
          %parallel_loop3A_137 = tpu.vector_load %arg8[%parallel_loop3A_134, %parallel_loop3A_135, %parallel_loop3A_136] {strides = array<i32>} : memref<2x128x128xf32, #tpu.memory_space<vmem>>, vector<1x1x16xf32>,
          %parallel_loop3A_138 = vector.shape_cast %parallel_loop3A_137 : vector<1x1x16xf32> to vector<16xf32>
          %parallel_loop3A_139 = arith.index_cast %and3A_49 : i32 to index
          %parallel_loop3A_140 = arith.index_cast %parallel_loop3A_99 : i32 to index
          %parallel_loop3A_141 = arith.constant 32 : index
          %parallel_loop3A_142 = tpu.vector_load %arg9[%parallel_loop3A_139, %parallel_loop3A_140, %parallel_loop3A_141] {strides = array<i32>} : memref<2x128x128xf32, #tpu.memory_space<vmem>>, vector<1x1x16xf32>,
          %parallel_loop3A_143 = vector.shape_cast %parallel_loop3A_142 : vector<1x1x16xf32> to vector<16xf32>
          %parallel_loop3A_144 = arith.mulf %parallel_loop3A_138, %parallel_loop3A_143 : vector<16xf32>
          %parallel_loop3A_145 = arith.index_cast %and3A_49 : i32 to index
          %parallel_loop3A_146 = arith.index_cast %parallel_loop3A_99 : i32 to index
          %parallel_loop3A_147 = arith.constant 32 : index
          %parallel_loop3A_148 = tpu.vector_load %arg10[%parallel_loop3A_145, %parallel_loop3A_146, %parallel_loop3A_147] {strides = array<i32>} : memref<2x128x128xf32, #tpu.memory_space<vmem>>, vector<1x1x16xf32>,
          %parallel_loop3A_149 = vector.shape_cast %parallel_loop3A_148 : vector<1x1x16xf32> to vector<16xf32>
          %parallel_loop3A_150 = vector.shape_cast %parallel_loop3A_144 : vector<16xf32> to vector<1x1x16xf32>
          tpu.vector_store %arg10[%parallel_loop3A_145, %parallel_loop3A_146, %parallel_loop3A_147], %parallel_loop3A_150 {strides = array<i32>} : memref<2x128x128xf32, #tpu.memory_space<vmem>>, vector<1x1x16xf32>,
          %parallel_loop3A_151 = arith.index_cast %and3A_49 : i32 to index
          %parallel_loop3A_152 = arith.index_cast %parallel_loop3A_99 : i32 to index
          %parallel_loop3A_153 = arith.constant 48 : index
          %parallel_loop3A_154 = tpu.vector_load %arg8[%parallel_loop3A_151, %parallel_loop3A_152, %parallel_loop3A_153] {strides = array<i32>} : memref<2x128x128xf32, #tpu.memory_space<vmem>>, vector<1x1x16xf32>,
          %parallel_loop3A_155 = vector.shape_cast %parallel_loop3A_154 : vector<1x1x16xf32> to vector<16xf32>
          %parallel_loop3A_156 = arith.index_cast %and3A_49 : i32 to index
          %parallel_loop3A_157 = arith.index_cast %parallel_loop3A_99 : i32 to index
          %parallel_loop3A_158 = arith.constant 48 : index
          %parallel_loop3A_159 = tpu.vector_load %arg9[%parallel_loop3A_156, %parallel_loop3A_157, %parallel_loop3A_158] {strides = array<i32>} : memref<2x128x128xf32, #tpu.memory_space<vmem>>, vector<1x1x16xf32>,
          %parallel_loop3A_160 = vector.shape_cast %parallel_loop3A_159 : vector<1x1x16xf32> to vector<16xf32>
          %parallel_loop3A_161 = arith.mulf %parallel_loop3A_155, %parallel_loop3A_160 : vector<16xf32>
          %parallel_loop3A_162 = arith.index_cast %and3A_49 : i32 to index
          %parallel_loop3A_163 = arith.index_cast %parallel_loop3A_99 : i32 to index
          %parallel_loop3A_164 = arith.constant 48 : index
          %parallel_loop3A_165 = tpu.vector_load %arg10[%parallel_loop3A_162, %parallel_loop3A_163, %parallel_loop3A_164] {strides = array<i32>} : memref<2x128x128xf32, #tpu.memory_space<vmem>>, vector<1x1x16xf32>,
          %parallel_loop3A_166 = vector.shape_cast %parallel_loop3A_165 : vector<1x1x16xf32> to vector<16xf32>
          %parallel_loop3A_167 = vector.shape_cast %parallel_loop3A_161 : vector<16xf32> to vector<1x1x16xf32>
          tpu.vector_store %arg10[%parallel_loop3A_162, %parallel_loop3A_163, %parallel_loop3A_164], %parallel_loop3A_167 {strides = array<i32>} : memref<2x128x128xf32, #tpu.memory_space<vmem>>, vector<1x1x16xf32>,
          %parallel_loop3A_168 = arith.index_cast %and3A_49 : i32 to index
          %parallel_loop3A_169 = arith.index_cast %parallel_loop3A_99 : i32 to index
          %parallel_loop3A_170 = arith.constant 64 : index
          %parallel_loop3A_171 = tpu.vector_load %arg8[%parallel_loop3A_168, %parallel_loop3A_169, %parallel_loop3A_170] {strides = array<i32>} : memref<2x128x128xf32, #tpu.memory_space<vmem>>, vector<1x1x16xf32>,
          %parallel_loop3A_172 = vector.shape_cast %parallel_loop3A_171 : vector<1x1x16xf32> to vector<16xf32>
          %parallel_loop3A_173 = arith.index_cast %and3A_49 : i32 to index
          %parallel_loop3A_174 = arith.index_cast %parallel_loop3A_99 : i32 to index
          %parallel_loop3A_175 = arith.constant 64 : index
          %parallel_loop3A_176 = tpu.vector_load %arg9[%parallel_loop3A_173, %parallel_loop3A_174, %parallel_loop3A_175] {strides = array<i32>} : memref<2x128x128xf32, #tpu.memory_space<vmem>>, vector<1x1x16xf32>,
          %parallel_loop3A_177 = vector.shape_cast %parallel_loop3A_176 : vector<1x1x16xf32> to vector<16xf32>
          %parallel_loop3A_178 = arith.mulf %parallel_loop3A_172, %parallel_loop3A_177 : vector<16xf32>
          %parallel_loop3A_179 = arith.index_cast %and3A_49 : i32 to index
          %parallel_loop3A_180 = arith.index_cast %parallel_loop3A_99 : i32 to index
          %parallel_loop3A_181 = arith.constant 64 : index
          %parallel_loop3A_182 = tpu.vector_load %arg10[%parallel_loop3A_179, %parallel_loop3A_180, %parallel_loop3A_181] {strides = array<i32>} : memref<2x128x128xf32, #tpu.memory_space<vmem>>, vector<1x1x16xf32>,
          %parallel_loop3A_183 = vector.shape_cast %parallel_loop3A_182 : vector<1x1x16xf32> to vector<16xf32>
          %parallel_loop3A_184 = vector.shape_cast %parallel_loop3A_178 : vector<16xf32> to vector<1x1x16xf32>
          tpu.vector_store %arg10[%parallel_loop3A_179, %parallel_loop3A_180, %parallel_loop3A_181], %parallel_loop3A_184 {strides = array<i32>} : memref<2x128x128xf32, #tpu.memory_space<vmem>>, vector<1x1x16xf32>,
          %parallel_loop3A_185 = arith.index_cast %and3A_49 : i32 to index
          %parallel_loop3A_186 = arith.index_cast %parallel_loop3A_99 : i32 to index
          %parallel_loop3A_187 = arith.constant 80 : index
          %parallel_loop3A_188 = tpu.vector_load %arg8[%parallel_loop3A_185, %parallel_loop3A_186, %parallel_loop3A_187] {strides = array<i32>} : memref<2x128x128xf32, #tpu.memory_space<vmem>>, vector<1x1x16xf32>,
          %parallel_loop3A_189 = vector.shape_cast %parallel_loop3A_188 : vector<1x1x16xf32> to vector<16xf32>
          %parallel_loop3A_190 = arith.index_cast %and3A_49 : i32 to index
          %parallel_loop3A_191 = arith.index_cast %parallel_loop3A_99 : i32 to index
          %parallel_loop3A_192 = arith.constant 80 : index
          %parallel_loop3A_193 = tpu.vector_load %arg9[%parallel_loop3A_190, %parallel_loop3A_191, %parallel_loop3A_192] {strides = array<i32>} : memref<2x128x128xf32, #tpu.memory_space<vmem>>, vector<1x1x16xf32>,
          %parallel_loop3A_194 = vector.shape_cast %parallel_loop3A_193 : vector<1x1x16xf32> to vector<16xf32>
          %parallel_loop3A_195 = arith.mulf %parallel_loop3A_189, %parallel_loop3A_194 : vector<16xf32>
          %parallel_loop3A_196 = arith.index_cast %and3A_49 : i32 to index
          %parallel_loop3A_197 = arith.index_cast %parallel_loop3A_99 : i32 to index
          %parallel_loop3A_198 = arith.constant 80 : index
          %parallel_loop3A_199 = tpu.vector_load %arg10[%parallel_loop3A_196, %parallel_loop3A_197, %parallel_loop3A_198] {strides = array<i32>} : memref<2x128x128xf32, #tpu.memory_space<vmem>>, vector<1x1x16xf32>,
          %parallel_loop3A_200 = vector.shape_cast %parallel_loop3A_199 : vector<1x1x16xf32> to vector<16xf32>
          %parallel_loop3A_201 = vector.shape_cast %parallel_loop3A_195 : vector<16xf32> to vector<1x1x16xf32>
          tpu.vector_store %arg10[%parallel_loop3A_196, %parallel_loop3A_197, %parallel_loop3A_198], %parallel_loop3A_201 {strides = array<i32>} : memref<2x128x128xf32, #tpu.memory_space<vmem>>, vector<1x1x16xf32>,
          %parallel_loop3A_202 = arith.index_cast %and3A_49 : i32 to index
          %parallel_loop3A_203 = arith.index_cast %parallel_loop3A_99 : i32 to index
          %parallel_loop3A_204 = arith.constant 96 : index
          %parallel_loop3A_205 = tpu.vector_load %arg8[%parallel_loop3A_202, %parallel_loop3A_203, %parallel_loop3A_204] {strides = array<i32>} : memref<2x128x128xf32, #tpu.memory_space<vmem>>, vector<1x1x16xf32>,
          %parallel_loop3A_206 = vector.shape_cast %parallel_loop3A_205 : vector<1x1x16xf32> to vector<16xf32>
          %parallel_loop3A_207 = arith.index_cast %and3A_49 : i32 to index
          %parallel_loop3A_208 = arith.index_cast %parallel_loop3A_99 : i32 to index
          %parallel_loop3A_209 = arith.constant 96 : index
          %parallel_loop3A_210 = tpu.vector_load %arg9[%parallel_loop3A_207, %parallel_loop3A_208, %parallel_loop3A_209] {strides = array<i32>} : memref<2x128x128xf32, #tpu.memory_space<vmem>>, vector<1x1x16xf32>,
          %parallel_loop3A_211 = vector.shape_cast %parallel_loop3A_210 : vector<1x1x16xf32> to vector<16xf32>
          %parallel_loop3A_212 = arith.mulf %parallel_loop3A_206, %parallel_loop3A_211 : vector<16xf32>
          %parallel_loop3A_213 = arith.index_cast %and3A_49 : i32 to index
          %parallel_loop3A_214 = arith.index_cast %parallel_loop3A_99 : i32 to index
          %parallel_loop3A_215 = arith.constant 96 : index
          %parallel_loop3A_216 = tpu.vector_load %arg10[%parallel_loop3A_213, %parallel_loop3A_214, %parallel_loop3A_215] {strides = array<i32>} : memref<2x128x128xf32, #tpu.memory_space<vmem>>, vector<1x1x16xf32>,
          %parallel_loop3A_217 = vector.shape_cast %parallel_loop3A_216 : vector<1x1x16xf32> to vector<16xf32>
          %parallel_loop3A_218 = vector.shape_cast %parallel_loop3A_212 : vector<16xf32> to vector<1x1x16xf32>
          tpu.vector_store %arg10[%parallel_loop3A_213, %parallel_loop3A_214, %parallel_loop3A_215], %parallel_loop3A_218 {strides = array<i32>} : memref<2x128x128xf32, #tpu.memory_space<vmem>>, vector<1x1x16xf32>,
          %parallel_loop3A_219 = arith.index_cast %and3A_49 : i32 to index
          %parallel_loop3A_220 = arith.index_cast %parallel_loop3A_99 : i32 to index
          %parallel_loop3A_221 = arith.constant 112 : index
          %parallel_loop3A_222 = tpu.vector_load %arg8[%parallel_loop3A_219, %parallel_loop3A_220, %parallel_loop3A_221] {strides = array<i32>} : memref<2x128x128xf32, #tpu.memory_space<vmem>>, vector<1x1x16xf32>,
          %parallel_loop3A_223 = vector.shape_cast %parallel_loop3A_222 : vector<1x1x16xf32> to vector<16xf32>
          %parallel_loop3A_224 = arith.index_cast %and3A_49 : i32 to index
          %parallel_loop3A_225 = arith.index_cast %parallel_loop3A_99 : i32 to index
          %parallel_loop3A_226 = arith.constant 112 : index
          %parallel_loop3A_227 = tpu.vector_load %arg9[%parallel_loop3A_224, %parallel_loop3A_225, %parallel_loop3A_226] {strides = array<i32>} : memref<2x128x128xf32, #tpu.memory_space<vmem>>, vector<1x1x16xf32>,
          %parallel_loop3A_228 = vector.shape_cast %parallel_loop3A_227 : vector<1x1x16xf32> to vector<16xf32>
          %parallel_loop3A_229 = arith.mulf %parallel_loop3A_223, %parallel_loop3A_228 : vector<16xf32>
          %parallel_loop3A_230 = arith.index_cast %and3A_49 : i32 to index
          %parallel_loop3A_231 = arith.index_cast %parallel_loop3A_99 : i32 to index
          %parallel_loop3A_232 = arith.constant 112 : index
          %parallel_loop3A_233 = tpu.vector_load %arg10[%parallel_loop3A_230, %parallel_loop3A_231, %parallel_loop3A_232] {strides = array<i32>} : memref<2x128x128xf32, #tpu.memory_space<vmem>>, vector<1x1x16xf32>,
          %parallel_loop3A_234 = vector.shape_cast %parallel_loop3A_233 : vector<1x1x16xf32> to vector<16xf32>
          %parallel_loop3A_235 = vector.shape_cast %parallel_loop3A_229 : vector<16xf32> to vector<1x1x16xf32>
          tpu.vector_store %arg10[%parallel_loop3A_230, %parallel_loop3A_231, %parallel_loop3A_232], %parallel_loop3A_235 {strides = array<i32>} : memref<2x128x128xf32, #tpu.memory_space<vmem>>, vector<1x1x16xf32>,
        } {sc.loop_unroll_factor = 4 : i64, sc.parallel_access}
        %mul3A_83 = arith.constant 128 : i32
        %mul3A_84 = arith.muli %scan3A_47, %mul3A_83 : i32
        %add3A_85 = arith.addi %mul3A_2, %mul3A_84 : i32
        %dma_start3A_86 = arith.constant 0 : i32
        %dma_start3A_87 = arith.constant 0 : i32
        %dma_start3A_88 = tpu.memref_slice %arg10[%and3A_49, %dma_start3A_86, %dma_start3A_87] : memref<2x128x128xf32, #tpu.memory_space<vmem>> -> memref<1x128x128xf32, #tpu.memory_space<vmem>>
        %dma_start3A_89 = tpu.memref_squeeze %dma_start3A_88 : memref<1x128x128xf32, #tpu.memory_space<vmem>> -> memref<128x128xf32, #tpu.memory_space<vmem>>
        %dma_start3A_90 = arith.constant 0 : i32
        %dma_start3A_91 = tpu.memref_slice %arg5[%add3A_85, %dma_start3A_90] : memref<100352x128xf32, #tpu.memory_space<hbm>> -> memref<128x128xf32, #tpu.memory_space<hbm>>
        %dma_start3A_92 = arith.constant 0 : i32
        %dma_start3A_93 = tpu.memref_slice %arg5[%add3A_85, %dma_start3A_92] : memref<100352x128xf32, #tpu.memory_space<hbm>> -> memref<128x128xf32, #tpu.memory_space<hbm>>
        %dma_start3A_94 = arith.constant 0 : i32
        %dma_start3A_95 = arith.constant 0 : i32
        %dma_start3A_96 = tpu.memref_slice %arg10[%and3A_49, %dma_start3A_94, %dma_start3A_95] : memref<2x128x128xf32, #tpu.memory_space<vmem>> -> memref<1x128x128xf32, #tpu.memory_space<vmem>>
        %dma_start3A_97 = tpu.memref_squeeze %dma_start3A_96 : memref<1x128x128xf32, #tpu.memory_space<vmem>> -> memref<128x128xf32, #tpu.memory_space<vmem>>
        tpu.enqueue_dma source(%dma_start3A_97 : memref<128x128xf32, #tpu.memory_space<vmem>>) target(%dma_start3A_93 : memref<128x128xf32, #tpu.memory_space<hbm>>) target_semaphore(%arg13 : memref<!tpu.dma_semaphore, #tpu.memory_space<semaphore_mem>>)
        %scan3A_98 = arith.constant 0 : i32
        scf.yield %scan3A_98 : i32
      }
      %scan3A_33 = arith.constant 49 : i32
      %add3A = arith.constant 6144 : i32
      %add3A_34 = arith.addi %mul3A_2, %add3A : i32
      %dma_wait3A = arith.constant 0 : i32
      %dma_wait3A_35 = arith.constant 0 : i32
      %dma_wait3A_36 = arith.constant 0 : i32
      %dma_wait3A_37 = tpu.memref_slice %arg10[%dma_wait3A, %dma_wait3A_35, %dma_wait3A_36] : memref<2x128x128xf32, #tpu.memory_space<vmem>> -> memref<1x128x128xf32, #tpu.memory_space<vmem>>
      %dma_wait3A_38 = tpu.memref_squeeze %dma_wait3A_37 : memref<1x128x128xf32, #tpu.memory_space<vmem>> -> memref<128x128xf32, #tpu.memory_space<vmem>>
      %dma_wait3A_39 = arith.constant 0 : i32
      %dma_wait3A_40 = tpu.memref_slice %arg5[%add3A_34, %dma_wait3A_39] : memref<100352x128xf32, #tpu.memory_space<hbm>> -> memref<128x128xf32, #tpu.memory_space<hbm>>
      %dma_wait3A_41 = arith.constant 0 : i32
      %dma_wait3A_42 = tpu.memref_slice %arg5[%add3A_34, %dma_wait3A_41] : memref<100352x128xf32, #tpu.memory_space<hbm>> -> memref<128x128xf32, #tpu.memory_space<hbm>>
      %dma_wait3A_43 = arith.constant 0 : i32
      %dma_wait3A_44 = arith.constant 0 : i32
      %dma_wait3A_45 = tpu.memref_slice %arg10[%dma_wait3A, %dma_wait3A_43, %dma_wait3A_44] : memref<2x128x128xf32, #tpu.memory_space<vmem>> -> memref<1x128x128xf32, #tpu.memory_space<vmem>>
      %dma_wait3A_46 = tpu.memref_squeeze %dma_wait3A_45 : memref<1x128x128xf32, #tpu.memory_space<vmem>> -> memref<128x128xf32, #tpu.memory_space<vmem>>
      tpu.wait_dma2 semaphore(%arg13 : memref<!tpu.dma_semaphore, #tpu.memory_space<semaphore_mem>>) src(%dma_wait3A_46 : memref<128x128xf32, #tpu.memory_space<vmem>>) dst(%dma_wait3A_42 : memref<128x128xf32, #tpu.memory_space<hbm>>)
    } else {
    }
    return
  }
}

module attributes {stable_mosaic.version = 14 : i64} {
  func.func @body(%arg0: i32, %arg1: memref<3x2048x128xf32, #tpu.memory_space<vmem>>, %arg2: memref<3x16x128xf32, #tpu.memory_space<vmem>>, %arg3: memref<3x128x128xf32, #tpu.memory_space<vmem>>, %arg4: memref<3x128xf32, #tpu.memory_space<vmem>>, %arg5: memref<2048x128xf32, #tpu.memory_space<vmem>>) attributes {dimension_semantics = [#tpu.dimension_semantics<arbitrary>], iteration_bounds = array<i64: 5>, scalar_prefetch = 0 : i64, scratch_operands = 0 : i64, tpu.core_type = #tpu.core_type<tc>, window_params = [{transform_indices = @transform_0, window_bounds = array<i64: 3, 2048, 128>}, {transform_indices = @transform_1, window_bounds = array<i64: 3, 16, 128>}, {pipeline_mode = #tpu.pipeline_mode<synchronous>, transform_indices = @transform_2, window_bounds = array<i64: 3, 128, 128>}, {pipeline_mode = #tpu.pipeline_mode<synchronous>, transform_indices = @transform_3, window_bounds = array<i64: 3, 128>}, {transform_indices = @transform_4, window_bounds = array<i64: 2048, 128>}]} {
    %iota3A = tpu.iota {dimensions = array<i32: 0>} : vector<2048x16xi32>
    %jit3A = arith.constant 128 : i32
    %div3A = vector.broadcast %jit3A : i32 to vector<2048x16xi32>
    %div3A_0 = arith.divsi %iota3A, %div3A : vector<2048x16xi32>
    %sign3A = arith.constant 0 : i32
    %sign3A_1 = vector.broadcast %sign3A : i32 to vector<2048x16xi32>
    %sign3A_2 = arith.cmpi sgt, %iota3A, %sign3A_1 : vector<2048x16xi32>
    %sign3A_3 = arith.extui %sign3A_2 : vector<2048x16xi1> to vector<2048x16xi32>
    %sign3A_4 = arith.constant 0 : i32
    %sign3A_5 = vector.broadcast %sign3A_4 : i32 to vector<2048x16xi32>
    %sign3A_6 = arith.cmpi slt, %iota3A, %sign3A_5 : vector<2048x16xi32>
    %sign3A_7 = arith.extui %sign3A_6 : vector<2048x16xi1> to vector<2048x16xi32>
    %sign3A_8 = arith.subi %sign3A_3, %sign3A_7 : vector<2048x16xi32>
    %sign3A_9 = arith.constant 0 : i32
    %sign3A_10 = arith.cmpi sgt, %jit3A, %sign3A_9 : i32
    %sign3A_11 = arith.extui %sign3A_10 : i1 to i32
    %sign3A_12 = arith.constant 0 : i32
    %sign3A_13 = arith.cmpi slt, %jit3A, %sign3A_12 : i32
    %sign3A_14 = arith.extui %sign3A_13 : i1 to i32
    %sign3A_15 = arith.subi %sign3A_11, %sign3A_14 : i32
    %ne3A = vector.broadcast %sign3A_15 : i32 to vector<2048x16xi32>
    %ne3A_16 = arith.cmpi ne, %sign3A_8, %ne3A : vector<2048x16xi32>
    %rem3A = vector.broadcast %jit3A : i32 to vector<2048x16xi32>
    %rem3A_17 = arith.remsi %iota3A, %rem3A : vector<2048x16xi32>
    %ne3A_18 = arith.constant 0 : i32
    %ne3A_19 = vector.broadcast %ne3A_18 : i32 to vector<2048x16xi32>
    %ne3A_20 = arith.cmpi ne, %rem3A_17, %ne3A_19 : vector<2048x16xi32>
    %and3A = arith.andi %ne3A_16, %ne3A_20 : vector<2048x16xi1>
    %sub3A = arith.constant 1 : i32
    %sub3A_21 = vector.broadcast %sub3A : i32 to vector<2048x16xi32>
    %sub3A_22 = arith.subi %div3A_0, %sub3A_21 : vector<2048x16xi32>
    %select_n3A = arith.select %and3A, %sub3A_22, %div3A_0 : vector<2048x16xi1>, vector<2048x16xi32>
    %iota3A_23 = tpu.iota {dimensions = array<i32: 1>} : vector<2048x16xi32>
    %eq3A = arith.cmpi eq, %select_n3A, %iota3A_23 : vector<2048x16xi32>
    %convert_element_type3A = arith.extui %eq3A : vector<2048x16xi1> to vector<2048x16xi32>
    %convert_element_type3A_24 = arith.sitofp %convert_element_type3A : vector<2048x16xi32> to vector<2048x16xf32>
    %iota3A_25 = tpu.iota {dimensions = array<i32: 0>} : vector<2048x128xi32>
    %jit3A_26 = arith.constant 128 : i32
    %eq3A_27 = arith.constant 0 : i32
    %eq3A_28 = arith.cmpi eq, %jit3A_26, %eq3A_27 : i32
    %jit3A_29 = arith.constant 1 : i32
    %select_n3A_30 = arith.select %eq3A_28, %jit3A_29, %jit3A_26 : i32
    %rem3A_31 = vector.broadcast %select_n3A_30 : i32 to vector<2048x128xi32>
    %rem3A_32 = arith.remsi %iota3A_25, %rem3A_31 : vector<2048x128xi32>
    %ne3A_33 = arith.constant 0 : i32
    %ne3A_34 = vector.broadcast %ne3A_33 : i32 to vector<2048x128xi32>
    %ne3A_35 = arith.cmpi ne, %rem3A_32, %ne3A_34 : vector<2048x128xi32>
    %lt3A = arith.constant 0 : i32
    %lt3A_36 = vector.broadcast %lt3A : i32 to vector<2048x128xi32>
    %lt3A_37 = arith.cmpi slt, %rem3A_32, %lt3A_36 : vector<2048x128xi32>
    %lt3A_38 = arith.constant 0 : i32
    %lt3A_39 = arith.cmpi slt, %select_n3A_30, %lt3A_38 : i32
    %ne3A_40 = vector.broadcast %lt3A_39 : i1 to vector<2048x128xi1>
    %ne3A_41 = vector.broadcast %ne3A_40 : vector<2048x128xi1> to vector<2048x128xi1>
    %ne3A_42 = arith.xori %lt3A_37, %ne3A_41 : vector<2048x128xi1>
    %and3A_43 = arith.andi %ne3A_42, %ne3A_35 : vector<2048x128xi1>
    %add3A = vector.broadcast %select_n3A_30 : i32 to vector<2048x128xi32>
    %add3A_44 = arith.addi %rem3A_32, %add3A : vector<2048x128xi32>
    %select_n3A_45 = arith.select %and3A_43, %add3A_44, %rem3A_32 : vector<2048x128xi1>, vector<2048x128xi32>
    %iota3A_46 = tpu.iota {dimensions = array<i32: 1>} : vector<2048x128xi32>
    %eq3A_47 = arith.cmpi eq, %select_n3A_45, %iota3A_46 : vector<2048x128xi32>
    %convert_element_type3A_48 = arith.extui %eq3A_47 : vector<2048x128xi1> to vector<2048x128xi32>
    %convert_element_type3A_49 = arith.sitofp %convert_element_type3A_48 : vector<2048x128xi32> to vector<2048x128xf32>
    %broadcast_in_dim3A = arith.constant 0.000000e+00 : f32
    %broadcast_in_dim3A_50 = vector.broadcast %broadcast_in_dim3A : f32 to vector<2048x128xf32>
    %get3A = arith.constant 0 : index
    %get3A_51 = arith.constant 0 : index
    %get3A_52 = arith.constant 0 : index
    %get3A_53 = vector.load %arg2[%get3A, %get3A_51, %get3A_52] : memref<3x16x128xf32, #tpu.memory_space<vmem>>, vector<1x16x128xf32>
    %get3A_54 = vector.shape_cast %get3A_53 : vector<1x16x128xf32> to vector<16x128xf32>
    %max3A = arith.constant 1.000000e+00 : f32
    %max3A_55 = vector.broadcast %max3A : f32 to vector<16x128xf32>
    %max3A_56 = arith.maximumf %get3A_54, %max3A_55 : vector<16x128xf32>
    %div3A_57 = arith.constant 1.000000e+00 : f32
    %div3A_58 = vector.broadcast %div3A_57 : f32 to vector<16x128xf32>
    %div3A_59 = arith.divf %div3A_58, %max3A_56 : vector<16x128xf32>
    %dot_general3A = arith.constant dense<0.000000e+00> : vector<2048x128xf32>
    %dot_general3A_60 = tpu.matmul %convert_element_type3A_24, %div3A_59, %dot_general3A {dimension_numbers = #tpu.dot_dimension_numbers<[1], [0], [0], [1], [0, 0, 1, 1], [], []>, transpose_lhs_hint = false} : vector<2048x16xf32>, vector<16x128xf32>, vector<2048x128xf32> -> vector<2048x128xf32>
    %mul3A = arith.mulf %dot_general3A_60, %convert_element_type3A_49 : vector<2048x128xf32>
    %reduce_sum3A = arith.constant dense<0.000000e+00> : vector<2048xf32>
    %reduce_sum3A_61 = vector.multi_reduction <add>, %mul3A, %reduce_sum3A [1] : vector<2048x128xf32> to vector<2048xf32>
    %broadcast_in_dim3A_62 = vector.shape_cast %reduce_sum3A_61 : vector<2048xf32> to vector<2048x1xf32>
    %get3A_63 = arith.constant 0 : index
    %get3A_64 = arith.constant 0 : index
    %get3A_65 = arith.constant 0 : index
    %get3A_66 = vector.load %arg1[%get3A_63, %get3A_64, %get3A_65] : memref<3x2048x128xf32, #tpu.memory_space<vmem>>, vector<1x2048x128xf32>
    %get3A_67 = vector.shape_cast %get3A_66 : vector<1x2048x128xf32> to vector<2048x128xf32>
    %mul3A_68 = vector.broadcast %broadcast_in_dim3A_62 : vector<2048x1xf32> to vector<2048x128xf32>
    %mul3A_69 = arith.mulf %get3A_67, %mul3A_68 : vector<2048x128xf32>
    %get3A_70 = arith.constant 0 : index
    %get3A_71 = arith.constant 0 : index
    %get3A_72 = arith.constant 0 : index
    %get3A_73 = vector.load %arg3[%get3A_70, %get3A_71, %get3A_72] : memref<3x128x128xf32, #tpu.memory_space<vmem>>, vector<1x128x128xf32>
    %get3A_74 = vector.shape_cast %get3A_73 : vector<1x128x128xf32> to vector<128x128xf32>
    %dot_general3A_75 = arith.constant dense<0.000000e+00> : vector<2048x128xf32>
    %dot_general3A_76 = tpu.matmul %mul3A_69, %get3A_74, %dot_general3A_75 {dimension_numbers = #tpu.dot_dimension_numbers<[1], [0], [0], [1], [0, 0, 1, 1], [], []>, transpose_lhs_hint = false} : vector<2048x128xf32>, vector<128x128xf32>, vector<2048x128xf32> -> vector<2048x128xf32>
    %get3A_77 = arith.constant 0 : index
    %get3A_78 = arith.constant 0 : index
    %get3A_79 = vector.load %arg4[%get3A_77, %get3A_78] : memref<3x128xf32, #tpu.memory_space<vmem>>, vector<1x128xf32>
    %get3A_80 = vector.shape_cast %get3A_79 : vector<1x128xf32> to vector<128xf32>
    %broadcast_in_dim3A_81 = vector.shape_cast %get3A_80 : vector<128xf32> to vector<1x128xf32>
    %add3A_82 = vector.broadcast %broadcast_in_dim3A_81 : vector<1x128xf32> to vector<2048x128xf32>
    %add3A_83 = arith.addf %dot_general3A_76, %add3A_82 : vector<2048x128xf32>
    %max3A_84 = arith.constant 0.000000e+00 : f32
    %max3A_85 = vector.broadcast %max3A_84 : f32 to vector<2048x128xf32>
    %max3A_86 = arith.maximumf %add3A_83, %max3A_85 : vector<2048x128xf32>
    %add3A_87 = arith.addf %broadcast_in_dim3A_50, %max3A_86 : vector<2048x128xf32>
    %get3A_88 = arith.constant 1 : index
    %get3A_89 = arith.constant 0 : index
    %get3A_90 = arith.constant 0 : index
    %get3A_91 = vector.load %arg2[%get3A_88, %get3A_89, %get3A_90] : memref<3x16x128xf32, #tpu.memory_space<vmem>>, vector<1x16x128xf32>
    %get3A_92 = vector.shape_cast %get3A_91 : vector<1x16x128xf32> to vector<16x128xf32>
    %max3A_93 = arith.constant 1.000000e+00 : f32
    %max3A_94 = vector.broadcast %max3A_93 : f32 to vector<16x128xf32>
    %max3A_95 = arith.maximumf %get3A_92, %max3A_94 : vector<16x128xf32>
    %div3A_96 = arith.constant 1.000000e+00 : f32
    %div3A_97 = vector.broadcast %div3A_96 : f32 to vector<16x128xf32>
    %div3A_98 = arith.divf %div3A_97, %max3A_95 : vector<16x128xf32>
    %dot_general3A_99 = arith.constant dense<0.000000e+00> : vector<2048x128xf32>
    %dot_general3A_100 = tpu.matmul %convert_element_type3A_24, %div3A_98, %dot_general3A_99 {dimension_numbers = #tpu.dot_dimension_numbers<[1], [0], [0], [1], [0, 0, 1, 1], [], []>, transpose_lhs_hint = false} : vector<2048x16xf32>, vector<16x128xf32>, vector<2048x128xf32> -> vector<2048x128xf32>
    %mul3A_101 = arith.mulf %dot_general3A_100, %convert_element_type3A_49 : vector<2048x128xf32>
    %reduce_sum3A_102 = arith.constant dense<0.000000e+00> : vector<2048xf32>
    %reduce_sum3A_103 = vector.multi_reduction <add>, %mul3A_101, %reduce_sum3A_102 [1] : vector<2048x128xf32> to vector<2048xf32>
    %broadcast_in_dim3A_104 = vector.shape_cast %reduce_sum3A_103 : vector<2048xf32> to vector<2048x1xf32>
    %get3A_105 = arith.constant 1 : index
    %get3A_106 = arith.constant 0 : index
    %get3A_107 = arith.constant 0 : index
    %get3A_108 = vector.load %arg1[%get3A_105, %get3A_106, %get3A_107] : memref<3x2048x128xf32, #tpu.memory_space<vmem>>, vector<1x2048x128xf32>
    %get3A_109 = vector.shape_cast %get3A_108 : vector<1x2048x128xf32> to vector<2048x128xf32>
    %mul3A_110 = vector.broadcast %broadcast_in_dim3A_104 : vector<2048x1xf32> to vector<2048x128xf32>
    %mul3A_111 = arith.mulf %get3A_109, %mul3A_110 : vector<2048x128xf32>
    %get3A_112 = arith.constant 1 : index
    %get3A_113 = arith.constant 0 : index
    %get3A_114 = arith.constant 0 : index
    %get3A_115 = vector.load %arg3[%get3A_112, %get3A_113, %get3A_114] : memref<3x128x128xf32, #tpu.memory_space<vmem>>, vector<1x128x128xf32>
    %get3A_116 = vector.shape_cast %get3A_115 : vector<1x128x128xf32> to vector<128x128xf32>
    %dot_general3A_117 = arith.constant dense<0.000000e+00> : vector<2048x128xf32>
    %dot_general3A_118 = tpu.matmul %mul3A_111, %get3A_116, %dot_general3A_117 {dimension_numbers = #tpu.dot_dimension_numbers<[1], [0], [0], [1], [0, 0, 1, 1], [], []>, transpose_lhs_hint = false} : vector<2048x128xf32>, vector<128x128xf32>, vector<2048x128xf32> -> vector<2048x128xf32>
    %get3A_119 = arith.constant 1 : index
    %get3A_120 = arith.constant 0 : index
    %get3A_121 = vector.load %arg4[%get3A_119, %get3A_120] : memref<3x128xf32, #tpu.memory_space<vmem>>, vector<1x128xf32>
    %get3A_122 = vector.shape_cast %get3A_121 : vector<1x128xf32> to vector<128xf32>
    %broadcast_in_dim3A_123 = vector.shape_cast %get3A_122 : vector<128xf32> to vector<1x128xf32>
    %add3A_124 = vector.broadcast %broadcast_in_dim3A_123 : vector<1x128xf32> to vector<2048x128xf32>
    %add3A_125 = arith.addf %dot_general3A_118, %add3A_124 : vector<2048x128xf32>
    %max3A_126 = arith.constant 0.000000e+00 : f32
    %max3A_127 = vector.broadcast %max3A_126 : f32 to vector<2048x128xf32>
    %max3A_128 = arith.maximumf %add3A_125, %max3A_127 : vector<2048x128xf32>
    %add3A_129 = arith.addf %add3A_87, %max3A_128 : vector<2048x128xf32>
    %get3A_130 = arith.constant 2 : index
    %get3A_131 = arith.constant 0 : index
    %get3A_132 = arith.constant 0 : index
    %get3A_133 = vector.load %arg2[%get3A_130, %get3A_131, %get3A_132] : memref<3x16x128xf32, #tpu.memory_space<vmem>>, vector<1x16x128xf32>
    %get3A_134 = vector.shape_cast %get3A_133 : vector<1x16x128xf32> to vector<16x128xf32>
    %max3A_135 = arith.constant 1.000000e+00 : f32
    %max3A_136 = vector.broadcast %max3A_135 : f32 to vector<16x128xf32>
    %max3A_137 = arith.maximumf %get3A_134, %max3A_136 : vector<16x128xf32>
    %div3A_138 = arith.constant 1.000000e+00 : f32
    %div3A_139 = vector.broadcast %div3A_138 : f32 to vector<16x128xf32>
    %div3A_140 = arith.divf %div3A_139, %max3A_137 : vector<16x128xf32>
    %dot_general3A_141 = arith.constant dense<0.000000e+00> : vector<2048x128xf32>
    %dot_general3A_142 = tpu.matmul %convert_element_type3A_24, %div3A_140, %dot_general3A_141 {dimension_numbers = #tpu.dot_dimension_numbers<[1], [0], [0], [1], [0, 0, 1, 1], [], []>, transpose_lhs_hint = false} : vector<2048x16xf32>, vector<16x128xf32>, vector<2048x128xf32> -> vector<2048x128xf32>
    %mul3A_143 = arith.mulf %dot_general3A_142, %convert_element_type3A_49 : vector<2048x128xf32>
    %reduce_sum3A_144 = arith.constant dense<0.000000e+00> : vector<2048xf32>
    %reduce_sum3A_145 = vector.multi_reduction <add>, %mul3A_143, %reduce_sum3A_144 [1] : vector<2048x128xf32> to vector<2048xf32>
    %broadcast_in_dim3A_146 = vector.shape_cast %reduce_sum3A_145 : vector<2048xf32> to vector<2048x1xf32>
    %get3A_147 = arith.constant 2 : index
    %get3A_148 = arith.constant 0 : index
    %get3A_149 = arith.constant 0 : index
    %get3A_150 = vector.load %arg1[%get3A_147, %get3A_148, %get3A_149] : memref<3x2048x128xf32, #tpu.memory_space<vmem>>, vector<1x2048x128xf32>
    %get3A_151 = vector.shape_cast %get3A_150 : vector<1x2048x128xf32> to vector<2048x128xf32>
    %mul3A_152 = vector.broadcast %broadcast_in_dim3A_146 : vector<2048x1xf32> to vector<2048x128xf32>
    %mul3A_153 = arith.mulf %get3A_151, %mul3A_152 : vector<2048x128xf32>
    %get3A_154 = arith.constant 2 : index
    %get3A_155 = arith.constant 0 : index
    %get3A_156 = arith.constant 0 : index
    %get3A_157 = vector.load %arg3[%get3A_154, %get3A_155, %get3A_156] : memref<3x128x128xf32, #tpu.memory_space<vmem>>, vector<1x128x128xf32>
    %get3A_158 = vector.shape_cast %get3A_157 : vector<1x128x128xf32> to vector<128x128xf32>
    %dot_general3A_159 = arith.constant dense<0.000000e+00> : vector<2048x128xf32>
    %dot_general3A_160 = tpu.matmul %mul3A_153, %get3A_158, %dot_general3A_159 {dimension_numbers = #tpu.dot_dimension_numbers<[1], [0], [0], [1], [0, 0, 1, 1], [], []>, transpose_lhs_hint = false} : vector<2048x128xf32>, vector<128x128xf32>, vector<2048x128xf32> -> vector<2048x128xf32>
    %get3A_161 = arith.constant 2 : index
    %get3A_162 = arith.constant 0 : index
    %get3A_163 = vector.load %arg4[%get3A_161, %get3A_162] : memref<3x128xf32, #tpu.memory_space<vmem>>, vector<1x128xf32>
    %get3A_164 = vector.shape_cast %get3A_163 : vector<1x128xf32> to vector<128xf32>
    %broadcast_in_dim3A_165 = vector.shape_cast %get3A_164 : vector<128xf32> to vector<1x128xf32>
    %add3A_166 = vector.broadcast %broadcast_in_dim3A_165 : vector<1x128xf32> to vector<2048x128xf32>
    %add3A_167 = arith.addf %dot_general3A_160, %add3A_166 : vector<2048x128xf32>
    %max3A_168 = arith.constant 0.000000e+00 : f32
    %max3A_169 = vector.broadcast %max3A_168 : f32 to vector<2048x128xf32>
    %max3A_170 = arith.maximumf %add3A_167, %max3A_169 : vector<2048x128xf32>
    %add3A_171 = arith.addf %add3A_129, %max3A_170 : vector<2048x128xf32>
    %swap3A = arith.constant 0 : index
    %swap3A_172 = arith.constant 0 : index
    %swap3A_173 = vector.load %arg5[%swap3A, %swap3A_172] : memref<2048x128xf32, #tpu.memory_space<vmem>>, vector<2048x128xf32>
    tpu.vector_store %arg5[%swap3A, %swap3A_172], %add3A_171 {strides = array<i32>} : memref<2048x128xf32, #tpu.memory_space<vmem>>, vector<2048x128xf32>,
    return
  }
  func.func @transform_0(%arg0: i32) -> (i32, i32, i32) {
    %c0_i32 = arith.constant 0 : i32
    %c0_i32_0 = arith.constant 0 : i32
    %c0_i32_1 = arith.constant 0 : i32
    return %c0_i32, %arg0, %c0_i32_0 : i32, i32, i32
  }
  func.func @transform_1(%arg0: i32) -> (i32, i32, i32) {
    %c0_i32 = arith.constant 0 : i32
    %c0_i32_0 = arith.constant 0 : i32
    %c0_i32_1 = arith.constant 0 : i32
    return %c0_i32, %arg0, %c0_i32_0 : i32, i32, i32
  }
  func.func @transform_2(%arg0: i32) -> (i32, i32, i32) {
    %c0_i32 = arith.constant 0 : i32
    %c0_i32_0 = arith.constant 0 : i32
    %c0_i32_1 = arith.constant 0 : i32
    %c0_i32_2 = arith.constant 0 : i32
    return %c0_i32, %c0_i32_0, %c0_i32_1 : i32, i32, i32
  }
  func.func @transform_3(%arg0: i32) -> (i32, i32) {
    %c0_i32 = arith.constant 0 : i32
    %c0_i32_0 = arith.constant 0 : i32
    %c0_i32_1 = arith.constant 0 : i32
    return %c0_i32, %c0_i32_0 : i32, i32
  }
  func.func @transform_4(%arg0: i32) -> (i32, i32) {
    %c0_i32 = arith.constant 0 : i32
    %c0_i32_0 = arith.constant 0 : i32
    return %arg0, %c0_i32 : i32, i32
  }
}

module attributes {stable_mosaic.version = 14 : i64} {
  func.func @body(%arg0: i32, %arg1: memref<3x2048x128xf32, #tpu.memory_space<vmem>>, %arg2: memref<3x16x128xf32, #tpu.memory_space<vmem>>, %arg3: memref<3x128x128xf32, #tpu.memory_space<vmem>>, %arg4: memref<3x128xf32, #tpu.memory_space<vmem>>, %arg5: memref<2048x128xf32, #tpu.memory_space<vmem>>) attributes {dimension_semantics = [#tpu.dimension_semantics<arbitrary>], iteration_bounds = array<i64: 5>, scalar_prefetch = 0 : i64, scratch_operands = 0 : i64, tpu.core_type = #tpu.core_type<tc>, window_params = [{transform_indices = @transform_0, window_bounds = array<i64: 3, 2048, 128>}, {transform_indices = @transform_1, window_bounds = array<i64: 3, 16, 128>}, {pipeline_mode = #tpu.pipeline_mode<synchronous>, transform_indices = @transform_2, window_bounds = array<i64: 3, 128, 128>}, {pipeline_mode = #tpu.pipeline_mode<synchronous>, transform_indices = @transform_3, window_bounds = array<i64: 3, 128>}, {transform_indices = @transform_4, window_bounds = array<i64: 2048, 128>}]} {
    %iota3A = tpu.iota {dimensions = array<i32: 0>} : vector<2048x16xi32>
    %jit3A = arith.constant 128 : i32
    %div3A = vector.broadcast %jit3A : i32 to vector<2048x16xi32>
    %div3A_0 = arith.divsi %iota3A, %div3A : vector<2048x16xi32>
    %sign3A = arith.constant 0 : i32
    %sign3A_1 = vector.broadcast %sign3A : i32 to vector<2048x16xi32>
    %sign3A_2 = arith.cmpi sgt, %iota3A, %sign3A_1 : vector<2048x16xi32>
    %sign3A_3 = arith.extui %sign3A_2 : vector<2048x16xi1> to vector<2048x16xi32>
    %sign3A_4 = arith.constant 0 : i32
    %sign3A_5 = vector.broadcast %sign3A_4 : i32 to vector<2048x16xi32>
    %sign3A_6 = arith.cmpi slt, %iota3A, %sign3A_5 : vector<2048x16xi32>
    %sign3A_7 = arith.extui %sign3A_6 : vector<2048x16xi1> to vector<2048x16xi32>
    %sign3A_8 = arith.subi %sign3A_3, %sign3A_7 : vector<2048x16xi32>
    %sign3A_9 = arith.constant 0 : i32
    %sign3A_10 = arith.cmpi sgt, %jit3A, %sign3A_9 : i32
    %sign3A_11 = arith.extui %sign3A_10 : i1 to i32
    %sign3A_12 = arith.constant 0 : i32
    %sign3A_13 = arith.cmpi slt, %jit3A, %sign3A_12 : i32
    %sign3A_14 = arith.extui %sign3A_13 : i1 to i32
    %sign3A_15 = arith.subi %sign3A_11, %sign3A_14 : i32
    %ne3A = vector.broadcast %sign3A_15 : i32 to vector<2048x16xi32>
    %ne3A_16 = arith.cmpi ne, %sign3A_8, %ne3A : vector<2048x16xi32>
    %rem3A = vector.broadcast %jit3A : i32 to vector<2048x16xi32>
    %rem3A_17 = arith.remsi %iota3A, %rem3A : vector<2048x16xi32>
    %ne3A_18 = arith.constant 0 : i32
    %ne3A_19 = vector.broadcast %ne3A_18 : i32 to vector<2048x16xi32>
    %ne3A_20 = arith.cmpi ne, %rem3A_17, %ne3A_19 : vector<2048x16xi32>
    %and3A = arith.andi %ne3A_16, %ne3A_20 : vector<2048x16xi1>
    %sub3A = arith.constant 1 : i32
    %sub3A_21 = vector.broadcast %sub3A : i32 to vector<2048x16xi32>
    %sub3A_22 = arith.subi %div3A_0, %sub3A_21 : vector<2048x16xi32>
    %select_n3A = arith.select %and3A, %sub3A_22, %div3A_0 : vector<2048x16xi1>, vector<2048x16xi32>
    %iota3A_23 = tpu.iota {dimensions = array<i32: 1>} : vector<2048x16xi32>
    %eq3A = arith.cmpi eq, %select_n3A, %iota3A_23 : vector<2048x16xi32>
    %convert_element_type3A = arith.extui %eq3A : vector<2048x16xi1> to vector<2048x16xi32>
    %convert_element_type3A_24 = arith.sitofp %convert_element_type3A : vector<2048x16xi32> to vector<2048x16xf32>
    %iota3A_25 = tpu.iota {dimensions = array<i32: 0>} : vector<2048x128xi32>
    %jit3A_26 = arith.constant 128 : i32
    %eq3A_27 = arith.constant 0 : i32
    %eq3A_28 = arith.cmpi eq, %jit3A_26, %eq3A_27 : i32
    %jit3A_29 = arith.constant 1 : i32
    %select_n3A_30 = arith.select %eq3A_28, %jit3A_29, %jit3A_26 : i32
    %rem3A_31 = vector.broadcast %select_n3A_30 : i32 to vector<2048x128xi32>
    %rem3A_32 = arith.remsi %iota3A_25, %rem3A_31 : vector<2048x128xi32>
    %ne3A_33 = arith.constant 0 : i32
    %ne3A_34 = vector.broadcast %ne3A_33 : i32 to vector<2048x128xi32>
    %ne3A_35 = arith.cmpi ne, %rem3A_32, %ne3A_34 : vector<2048x128xi32>
    %lt3A = arith.constant 0 : i32
    %lt3A_36 = vector.broadcast %lt3A : i32 to vector<2048x128xi32>
    %lt3A_37 = arith.cmpi slt, %rem3A_32, %lt3A_36 : vector<2048x128xi32>
    %lt3A_38 = arith.constant 0 : i32
    %lt3A_39 = arith.cmpi slt, %select_n3A_30, %lt3A_38 : i32
    %ne3A_40 = vector.broadcast %lt3A_39 : i1 to vector<2048x128xi1>
    %ne3A_41 = vector.broadcast %ne3A_40 : vector<2048x128xi1> to vector<2048x128xi1>
    %ne3A_42 = arith.xori %lt3A_37, %ne3A_41 : vector<2048x128xi1>
    %and3A_43 = arith.andi %ne3A_42, %ne3A_35 : vector<2048x128xi1>
    %add3A = vector.broadcast %select_n3A_30 : i32 to vector<2048x128xi32>
    %add3A_44 = arith.addi %rem3A_32, %add3A : vector<2048x128xi32>
    %select_n3A_45 = arith.select %and3A_43, %add3A_44, %rem3A_32 : vector<2048x128xi1>, vector<2048x128xi32>
    %iota3A_46 = tpu.iota {dimensions = array<i32: 1>} : vector<2048x128xi32>
    %eq3A_47 = arith.cmpi eq, %select_n3A_45, %iota3A_46 : vector<2048x128xi32>
    %convert_element_type3A_48 = arith.extui %eq3A_47 : vector<2048x128xi1> to vector<2048x128xi32>
    %convert_element_type3A_49 = arith.sitofp %convert_element_type3A_48 : vector<2048x128xi32> to vector<2048x128xf32>
    %broadcast_in_dim3A = arith.constant 0.000000e+00 : f32
    %broadcast_in_dim3A_50 = vector.broadcast %broadcast_in_dim3A : f32 to vector<2048x128xf32>
    %get3A = arith.constant 0 : index
    %get3A_51 = arith.constant 0 : index
    %get3A_52 = arith.constant 0 : index
    %get3A_53 = vector.load %arg2[%get3A, %get3A_51, %get3A_52] : memref<3x16x128xf32, #tpu.memory_space<vmem>>, vector<1x16x128xf32>
    %get3A_54 = vector.shape_cast %get3A_53 : vector<1x16x128xf32> to vector<16x128xf32>
    %max3A = arith.constant 1.000000e+00 : f32
    %max3A_55 = vector.broadcast %max3A : f32 to vector<16x128xf32>
    %max3A_56 = arith.maximumf %get3A_54, %max3A_55 : vector<16x128xf32>
    %div3A_57 = arith.constant 1.000000e+00 : f32
    %div3A_58 = vector.broadcast %div3A_57 : f32 to vector<16x128xf32>
    %div3A_59 = arith.divf %div3A_58, %max3A_56 : vector<16x128xf32>
    %dot_general3A = arith.constant dense<0.000000e+00> : vector<2048x128xf32>
    %dot_general3A_60 = tpu.matmul %convert_element_type3A_24, %div3A_59, %dot_general3A {dimension_numbers = #tpu.dot_dimension_numbers<[1], [0], [0], [1], [0, 0, 1, 1], [], []>, transpose_lhs_hint = false} : vector<2048x16xf32>, vector<16x128xf32>, vector<2048x128xf32> -> vector<2048x128xf32>
    %mul3A = arith.mulf %dot_general3A_60, %convert_element_type3A_49 : vector<2048x128xf32>
    %reduce_sum3A = arith.constant dense<0.000000e+00> : vector<2048xf32>
    %reduce_sum3A_61 = vector.multi_reduction <add>, %mul3A, %reduce_sum3A [1] : vector<2048x128xf32> to vector<2048xf32>
    %broadcast_in_dim3A_62 = vector.shape_cast %reduce_sum3A_61 : vector<2048xf32> to vector<2048x1xf32>
    %get3A_63 = arith.constant 0 : index
    %get3A_64 = arith.constant 0 : index
    %get3A_65 = arith.constant 0 : index
    %get3A_66 = vector.load %arg1[%get3A_63, %get3A_64, %get3A_65] : memref<3x2048x128xf32, #tpu.memory_space<vmem>>, vector<1x2048x128xf32>
    %get3A_67 = vector.shape_cast %get3A_66 : vector<1x2048x128xf32> to vector<2048x128xf32>
    %mul3A_68 = vector.broadcast %broadcast_in_dim3A_62 : vector<2048x1xf32> to vector<2048x128xf32>
    %mul3A_69 = arith.mulf %get3A_67, %mul3A_68 : vector<2048x128xf32>
    %get3A_70 = arith.constant 0 : index
    %get3A_71 = arith.constant 0 : index
    %get3A_72 = arith.constant 0 : index
    %get3A_73 = vector.load %arg3[%get3A_70, %get3A_71, %get3A_72] : memref<3x128x128xf32, #tpu.memory_space<vmem>>, vector<1x128x128xf32>
    %get3A_74 = vector.shape_cast %get3A_73 : vector<1x128x128xf32> to vector<128x128xf32>
    %dot_general3A_75 = arith.constant dense<0.000000e+00> : vector<2048x128xf32>
    %dot_general3A_76 = tpu.matmul %mul3A_69, %get3A_74, %dot_general3A_75 {dimension_numbers = #tpu.dot_dimension_numbers<[1], [0], [0], [1], [0, 0, 1, 1], [], []>, transpose_lhs_hint = false} : vector<2048x128xf32>, vector<128x128xf32>, vector<2048x128xf32> -> vector<2048x128xf32>
    %get3A_77 = arith.constant 0 : index
    %get3A_78 = arith.constant 0 : index
    %get3A_79 = vector.load %arg4[%get3A_77, %get3A_78] : memref<3x128xf32, #tpu.memory_space<vmem>>, vector<1x128xf32>
    %get3A_80 = vector.shape_cast %get3A_79 : vector<1x128xf32> to vector<128xf32>
    %broadcast_in_dim3A_81 = vector.shape_cast %get3A_80 : vector<128xf32> to vector<1x128xf32>
    %add3A_82 = vector.broadcast %broadcast_in_dim3A_81 : vector<1x128xf32> to vector<2048x128xf32>
    %add3A_83 = arith.addf %dot_general3A_76, %add3A_82 : vector<2048x128xf32>
    %add3A_84 = arith.addf %broadcast_in_dim3A_50, %add3A_83 : vector<2048x128xf32>
    %get3A_85 = arith.constant 1 : index
    %get3A_86 = arith.constant 0 : index
    %get3A_87 = arith.constant 0 : index
    %get3A_88 = vector.load %arg2[%get3A_85, %get3A_86, %get3A_87] : memref<3x16x128xf32, #tpu.memory_space<vmem>>, vector<1x16x128xf32>
    %get3A_89 = vector.shape_cast %get3A_88 : vector<1x16x128xf32> to vector<16x128xf32>
    %max3A_90 = arith.constant 1.000000e+00 : f32
    %max3A_91 = vector.broadcast %max3A_90 : f32 to vector<16x128xf32>
    %max3A_92 = arith.maximumf %get3A_89, %max3A_91 : vector<16x128xf32>
    %div3A_93 = arith.constant 1.000000e+00 : f32
    %div3A_94 = vector.broadcast %div3A_93 : f32 to vector<16x128xf32>
    %div3A_95 = arith.divf %div3A_94, %max3A_92 : vector<16x128xf32>
    %dot_general3A_96 = arith.constant dense<0.000000e+00> : vector<2048x128xf32>
    %dot_general3A_97 = tpu.matmul %convert_element_type3A_24, %div3A_95, %dot_general3A_96 {dimension_numbers = #tpu.dot_dimension_numbers<[1], [0], [0], [1], [0, 0, 1, 1], [], []>, transpose_lhs_hint = false} : vector<2048x16xf32>, vector<16x128xf32>, vector<2048x128xf32> -> vector<2048x128xf32>
    %mul3A_98 = arith.mulf %dot_general3A_97, %convert_element_type3A_49 : vector<2048x128xf32>
    %reduce_sum3A_99 = arith.constant dense<0.000000e+00> : vector<2048xf32>
    %reduce_sum3A_100 = vector.multi_reduction <add>, %mul3A_98, %reduce_sum3A_99 [1] : vector<2048x128xf32> to vector<2048xf32>
    %broadcast_in_dim3A_101 = vector.shape_cast %reduce_sum3A_100 : vector<2048xf32> to vector<2048x1xf32>
    %get3A_102 = arith.constant 1 : index
    %get3A_103 = arith.constant 0 : index
    %get3A_104 = arith.constant 0 : index
    %get3A_105 = vector.load %arg1[%get3A_102, %get3A_103, %get3A_104] : memref<3x2048x128xf32, #tpu.memory_space<vmem>>, vector<1x2048x128xf32>
    %get3A_106 = vector.shape_cast %get3A_105 : vector<1x2048x128xf32> to vector<2048x128xf32>
    %mul3A_107 = vector.broadcast %broadcast_in_dim3A_101 : vector<2048x1xf32> to vector<2048x128xf32>
    %mul3A_108 = arith.mulf %get3A_106, %mul3A_107 : vector<2048x128xf32>
    %get3A_109 = arith.constant 1 : index
    %get3A_110 = arith.constant 0 : index
    %get3A_111 = arith.constant 0 : index
    %get3A_112 = vector.load %arg3[%get3A_109, %get3A_110, %get3A_111] : memref<3x128x128xf32, #tpu.memory_space<vmem>>, vector<1x128x128xf32>
    %get3A_113 = vector.shape_cast %get3A_112 : vector<1x128x128xf32> to vector<128x128xf32>
    %dot_general3A_114 = arith.constant dense<0.000000e+00> : vector<2048x128xf32>
    %dot_general3A_115 = tpu.matmul %mul3A_108, %get3A_113, %dot_general3A_114 {dimension_numbers = #tpu.dot_dimension_numbers<[1], [0], [0], [1], [0, 0, 1, 1], [], []>, transpose_lhs_hint = false} : vector<2048x128xf32>, vector<128x128xf32>, vector<2048x128xf32> -> vector<2048x128xf32>
    %get3A_116 = arith.constant 1 : index
    %get3A_117 = arith.constant 0 : index
    %get3A_118 = vector.load %arg4[%get3A_116, %get3A_117] : memref<3x128xf32, #tpu.memory_space<vmem>>, vector<1x128xf32>
    %get3A_119 = vector.shape_cast %get3A_118 : vector<1x128xf32> to vector<128xf32>
    %broadcast_in_dim3A_120 = vector.shape_cast %get3A_119 : vector<128xf32> to vector<1x128xf32>
    %add3A_121 = vector.broadcast %broadcast_in_dim3A_120 : vector<1x128xf32> to vector<2048x128xf32>
    %add3A_122 = arith.addf %dot_general3A_115, %add3A_121 : vector<2048x128xf32>
    %add3A_123 = arith.addf %add3A_84, %add3A_122 : vector<2048x128xf32>
    %get3A_124 = arith.constant 2 : index
    %get3A_125 = arith.constant 0 : index
    %get3A_126 = arith.constant 0 : index
    %get3A_127 = vector.load %arg2[%get3A_124, %get3A_125, %get3A_126] : memref<3x16x128xf32, #tpu.memory_space<vmem>>, vector<1x16x128xf32>
    %get3A_128 = vector.shape_cast %get3A_127 : vector<1x16x128xf32> to vector<16x128xf32>
    %max3A_129 = arith.constant 1.000000e+00 : f32
    %max3A_130 = vector.broadcast %max3A_129 : f32 to vector<16x128xf32>
    %max3A_131 = arith.maximumf %get3A_128, %max3A_130 : vector<16x128xf32>
    %div3A_132 = arith.constant 1.000000e+00 : f32
    %div3A_133 = vector.broadcast %div3A_132 : f32 to vector<16x128xf32>
    %div3A_134 = arith.divf %div3A_133, %max3A_131 : vector<16x128xf32>
    %dot_general3A_135 = arith.constant dense<0.000000e+00> : vector<2048x128xf32>
    %dot_general3A_136 = tpu.matmul %convert_element_type3A_24, %div3A_134, %dot_general3A_135 {dimension_numbers = #tpu.dot_dimension_numbers<[1], [0], [0], [1], [0, 0, 1, 1], [], []>, transpose_lhs_hint = false} : vector<2048x16xf32>, vector<16x128xf32>, vector<2048x128xf32> -> vector<2048x128xf32>
    %mul3A_137 = arith.mulf %dot_general3A_136, %convert_element_type3A_49 : vector<2048x128xf32>
    %reduce_sum3A_138 = arith.constant dense<0.000000e+00> : vector<2048xf32>
    %reduce_sum3A_139 = vector.multi_reduction <add>, %mul3A_137, %reduce_sum3A_138 [1] : vector<2048x128xf32> to vector<2048xf32>
    %broadcast_in_dim3A_140 = vector.shape_cast %reduce_sum3A_139 : vector<2048xf32> to vector<2048x1xf32>
    %get3A_141 = arith.constant 2 : index
    %get3A_142 = arith.constant 0 : index
    %get3A_143 = arith.constant 0 : index
    %get3A_144 = vector.load %arg1[%get3A_141, %get3A_142, %get3A_143] : memref<3x2048x128xf32, #tpu.memory_space<vmem>>, vector<1x2048x128xf32>
    %get3A_145 = vector.shape_cast %get3A_144 : vector<1x2048x128xf32> to vector<2048x128xf32>
    %mul3A_146 = vector.broadcast %broadcast_in_dim3A_140 : vector<2048x1xf32> to vector<2048x128xf32>
    %mul3A_147 = arith.mulf %get3A_145, %mul3A_146 : vector<2048x128xf32>
    %get3A_148 = arith.constant 2 : index
    %get3A_149 = arith.constant 0 : index
    %get3A_150 = arith.constant 0 : index
    %get3A_151 = vector.load %arg3[%get3A_148, %get3A_149, %get3A_150] : memref<3x128x128xf32, #tpu.memory_space<vmem>>, vector<1x128x128xf32>
    %get3A_152 = vector.shape_cast %get3A_151 : vector<1x128x128xf32> to vector<128x128xf32>
    %dot_general3A_153 = arith.constant dense<0.000000e+00> : vector<2048x128xf32>
    %dot_general3A_154 = tpu.matmul %mul3A_147, %get3A_152, %dot_general3A_153 {dimension_numbers = #tpu.dot_dimension_numbers<[1], [0], [0], [1], [0, 0, 1, 1], [], []>, transpose_lhs_hint = false} : vector<2048x128xf32>, vector<128x128xf32>, vector<2048x128xf32> -> vector<2048x128xf32>
    %get3A_155 = arith.constant 2 : index
    %get3A_156 = arith.constant 0 : index
    %get3A_157 = vector.load %arg4[%get3A_155, %get3A_156] : memref<3x128xf32, #tpu.memory_space<vmem>>, vector<1x128xf32>
    %get3A_158 = vector.shape_cast %get3A_157 : vector<1x128xf32> to vector<128xf32>
    %broadcast_in_dim3A_159 = vector.shape_cast %get3A_158 : vector<128xf32> to vector<1x128xf32>
    %add3A_160 = vector.broadcast %broadcast_in_dim3A_159 : vector<1x128xf32> to vector<2048x128xf32>
    %add3A_161 = arith.addf %dot_general3A_154, %add3A_160 : vector<2048x128xf32>
    %add3A_162 = arith.addf %add3A_123, %add3A_161 : vector<2048x128xf32>
    %swap3A = arith.constant 0 : index
    %swap3A_163 = arith.constant 0 : index
    %swap3A_164 = vector.load %arg5[%swap3A, %swap3A_163] : memref<2048x128xf32, #tpu.memory_space<vmem>>, vector<2048x128xf32>
    tpu.vector_store %arg5[%swap3A, %swap3A_163], %add3A_162 {strides = array<i32>} : memref<2048x128xf32, #tpu.memory_space<vmem>>, vector<2048x128xf32>,
    return
  }
  func.func @transform_0(%arg0: i32) -> (i32, i32, i32) {
    %c0_i32 = arith.constant 0 : i32
    %c0_i32_0 = arith.constant 0 : i32
    %c0_i32_1 = arith.constant 0 : i32
    return %c0_i32, %arg0, %c0_i32_0 : i32, i32, i32
  }
  func.func @transform_1(%arg0: i32) -> (i32, i32, i32) {
    %c0_i32 = arith.constant 0 : i32
    %c0_i32_0 = arith.constant 0 : i32
    %c0_i32_1 = arith.constant 0 : i32
    return %c0_i32, %arg0, %c0_i32_0 : i32, i32, i32
  }
  func.func @transform_2(%arg0: i32) -> (i32, i32, i32) {
    %c0_i32 = arith.constant 0 : i32
    %c0_i32_0 = arith.constant 0 : i32
    %c0_i32_1 = arith.constant 0 : i32
    %c0_i32_2 = arith.constant 0 : i32
    return %c0_i32, %c0_i32_0, %c0_i32_1 : i32, i32, i32
  }
  func.func @transform_3(%arg0: i32) -> (i32, i32) {
    %c0_i32 = arith.constant 0 : i32
    %c0_i32_0 = arith.constant 0 : i32
    %c0_i32_1 = arith.constant 0 : i32
    return %c0_i32, %c0_i32_0 : i32, i32
  }
  func.func @transform_4(%arg0: i32) -> (i32, i32) {
    %c0_i32 = arith.constant 0 : i32
    %c0_i32_0 = arith.constant 0 : i32
    return %arg0, %c0_i32 : i32, i32
  }
}

module attributes {stable_mosaic.version = 14 : i64} {
  func.func @body(%arg0: i32, %arg1: memref<14336x128xf32, #tpu.memory_space<vmem>>, %arg2: memref<128x128xf32, #tpu.memory_space<vmem>>, %arg3: memref<1x128xf32, #tpu.memory_space<vmem>>, %arg4: memref<1x128xf32, #tpu.memory_space<vmem>>, %arg5: memref<1xf32, #tpu.memory_space<smem>>, %arg6: memref<56x256xf32, #tpu.memory_space<vmem>>) attributes {dimension_semantics = [#tpu.dimension_semantics<arbitrary>], iteration_bounds = array<i64: 7>, scalar_prefetch = 0 : i64, scratch_operands = 0 : i64, tpu.core_type = #tpu.core_type<tc>, window_params = [{transform_indices = @transform_0, window_bounds = array<i64: 14336, 128>}, {pipeline_mode = #tpu.pipeline_mode<synchronous>, transform_indices = @transform_1, window_bounds = array<i64: 128, 128>}, {pipeline_mode = #tpu.pipeline_mode<synchronous>, transform_indices = @transform_2, window_bounds = array<i64: 1, 128>}, {pipeline_mode = #tpu.pipeline_mode<synchronous>, transform_indices = @transform_3, window_bounds = array<i64: 1, 128>}, {transform_indices = @transform_4, window_bounds = array<i64: 1>}, {transform_indices = @transform_5, window_bounds = array<i64: 56, 256>}]} {
    %get3A = arith.constant 0 : index
    %get3A_0 = arith.constant 0 : index
    %get3A_1 = vector.load %arg1[%get3A, %get3A_0] : memref<14336x128xf32, #tpu.memory_space<vmem>>, vector<14336x128xf32>
    %get3A_2 = arith.constant 0 : index
    %get3A_3 = arith.constant 0 : index
    %get3A_4 = vector.load %arg2[%get3A_2, %get3A_3] : memref<128x128xf32, #tpu.memory_space<vmem>>, vector<128x128xf32>
    %dot_general3A = arith.constant dense<0.000000e+00> : vector<14336x128xf32>
    %dot_general3A_5 = tpu.matmul %get3A_1, %get3A_4, %dot_general3A {dimension_numbers = #tpu.dot_dimension_numbers<[1], [0], [0], [1], [0, 0, 1, 1], [], []>, transpose_lhs_hint = false} : vector<14336x128xf32>, vector<128x128xf32>, vector<14336x128xf32> -> vector<14336x128xf32>
    %get3A_6 = arith.constant 0 : index
    %get3A_7 = arith.constant 0 : index
    %get3A_8 = vector.load %arg3[%get3A_6, %get3A_7] : memref<1x128xf32, #tpu.memory_space<vmem>>, vector<1x128xf32>
    %add3A = vector.broadcast %get3A_8 : vector<1x128xf32> to vector<14336x128xf32>
    %add3A_9 = arith.addf %dot_general3A_5, %add3A : vector<14336x128xf32>
    %max3A = arith.constant 0.000000e+00 : f32
    %max3A_10 = vector.broadcast %max3A : f32 to vector<14336x128xf32>
    %max3A_11 = arith.maximumf %add3A_9, %max3A_10 : vector<14336x128xf32>
    %get3A_12 = arith.constant 0 : index
    %get3A_13 = arith.constant 0 : index
    %get3A_14 = vector.load %arg4[%get3A_12, %get3A_13] : memref<1x128xf32, #tpu.memory_space<vmem>>, vector<1x128xf32>
    %mul3A = vector.broadcast %get3A_14 : vector<1x128xf32> to vector<14336x128xf32>
    %mul3A_15 = arith.mulf %max3A_11, %mul3A : vector<14336x128xf32>
    %reduce_sum3A = arith.constant dense<0.000000e+00> : vector<14336xf32>
    %reduce_sum3A_16 = vector.multi_reduction <add>, %mul3A_15, %reduce_sum3A [1] : vector<14336x128xf32> to vector<14336xf32>
    %get3A_17 = arith.constant 0 : index
    %get3A_18 = memref.load %arg5[%get3A_17] : memref<1xf32, #tpu.memory_space<smem>>
    %add3A_19 = vector.broadcast %get3A_18 : f32 to vector<14336xf32>
    %add3A_20 = arith.addf %reduce_sum3A_16, %add3A_19 : vector<14336xf32>
    %logistic3A = arith.negf %add3A_20 : vector<14336xf32>
    %logistic3A_21 = math.exp %logistic3A : vector<14336xf32>
    %logistic3A_22 = arith.constant 1.000000e+00 : f32
    %logistic3A_23 = vector.broadcast %logistic3A_22 : f32 to vector<14336xf32>
    %logistic3A_24 = arith.addf %logistic3A_23, %logistic3A_21 : vector<14336xf32>
    %logistic3A_25 = arith.divf %logistic3A_23, %logistic3A_24 : vector<14336xf32>
    %reshape3A = vector.shape_cast %logistic3A_25 : vector<14336xf32> to vector<56x256xf32>
    %swap3A = arith.constant 0 : index
    %swap3A_26 = arith.constant 0 : index
    %swap3A_27 = vector.load %arg6[%swap3A, %swap3A_26] : memref<56x256xf32, #tpu.memory_space<vmem>>, vector<56x256xf32>
    tpu.vector_store %arg6[%swap3A, %swap3A_26], %reshape3A {strides = array<i32>} : memref<56x256xf32, #tpu.memory_space<vmem>>, vector<56x256xf32>,
    return
  }
  func.func @transform_0(%arg0: i32) -> (i32, i32) {
    %c0_i32 = arith.constant 0 : i32
    %c0_i32_0 = arith.constant 0 : i32
    return %arg0, %c0_i32 : i32, i32
  }
  func.func @transform_1(%arg0: i32) -> (i32, i32) {
    %c0_i32 = arith.constant 0 : i32
    %c0_i32_0 = arith.constant 0 : i32
    %c0_i32_1 = arith.constant 0 : i32
    return %c0_i32, %c0_i32_0 : i32, i32
  }
  func.func @transform_2(%arg0: i32) -> (i32, i32) {
    %c0_i32 = arith.constant 0 : i32
    %c0_i32_0 = arith.constant 0 : i32
    %c0_i32_1 = arith.constant 0 : i32
    return %c0_i32, %c0_i32_0 : i32, i32
  }
  func.func @transform_3(%arg0: i32) -> (i32, i32) {
    %c0_i32 = arith.constant 0 : i32
    %c0_i32_0 = arith.constant 0 : i32
    %c0_i32_1 = arith.constant 0 : i32
    return %c0_i32, %c0_i32_0 : i32, i32
  }
  func.func @transform_4(%arg0: i32) -> i32 {
    %c0_i32 = arith.constant 0 : i32
    %c0_i32_0 = arith.constant 0 : i32
    return %c0_i32 : i32
  }
  func.func @transform_5(%arg0: i32) -> (i32, i32) {
    %c0_i32 = arith.constant 0 : i32
    %c0_i32_0 = arith.constant 0 : i32
    return %arg0, %c0_i32 : i32, i32
  }
}

</mosaic_0001>

<sc_bundles>
// kernel: kernel.11.cloned.1.call-start
scs
__scs_entry_jumppad:
0x0: {  	(pc) =	sbr.rel $0x88, $3  }
0x1: {  	(tag) =	ssettag $0x0;
	lr =	simm.s32 $0x1  }
0x2: {  	[smem:$0x3F8B] =	sst lr;
	_ =	strace $0xD0000000  }
0x3: {  	_ = 	snop  }
0x4: {  	_ = 	snop  }
0x5: {  	_ = 	snop  }
0x6: {  	_ = 	snop  }
0x7: {  	_ = 	snop  }
__scs_overlays_trampoline_lowered:
0x8: {  	[smem:$0x3F9A] =	sst s0  }
0x9: {  	[smem:$0x3F9B] =	sst s1  }
0xa: {  	[smem:$0x3F9C] =	sst s2  }
0xb: {  	[smem:$0x3F9D] =	sst s3  }
0xc: {  	[smem:$0x3F9E] =	sst s4  }
0xd: {  	[smem:$0x3F9F] =	sst s5  }
0xe: {  	[smem:$0x3FA0] =	sst s6  }
0xf: {  	[smem:$0x3FA1] =	sst s7  }
0x10: {  	[smem:$0x3FA2] =	sst s8  }
0x11: {  	[smem:$0x3FA3] =	sst s9;
	s0 =	simm.s32 @!p0 $0x0  }
0x12: {  	s1 =	sld [smem:$0x3F89];
	s0 =	simm.s32 @p0 $0x1  }
0x13: {  	[smem:$0x3FA4] =	sst s0;
	s0 =	simm.s32 @!p1 $0x0  }
0x14: {  	s2 =	sld [smem:$0x3F88];
	s0 =	simm.s32 @p1 $0x1  }
0x15: {  	[smem:$0x3FA5] =	sst s0;
	s0 =	simm.s32 @!p2 $0x0  }
0x16: {  	s3 =	sld [smem:$0x3FDB];
	s0 =	simm.s32 @p2 $0x1  }
0x17: {  	s4 =	simm.s32 $0x1BF5;
	[smem:$0x3FA7] =	sst s0  }
0x18: {  	s0 =	sld [smem:$0x3F8A];
	_ =	swait.ge [sflag:s4], $0x0  }
0x19: {  	s7 =	sld [smem:$0x3F8B]  }
0x1a: {  	s8 =	sadd.s32 $0xFFFFE003, lr  }
0x1b: {  	s9 =	sadd.s32 $0xFFFFFEF7, lr;
	s5 =	simm.s32 $0xFFFFFFFF;
	p2 =	slt.u32 s8, $0xFFFFF086  }
0x1c: {  	p1 =	slt.u32 s9, $0xF7A;
	s5 =	simm.s32 @!p2 $0x0  }
0x1d: {  	s5 =	simm.s32 @p1 $0x1;
	p0 =	seq.s32 s7, s2  }
0x1e: {  	s7 =	smul.u32 @!p0 $0xF7A, s2;
	p2 =	seq.s32 @!p0 s5, $0x0  }
0x1f: {  	s9 =	smul.u32 $0xF7A, s1;
	s8 =	simm.s32 @!p0 $0x1BF5;
	p2 =	por !p2, p0  }
0x20: {  	[sflag:s8] =	ssyncset.s32 @!p0 $0xFFFFF086;
	s6 =	sadd.s32 @!p0 s3, s7;
	s7 =	simm.s32 @!p0 $0x108  }
0x21: {  	s3 =	sadd.s32 s3, s9;
	s6 =	sadd.s32 @!p0 $0x88, s6;
	s7 =	simm.s32 @p2 $0x1082  }
0x22: {  	[simem:s7], [sflag:s8] =	dma.local @!p0 [hbm:s6], $0xF7A  }
0x23: {  	s9 =	sor.u32 $0xD0000000, s2;
	s6 =	simm.s32 $0x108;
	_ =	swait.ge @!p0 [sflag:s8], $0x0  }
0x24: {  	s3 =	sadd.s32 $0x88, s3;
	s6 =	simm.s32 @!p1 $0x1082;
	[sflag:s4] =	ssyncset.s32 $0xFFFFF086  }
0x25: {  	[simem:s6], [sflag:s4] =	dma.local [hbm:s3], $0xF7A  }
0x26: {  	[smem:$0x3F8B] =	sst s1;
	(tag) =	ssettag s2;
	_ =	strace s9  }
0x27: {  	s1 =	sld [smem:$0x3F9B]  }
0x28: {  	s2 =	sld [smem:$0x3F9C]  }
0x29: {  	s4 =	sld [smem:$0x3F9E]  }
0x2a: {  	p0 =	seq.s32 s5, $0x0;
	s5 =	sld [smem:$0x3F9F]  }
0x2b: {  	s6 =	sld [smem:$0x3FA0]  }
0x2c: {  	s7 =	sld [smem:$0x3FA1]  }
0x2d: {  	s3 =	simm.s32 $0x108;
	s8 =	sld [smem:$0x3FA2]  }
0x2e: {  	s3 =	simm.s32 @!p0 $0x1082;
	s9 =	sld [smem:$0x3FA3]  }
0x2f: {  	lr =	sadd.s32 s0, s3;
	s0 =	sld [smem:$0x3F9A]  }
0x30: {  	s3 =	sld [smem:$0x3F9D]  }
0x31: {  	[smem:$0x3FA6] =	sst s10  }
0x32: {  	s10 =	sld [smem:$0x3FA4];
	_ =	sdelay $0x3  }
0x33: {  	p0 =	seq.s32 s10, $0x1;
	s10 =	sld [smem:$0x3FA6];
	_ =	sdelay $0x3  }
0x34: {  	[smem:$0x3FA6] =	sst s10  }
0x35: {  	s10 =	sld [smem:$0x3FA5];
	_ =	sdelay $0x3  }
0x36: {  	p1 =	seq.s32 s10, $0x1;
	s10 =	sld [smem:$0x3FA6];
	_ =	sdelay $0x3  }
0x37: {  	[smem:$0x3FA6] =	sst s10  }
0x38: {  	s10 =	sld [smem:$0x3FA7]  }
0x39: {  	_ = 	snop;
	(pc) =	sbr.ind lr, $3  }
0x3a: {  	_ = 	snop  }
0x3b: {  	_ = 	snop  }
0x3c: {  	p2 =	seq.s32 s10, $0x1;
	s10 =	sld [smem:$0x3FA6]  }
0x3d: {  	_ =	shalt  }
0x3e: {  	_ =	shalt  }
0x3f: {  	_ =	shalt  }
0x40: {  	_ =	shalt  }
0x41: {  	_ =	shalt  }
0x42: {  	_ =	shalt  }
0x43: {  	_ =	shalt  }
0x44: {  	_ =	shalt  }
0x45: {  	_ =	shalt  }
0x46: {  	_ =	shalt  }
0x47: {  	_ =	shalt  }
0x48: {  	_ =	shalt  }
0x49: {  	_ =	shalt  }
0x4a: {  	_ =	shalt  }
0x4b: {  	_ =	shalt  }
0x4c: {  	_ =	shalt  }
0x4d: {  	_ =	shalt  }
0x4e: {  	_ =	shalt  }
0x4f: {  	_ =	shalt  }
0x50: {  	_ =	shalt  }
0x51: {  	_ =	shalt  }
0x52: {  	_ =	shalt  }
0x53: {  	_ =	shalt  }
0x54: {  	_ =	shalt  }
0x55: {  	_ =	shalt  }
0x56: {  	_ =	shalt  }
0x57: {  	_ =	shalt  }
0x58: {  	_ =	shalt  }
0x59: {  	_ =	shalt  }
0x5a: {  	_ =	shalt  }
0x5b: {  	_ =	shalt  }
0x5c: {  	_ =	shalt  }
0x5d: {  	_ =	shalt  }
0x5e: {  	_ =	shalt  }
0x5f: {  	_ =	shalt  }
0x60: {  	_ =	shalt  }
0x61: {  	_ =	shalt  }
0x62: {  	_ =	shalt  }
0x63: {  	_ =	shalt  }
0x64: {  	_ =	shalt  }
0x65: {  	_ =	shalt  }
0x66: {  	_ =	shalt  }
0x67: {  	_ =	shalt  }
0x68: {  	_ =	shalt  }
0x69: {  	_ =	shalt  }
0x6a: {  	_ =	shalt  }
0x6b: {  	_ =	shalt  }
0x6c: {  	_ =	shalt  }
0x6d: {  	_ =	shalt  }
0x6e: {  	_ =	shalt  }
0x6f: {  	_ =	shalt  }
0x70: {  	_ =	shalt  }
0x71: {  	_ =	shalt  }
0x72: {  	_ =	shalt  }
0x73: {  	_ =	shalt  }
0x74: {  	_ =	shalt  }
0x75: {  	_ =	shalt  }
0x76: {  	_ =	shalt  }
0x77: {  	_ =	shalt  }
0x78: {  	_ =	shalt  }
0x79: {  	_ =	shalt  }
0x7a: {  	_ =	shalt  }
0x7b: {  	_ =	shalt  }
0x7c: {  	_ =	shalt  }
0x7d: {  	_ =	shalt  }
0x7e: {  	_ =	shalt  }
0x7f: {  	_ =	shalt  }
0x80: {  	_ =	shalt  }
0x81: {  	_ =	shalt  }
0x82: {  	_ =	shalt  }
0x83: {  	_ =	shalt  }
0x84: {  	_ =	shalt  }
0x85: {  	_ =	shalt  }
0x86: {  	_ =	shalt  }
0x87: {  	_ =	shalt  }
.Lfunc_end0:
.L_simem_size_0:
called_computation.1_lowered:
.L_overlay_start_0:
0x88: {  	s2 =	sld [smem:$0x3FD9]  }
0x89: {  	s3 =	sld [smem:$0x3FFE];
	_ =	sdelay $0x1  }
0x8a: {  	s1 =	srdreg.scid  }
0x8b: {  	s0 =	sand.u32 $0x1, s1  }
0x8c: {  	s16 =	sshll.u32 s0, $0xA;
	s2 =	sadd.s32 s3, s2  }
0x8d: {  	s2 =	sadd.s32 s2, s16  }
0x8e: {  	[smem:$0x3FB2] =	sst s2  }
0x8f: {  	_ = 	snop  }
0x90: {  	(tm) =	ssettm $0x1  }
0x91: {  	s17 =	sld [smem:$0x3FFB];
	_ =	sdelay $0x3  }
0x92: {  	_ =	strace s17  }
0x93: {  	s2 =	sld [smem:$0x3FFC];
	_ =	sdelay $0x3  }
0x94: {  	_ =	strace s2  }
0x95: {  	s2 =	sld [smem:$0x3FFD];
	_ =	sdelay $0x3  }
0x96: {  	_ =	strace s2  }
0x97: {  	_ =	strace $0x8FFFFFFF  }
0x98: {  	s18 =	sld [smem:$0x3FDB];
	_ =	sdelay $0x1  }
0x99: {  	s19 =	simm.s32 $_scs_section_size  }
0x9a: {  	s4 =	simm.s32 $_size__tile_overlayer_lowered;
	s5 =	simm.s32 $_tile_overlayer_lowered  }
0x9b: {  	s22 =	simm.s32 $0x1BFF;
	s21 =	sshll.u32 s5, $0x1;
	s2 =	sadd.s32 s19, s18  }
0x9c: {  	s6 =	simm.s32 $0x0;
	s20 =	sshll.u32 s4, $0x1;
	s4 =	sadd.s32 s21, s2  }
0x9d: {  	[timem:s6], [sflag:s22] =	dma.local [hbm:s4], s20  }
0x9e: {  	_ =	swait.ge [sflag:s22], s20  }
0x9f: {  	s3 =	ssub.s32 $0x0, s20;
	[sflag:s22] =	ssyncset.done $0x0  }
0xa0: {  	[sflag:s22] =	ssyncadd.s32 s3;
	_ =	sdelay $0x1  }
0xa1: {  	s23 =	simm.s32 $0x1B8B  }
0xa2: {  	_ =	swait.ge [sflag:s23], $0x1  }
0xa3: {  	[sflag:s23] =	ssyncset.done $0x0  }
0xa4: {  	s25 =	simm.s32 $0x1B8E;
	s24 =	sld [smem:$0x3FFE];
	[sflag:s23] =	ssyncadd.s32 $0xFFFFFFFF  }
0xa5: {  	s26 =	simm.s32 $execute0_lowered;
	[smem:$0x3FD2] =	sst s25  }
0xa6: {  	s4 =	sshll.u32 s26, $0x1;
	_ =	strace $0x80000049;
	[dreg:$0x1] =	wrdreg $0xFFFFFFFF  }
0xa7: {  	s28 =	simm.s32 $_size_execute0_lowered;
	s2 =	sadd.s32 s2, s4;
	[dreg:$0x0] =	wrdreg $0x0  }
0xa8: {  	s4 =	sshll.u32 s28, $0x1;
	[dreg:$0x2] =	wrdreg s2  }
0xa9: {  	[dreg:$0x3] =	wrdreg s4  }
0xaa: {  	[dreg:$0x4] =	wrdreg $0xC0  }
0xab: {  	_ =	task [dreg:s6], $0x5FFFF  }
0xac: {  	[dreg:$0x1] =	wrdreg $0xFFFFFFFF  }
0xad: {  	[dreg:$0x0] =	wrdreg $0x60  }
0xae: {  	[dreg:$0x2] =	wrdreg s24  }
0xaf: {  	[dreg:$0x3] =	wrdreg $0xB8000  }
0xb0: {  	[dreg:$0x4] =	wrdreg $0x9  }
0xb1: {  	_ =	task.clear_ibuf [dreg:s6], $0x5FFFF;
	_ =	strace $0x90000049  }
0xb2: {  	s29 =	simm.s32 $0x9;
	_ =	strace $0x8000004B  }
0xb3: {  	_ =	swait.ge [sflag:s29], $0x1  }
0xb4: {  	[sflag:s29] =	ssyncadd.s32 $0xFFFFFFFF  }
0xb5: {  	_ =	strace $0x9000004B  }
0xb6: {  	_ =	sfence  }
0xb7: {  	s30 =	sld [smem:$0x0];
	_ =	sdelay $0x2  }
0xb8: {  	s31 =	sshll.u32 s1, $0xD;
	s1 =	sshrl.u32 s1, $0x2  }
0xb9: {  	s3 =	sand.u32 $0x4000, s31;
	s1 =	sadd.s32 s1, s30  }
0xba: {  	s0 =	sor.u32 s3, s0;
	s1 =	sshll.u32 s1, $0x11  }
0xbb: {  	s0 =	sor.u32 s1, s0  }
0xbc: {  	s0 =	sadd.s32 $0x8F2B, s0  }
0xbd: {  	[sflag:s0] =	ssyncadd.remote.s32 $0x1  }
0xbe: {  	_ =	sfence.sel $0xFFFF  }
0xbf: {  	[dreg:$0x0] =	wrdreg $0xFFFFFFFF;
	(pc) =	sbr.abs _section_cstart, $3  }
0xc0: {  	[dreg:$0x1] =	wrdreg $0xFFFFFFFF  }
0xc1: {  	_ =	task.clear_ibuf [dreg:s6], $0x2FFFF;
	_ =	strace $0x9FFFFFFF  }
0xc2: {  	(tm) =	ssettm $0x7FFFFFFF  }
0xc3: {  	_ =	shalt  }
tec
execute0_lowered:
.L_overlay_start_1:
0x0: {  	(tag) =	ssettag $0x1  }
0x1: {  	s1 =	srdreg.scid  }
0x2: {  	s1 =	sand.u32 $0x1, s1  }
0x3: {  	p0 =	seq.s32 s1, $0x1  }
.Ltmp0:
0x4: {  	_ = 	snop;
	(pc) =	sbr.rel @p0 .LBB2_14-.Ltmp0, $4  }
0x5: {  	s4 =	rddreg [dreg:$0x0]  }
0x6: {  	s2 =	rddreg [dreg:$0x1];
	s3 =	simm.s32 $0x0  }
0x7: {  	[smem:$0x7FF] =	sst s3  }
0x8: {  	s0 =	rddreg [dreg:$0x2];
	_ =	strace $0x8000004A;
	s1 =	stileid.u32  }
0x9: {  	s5 =	smul.u32 $0x14000, s1  }
0xa: {  	s6 =	smul.u32 $0x50000, s1  }
0xb: {  	s7 =	smul.u32 $0x1C00, s1;
	s9 =	sadd.s32 $0x1C00, s4;
	s10 =	sadd.s32 $0xC400, s4  }
0xc: {  	s3 =	sadd.s32 $0x16C00, s4;
	[bflag:$0x0] =	sbarrier.arrive $0xFFFF;
	s13 =	simm.s32 $0x0  }
0xd: {  	s19 =	simm.s32 $0x200;
	s5 =	sshrl.u32 s5, $0x3;
	s6 =	sshrl.u32 s6, $0x2  }
0xe: {  	s7 =	sshrl.u32 s7, $0x3;
	s29 =	sadd.s32 s5, s4;
	s8 =	sadd.s32 s6, s2  }
0xf: {  	s18 =	sadd.s32 s9, s7;
	s14 =	sadd.s32 s10, s7;
	s30 =	sadd.s32 $0x3800, s7  }
0x10: {  	s31 =	sadd.s32 $0x7000, s7;
	s17 =	sadd.s32 $0x3EC00, s29;
	s16 =	sadd.s32 s9, s30  }
0x11: {  	s15 =	sadd.s32 s10, s30;
	s12 =	sadd.s32 $0x66C00, s29;
	s6 =	sadd.s32 s9, s31  }
0x12: {  	s5 =	sadd.s32 s10, s31;
	s4 =	sadd.s32 $0x8EC00, s29;
	s11 =	sadd.s32 $0x4000, s8  }
0x13: {  	v0 =	vimm.f32 $0.0e+00;
	s10 =	sadd.s32 $0x8000, s8;
	s9 =	sadd.s32 $0xC000, s8;
	s7 =	sadd.s32 $0x10000, s8  }
.LBB2_2:
0x14: {  	p0 =	seq.s32 s19, $0xFE00;
	[tilespmem:s13+$0x3870] =	vst v0  }
0x15: {  	[tilespmem:s13+$0x3800] =	vst v0  }
0x16: {  	[tilespmem:s13+$0x3810] =	vst v0  }
.Ltmp1:
0x17: {  	[tilespmem:s13+$0x3820] =	vst v0;
	(pc) =	sbr.rel @!p0 .LBB2_2-.Ltmp1, $4  }
0x18: {  	[tilespmem:s13+$0x3830] =	vst v0  }
0x19: {  	[tilespmem:s13+$0x3840] =	vst v0  }
0x1a: {  	[tilespmem:s13+$0x3850] =	vst v0  }
0x1b: {  	[tilespmem:s13+$0x3860] =	vst v0;
	s13 =	sshra.s32 s19, $0x2;
	s19 =	sadd.s32 $0x200, s19  }
0x1c: {  	[tilespmem:s13+$0x3870] =	vst v0  }
0x1d: {  	[tilespmem:s13+$0x3800] =	vst v0  }
0x1e: {  	[tilespmem:s13+$0x3810] =	vst v0  }
0x1f: {  	[tilespmem:s13+$0x3820] =	vst v0  }
0x20: {  	[tilespmem:s13+$0x3830] =	vst v0  }
0x21: {  	[tilespmem:s13+$0x3840] =	vst v0  }
0x22: {  	[tilespmem:s13+$0x3850] =	vst v0  }
0x23: {  	[tilespmem:s13+$0x3860] =	vst v0;
	s13 =	simm.s32 $0x3800;
	s19 =	simm.s32 $0x5  }
0x24: {  	[spmem:s8] =	stream.linear.scatter [tilespmem:s13], [sflag:$0x5], $0x4000, $0x38;
	[tilespmem:$0x1F800] =	vst v63  }
0x25: {  	_ =	swait.ge [sflag:s19], $0x4000  }
0x26: {  	[sflag:s19] =	ssyncset.done $0x0  }
0x27: {  	[sflag:s19] =	ssyncadd.s32 $0xFFFFC000  }
0x28: {  	[spmem:s11] =	stream.linear.scatter [tilespmem:s13], [sflag:$0x5], $0x4000, $0x38;
	[tilespmem:$0x1F800] =	vst v63  }
0x29: {  	_ =	swait.ge [sflag:s19], $0x4000  }
0x2a: {  	[sflag:s19] =	ssyncset.done $0x0  }
0x2b: {  	[sflag:s19] =	ssyncadd.s32 $0xFFFFC000  }
0x2c: {  	[spmem:s10] =	stream.linear.scatter [tilespmem:s13], [sflag:$0x5], $0x4000, $0x38;
	[tilespmem:$0x1F800] =	vst v63  }
0x2d: {  	_ =	swait.ge [sflag:s19], $0x4000  }
0x2e: {  	[sflag:s19] =	ssyncset.done $0x0  }
0x2f: {  	[sflag:s19] =	ssyncadd.s32 $0xFFFFC000  }
0x30: {  	[spmem:s9] =	stream.linear.scatter [tilespmem:s13], [sflag:$0x5], $0x4000, $0x38;
	[tilespmem:$0x1F800] =	vst v63  }
0x31: {  	_ =	swait.ge [sflag:s19], $0x4000  }
0x32: {  	[sflag:s19] =	ssyncset.done $0x0  }
0x33: {  	[sflag:s19] =	ssyncadd.s32 $0xFFFFC000  }
0x34: {  	[spmem:s7] =	stream.linear.scatter [tilespmem:s13], [sflag:$0x5], $0x4000, $0x38;
	[tilespmem:$0x1F800] =	vst v63  }
0x35: {  	_ =	swait.ge [sflag:s19], $0x4000  }
0x36: {  	[sflag:s19] =	ssyncset.done $0x0  }
0x37: {  	s20 =	simm.s32 $0x0;
	[sflag:s19] =	ssyncadd.s32 $0xFFFFC000  }
0x38: {  	[tilespmem:s20], [sflag:$0x5] =	stream.linear.gather [hbm4b:s18+s20], $0x1880, $0x38;
	[tilespmem:$0x1F800] =	vst v63  }
0x39: {  	_ =	swait.ge [sflag:s19], $0x1880  }
0x3a: {  	[sflag:s19] =	ssyncset.done $0x0  }
0x3b: {  	s28 =	simm.s32 $0x1C00;
	[sflag:s19] =	ssyncadd.s32 $0xFFFFE780  }
0x3c: {  	[tilespmem:s28], [sflag:$0x5] =	stream.linear.gather [hbm4b:s14+s20], $0x1880, $0x38;
	[tilespmem:$0x1F800] =	vst v63  }
0x3d: {  	_ =	swait.ge [sflag:s19], $0x1880  }
0x3e: {  	[sflag:s19] =	ssyncset.done $0x0  }
0x3f: {  	[sflag:s19] =	ssyncadd.s32 $0xFFFFE780  }
0x40: {  	s18 =	simm.s32 $0x1;
	s14 =	simm.s32 $0x80;
	[bflag:$0x0] =	sbarrier.arrive $0xFFFF  }
0x41: {  	[tilespmem:s13], [sflag:$0x1] =	stream.indirect.gather [hbm4b:s3+s14], $0x80, s20, s14, $0xb8;
	[tilespmem:$0x1F800] =	vst v63  }
0x42: {  	_ =	swait.ge [sflag:s18], $0x4000  }
0x43: {  	[sflag:s18] =	ssyncset.done $0x0  }
0x44: {  	s23 =	simm.s32 $0x80;
	s19 =	simm.s32 $0x7800;
	[sflag:s18] =	ssyncadd.s32 $0xFFFFC000  }
0x45: {  	[tilespmem:s19], [sflag:$0x2] =	stream.indirect.gather [hbm4b:s3+s14], $0x80, s23, s14, $0xb8;
	[tilespmem:$0x1F800] =	vst v63  }
0x46: {  	s29 =	simm.s32 $0x1C00;
	s20 =	simm.s32 $0x3  }
0x47: {  	[spmem:s2] =	stream.indirect.scatter.add.f32 [tilespmem:s13], [sflag:$0x3], $0x80, s29, s14, $0xb8;
	[tilespmem:$0x1F800] =	vst v63  }
0x48: {  	_ =	swait.ge [sflag:s20], $0x4000  }
0x49: {  	[sflag:s20] =	ssyncset.done $0x0  }
0x4a: {  	s22 =	simm.s32 $0x2;
	s30 =	simm.s32 $0x100;
	[sflag:s20] =	ssyncadd.s32 $0xFFFFC000  }
0x4b: {  	[tilespmem:s13], [sflag:$0x1] =	stream.indirect.gather [hbm4b:s3+s14], $0x80, s30, s14, $0xb8;
	[tilespmem:$0x1F800] =	vst v63  }
0x4c: {  	_ =	swait.ge [sflag:s22], $0x4000  }
0x4d: {  	[sflag:s22] =	ssyncset.done $0x0  }
0x4e: {  	s21 =	simm.s32 $0x4;
	s31 =	simm.s32 $0x1C80;
	[sflag:s22] =	ssyncadd.s32 $0xFFFFC000  }
0x4f: {  	[spmem:s2] =	stream.indirect.scatter.add.f32 [tilespmem:s19], [sflag:$0x4], $0x80, s31, s14, $0xb8;
	[tilespmem:$0x1F800] =	vst v63  }
0x50: {  	_ =	swait.ge [sflag:s21], $0x4000  }
0x51: {  	s23 =	simm.s32 $0x400;
	[sflag:s21] =	ssyncset.done $0x0  }
.LBB2_4:
0x52: {  	p0 =	sne.s32 s23, $0x5C00  }
0x53: {  	[sflag:s21] =	ssyncadd.s32 $0xFFFFC000;
	s24 =	smov.u32 s23;
	s23 =	sadd.s32 $0x400, s23  }
0x54: {  	_ =	swait.ge [sflag:s18], $0x4000  }
0x55: {  	s24 =	sshra.s32 s24, $0x2;
	[sflag:s18] =	ssyncset.done $0x0  }
0x56: {  	s25 =	sadd.s32 $0x80, s24;
	[sflag:s18] =	ssyncadd.s32 $0xFFFFC000  }
0x57: {  	[tilespmem:s19], [sflag:$0x2] =	stream.indirect.gather [hbm4b:s3+s14], $0x80, s25, s14, $0xb8;
	[tilespmem:$0x1F800] =	vst v63  }
0x58: {  	s25 =	sadd.s32 $0x1C00, s24  }
0x59: {  	[spmem:s2] =	stream.indirect.scatter.add.f32 [tilespmem:s13], [sflag:$0x3], $0x80, s25, s14, $0xb8;
	[tilespmem:$0x1F800] =	vst v63  }
0x5a: {  	_ =	swait.ge [sflag:s20], $0x4000  }
0x5b: {  	[sflag:s20] =	ssyncset.done $0x0  }
0x5c: {  	s25 =	sadd.s32 $0x100, s24;
	[sflag:s20] =	ssyncadd.s32 $0xFFFFC000  }
0x5d: {  	[tilespmem:s13], [sflag:$0x1] =	stream.indirect.gather [hbm4b:s3+s14], $0x80, s25, s14, $0xb8;
	[tilespmem:$0x1F800] =	vst v63  }
0x5e: {  	_ =	swait.ge [sflag:s22], $0x4000  }
.Ltmp2:
0x5f: {  	[sflag:s22] =	ssyncset.done $0x0;
	(pc) =	sbr.rel @p0 .LBB2_4-.Ltmp2, $4  }
0x60: {  	s24 =	sadd.s32 $0x1C80, s24;
	[sflag:s22] =	ssyncadd.s32 $0xFFFFC000  }
0x61: {  	[spmem:s2] =	stream.indirect.scatter.add.f32 [tilespmem:s19], [sflag:$0x4], $0x80, s24, s14, $0xb8;
	[tilespmem:$0x1F800] =	vst v63  }
0x62: {  	_ =	swait.ge [sflag:s21], $0x4000  }
0x63: {  	[sflag:s21] =	ssyncset.done $0x0  }
0x64: {  	[sflag:s21] =	ssyncadd.s32 $0xFFFFC000;
	s13 =	simm.s32 $0x1  }
0x65: {  	_ =	swait.ge [sflag:s13], $0x4000  }
0x66: {  	s29 =	simm.s32 $0x80;
	s14 =	simm.s32 $0x3400;
	[sflag:s13] =	ssyncset.done $0x0  }
0x67: {  	s18 =	simm.s32 $0x3800;
	s30 =	simm.s32 $0x5;
	[sflag:s13] =	ssyncadd.s32 $0xFFFFC000  }
0x68: {  	[spmem:s2] =	stream.indirect.scatter.add.f32 [tilespmem:s18], [sflag:$0x5], $0x80, s14, s29, $0xb8;
	[tilespmem:$0x1F800] =	vst v63  }
0x69: {  	_ =	swait.ge [sflag:s30], $0x4000  }
0x6a: {  	[sflag:s30] =	ssyncset.done $0x0  }
0x6b: {  	s31 =	sshll.u32 s1, $0x6;
	[sflag:s30] =	ssyncadd.s32 $0xFFFFC000  }
0x6c: {  	s13 =	sor.u32 $0x1C05, s31;
	s14 =	sshrl.u32 s8, $0x3;
	[bflag:$0x0] =	sbarrier.arrive $0xFFFF  }
0x6d: {  	[hbm:s17], [sflag:s13] =	dma.local [spmem:s14], $0x2800  }
0x6e: {  	_ =	swait.ge [sflag:s30], $0x2800  }
0x6f: {  	[sflag:s30] =	ssyncset.done $0x0  }
0x70: {  	[sflag:s30] =	ssyncadd.s32 $0xFFFFD800  }
0x71: {  	v0 =	vimm.f32 $0.0e+00;
	s18 =	simm.s32 $0x200;
	s17 =	simm.s32 $0x0;
	[bflag:$0x0] =	sbarrier.arrive $0xFFFF  }
.LBB2_6:
0x72: {  	p0 =	sne.s32 s18, $0xFE00;
	[tilespmem:s17+$0x3870] =	vst v0  }
0x73: {  	[tilespmem:s17+$0x3800] =	vst v0  }
0x74: {  	[tilespmem:s17+$0x3810] =	vst v0  }
.Ltmp3:
0x75: {  	[tilespmem:s17+$0x3820] =	vst v0;
	(pc) =	sbr.rel @p0 .LBB2_6-.Ltmp3, $4  }
0x76: {  	[tilespmem:s17+$0x3830] =	vst v0  }
0x77: {  	[tilespmem:s17+$0x3840] =	vst v0  }
0x78: {  	[tilespmem:s17+$0x3850] =	vst v0  }
0x79: {  	[tilespmem:s17+$0x3860] =	vst v0;
	s17 =	sshra.s32 s18, $0x2;
	s18 =	sadd.s32 $0x200, s18  }
0x7a: {  	[tilespmem:s17+$0x3870] =	vst v0  }
0x7b: {  	[tilespmem:s17+$0x3800] =	vst v0  }
0x7c: {  	[tilespmem:s17+$0x3810] =	vst v0  }
0x7d: {  	[tilespmem:s17+$0x3820] =	vst v0  }
0x7e: {  	[tilespmem:s17+$0x3830] =	vst v0  }
0x7f: {  	[tilespmem:s17+$0x3840] =	vst v0  }
0x80: {  	[tilespmem:s17+$0x3850] =	vst v0  }
0x81: {  	[tilespmem:s17+$0x3860] =	vst v0;
	s17 =	simm.s32 $0x3800;
	s18 =	simm.s32 $0x5  }
0x82: {  	[spmem:s8] =	stream.linear.scatter [tilespmem:s17], [sflag:$0x5], $0x4000, $0x38;
	[tilespmem:$0x1F800] =	vst v63  }
0x83: {  	_ =	swait.ge [sflag:s18], $0x4000  }
0x84: {  	[sflag:s18] =	ssyncset.done $0x0  }
0x85: {  	[sflag:s18] =	ssyncadd.s32 $0xFFFFC000  }
0x86: {  	[spmem:s11] =	stream.linear.scatter [tilespmem:s17], [sflag:$0x5], $0x4000, $0x38;
	[tilespmem:$0x1F800] =	vst v63  }
0x87: {  	_ =	swait.ge [sflag:s18], $0x4000  }
0x88: {  	[sflag:s18] =	ssyncset.done $0x0  }
0x89: {  	[sflag:s18] =	ssyncadd.s32 $0xFFFFC000  }
0x8a: {  	[spmem:s10] =	stream.linear.scatter [tilespmem:s17], [sflag:$0x5], $0x4000, $0x38;
	[tilespmem:$0x1F800] =	vst v63  }
0x8b: {  	_ =	swait.ge [sflag:s18], $0x4000  }
0x8c: {  	[sflag:s18] =	ssyncset.done $0x0  }
0x8d: {  	[sflag:s18] =	ssyncadd.s32 $0xFFFFC000  }
0x8e: {  	[spmem:s9] =	stream.linear.scatter [tilespmem:s17], [sflag:$0x5], $0x4000, $0x38;
	[tilespmem:$0x1F800] =	vst v63  }
0x8f: {  	_ =	swait.ge [sflag:s18], $0x4000  }
0x90: {  	[sflag:s18] =	ssyncset.done $0x0  }
0x91: {  	[sflag:s18] =	ssyncadd.s32 $0xFFFFC000  }
0x92: {  	[spmem:s7] =	stream.linear.scatter [tilespmem:s17], [sflag:$0x5], $0x4000, $0x38;
	[tilespmem:$0x1F800] =	vst v63  }
0x93: {  	_ =	swait.ge [sflag:s18], $0x4000  }
0x94: {  	[sflag:s18] =	ssyncset.done $0x0  }
0x95: {  	s19 =	simm.s32 $0x0;
	[sflag:s18] =	ssyncadd.s32 $0xFFFFC000  }
0x96: {  	[tilespmem:s19], [sflag:$0x5] =	stream.linear.gather [hbm4b:s16+s19], $0x1880, $0x38;
	[tilespmem:$0x1F800] =	vst v63  }
0x97: {  	_ =	swait.ge [sflag:s18], $0x1880  }
0x98: {  	[sflag:s18] =	ssyncset.done $0x0  }
0x99: {  	s30 =	simm.s32 $0x1C00;
	[sflag:s18] =	ssyncadd.s32 $0xFFFFE780  }
0x9a: {  	[tilespmem:s30], [sflag:$0x5] =	stream.linear.gather [hbm4b:s15+s19], $0x1880, $0x38;
	[tilespmem:$0x1F800] =	vst v63  }
0x9b: {  	_ =	swait.ge [sflag:s18], $0x1880  }
0x9c: {  	[sflag:s18] =	ssyncset.done $0x0  }
0x9d: {  	[sflag:s18] =	ssyncadd.s32 $0xFFFFE780  }
0x9e: {  	s16 =	simm.s32 $0x1;
	s15 =	simm.s32 $0x80;
	[bflag:$0x0] =	sbarrier.arrive $0xFFFF  }
0x9f: {  	[tilespmem:s17], [sflag:$0x1] =	stream.indirect.gather [hbm4b:s3+s15], $0x80, s19, s15, $0xb8;
	[tilespmem:$0x1F800] =	vst v63  }
0xa0: {  	_ =	swait.ge [sflag:s16], $0x4000  }
0xa1: {  	[sflag:s16] =	ssyncset.done $0x0  }
0xa2: {  	s31 =	simm.s32 $0x80;
	s18 =	simm.s32 $0x7800;
	[sflag:s16] =	ssyncadd.s32 $0xFFFFC000  }
0xa3: {  	[tilespmem:s18], [sflag:$0x2] =	stream.indirect.gather [hbm4b:s3+s15], $0x80, s31, s15, $0xb8;
	[tilespmem:$0x1F800] =	vst v63  }
0xa4: {  	s20 =	simm.s32 $0x1C00;
	s19 =	simm.s32 $0x3  }
0xa5: {  	[spmem:s2] =	stream.indirect.scatter.add.f32 [tilespmem:s17], [sflag:$0x3], $0x80, s20, s15, $0xb8;
	[tilespmem:$0x1F800] =	vst v63  }
0xa6: {  	_ =	swait.ge [sflag:s19], $0x4000  }
0xa7: {  	[sflag:s19] =	ssyncset.done $0x0  }
0xa8: {  	s21 =	simm.s32 $0x100;
	s20 =	simm.s32 $0x2;
	[sflag:s19] =	ssyncadd.s32 $0xFFFFC000  }
0xa9: {  	[tilespmem:s17], [sflag:$0x1] =	stream.indirect.gather [hbm4b:s3+s15], $0x80, s21, s15, $0xb8;
	[tilespmem:$0x1F800] =	vst v63  }
0xaa: {  	_ =	swait.ge [sflag:s20], $0x4000  }
0xab: {  	[sflag:s20] =	ssyncset.done $0x0  }
0xac: {  	s22 =	simm.s32 $0x1C80;
	s21 =	simm.s32 $0x4;
	[sflag:s20] =	ssyncadd.s32 $0xFFFFC000  }
0xad: {  	[spmem:s2] =	stream.indirect.scatter.add.f32 [tilespmem:s18], [sflag:$0x4], $0x80, s22, s15, $0xb8;
	[tilespmem:$0x1F800] =	vst v63  }
0xae: {  	_ =	swait.ge [sflag:s21], $0x4000  }
0xaf: {  	s22 =	simm.s32 $0x400;
	[sflag:s21] =	ssyncset.done $0x0  }
.LBB2_8:
0xb0: {  	p0 =	sne.s32 s22, $0x5C00  }
0xb1: {  	[sflag:s21] =	ssyncadd.s32 $0xFFFFC000;
	s23 =	smov.u32 s22;
	s22 =	sadd.s32 $0x400, s22  }
0xb2: {  	_ =	swait.ge [sflag:s16], $0x4000  }
0xb3: {  	s23 =	sshra.s32 s23, $0x2;
	[sflag:s16] =	ssyncset.done $0x0  }
0xb4: {  	s24 =	sadd.s32 $0x80, s23;
	[sflag:s16] =	ssyncadd.s32 $0xFFFFC000  }
0xb5: {  	[tilespmem:s18], [sflag:$0x2] =	stream.indirect.gather [hbm4b:s3+s15], $0x80, s24, s15, $0xb8;
	[tilespmem:$0x1F800] =	vst v63  }
0xb6: {  	s24 =	sadd.s32 $0x1C00, s23  }
0xb7: {  	[spmem:s2] =	stream.indirect.scatter.add.f32 [tilespmem:s17], [sflag:$0x3], $0x80, s24, s15, $0xb8;
	[tilespmem:$0x1F800] =	vst v63  }
0xb8: {  	_ =	swait.ge [sflag:s19], $0x4000  }
0xb9: {  	[sflag:s19] =	ssyncset.done $0x0  }
0xba: {  	s24 =	sadd.s32 $0x100, s23;
	[sflag:s19] =	ssyncadd.s32 $0xFFFFC000  }
0xbb: {  	[tilespmem:s17], [sflag:$0x1] =	stream.indirect.gather [hbm4b:s3+s15], $0x80, s24, s15, $0xb8;
	[tilespmem:$0x1F800] =	vst v63  }
0xbc: {  	_ =	swait.ge [sflag:s20], $0x4000  }
.Ltmp4:
0xbd: {  	[sflag:s20] =	ssyncset.done $0x0;
	(pc) =	sbr.rel @p0 .LBB2_8-.Ltmp4, $4  }
0xbe: {  	s23 =	sadd.s32 $0x1C80, s23;
	[sflag:s20] =	ssyncadd.s32 $0xFFFFC000  }
0xbf: {  	[spmem:s2] =	stream.indirect.scatter.add.f32 [tilespmem:s18], [sflag:$0x4], $0x80, s23, s15, $0xb8;
	[tilespmem:$0x1F800] =	vst v63  }
0xc0: {  	_ =	swait.ge [sflag:s21], $0x4000  }
0xc1: {  	[sflag:s21] =	ssyncset.done $0x0  }
0xc2: {  	[sflag:s21] =	ssyncadd.s32 $0xFFFFC000;
	s15 =	simm.s32 $0x1  }
0xc3: {  	_ =	swait.ge [sflag:s15], $0x4000  }
0xc4: {  	s30 =	simm.s32 $0x80;
	s16 =	simm.s32 $0x3400;
	[sflag:s15] =	ssyncset.done $0x0  }
0xc5: {  	s17 =	simm.s32 $0x3800;
	s31 =	simm.s32 $0x5;
	[sflag:s15] =	ssyncadd.s32 $0xFFFFC000  }
0xc6: {  	[spmem:s2] =	stream.indirect.scatter.add.f32 [tilespmem:s17], [sflag:$0x5], $0x80, s16, s30, $0xb8;
	[tilespmem:$0x1F800] =	vst v63  }
0xc7: {  	_ =	swait.ge [sflag:s31], $0x4000  }
0xc8: {  	[sflag:s31] =	ssyncset.done $0x0  }
0xc9: {  	[sflag:s31] =	ssyncadd.s32 $0xFFFFC000  }
0xca: {  	[bflag:$0x0] =	sbarrier.arrive $0xFFFF  }
0xcb: {  	[hbm:s12], [sflag:s13] =	dma.local [spmem:s14], $0x2800  }
0xcc: {  	_ =	swait.ge [sflag:s31], $0x2800  }
0xcd: {  	[sflag:s31] =	ssyncset.done $0x0  }
0xce: {  	[sflag:s31] =	ssyncadd.s32 $0xFFFFD800  }
0xcf: {  	v0 =	vimm.f32 $0.0e+00;
	s15 =	simm.s32 $0x200;
	s12 =	simm.s32 $0x0;
	[bflag:$0x0] =	sbarrier.arrive $0xFFFF  }
.LBB2_10:
0xd0: {  	p0 =	sne.s32 s15, $0xFE00;
	[tilespmem:s12+$0x3870] =	vst v0  }
0xd1: {  	[tilespmem:s12+$0x3800] =	vst v0  }
0xd2: {  	[tilespmem:s12+$0x3810] =	vst v0  }
.Ltmp5:
0xd3: {  	[tilespmem:s12+$0x3820] =	vst v0;
	(pc) =	sbr.rel @p0 .LBB2_10-.Ltmp5, $4  }
0xd4: {  	[tilespmem:s12+$0x3830] =	vst v0  }
0xd5: {  	[tilespmem:s12+$0x3840] =	vst v0  }
0xd6: {  	[tilespmem:s12+$0x3850] =	vst v0  }
0xd7: {  	[tilespmem:s12+$0x3860] =	vst v0;
	s12 =	sshra.s32 s15, $0x2;
	s15 =	sadd.s32 $0x200, s15  }
0xd8: {  	[tilespmem:s12+$0x3870] =	vst v0  }
0xd9: {  	[tilespmem:s12+$0x3800] =	vst v0  }
0xda: {  	[tilespmem:s12+$0x3810] =	vst v0  }
0xdb: {  	[tilespmem:s12+$0x3820] =	vst v0  }
0xdc: {  	[tilespmem:s12+$0x3830] =	vst v0  }
0xdd: {  	[tilespmem:s12+$0x3840] =	vst v0  }
0xde: {  	[tilespmem:s12+$0x3850] =	vst v0  }
0xdf: {  	[tilespmem:s12+$0x3860] =	vst v0;
	s12 =	simm.s32 $0x3800;
	s24 =	simm.s32 $0x5  }
0xe0: {  	[spmem:s8] =	stream.linear.scatter [tilespmem:s12], [sflag:$0x5], $0x4000, $0x38;
	[tilespmem:$0x1F800] =	vst v63  }
0xe1: {  	_ =	swait.ge [sflag:s24], $0x4000  }
0xe2: {  	[sflag:s24] =	ssyncset.done $0x0  }
0xe3: {  	[sflag:s24] =	ssyncadd.s32 $0xFFFFC000  }
0xe4: {  	[spmem:s11] =	stream.linear.scatter [tilespmem:s12], [sflag:$0x5], $0x4000, $0x38;
	[tilespmem:$0x1F800] =	vst v63  }
0xe5: {  	_ =	swait.ge [sflag:s24], $0x4000  }
0xe6: {  	[sflag:s24] =	ssyncset.done $0x0  }
0xe7: {  	[sflag:s24] =	ssyncadd.s32 $0xFFFFC000  }
0xe8: {  	[spmem:s10] =	stream.linear.scatter [tilespmem:s12], [sflag:$0x5], $0x4000, $0x38;
	[tilespmem:$0x1F800] =	vst v63  }
0xe9: {  	_ =	swait.ge [sflag:s24], $0x4000  }
0xea: {  	[sflag:s24] =	ssyncset.done $0x0  }
0xeb: {  	[sflag:s24] =	ssyncadd.s32 $0xFFFFC000  }
0xec: {  	[spmem:s9] =	stream.linear.scatter [tilespmem:s12], [sflag:$0x5], $0x4000, $0x38;
	[tilespmem:$0x1F800] =	vst v63  }
0xed: {  	_ =	swait.ge [sflag:s24], $0x4000  }
0xee: {  	[sflag:s24] =	ssyncset.done $0x0  }
0xef: {  	[sflag:s24] =	ssyncadd.s32 $0xFFFFC000  }
0xf0: {  	[spmem:s7] =	stream.linear.scatter [tilespmem:s12], [sflag:$0x5], $0x4000, $0x38;
	[tilespmem:$0x1F800] =	vst v63  }
0xf1: {  	_ =	swait.ge [sflag:s24], $0x4000  }
0xf2: {  	[sflag:s24] =	ssyncset.done $0x0  }
0xf3: {  	s25 =	simm.s32 $0x0;
	[sflag:s24] =	ssyncadd.s32 $0xFFFFC000  }
0xf4: {  	[tilespmem:s25], [sflag:$0x5] =	stream.linear.gather [hbm4b:s6+s25], $0x1880, $0x38;
	[tilespmem:$0x1F800] =	vst v63  }
0xf5: {  	_ =	swait.ge [sflag:s24], $0x1880  }
0xf6: {  	[sflag:s24] =	ssyncset.done $0x0  }
0xf7: {  	s26 =	simm.s32 $0x1C00;
	[sflag:s24] =	ssyncadd.s32 $0xFFFFE780  }
0xf8: {  	[tilespmem:s26], [sflag:$0x5] =	stream.linear.gather [hbm4b:s5+s25], $0x1880, $0x38;
	[tilespmem:$0x1F800] =	vst v63  }
0xf9: {  	_ =	swait.ge [sflag:s24], $0x1880  }
0xfa: {  	[sflag:s24] =	ssyncset.done $0x0  }
0xfb: {  	[sflag:s24] =	ssyncadd.s32 $0xFFFFE780  }
0xfc: {  	s6 =	simm.s32 $0x1;
	s5 =	simm.s32 $0x80;
	[bflag:$0x0] =	sbarrier.arrive $0xFFFF  }
0xfd: {  	[tilespmem:s12], [sflag:$0x1] =	stream.indirect.gather [hbm4b:s3+s5], $0x80, s25, s5, $0xb8;
	[tilespmem:$0x1F800] =	vst v63  }
0xfe: {  	_ =	swait.ge [sflag:s6], $0x4000  }
0xff: {  	[sflag:s6] =	ssyncset.done $0x0  }
0x100: {  	s28 =	simm.s32 $0x80;
	s7 =	simm.s32 $0x7800;
	[sflag:s6] =	ssyncadd.s32 $0xFFFFC000  }
0x101: {  	[tilespmem:s7], [sflag:$0x2] =	stream.indirect.gather [hbm4b:s3+s5], $0x80, s28, s5, $0xb8;
	[tilespmem:$0x1F800] =	vst v63  }
0x102: {  	s29 =	simm.s32 $0x1C00;
	s8 =	simm.s32 $0x3  }
0x103: {  	[spmem:s2] =	stream.indirect.scatter.add.f32 [tilespmem:s12], [sflag:$0x3], $0x80, s29, s5, $0xb8;
	[tilespmem:$0x1F800] =	vst v63  }
0x104: {  	_ =	swait.ge [sflag:s8], $0x4000  }
0x105: {  	[sflag:s8] =	ssyncset.done $0x0  }
0x106: {  	s30 =	simm.s32 $0x100;
	s9 =	simm.s32 $0x2;
	[sflag:s8] =	ssyncadd.s32 $0xFFFFC000  }
0x107: {  	[tilespmem:s12], [sflag:$0x1] =	stream.indirect.gather [hbm4b:s3+s5], $0x80, s30, s5, $0xb8;
	[tilespmem:$0x1F800] =	vst v63  }
0x108: {  	_ =	swait.ge [sflag:s9], $0x4000  }
0x109: {  	[sflag:s9] =	ssyncset.done $0x0  }
0x10a: {  	s31 =	simm.s32 $0x1C80;
	s10 =	simm.s32 $0x4;
	[sflag:s9] =	ssyncadd.s32 $0xFFFFC000  }
0x10b: {  	[spmem:s2] =	stream.indirect.scatter.add.f32 [tilespmem:s7], [sflag:$0x4], $0x80, s31, s5, $0xb8;
	[tilespmem:$0x1F800] =	vst v63  }
0x10c: {  	_ =	swait.ge [sflag:s10], $0x4000  }
0x10d: {  	s11 =	simm.s32 $0x400;
	[sflag:s10] =	ssyncset.done $0x0  }
.LBB2_12:
0x10e: {  	p0 =	sne.s32 s11, $0x5C00  }
0x10f: {  	[sflag:s10] =	ssyncadd.s32 $0xFFFFC000;
	s15 =	smov.u32 s11;
	s11 =	sadd.s32 $0x400, s11  }
0x110: {  	_ =	swait.ge [sflag:s6], $0x4000  }
0x111: {  	s15 =	sshra.s32 s15, $0x2;
	[sflag:s6] =	ssyncset.done $0x0  }
0x112: {  	s16 =	sadd.s32 $0x80, s15;
	[sflag:s6] =	ssyncadd.s32 $0xFFFFC000  }
0x113: {  	[tilespmem:s7], [sflag:$0x2] =	stream.indirect.gather [hbm4b:s3+s5], $0x80, s16, s5, $0xb8;
	[tilespmem:$0x1F800] =	vst v63  }
0x114: {  	s16 =	sadd.s32 $0x1C00, s15  }
0x115: {  	[spmem:s2] =	stream.indirect.scatter.add.f32 [tilespmem:s12], [sflag:$0x3], $0x80, s16, s5, $0xb8;
	[tilespmem:$0x1F800] =	vst v63  }
0x116: {  	_ =	swait.ge [sflag:s8], $0x4000  }
0x117: {  	[sflag:s8] =	ssyncset.done $0x0  }
0x118: {  	s16 =	sadd.s32 $0x100, s15;
	[sflag:s8] =	ssyncadd.s32 $0xFFFFC000  }
0x119: {  	[tilespmem:s12], [sflag:$0x1] =	stream.indirect.gather [hbm4b:s3+s5], $0x80, s16, s5, $0xb8;
	[tilespmem:$0x1F800] =	vst v63  }
0x11a: {  	_ =	swait.ge [sflag:s9], $0x4000  }
.Ltmp6:
0x11b: {  	[sflag:s9] =	ssyncset.done $0x0;
	(pc) =	sbr.rel @p0 .LBB2_12-.Ltmp6, $4  }
0x11c: {  	s15 =	sadd.s32 $0x1C80, s15;
	[sflag:s9] =	ssyncadd.s32 $0xFFFFC000  }
0x11d: {  	[spmem:s2] =	stream.indirect.scatter.add.f32 [tilespmem:s7], [sflag:$0x4], $0x80, s15, s5, $0xb8;
	[tilespmem:$0x1F800] =	vst v63  }
0x11e: {  	_ =	swait.ge [sflag:s10], $0x4000  }
0x11f: {  	[sflag:s10] =	ssyncset.done $0x0  }
0x120: {  	[sflag:s10] =	ssyncadd.s32 $0xFFFFC000;
	s3 =	simm.s32 $0x1  }
0x121: {  	_ =	swait.ge [sflag:s3], $0x4000  }
0x122: {  	s30 =	simm.s32 $0x80;
	s5 =	simm.s32 $0x3400;
	[sflag:s3] =	ssyncset.done $0x0  }
0x123: {  	s6 =	simm.s32 $0x3800;
	s31 =	simm.s32 $0x5;
	[sflag:s3] =	ssyncadd.s32 $0xFFFFC000  }
0x124: {  	[spmem:s2] =	stream.indirect.scatter.add.f32 [tilespmem:s6], [sflag:$0x5], $0x80, s5, s30, $0xb8;
	[tilespmem:$0x1F800] =	vst v63  }
0x125: {  	_ =	swait.ge [sflag:s31], $0x4000  }
0x126: {  	[sflag:s31] =	ssyncset.done $0x0  }
0x127: {  	[sflag:s31] =	ssyncadd.s32 $0xFFFFC000  }
0x128: {  	[bflag:$0x0] =	sbarrier.arrive $0xFFFF  }
0x129: {  	[hbm:s4], [sflag:s13] =	dma.local [spmem:s14], $0x2800  }
0x12a: {  	_ =	swait.ge [sflag:s31], $0x2800  }
0x12b: {  	[sflag:s31] =	ssyncset.done $0x0  }
0x12c: {  	[sflag:s31] =	ssyncadd.s32 $0xFFFFD800  }
.LBB2_14:
0x12d: {  	_ =	sfence.sel $0x180000  }
0x12e: {  	[bflag:$0x0] =	sbarrier.arrive $0xFFFF  }
0x12f: {  	p0 =	sne.s32 s1, $0x0;
	_ =	strace $0x9000004A  }
0x130: {  	s0 =	sadd.s32 @!p0 $0x100000, s0;
	[bflag:$0x2] =	sbarrier.arrive $0xFFFF  }
0x131: {  	[sflag:s0] =	ssyncadd.tile.s32 @!p0 $0x1;
	_ =	shalt  }
.Lfunc_end2:
_tile_overlayer_lowered:
.L_overlay_start_2:
0x132: {  	(tag) =	ssettag $0x2  }
0x133: {  	s0 =	rddreg [dreg:$0x0];
	s2 =	stileid.u32  }
0x134: {  	s1 =	rddreg [dreg:$0x1];
	p0 =	sne.s32 s2, $0x0  }
0x135: {  	s3 =	rddreg [dreg:$0x2];
	[bflag:$0x3] =	sbarrier.arrive $0xFFFF;
	s2 =	simm.s32 @!p0 $0x1C05  }
0x136: {  	[timem:s3], [sflag:s2] =	dma.local @!p0 [hbm:s0], s1  }
0x137: {  	s0 =	simm.s32 @!p0 $0x5  }
0x138: {  	_ =	swait.ge @!p0 [sflag:s0], s1  }
0x139: {  	s1 =	ssub.s32 @!p0 $0x0, s1;
	[sflag:s0] =	ssyncset.done @!p0 $0x0  }
0x13a: {  	[sflag:s0] =	ssyncadd.s32 @!p0 s1  }
0x13b: {  	[bflag:$0x3] =	sbarrier.arrive $0xFFFF  }
0x13c: {  	_ =	shalt  }

// kernel: kernel.14.cloned.1.call-start
scs
__scs_entry_jumppad:
0x0: {  	(pc) =	sbr.rel $0x88, $3  }
0x1: {  	(tag) =	ssettag $0x0;
	lr =	simm.s32 $0x1  }
0x2: {  	[smem:$0x3F8B] =	sst lr;
	_ =	strace $0xD0000000  }
0x3: {  	_ = 	snop  }
0x4: {  	_ = 	snop  }
0x5: {  	_ = 	snop  }
0x6: {  	_ = 	snop  }
0x7: {  	_ = 	snop  }
__scs_overlays_trampoline_lowered:
0x8: {  	[smem:$0x3F9A] =	sst s0  }
0x9: {  	[smem:$0x3F9B] =	sst s1  }
0xa: {  	[smem:$0x3F9C] =	sst s2  }
0xb: {  	[smem:$0x3F9D] =	sst s3  }
0xc: {  	[smem:$0x3F9E] =	sst s4  }
0xd: {  	[smem:$0x3F9F] =	sst s5  }
0xe: {  	[smem:$0x3FA0] =	sst s6  }
0xf: {  	[smem:$0x3FA1] =	sst s7  }
0x10: {  	[smem:$0x3FA2] =	sst s8  }
0x11: {  	[smem:$0x3FA3] =	sst s9;
	s0 =	simm.s32 @!p0 $0x0  }
0x12: {  	s1 =	sld [smem:$0x3F89];
	s0 =	simm.s32 @p0 $0x1  }
0x13: {  	[smem:$0x3FA4] =	sst s0;
	s0 =	simm.s32 @!p1 $0x0  }
0x14: {  	s2 =	sld [smem:$0x3F88];
	s0 =	simm.s32 @p1 $0x1  }
0x15: {  	[smem:$0x3FA5] =	sst s0;
	s0 =	simm.s32 @!p2 $0x0  }
0x16: {  	s3 =	sld [smem:$0x3FDB];
	s0 =	simm.s32 @p2 $0x1  }
0x17: {  	s4 =	simm.s32 $0x1BF5;
	[smem:$0x3FA7] =	sst s0  }
0x18: {  	s0 =	sld [smem:$0x3F8A];
	_ =	swait.ge [sflag:s4], $0x0  }
0x19: {  	s7 =	sld [smem:$0x3F8B]  }
0x1a: {  	s8 =	sadd.s32 $0xFFFFE003, lr  }
0x1b: {  	s9 =	sadd.s32 $0xFFFFFEF7, lr;
	s5 =	simm.s32 $0xFFFFFFFF;
	p2 =	slt.u32 s8, $0xFFFFF086  }
0x1c: {  	p1 =	slt.u32 s9, $0xF7A;
	s5 =	simm.s32 @!p2 $0x0  }
0x1d: {  	s5 =	simm.s32 @p1 $0x1;
	p0 =	seq.s32 s7, s2  }
0x1e: {  	s7 =	smul.u32 @!p0 $0xF7A, s2;
	p2 =	seq.s32 @!p0 s5, $0x0  }
0x1f: {  	s9 =	smul.u32 $0xF7A, s1;
	s8 =	simm.s32 @!p0 $0x1BF5;
	p2 =	por !p2, p0  }
0x20: {  	[sflag:s8] =	ssyncset.s32 @!p0 $0xFFFFF086;
	s6 =	sadd.s32 @!p0 s3, s7;
	s7 =	simm.s32 @!p0 $0x108  }
0x21: {  	s3 =	sadd.s32 s3, s9;
	s6 =	sadd.s32 @!p0 $0x88, s6;
	s7 =	simm.s32 @p2 $0x1082  }
0x22: {  	[simem:s7], [sflag:s8] =	dma.local @!p0 [hbm:s6], $0xF7A  }
0x23: {  	s9 =	sor.u32 $0xD0000000, s2;
	s6 =	simm.s32 $0x108;
	_ =	swait.ge @!p0 [sflag:s8], $0x0  }
0x24: {  	s3 =	sadd.s32 $0x88, s3;
	s6 =	simm.s32 @!p1 $0x1082;
	[sflag:s4] =	ssyncset.s32 $0xFFFFF086  }
0x25: {  	[simem:s6], [sflag:s4] =	dma.local [hbm:s3], $0xF7A  }
0x26: {  	[smem:$0x3F8B] =	sst s1;
	(tag) =	ssettag s2;
	_ =	strace s9  }
0x27: {  	s1 =	sld [smem:$0x3F9B]  }
0x28: {  	s2 =	sld [smem:$0x3F9C]  }
0x29: {  	s4 =	sld [smem:$0x3F9E]  }
0x2a: {  	p0 =	seq.s32 s5, $0x0;
	s5 =	sld [smem:$0x3F9F]  }
0x2b: {  	s6 =	sld [smem:$0x3FA0]  }
0x2c: {  	s7 =	sld [smem:$0x3FA1]  }
0x2d: {  	s3 =	simm.s32 $0x108;
	s8 =	sld [smem:$0x3FA2]  }
0x2e: {  	s3 =	simm.s32 @!p0 $0x1082;
	s9 =	sld [smem:$0x3FA3]  }
0x2f: {  	lr =	sadd.s32 s0, s3;
	s0 =	sld [smem:$0x3F9A]  }
0x30: {  	s3 =	sld [smem:$0x3F9D]  }
0x31: {  	[smem:$0x3FA6] =	sst s10  }
0x32: {  	s10 =	sld [smem:$0x3FA4];
	_ =	sdelay $0x3  }
0x33: {  	p0 =	seq.s32 s10, $0x1;
	s10 =	sld [smem:$0x3FA6];
	_ =	sdelay $0x3  }
0x34: {  	[smem:$0x3FA6] =	sst s10  }
0x35: {  	s10 =	sld [smem:$0x3FA5];
	_ =	sdelay $0x3  }
0x36: {  	p1 =	seq.s32 s10, $0x1;
	s10 =	sld [smem:$0x3FA6];
	_ =	sdelay $0x3  }
0x37: {  	[smem:$0x3FA6] =	sst s10  }
0x38: {  	s10 =	sld [smem:$0x3FA7]  }
0x39: {  	_ = 	snop;
	(pc) =	sbr.ind lr, $3  }
0x3a: {  	_ = 	snop  }
0x3b: {  	_ = 	snop  }
0x3c: {  	p2 =	seq.s32 s10, $0x1;
	s10 =	sld [smem:$0x3FA6]  }
0x3d: {  	_ =	shalt  }
0x3e: {  	_ =	shalt  }
0x3f: {  	_ =	shalt  }
0x40: {  	_ =	shalt  }
0x41: {  	_ =	shalt  }
0x42: {  	_ =	shalt  }
0x43: {  	_ =	shalt  }
0x44: {  	_ =	shalt  }
0x45: {  	_ =	shalt  }
0x46: {  	_ =	shalt  }
0x47: {  	_ =	shalt  }
0x48: {  	_ =	shalt  }
0x49: {  	_ =	shalt  }
0x4a: {  	_ =	shalt  }
0x4b: {  	_ =	shalt  }
0x4c: {  	_ =	shalt  }
0x4d: {  	_ =	shalt  }
0x4e: {  	_ =	shalt  }
0x4f: {  	_ =	shalt  }
0x50: {  	_ =	shalt  }
0x51: {  	_ =	shalt  }
0x52: {  	_ =	shalt  }
0x53: {  	_ =	shalt  }
0x54: {  	_ =	shalt  }
0x55: {  	_ =	shalt  }
0x56: {  	_ =	shalt  }
0x57: {  	_ =	shalt  }
0x58: {  	_ =	shalt  }
0x59: {  	_ =	shalt  }
0x5a: {  	_ =	shalt  }
0x5b: {  	_ =	shalt  }
0x5c: {  	_ =	shalt  }
0x5d: {  	_ =	shalt  }
0x5e: {  	_ =	shalt  }
0x5f: {  	_ =	shalt  }
0x60: {  	_ =	shalt  }
0x61: {  	_ =	shalt  }
0x62: {  	_ =	shalt  }
0x63: {  	_ =	shalt  }
0x64: {  	_ =	shalt  }
0x65: {  	_ =	shalt  }
0x66: {  	_ =	shalt  }
0x67: {  	_ =	shalt  }
0x68: {  	_ =	shalt  }
0x69: {  	_ =	shalt  }
0x6a: {  	_ =	shalt  }
0x6b: {  	_ =	shalt  }
0x6c: {  	_ =	shalt  }
0x6d: {  	_ =	shalt  }
0x6e: {  	_ =	shalt  }
0x6f: {  	_ =	shalt  }
0x70: {  	_ =	shalt  }
0x71: {  	_ =	shalt  }
0x72: {  	_ =	shalt  }
0x73: {  	_ =	shalt  }
0x74: {  	_ =	shalt  }
0x75: {  	_ =	shalt  }
0x76: {  	_ =	shalt  }
0x77: {  	_ =	shalt  }
0x78: {  	_ =	shalt  }
0x79: {  	_ =	shalt  }
0x7a: {  	_ =	shalt  }
0x7b: {  	_ =	shalt  }
0x7c: {  	_ =	shalt  }
0x7d: {  	_ =	shalt  }
0x7e: {  	_ =	shalt  }
0x7f: {  	_ =	shalt  }
0x80: {  	_ =	shalt  }
0x81: {  	_ =	shalt  }
0x82: {  	_ =	shalt  }
0x83: {  	_ =	shalt  }
0x84: {  	_ =	shalt  }
0x85: {  	_ =	shalt  }
0x86: {  	_ =	shalt  }
0x87: {  	_ =	shalt  }
.Lfunc_end0:
.L_simem_size_0:
called_computation.2_lowered:
.L_overlay_start_0:
0x88: {  	s2 =	sld [smem:$0x3FD9]  }
0x89: {  	s3 =	sld [smem:$0x3FFE];
	_ =	sdelay $0x1  }
0x8a: {  	s1 =	srdreg.scid  }
0x8b: {  	s0 =	sand.u32 $0x1, s1  }
0x8c: {  	s16 =	sshll.u32 s0, $0xA;
	s2 =	sadd.s32 s3, s2  }
0x8d: {  	s2 =	sadd.s32 s2, s16  }
0x8e: {  	[smem:$0x3FB2] =	sst s2  }
0x8f: {  	_ = 	snop  }
0x90: {  	(tm) =	ssettm $0x1  }
0x91: {  	s17 =	sld [smem:$0x3FFB];
	_ =	sdelay $0x3  }
0x92: {  	_ =	strace s17  }
0x93: {  	s2 =	sld [smem:$0x3FFC];
	_ =	sdelay $0x3  }
0x94: {  	_ =	strace s2  }
0x95: {  	s2 =	sld [smem:$0x3FFD];
	_ =	sdelay $0x3  }
0x96: {  	_ =	strace s2  }
0x97: {  	_ =	strace $0x8FFFFFFF  }
0x98: {  	s18 =	sld [smem:$0x3FDB];
	_ =	sdelay $0x1  }
0x99: {  	s19 =	simm.s32 $_scs_section_size  }
0x9a: {  	s4 =	simm.s32 $_size__tile_overlayer_lowered;
	s5 =	simm.s32 $_tile_overlayer_lowered  }
0x9b: {  	s22 =	simm.s32 $0x1BFF;
	s21 =	sshll.u32 s5, $0x1;
	s2 =	sadd.s32 s19, s18  }
0x9c: {  	s6 =	simm.s32 $0x0;
	s20 =	sshll.u32 s4, $0x1;
	s4 =	sadd.s32 s21, s2  }
0x9d: {  	[timem:s6], [sflag:s22] =	dma.local [hbm:s4], s20  }
0x9e: {  	_ =	swait.ge [sflag:s22], s20  }
0x9f: {  	s3 =	ssub.s32 $0x0, s20;
	[sflag:s22] =	ssyncset.done $0x0  }
0xa0: {  	[sflag:s22] =	ssyncadd.s32 s3;
	_ =	sdelay $0x1  }
0xa1: {  	s23 =	simm.s32 $0x1B8B  }
0xa2: {  	_ =	swait.ge [sflag:s23], $0x1  }
0xa3: {  	[sflag:s23] =	ssyncset.done $0x0  }
0xa4: {  	s25 =	simm.s32 $0x1B8E;
	s24 =	sld [smem:$0x3FFE];
	[sflag:s23] =	ssyncadd.s32 $0xFFFFFFFF  }
0xa5: {  	s26 =	simm.s32 $execute0_lowered;
	[smem:$0x3FD2] =	sst s25  }
0xa6: {  	s4 =	sshll.u32 s26, $0x1;
	_ =	strace $0x8000004C;
	[dreg:$0x1] =	wrdreg $0xFFFFFFFF  }
0xa7: {  	s28 =	simm.s32 $_size_execute0_lowered;
	s2 =	sadd.s32 s2, s4;
	[dreg:$0x0] =	wrdreg $0x0  }
0xa8: {  	s4 =	sshll.u32 s28, $0x1;
	[dreg:$0x2] =	wrdreg s2  }
0xa9: {  	[dreg:$0x3] =	wrdreg s4  }
0xaa: {  	[dreg:$0x4] =	wrdreg $0xC0  }
0xab: {  	_ =	task [dreg:s6], $0x5FFFF  }
0xac: {  	[dreg:$0x1] =	wrdreg $0xFFFFFFFF  }
0xad: {  	[dreg:$0x0] =	wrdreg $0x60  }
0xae: {  	[dreg:$0x2] =	wrdreg s24  }
0xaf: {  	[dreg:$0x3] =	wrdreg $0x9  }
0xb0: {  	_ =	task.clear_ibuf [dreg:s6], $0x4FFFF;
	_ =	strace $0x9000004C  }
0xb1: {  	s29 =	simm.s32 $0x9;
	_ =	strace $0x8000004E  }
0xb2: {  	_ =	swait.ge [sflag:s29], $0x1  }
0xb3: {  	[sflag:s29] =	ssyncadd.s32 $0xFFFFFFFF  }
0xb4: {  	_ =	strace $0x9000004E  }
0xb5: {  	_ =	sfence  }
0xb6: {  	s30 =	sld [smem:$0x0];
	_ =	sdelay $0x2  }
0xb7: {  	s31 =	sshll.u32 s1, $0xD;
	s1 =	sshrl.u32 s1, $0x2  }
0xb8: {  	s3 =	sand.u32 $0x4000, s31;
	s1 =	sadd.s32 s1, s30  }
0xb9: {  	s0 =	sor.u32 s3, s0;
	s1 =	sshll.u32 s1, $0x11  }
0xba: {  	s0 =	sor.u32 s1, s0  }
0xbb: {  	s0 =	sadd.s32 $0x8F2B, s0  }
0xbc: {  	[sflag:s0] =	ssyncadd.remote.s32 $0x1  }
0xbd: {  	_ =	sfence.sel $0xFFFF  }
0xbe: {  	[dreg:$0x0] =	wrdreg $0xFFFFFFFF;
	(pc) =	sbr.abs _section_cstart, $3  }
0xbf: {  	[dreg:$0x1] =	wrdreg $0xFFFFFFFF  }
0xc0: {  	_ =	task.clear_ibuf [dreg:s6], $0x2FFFF;
	_ =	strace $0x9FFFFFFF  }
0xc1: {  	(tm) =	ssettm $0x7FFFFFFF  }
tec
execute0_lowered:
.L_overlay_start_1:
0x0: {  	(tag) =	ssettag $0x1  }
0x1: {  	s1 =	srdreg.scid  }
0x2: {  	s1 =	sand.u32 $0x1, s1  }
0x3: {  	p0 =	seq.s32 s1, $0x1  }
.Ltmp0:
0x4: {  	_ = 	snop;
	(pc) =	sbr.rel @p0 .LBB2_9-.Ltmp0, $4  }
0x5: {  	_ = 	snop  }
0x6: {  	s5 =	rddreg [dreg:$0x0];
	s2 =	simm.s32 $0x0  }
0x7: {  	[smem:$0x7FF] =	sst s2  }
0x8: {  	s0 =	rddreg [dreg:$0x1];
	_ =	strace $0x8000004D;
	s1 =	stileid.u32  }
0x9: {  	s3 =	smul.u32 $0x380, s1  }
0xa: {  	s4 =	sadd.s32 $0xB6C00, s5  }
0xb: {  	s29 =	simm.s32 $0x4;
	s4 =	sadd.s32 s4, s3  }
0xc: {  	[tilespmem:s2], [sflag:$0x4] =	stream.linear.gather [hbm4b:s4+s2], $0x1880, $0x38;
	[tilespmem:$0x1B800] =	vst v63  }
0xd: {  	_ =	swait.ge [sflag:s29], $0x1880  }
0xe: {  	s6 =	sadd.s32 $0xBA400, s5;
	[sflag:s29] =	ssyncset.done $0x0  }
0xf: {  	s30 =	simm.s32 $0x1C00;
	s3 =	sadd.s32 s6, s3;
	[sflag:s29] =	ssyncadd.s32 $0xFFFFE780  }
0x10: {  	[tilespmem:s30], [sflag:$0x4] =	stream.linear.gather [hbm4b:s3+s2], $0x1880, $0x38;
	[tilespmem:$0x1B800] =	vst v63  }
0x11: {  	s7 =	simm.s32 $0x3800;
	s31 =	simm.s32 $0xB800;
	_ =	swait.ge [sflag:s29], $0x1880  }
0x12: {  	s8 =	simm.s32 $0x2;
	s9 =	simm.s32 $0x0;
	[sflag:s29] =	ssyncset.done $0x0  }
0x13: {  	s4 =	simm.s32 $0x80;
	s3 =	sadd.s32 $0x1C00, s5;
	[sflag:s29] =	ssyncadd.s32 $0xFFFFE780  }
0x14: {  	[tilespmem:s7], [sflag:$0x1] =	stream.indirect.gather [hbm4b:s3+s4], $0x80, s2, s4, $0xb8;
	[tilespmem:$0x1B800] =	vst v63  }
0x15: {  	s6 =	smul.u32 $0xC4000, s1;
	s5 =	sadd.s32 $0xBDC00, s5;
	s7 =	simm.s32 $0x1  }
0x16: {  	[tilespmem:s31], [sflag:$0x2] =	stream.indirect.gather [hbm4b:s3+s4], $0x80, s30, s4, $0xb8;
	[tilespmem:$0x1B800] =	vst v63  }
.LBB2_2:
0x17: {  	_ =	swait.ge [sflag:s7], $0x4000  }
0x18: {  	p0 =	seq.s32 s9, $0x0;
	[sflag:s7] =	ssyncset.done $0x0  }
0x19: {  	p1 =	seq.s32 @!p0 s9, $0x30;
	[sflag:s7] =	ssyncadd.s32 $0xFFFFC000  }
0x1a: {  	p1 =	por p0, !p1;
	_ =	swait.ge [sflag:s8], $0x4000  }
.Ltmp1:
0x1b: {  	[sflag:s8] =	ssyncset.done $0x0;
	(pc) =	sbr.rel @p1 .LBB2_4-.Ltmp1, $4  }
0x1c: {  	s10 =	simm.s32 @!p0 $0x3;
	[sflag:s8] =	ssyncadd.s32 $0xFFFFC000  }
0x1d: {  	_ =	swait.ge @!p0 [sflag:s10], $0x4000  }
0x1e: {  	[sflag:s10] =	ssyncset.done @!p0 $0x0  }
0x1f: {  	s11 =	sand.u32 $0x1, s9;
	[sflag:s10] =	ssyncadd.s32 @!p0 $0xFFFFC000  }
.Ltmp2:
0x20: {  	(pc) =	sbr.rel .LBB2_5-.Ltmp2, $2  }
0x21: {  	_ =	sdelay $0x2  }
0x22: {  	s10 =	simm.s32 @!p0 $0x31;
	s14 =	simm.s32 @!p0 $0x0  }
.LBB2_4:
0x23: {  	s10 =	sadd.s32 @!p0 $0x1, s9;
	s14 =	sshll.u32 s11, $0xE  }
0x24: {  	s10 =	simm.s32 @p0 $0x1;
	s12 =	sxor.u32 $0x4000, s14  }
0x25: {  	s13 =	sor.u32 $0x3800, s12;
	s15 =	sshll.u32 s10, $0x7  }
0x26: {  	[tilespmem:s13], [sflag:$0x1] =	stream.indirect.gather [hbm4b:s3+s4], $0x80, s15, s4, $0xb8;
	[tilespmem:$0x1B800] =	vst v63  }
0x27: {  	s12 =	sor.u32 $0xB800, s12;
	s31 =	sadd.s32 $0x1C00, s15  }
0x28: {  	[tilespmem:s12], [sflag:$0x2] =	stream.indirect.gather [hbm4b:s3+s4], $0x80, s31, s4, $0xb8;
	[tilespmem:$0x1B800] =	vst v63  }
.LBB2_5:
0x29: {  	s12 =	sadd.s32 $0x3900, s14  }
0x2a: {  	s13 =	sadd.s32 $0xB900, s14;
	v0 =	vld [tilespmem:s12+$0x80]  }
0x2b: {  	v1 =	vld [tilespmem:s13+$0x80];
	_ =	sdelay $0x2  }
0x2c: {  	v2 =	vld [tilespmem:s12+$0xFFFFFF80]  }
0x2d: {  	v3 =	vld [tilespmem:s13+$0xFFFFFF80]  }
0x2e: {  	v4 =	vld [tilespmem:s13+$0xFFFFFF00];
	v0 =	vmul.f32 v1, v0  }
0x2f: {  	s14 =	sadd.s32 $0x13900, s14;
	v1 =	vld [tilespmem:s12+$0xFFFFFF00]  }
0x30: {  	[tilespmem:s14+$0x80] =	vst v0  }
0x31: {  	v0 =	vld [tilespmem:s12+$0x90]  }
0x32: {  	v2 =	vmul.f32 v3, v2;
	v3 =	vld [tilespmem:s13+$0x90]  }
0x33: {  	v5 =	vld [tilespmem:s12+$0x0]  }
0x34: {  	v6 =	vld [tilespmem:s13+$0x0];
	[tilespmem:s14+$0xFFFFFF80] =	vst v2;
	v1 =	vmul.f32 v4, v1  }
0x35: {  	v2 =	vld [tilespmem:s12+$0xFFFFFF90]  }
0x36: {  	v4 =	vld [tilespmem:s13+$0xFFFFFF90];
	[tilespmem:s14+$0xFFFFFF00] =	vst v1  }
0x37: {  	v1 =	vld [tilespmem:s12+$0xFFFFFF10];
	v0 =	vmul.f32 v3, v0  }
0x38: {  	v3 =	vld [tilespmem:s13+$0xFFFFFF10]  }
0x39: {  	v5 =	vmul.f32 v6, v5;
	[tilespmem:s14+$0x90] =	vst v0  }
0x3a: {  	v0 =	vld [tilespmem:s12+$0xA0]  }
0x3b: {  	[tilespmem:s14+$0x0] =	vst v5;
	v2 =	vmul.f32 v4, v2;
	v4 =	vld [tilespmem:s13+$0xA0]  }
0x3c: {  	v5 =	vld [tilespmem:s12+$0x10]  }
0x3d: {  	v6 =	vld [tilespmem:s13+$0x10];
	[tilespmem:s14+$0xFFFFFF90] =	vst v2;
	v1 =	vmul.f32 v3, v1  }
0x3e: {  	v2 =	vld [tilespmem:s12+$0xFFFFFFA0]  }
0x3f: {  	v3 =	vld [tilespmem:s13+$0xFFFFFFA0];
	[tilespmem:s14+$0xFFFFFF10] =	vst v1  }
0x40: {  	v1 =	vld [tilespmem:s12+$0xFFFFFF20];
	v0 =	vmul.f32 v4, v0  }
0x41: {  	v4 =	vld [tilespmem:s13+$0xFFFFFF20]  }
0x42: {  	v5 =	vmul.f32 v6, v5;
	[tilespmem:s14+$0xA0] =	vst v0  }
0x43: {  	v0 =	vld [tilespmem:s12+$0xB0]  }
0x44: {  	[tilespmem:s14+$0x10] =	vst v5;
	v2 =	vmul.f32 v3, v2;
	v3 =	vld [tilespmem:s13+$0xB0]  }
0x45: {  	v5 =	vld [tilespmem:s12+$0x20]  }
0x46: {  	[tilespmem:s14+$0xFFFFFFA0] =	vst v2;
	v2 =	vld [tilespmem:s13+$0x20];
	v1 =	vmul.f32 v4, v1  }
0x47: {  	v4 =	vld [tilespmem:s12+$0xFFFFFFB0]  }
0x48: {  	v6 =	vld [tilespmem:s13+$0xFFFFFFB0];
	[tilespmem:s14+$0xFFFFFF20] =	vst v1  }
0x49: {  	v1 =	vld [tilespmem:s12+$0xFFFFFF30];
	v0 =	vmul.f32 v3, v0  }
0x4a: {  	v3 =	vld [tilespmem:s13+$0xFFFFFF30]  }
0x4b: {  	v2 =	vmul.f32 v2, v5;
	[tilespmem:s14+$0xB0] =	vst v0  }
0x4c: {  	v0 =	vld [tilespmem:s12+$0xC0]  }
0x4d: {  	v4 =	vmul.f32 v6, v4;
	[tilespmem:s14+$0x20] =	vst v2;
	v2 =	vld [tilespmem:s13+$0xC0]  }
0x4e: {  	v5 =	vld [tilespmem:s12+$0x30]  }
0x4f: {  	[tilespmem:s14+$0xFFFFFFB0] =	vst v4;
	v1 =	vmul.f32 v3, v1;
	v3 =	vld [tilespmem:s13+$0x30]  }
0x50: {  	v4 =	vld [tilespmem:s12+$0xFFFFFFC0]  }
0x51: {  	[tilespmem:s14+$0xFFFFFF30] =	vst v1;
	v1 =	vld [tilespmem:s13+$0xFFFFFFC0]  }
0x52: {  	v6 =	vld [tilespmem:s12+$0xFFFFFF40];
	v0 =	vmul.f32 v2, v0  }
0x53: {  	v2 =	vld [tilespmem:s13+$0xFFFFFF40]  }
0x54: {  	v3 =	vmul.f32 v3, v5;
	[tilespmem:s14+$0xC0] =	vst v0  }
0x55: {  	v0 =	vld [tilespmem:s12+$0xD0]  }
0x56: {  	v1 =	vmul.f32 v1, v4;
	[tilespmem:s14+$0x30] =	vst v3;
	v3 =	vld [tilespmem:s13+$0xD0]  }
0x57: {  	v4 =	vld [tilespmem:s12+$0x40]  }
0x58: {  	v2 =	vmul.f32 v2, v6;
	[tilespmem:s14+$0xFFFFFFC0] =	vst v1;
	v1 =	vld [tilespmem:s13+$0x40]  }
0x59: {  	v5 =	vld [tilespmem:s12+$0xFFFFFFD0]  }
0x5a: {  	[tilespmem:s14+$0xFFFFFF40] =	vst v2;
	v2 =	vld [tilespmem:s13+$0xFFFFFFD0]  }
0x5b: {  	v6 =	vld [tilespmem:s12+$0xFFFFFF50];
	v0 =	vmul.f32 v3, v0  }
0x5c: {  	v3 =	vld [tilespmem:s13+$0xFFFFFF50]  }
0x5d: {  	v1 =	vmul.f32 v1, v4;
	[tilespmem:s14+$0xD0] =	vst v0  }
0x5e: {  	v7 =	vld [tilespmem:s12+$0xE0]  }
0x5f: {  	v0 =	vmul.f32 v2, v5;
	v5 =	vld [tilespmem:s13+$0xE0];
	[tilespmem:s14+$0x40] =	vst v1  }
0x60: {  	v1 =	vld [tilespmem:s12+$0x50]  }
0x61: {  	v2 =	vmul.f32 v3, v6;
	[tilespmem:s14+$0xFFFFFFD0] =	vst v0;
	v4 =	vld [tilespmem:s13+$0x50]  }
0x62: {  	v0 =	vld [tilespmem:s12+$0xFFFFFFE0]  }
0x63: {  	v3 =	vld [tilespmem:s13+$0xFFFFFFE0];
	[tilespmem:s14+$0xFFFFFF50] =	vst v2  }
0x64: {  	s16 =	simm.s32 $0x0;
	v2 =	vld [tilespmem:s12+$0xFFFFFF60];
	v6 =	vmul.f32 v5, v7  }
0x65: {  	s17 =	sadd.s32 $0x200, s12;
	s18 =	smov.u32 s13;
	s15 =	smov.u32 s14;
	v5 =	vld [tilespmem:s13+$0xFFFFFF60]  }
.LBB2_6:
0x66: {  	v7 =	vld [tilespmem:s17+$0x80];
	v1 =	vmul.f32 v4, v1;
	[tilespmem:s14+$0xE0] =	vst v6  }
0x67: {  	v4 =	vld [tilespmem:s12+$0xF0]  }
0x68: {  	s18 =	sadd.s32 $0x200, s18;
	v0 =	vmul.f32 v3, v0;
	[tilespmem:s14+$0x50] =	vst v1;
	v1 =	vld [tilespmem:s13+$0xF0]  }
0x69: {  	v3 =	vld [tilespmem:s18+$0x80]  }
0x6a: {  	v6 =	vld [tilespmem:s18+$0xFFFFFF00];
	v2 =	vmul.f32 v5, v2;
	[tilespmem:s14+$0xFFFFFFE0] =	vst v0  }
0x6b: {  	v0 =	vld [tilespmem:s17+$0xFFFFFF80]  }
0x6c: {  	v5 =	vld [tilespmem:s18+$0xFFFFFF80];
	[tilespmem:s14+$0xFFFFFF60] =	vst v2  }
0x6d: {  	v2 =	vld [tilespmem:s17+$0x0];
	v1 =	vmul.f32 v1, v4  }
0x6e: {  	v4 =	vld [tilespmem:s18+$0x0];
	v3 =	vmul.f32 v3, v7  }
0x6f: {  	s14 =	sadd.s32 $0x200, s14;
	v7 =	vld [tilespmem:s17+$0xFFFFFF00];
	[tilespmem:s15+$0xF0] =	vst v1  }
0x70: {  	s16 =	sadd.s32 $0x4, s16;
	[tilespmem:s14+$0x80] =	vst v3;
	v1 =	vld [tilespmem:s12+$0x60]  }
0x71: {  	p0 =	slt.u32 s16, $0x7C;
	v0 =	vmul.f32 v5, v0;
	v3 =	vld [tilespmem:s17+$0x90]  }
0x72: {  	v5 =	vld [tilespmem:s18+$0x90]  }
0x73: {  	[tilespmem:s14+$0xFFFFFF80] =	vst v0;
	v0 =	vmul.f32 v4, v2;
	v2 =	vld [tilespmem:s13+$0x60]  }
0x74: {  	v4 =	vmul.f32 v6, v7;
	v6 =	vld [tilespmem:s17+$0xFFFFFF90]  }
0x75: {  	v7 =	vld [tilespmem:s18+$0xFFFFFF90];
	[tilespmem:s14+$0x0] =	vst v0  }
0x76: {  	[tilespmem:s14+$0xFFFFFF00] =	vst v4;
	v0 =	vld [tilespmem:s17+$0x10]  }
0x77: {  	v4 =	vld [tilespmem:s17+$0xFFFFFF10];
	v3 =	vmul.f32 v5, v3  }
0x78: {  	v5 =	vld [tilespmem:s18+$0xFFFFFF10];
	v1 =	vmul.f32 v2, v1  }
0x79: {  	v2 =	vld [tilespmem:s18+$0x10];
	[tilespmem:s14+$0x90] =	vst v3  }
0x7a: {  	v3 =	vmul.f32 v7, v6;
	v6 =	vld [tilespmem:s17+$0xA0];
	[tilespmem:s15+$0x60] =	vst v1  }
0x7b: {  	v1 =	vld [tilespmem:s18+$0xA0]  }
0x7c: {  	[tilespmem:s14+$0xFFFFFF90] =	vst v3;
	v3 =	vld [tilespmem:s12+$0xFFFFFF70]  }
0x7d: {  	v4 =	vmul.f32 v5, v4;
	v5 =	vld [tilespmem:s17+$0xFFFFFFA0]  }
0x7e: {  	v7 =	vld [tilespmem:s18+$0xFFFFFFA0];
	v0 =	vmul.f32 v2, v0  }
0x7f: {  	[tilespmem:s14+$0xFFFFFF10] =	vst v4;
	v2 =	vld [tilespmem:s13+$0xFFFFFF70]  }
0x80: {  	v4 =	vld [tilespmem:s17+$0xFFFFFF20];
	[tilespmem:s14+$0x10] =	vst v0;
	v0 =	vmul.f32 v1, v6  }
0x81: {  	v1 =	vld [tilespmem:s18+$0xFFFFFF20]  }
0x82: {  	v6 =	vld [tilespmem:s17+$0x20];
	[tilespmem:s14+$0xA0] =	vst v0  }
0x83: {  	v0 =	vmul.f32 v7, v5;
	v5 =	vld [tilespmem:s17+$0xB0]  }
0x84: {  	v7 =	vld [tilespmem:s18+$0xB0];
	v2 =	vmul.f32 v2, v3  }
0x85: {  	[tilespmem:s14+$0xFFFFFFA0] =	vst v0;
	v0 =	vld [tilespmem:s18+$0x20]  }
0x86: {  	v1 =	vmul.f32 v1, v4;
	v3 =	vld [tilespmem:s17+$0xFFFFFFB0];
	[tilespmem:s15+$0xFFFFFF70] =	vst v2  }
0x87: {  	v2 =	vld [tilespmem:s18+$0xFFFFFFB0]  }
0x88: {  	[tilespmem:s14+$0xFFFFFF20] =	vst v1;
	v1 =	vld [tilespmem:s12+$0xFFFFFFF0]  }
0x89: {  	v4 =	vld [tilespmem:s17+$0xFFFFFF30];
	v5 =	vmul.f32 v7, v5  }
0x8a: {  	v7 =	vld [tilespmem:s18+$0xFFFFFF30];
	v0 =	vmul.f32 v0, v6  }
0x8b: {  	[tilespmem:s14+$0xB0] =	vst v5;
	v5 =	vld [tilespmem:s13+$0xFFFFFFF0]  }
0x8c: {  	v2 =	vmul.f32 v2, v3;
	[tilespmem:s14+$0x20] =	vst v0;
	v0 =	vld [tilespmem:s17+$0xC0]  }
0x8d: {  	v3 =	vld [tilespmem:s18+$0xC0]  }
0x8e: {  	[tilespmem:s14+$0xFFFFFFB0] =	vst v2;
	v2 =	vld [tilespmem:s17+$0x30]  }
0x8f: {  	v4 =	vmul.f32 v7, v4;
	v6 =	vld [tilespmem:s18+$0x30]  }
0x90: {  	v7 =	vld [tilespmem:s17+$0xFFFFFFC0];
	v1 =	vmul.f32 v5, v1  }
0x91: {  	[tilespmem:s14+$0xFFFFFF30] =	vst v4;
	v4 =	vld [tilespmem:s18+$0xFFFFFFC0]  }
0x92: {  	v5 =	vld [tilespmem:s17+$0xFFFFFF40];
	v0 =	vmul.f32 v3, v0;
	[tilespmem:s15+$0xFFFFFFF0] =	vst v1  }
0x93: {  	v1 =	vld [tilespmem:s18+$0xFFFFFF40]  }
0x94: {  	v2 =	vmul.f32 v6, v2;
	[tilespmem:s14+$0xC0] =	vst v0;
	v3 =	vld [tilespmem:s12+$0x70];
	s12 =	smov.u32 s17  }
0x95: {  	v0 =	vld [tilespmem:s17+$0xD0]  }
0x96: {  	v4 =	vmul.f32 v4, v7;
	[tilespmem:s14+$0x30] =	vst v2;
	v2 =	vld [tilespmem:s18+$0xD0]  }
0x97: {  	v6 =	vld [tilespmem:s17+$0x40]  }
0x98: {  	v1 =	vmul.f32 v1, v5;
	[tilespmem:s14+$0xFFFFFFC0] =	vst v4;
	v4 =	vld [tilespmem:s18+$0x40]  }
0x99: {  	v5 =	vld [tilespmem:s17+$0xFFFFFFD0]  }
0x9a: {  	[tilespmem:s14+$0xFFFFFF40] =	vst v1;
	v1 =	vld [tilespmem:s18+$0xFFFFFFD0]  }
0x9b: {  	v7 =	vld [tilespmem:s17+$0xFFFFFF50];
	v0 =	vmul.f32 v2, v0  }
0x9c: {  	v2 =	vld [tilespmem:s18+$0xFFFFFF50]  }
0x9d: {  	v4 =	vmul.f32 v4, v6;
	[tilespmem:s14+$0xD0] =	vst v0;
	v6 =	vld [tilespmem:s13+$0x70];
	s13 =	smov.u32 s18  }
0x9e: {  	v8 =	vld [tilespmem:s17+$0xE0]  }
0x9f: {  	v0 =	vmul.f32 v1, v5;
	[tilespmem:s14+$0x40] =	vst v4;
	v5 =	vld [tilespmem:s18+$0xE0]  }
0xa0: {  	v1 =	vld [tilespmem:s17+$0x50]  }
.Ltmp3:
0xa1: {  	v2 =	vmul.f32 v2, v7;
	[tilespmem:s14+$0xFFFFFFD0] =	vst v0;
	v4 =	vld [tilespmem:s18+$0x50];
	(pc) =	sbr.rel @p0 .LBB2_6-.Ltmp3, $4  }
0xa2: {  	v0 =	vld [tilespmem:s17+$0xFFFFFFE0];
	v7 =	vmul.f32 v6, v3  }
0xa3: {  	[tilespmem:s14+$0xFFFFFF50] =	vst v2;
	v3 =	vld [tilespmem:s18+$0xFFFFFFE0]  }
0xa4: {  	v2 =	vld [tilespmem:s17+$0xFFFFFF60];
	v6 =	vmul.f32 v5, v8;
	[tilespmem:s15+$0x70] =	vst v7;
	s15 =	smov.u32 s14  }
0xa5: {  	s17 =	sadd.s32 $0x200, s17;
	v5 =	vld [tilespmem:s18+$0xFFFFFF60]  }
0xa6: {  	v1 =	vmul.f32 v4, v1;
	_ =	sdelay $0x1  }
0xa7: {  	[tilespmem:s14+$0x50] =	vst v1  }
0xa8: {  	v1 =	vld [tilespmem:s12+$0x60]  }
0xa9: {  	v55 =	vld [tilespmem:s13+$0x60]  }
0xaa: {  	[tilespmem:s14+$0xE0] =	vst v6;
	v0 =	vmul.f32 v3, v0  }
0xab: {  	v56 =	vld [tilespmem:s12+$0xF0]  }
0xac: {  	v57 =	vld [tilespmem:s13+$0xF0];
	v2 =	vmul.f32 v5, v2;
	[tilespmem:s14+$0xFFFFFFE0] =	vst v0  }
0xad: {  	v60 =	vld [tilespmem:s12+$0xFFFFFFF0]  }
0xae: {  	v61 =	vld [tilespmem:s13+$0xFFFFFFF0];
	[tilespmem:s14+$0xFFFFFF60] =	vst v2;
	v58 =	vmul.f32 v55, v1  }
0xaf: {  	v2 =	vld [tilespmem:s12+$0xFFFFFF70]  }
0xb0: {  	v59 =	vld [tilespmem:s13+$0xFFFFFF70];
	[tilespmem:s15+$0x60] =	vst v58  }
0xb1: {  	v62 =	vld [tilespmem:s12+$0x70]  }
0xb2: {  	v7 =	vld [tilespmem:s13+$0x70];
	_ =	sdelay $0x1  }
0xb3: {  	v3 =	vmul.f32 v57, v56  }
0xb4: {  	v0 =	vmul.f32 v61, v60  }
0xb5: {  	s9 =	sshll.u32 s9, $0xE;
	p0 =	slt.u32 s10, $0x31;
	[tilespmem:s15+$0xF0] =	vst v3;
	v1 =	vmul.f32 v59, v2  }
.Ltmp4:
0xb6: {  	s9 =	sadd.s32 s6, s9;
	[tilespmem:s15+$0xFFFFFFF0] =	vst v0;
	v63 =	vmul.f32 v7, v62;
	(pc) =	sbr.rel @p0 .LBB2_2-.Ltmp4, $4  }
0xb7: {  	s11 =	sshll.u32 s11, $0xE;
	s9 =	sshrl.u32 s9, $0x3;
	[tilespmem:s15+$0xFFFFFF70] =	vst v1  }
0xb8: {  	s11 =	sor.u32 $0x13800, s11;
	s9 =	sadd.s32 s5, s9;
	[tilespmem:s15+$0x70] =	vst v63  }
0xb9: {  	[hbm4b:s9+s2] =	stream.linear.scatter [tilespmem:s11], [sflag:$0x3], $0x4000, $0x38;
	[tilespmem:$0x1B800] =	vst v63  }
0xba: {  	s9 =	smov.u32 s10  }
0xbb: {  	s2 =	simm.s32 $0x3  }
0xbc: {  	_ =	swait.ge [sflag:s2], $0x4000  }
0xbd: {  	[sflag:s2] =	ssyncset.done $0x0  }
0xbe: {  	[sflag:s2] =	ssyncadd.s32 $0xFFFFC000  }
.LBB2_9:
0xbf: {  	_ =	sfence.sel $0x180000  }
0xc0: {  	[bflag:$0x0] =	sbarrier.arrive $0xFFFF  }
0xc1: {  	p0 =	sne.s32 s1, $0x0;
	_ =	strace $0x9000004D  }
0xc2: {  	s0 =	sadd.s32 @!p0 $0x100000, s0;
	[bflag:$0x2] =	sbarrier.arrive $0xFFFF  }
0xc3: {  	[sflag:s0] =	ssyncadd.tile.s32 @!p0 $0x1;
	_ =	shalt  }
.Lfunc_end2:
_tile_overlayer_lowered:
.L_overlay_start_2:
0xc4: {  	(tag) =	ssettag $0x2  }
0xc5: {  	s0 =	rddreg [dreg:$0x0];
	s2 =	stileid.u32  }
0xc6: {  	s1 =	rddreg [dreg:$0x1];
	p0 =	sne.s32 s2, $0x0  }
0xc7: {  	s3 =	rddreg [dreg:$0x2];
	[bflag:$0x3] =	sbarrier.arrive $0xFFFF;
	s2 =	simm.s32 @!p0 $0x1C04  }
0xc8: {  	[timem:s3], [sflag:s2] =	dma.local @!p0 [hbm:s0], s1  }
0xc9: {  	s0 =	simm.s32 @!p0 $0x4  }
0xca: {  	_ =	swait.ge @!p0 [sflag:s0], s1  }
0xcb: {  	s1 =	ssub.s32 @!p0 $0x0, s1;
	[sflag:s0] =	ssyncset.done @!p0 $0x0  }
0xcc: {  	[sflag:s0] =	ssyncadd.s32 @!p0 s1  }
0xcd: {  	[bflag:$0x3] =	sbarrier.arrive $0xFFFF  }
0xce: {  	_ =	shalt  }

// kernel: kernel.8.cloned.1.call-start
scs
__scs_entry_jumppad:
0x0: {  	(pc) =	sbr.rel $0x88, $3  }
0x1: {  	(tag) =	ssettag $0x0;
	lr =	simm.s32 $0x1  }
0x2: {  	[smem:$0x3F8B] =	sst lr;
	_ =	strace $0xD0000000  }
0x3: {  	_ = 	snop  }
0x4: {  	_ = 	snop  }
0x5: {  	_ = 	snop  }
0x6: {  	_ = 	snop  }
0x7: {  	_ = 	snop  }
__scs_overlays_trampoline_lowered:
0x8: {  	[smem:$0x3F9A] =	sst s0  }
0x9: {  	[smem:$0x3F9B] =	sst s1  }
0xa: {  	[smem:$0x3F9C] =	sst s2  }
0xb: {  	[smem:$0x3F9D] =	sst s3  }
0xc: {  	[smem:$0x3F9E] =	sst s4  }
0xd: {  	[smem:$0x3F9F] =	sst s5  }
0xe: {  	[smem:$0x3FA0] =	sst s6  }
0xf: {  	[smem:$0x3FA1] =	sst s7  }
0x10: {  	[smem:$0x3FA2] =	sst s8  }
0x11: {  	[smem:$0x3FA3] =	sst s9;
	s0 =	simm.s32 @!p0 $0x0  }
0x12: {  	s1 =	sld [smem:$0x3F89];
	s0 =	simm.s32 @p0 $0x1  }
0x13: {  	[smem:$0x3FA4] =	sst s0;
	s0 =	simm.s32 @!p1 $0x0  }
0x14: {  	s2 =	sld [smem:$0x3F88];
	s0 =	simm.s32 @p1 $0x1  }
0x15: {  	[smem:$0x3FA5] =	sst s0;
	s0 =	simm.s32 @!p2 $0x0  }
0x16: {  	s3 =	sld [smem:$0x3FDB];
	s0 =	simm.s32 @p2 $0x1  }
0x17: {  	s4 =	simm.s32 $0x1BF5;
	[smem:$0x3FA7] =	sst s0  }
0x18: {  	s0 =	sld [smem:$0x3F8A];
	_ =	swait.ge [sflag:s4], $0x0  }
0x19: {  	s7 =	sld [smem:$0x3F8B]  }
0x1a: {  	s8 =	sadd.s32 $0xFFFFE003, lr  }
0x1b: {  	s9 =	sadd.s32 $0xFFFFFEF7, lr;
	s5 =	simm.s32 $0xFFFFFFFF;
	p2 =	slt.u32 s8, $0xFFFFF086  }
0x1c: {  	p1 =	slt.u32 s9, $0xF7A;
	s5 =	simm.s32 @!p2 $0x0  }
0x1d: {  	s5 =	simm.s32 @p1 $0x1;
	p0 =	seq.s32 s7, s2  }
0x1e: {  	s7 =	smul.u32 @!p0 $0xF7A, s2;
	p2 =	seq.s32 @!p0 s5, $0x0  }
0x1f: {  	s9 =	smul.u32 $0xF7A, s1;
	s8 =	simm.s32 @!p0 $0x1BF5;
	p2 =	por !p2, p0  }
0x20: {  	[sflag:s8] =	ssyncset.s32 @!p0 $0xFFFFF086;
	s6 =	sadd.s32 @!p0 s3, s7;
	s7 =	simm.s32 @!p0 $0x108  }
0x21: {  	s3 =	sadd.s32 s3, s9;
	s6 =	sadd.s32 @!p0 $0x88, s6;
	s7 =	simm.s32 @p2 $0x1082  }
0x22: {  	[simem:s7], [sflag:s8] =	dma.local @!p0 [hbm:s6], $0xF7A  }
0x23: {  	s9 =	sor.u32 $0xD0000000, s2;
	s6 =	simm.s32 $0x108;
	_ =	swait.ge @!p0 [sflag:s8], $0x0  }
0x24: {  	s3 =	sadd.s32 $0x88, s3;
	s6 =	simm.s32 @!p1 $0x1082;
	[sflag:s4] =	ssyncset.s32 $0xFFFFF086  }
0x25: {  	[simem:s6], [sflag:s4] =	dma.local [hbm:s3], $0xF7A  }
0x26: {  	[smem:$0x3F8B] =	sst s1;
	(tag) =	ssettag s2;
	_ =	strace s9  }
0x27: {  	s1 =	sld [smem:$0x3F9B]  }
0x28: {  	s2 =	sld [smem:$0x3F9C]  }
0x29: {  	s4 =	sld [smem:$0x3F9E]  }
0x2a: {  	p0 =	seq.s32 s5, $0x0;
	s5 =	sld [smem:$0x3F9F]  }
0x2b: {  	s6 =	sld [smem:$0x3FA0]  }
0x2c: {  	s7 =	sld [smem:$0x3FA1]  }
0x2d: {  	s3 =	simm.s32 $0x108;
	s8 =	sld [smem:$0x3FA2]  }
0x2e: {  	s3 =	simm.s32 @!p0 $0x1082;
	s9 =	sld [smem:$0x3FA3]  }
0x2f: {  	lr =	sadd.s32 s0, s3;
	s0 =	sld [smem:$0x3F9A]  }
0x30: {  	s3 =	sld [smem:$0x3F9D]  }
0x31: {  	[smem:$0x3FA6] =	sst s10  }
0x32: {  	s10 =	sld [smem:$0x3FA4];
	_ =	sdelay $0x3  }
0x33: {  	p0 =	seq.s32 s10, $0x1;
	s10 =	sld [smem:$0x3FA6];
	_ =	sdelay $0x3  }
0x34: {  	[smem:$0x3FA6] =	sst s10  }
0x35: {  	s10 =	sld [smem:$0x3FA5];
	_ =	sdelay $0x3  }
0x36: {  	p1 =	seq.s32 s10, $0x1;
	s10 =	sld [smem:$0x3FA6];
	_ =	sdelay $0x3  }
0x37: {  	[smem:$0x3FA6] =	sst s10  }
0x38: {  	s10 =	sld [smem:$0x3FA7]  }
0x39: {  	_ = 	snop;
	(pc) =	sbr.ind lr, $3  }
0x3a: {  	_ = 	snop  }
0x3b: {  	_ = 	snop  }
0x3c: {  	p2 =	seq.s32 s10, $0x1;
	s10 =	sld [smem:$0x3FA6]  }
0x3d: {  	_ =	shalt  }
0x3e: {  	_ =	shalt  }
0x3f: {  	_ =	shalt  }
0x40: {  	_ =	shalt  }
0x41: {  	_ =	shalt  }
0x42: {  	_ =	shalt  }
0x43: {  	_ =	shalt  }
0x44: {  	_ =	shalt  }
0x45: {  	_ =	shalt  }
0x46: {  	_ =	shalt  }
0x47: {  	_ =	shalt  }
0x48: {  	_ =	shalt  }
0x49: {  	_ =	shalt  }
0x4a: {  	_ =	shalt  }
0x4b: {  	_ =	shalt  }
0x4c: {  	_ =	shalt  }
0x4d: {  	_ =	shalt  }
0x4e: {  	_ =	shalt  }
0x4f: {  	_ =	shalt  }
0x50: {  	_ =	shalt  }
0x51: {  	_ =	shalt  }
0x52: {  	_ =	shalt  }
0x53: {  	_ =	shalt  }
0x54: {  	_ =	shalt  }
0x55: {  	_ =	shalt  }
0x56: {  	_ =	shalt  }
0x57: {  	_ =	shalt  }
0x58: {  	_ =	shalt  }
0x59: {  	_ =	shalt  }
0x5a: {  	_ =	shalt  }
0x5b: {  	_ =	shalt  }
0x5c: {  	_ =	shalt  }
0x5d: {  	_ =	shalt  }
0x5e: {  	_ =	shalt  }
0x5f: {  	_ =	shalt  }
0x60: {  	_ =	shalt  }
0x61: {  	_ =	shalt  }
0x62: {  	_ =	shalt  }
0x63: {  	_ =	shalt  }
0x64: {  	_ =	shalt  }
0x65: {  	_ =	shalt  }
0x66: {  	_ =	shalt  }
0x67: {  	_ =	shalt  }
0x68: {  	_ =	shalt  }
0x69: {  	_ =	shalt  }
0x6a: {  	_ =	shalt  }
0x6b: {  	_ =	shalt  }
0x6c: {  	_ =	shalt  }
0x6d: {  	_ =	shalt  }
0x6e: {  	_ =	shalt  }
0x6f: {  	_ =	shalt  }
0x70: {  	_ =	shalt  }
0x71: {  	_ =	shalt  }
0x72: {  	_ =	shalt  }
0x73: {  	_ =	shalt  }
0x74: {  	_ =	shalt  }
0x75: {  	_ =	shalt  }
0x76: {  	_ =	shalt  }
0x77: {  	_ =	shalt  }
0x78: {  	_ =	shalt  }
0x79: {  	_ =	shalt  }
0x7a: {  	_ =	shalt  }
0x7b: {  	_ =	shalt  }
0x7c: {  	_ =	shalt  }
0x7d: {  	_ =	shalt  }
0x7e: {  	_ =	shalt  }
0x7f: {  	_ =	shalt  }
0x80: {  	_ =	shalt  }
0x81: {  	_ =	shalt  }
0x82: {  	_ =	shalt  }
0x83: {  	_ =	shalt  }
0x84: {  	_ =	shalt  }
0x85: {  	_ =	shalt  }
0x86: {  	_ =	shalt  }
0x87: {  	_ =	shalt  }
.Lfunc_end0:
.L_simem_size_0:
called_computation_lowered:
.L_overlay_start_0:
0x88: {  	s2 =	sld [smem:$0x3FD9]  }
0x89: {  	s3 =	sld [smem:$0x3FFE];
	_ =	sdelay $0x1  }
0x8a: {  	s1 =	srdreg.scid  }
0x8b: {  	s0 =	sand.u32 $0x1, s1  }
0x8c: {  	s14 =	sshll.u32 s0, $0xA;
	s2 =	sadd.s32 s3, s2  }
0x8d: {  	s2 =	sadd.s32 s2, s14  }
0x8e: {  	[smem:$0x3FB2] =	sst s2  }
0x8f: {  	_ = 	snop  }
0x90: {  	s2 =	sld [smem:$0x3FD0];
	_ =	sdelay $0x2  }
0x91: {  	s4 =	simm.s32 $0xA;
	s5 =	simm.s32 $0x10;
	s15 =	sld [smem:$0x3FC9]  }
0x92: {  	[smem:s5], [sflag:s4] =	dma.local [hbm:s2], $0x1  }
0x93: {  	_ =	swait.eq [sflag:s4], $0x1  }
0x94: {  	[sflag:s4] =	ssyncset.done $0x0  }
0x95: {  	[sflag:s4] =	ssyncadd.s32 $0xFFFFFFFF  }
0x96: {  	s16 =	sld [smem:$0x10];
	(tm) =	ssettm $0x1  }
0x97: {  	s17 =	sld [smem:$0x3FFB];
	_ =	sdelay $0x3  }
0x98: {  	_ =	strace s17  }
0x99: {  	s4 =	sld [smem:$0x3FFC];
	_ =	sdelay $0x3  }
0x9a: {  	_ =	strace s4  }
0x9b: {  	s4 =	sld [smem:$0x3FFD];
	_ =	sdelay $0x3  }
0x9c: {  	_ =	strace s4  }
0x9d: {  	_ =	strace $0x8FFFFFFF  }
0x9e: {  	s18 =	sld [smem:$0x3FDB];
	_ =	sdelay $0x1  }
0x9f: {  	s19 =	simm.s32 $_scs_section_size  }
0xa0: {  	s6 =	simm.s32 $_size__tile_overlayer_lowered;
	s7 =	simm.s32 $_tile_overlayer_lowered  }
0xa1: {  	s22 =	simm.s32 $0x1BFF;
	s21 =	sshll.u32 s7, $0x1;
	s4 =	sadd.s32 s19, s18  }
0xa2: {  	s8 =	simm.s32 $0x0;
	s20 =	sshll.u32 s6, $0x1;
	s6 =	sadd.s32 s21, s4  }
0xa3: {  	[timem:s8], [sflag:s22] =	dma.local [hbm:s6], s20  }
0xa4: {  	_ =	swait.ge [sflag:s22], s20  }
0xa5: {  	s5 =	ssub.s32 $0x0, s20;
	[sflag:s22] =	ssyncset.done $0x0  }
0xa6: {  	[sflag:s22] =	ssyncadd.s32 s5;
	_ =	sdelay $0x1  }
0xa7: {  	s23 =	simm.s32 $0x1B8B  }
0xa8: {  	_ =	swait.ge [sflag:s23], $0x1  }
0xa9: {  	[sflag:s23] =	ssyncset.done $0x0  }
0xaa: {  	s25 =	simm.s32 $0x1B8E;
	s24 =	sld [smem:$0x3FFE];
	[sflag:s23] =	ssyncadd.s32 $0xFFFFFFFF  }
0xab: {  	s26 =	simm.s32 $execute0_lowered;
	[smem:$0x3FD2] =	sst s25  }
0xac: {  	s6 =	sshll.u32 s26, $0x1;
	_ =	strace $0x80000046;
	[dreg:$0x1] =	wrdreg $0xFFFFFFFF  }
0xad: {  	s28 =	simm.s32 $_size_execute0_lowered;
	s4 =	sadd.s32 s4, s6;
	[dreg:$0x0] =	wrdreg $0x0  }
0xae: {  	s6 =	sshll.u32 s28, $0x1;
	[dreg:$0x2] =	wrdreg s4  }
0xaf: {  	[dreg:$0x3] =	wrdreg s6  }
0xb0: {  	[dreg:$0x4] =	wrdreg $0xC0  }
0xb1: {  	_ =	task [dreg:s8], $0x5FFFF  }
0xb2: {  	[dreg:$0x1] =	wrdreg $0xFFFFFFFF  }
0xb3: {  	[dreg:$0x0] =	wrdreg $0x60  }
0xb4: {  	[dreg:$0x2] =	wrdreg s24  }
0xb5: {  	[dreg:$0x3] =	wrdreg s15  }
0xb6: {  	[dreg:$0x4] =	wrdreg s16  }
0xb7: {  	[dreg:$0x5] =	wrdreg $0xBB000  }
0xb8: {  	[dreg:$0x6] =	wrdreg $0x1FB000  }
0xb9: {  	[dreg:$0x7] =	wrdreg $0x9  }
0xba: {  	_ =	task.clear_ibuf [dreg:s8], $0x8FFFF;
	_ =	strace $0x90000046  }
0xbb: {  	s29 =	simm.s32 $0x9;
	_ =	strace $0x80000048  }
0xbc: {  	_ =	swait.ge [sflag:s29], $0x1  }
0xbd: {  	[sflag:s29] =	ssyncadd.s32 $0xFFFFFFFF  }
0xbe: {  	_ =	strace $0x90000048  }
0xbf: {  	_ =	sfence  }
0xc0: {  	s30 =	sld [smem:$0x0];
	_ =	sdelay $0x2  }
0xc1: {  	s31 =	sshll.u32 s1, $0xD;
	s1 =	sshrl.u32 s1, $0x2  }
0xc2: {  	s3 =	sand.u32 $0x4000, s31;
	s1 =	sadd.s32 s1, s30  }
0xc3: {  	s0 =	sor.u32 s3, s0;
	s1 =	sshll.u32 s1, $0x11  }
0xc4: {  	s0 =	sor.u32 s1, s0  }
0xc5: {  	s0 =	sadd.s32 $0x8F2B, s0  }
0xc6: {  	[sflag:s0] =	ssyncadd.remote.s32 $0x1  }
0xc7: {  	_ =	sfence.sel $0xFFFF  }
0xc8: {  	[dreg:$0x0] =	wrdreg $0xFFFFFFFF;
	(pc) =	sbr.abs _section_cstart, $3  }
0xc9: {  	[dreg:$0x1] =	wrdreg $0xFFFFFFFF  }
0xca: {  	_ =	task.clear_ibuf [dreg:s8], $0x2FFFF;
	_ =	strace $0x9FFFFFFF  }
0xcb: {  	(tm) =	ssettm $0x7FFFFFFF  }
tec
execute0_lowered:
.L_overlay_start_1:
0x0: {  	(tag) =	ssettag $0x1  }
0x1: {  	s0 =	rddreg [dreg:$0x0]  }
0x2: {  	s1 =	rddreg [dreg:$0x1]  }
0x3: {  	s3 =	rddreg [dreg:$0x2]  }
0x4: {  	s2 =	rddreg [dreg:$0x3]  }
0x5: {  	s4 =	rddreg [dreg:$0x4];
	s5 =	simm.s32 $0x0  }
0x6: {  	s25 =	stileid.u32;
	s6 =	srdreg.scid;
	s28 =	simm.s32 $0x1C00  }
0x7: {  	s29 =	simm.s32 $0x80;
	s30 =	simm.s32 $0xBA80;
	s7 =	smul.u32 $0x14000, s25  }
0x8: {  	s31 =	simm.s32 $0x5;
	[smem:$0x7FF] =	sst s5;
	s10 =	smul.u32 $0x50000, s25  }
0x9: {  	s6 =	sand.u32 $0x1, s6;
	s9 =	sadd.s32 $0x1C00, s0;
	s12 =	smul.u32 $0x1C00, s25  }
0xa: {  	s13 =	sadd.s32 $0xC400, s0;
	s20 =	smul.u32 $0x280, s25;
	_ =	strace $0x80000047  }
0xb: {  	s8 =	ssub.s32 $0x2, s6;
	p0 =	seq.s32 s6, $0x1;
	s7 =	sshrl.u32 s7, $0x3  }
0xc: {  	s11 =	sshrl.u32 s8, $0x1;
	s14 =	sshrl.u32 s10, $0x2;
	s15 =	sshrl.u32 s12, $0x3  }
0xd: {  	s24 =	sshrl.u32 s20, $0x3;
	s12 =	simm.s32 $0x2;
	s0 =	sadd.s32 s7, s0  }
0xe: {  	s7 =	ssub.s32 s8, s11;
	s6 =	sadd.s32 s14, s2;
	s16 =	sadd.s32 s9, s15  }
0xf: {  	s17 =	sadd.s32 s13, s15;
	s19 =	sadd.s32 $0x3800, s15;
	[dreg:$0x6] =	wrdreg s16  }
0x10: {  	s10 =	sadd.s32 $0x7000, s15;
	s26 =	sadd.s32 s3, s24;
	[dreg:$0x7] =	wrdreg s17  }
0x11: {  	s18 =	sadd.s32 $0x16C00, s0;
	s21 =	sadd.s32 s9, s19;
	s11 =	sadd.s32 s13, s19  }
0x12: {  	s22 =	sadd.s32 $0x3EC00, s0;
	s23 =	sadd.s32 s9, s10;
	[dreg:$0xd] =	wrdreg s26  }
0x13: {  	s14 =	sadd.s32 s13, s10;
	s0 =	sadd.s32 $0x66C00, s0;
	[dreg:$0x8] =	wrdreg s18  }
0x14: {  	s17 =	sadd.s32 s20, s4;
	s3 =	sadd.s32 $0x500, s26;
	[dreg:$0x9] =	wrdreg s21  }
0x15: {  	s20 =	smax.u32 s7, $0x1;
	s24 =	sadd.s32 $0x10000, s6;
	[dreg:$0xa] =	wrdreg s22  }
.Ltmp0:
0x16: {  	s7 =	simm.s32 $0x1;
	[dreg:$0xb] =	wrdreg s23;
	(pc) =	sbr.rel .LBB2_1-.Ltmp0, $4  }
0x17: {  	s9 =	simm.s32 $0x7800;
	s10 =	simm.s32 $0x3;
	[dreg:$0xc] =	wrdreg s0  }
0x18: {  	s13 =	simm.s32 $0x4;
	[dreg:$0xe] =	wrdreg s3;
	s0 =	sadd.s32 $0xA00, s26  }
0x19: {  	s21 =	sadd.s32 $0x4000, s6;
	s22 =	sadd.s32 $0x8000, s6;
	s23 =	sadd.s32 $0xC000, s6  }
0x1a: {  	v0 =	vimm.f32 $0.0e+00;
	v1 =	vimm.f32 $1.000000000e+00;
	s26 =	simm.s32 $0x6;
	[dreg:$0xf] =	wrdreg s0;
	s0 =	simm.s32 $0x3800  }
.LBB2_21:
0x1b: {  	[sflag:s13] =	ssyncadd.s32 $0xFFFFC000  }
0x1c: {  	_ =	swait.ge [sflag:s7], $0x4000  }
0x1d: {  	[sflag:s7] =	ssyncset.done $0x0  }
0x1e: {  	s3 =	simm.s32 $0x3400;
	[sflag:s7] =	ssyncadd.s32 $0xFFFFC000  }
0x1f: {  	[spmem:s2] =	stream.indirect.scatter.add.f32 [tilespmem:s0], [sflag:$0x6], $0x80, s3, s29, $0xb8;
	[tilespmem:$0x1FD80] =	vst v63  }
0x20: {  	_ =	swait.ge [sflag:s26], $0x4000  }
0x21: {  	[sflag:s26] =	ssyncset.done $0x0  }
0x22: {  	[sflag:s26] =	ssyncadd.s32 $0xFFFFC000  }
0x23: {  	[bflag:$0x0] =	sbarrier.arrive $0xFFFF  }
0x24: {  	s16 =	rddreg [dreg:$0xc]  }
0x25: {  	[hbm:s16], [sflag:s18] =	dma.local [spmem:s19], $0x2800  }
0x26: {  	_ =	swait.ge [sflag:s26], $0x2800  }
0x27: {  	[sflag:s26] =	ssyncset.done $0x0  }
0x28: {  	[sflag:s26] =	ssyncadd.s32 $0xFFFFD800  }
.LBB2_22:
0x29: {  	s5 =	sadd.s32 $0x1, s5  }
0x2a: {  	p1 =	sne.s32 s5, s20  }
.Ltmp1:
0x2b: {  	_ = 	snop;
	(pc) =	sbr.rel @!p1 .LBB2_23-.Ltmp1, $1  }
0x2c: {  	_ =	sdelay $0x3  }
.LBB2_1:
.Ltmp2:
0x2d: {  	(pc) =	sbr.rel @!p0 .LBB2_9-.Ltmp2, $1  }
0x2e: {  	_ =	sdelay $0x3  }
0x2f: {  	[tilespmem:$0xB800] =	vst v0  }
0x30: {  	[tilespmem:$0xB810] =	vst v0  }
0x31: {  	[tilespmem:$0xB820] =	vst v0  }
0x32: {  	[tilespmem:$0xB830] =	vst v0  }
0x33: {  	[tilespmem:$0xB840] =	vst v0  }
0x34: {  	[tilespmem:$0xB850] =	vst v0  }
0x35: {  	[tilespmem:$0xB860] =	vst v0  }
0x36: {  	[tilespmem:$0xB870] =	vst v0  }
0x37: {  	[tilespmem:$0xB880] =	vst v0  }
0x38: {  	[tilespmem:$0xB890] =	vst v0  }
0x39: {  	[tilespmem:$0xB8A0] =	vst v0  }
0x3a: {  	[tilespmem:$0xB8B0] =	vst v0  }
0x3b: {  	[tilespmem:$0xB8C0] =	vst v0  }
0x3c: {  	[tilespmem:$0xB8D0] =	vst v0  }
0x3d: {  	[tilespmem:$0xB8E0] =	vst v0  }
0x3e: {  	[tilespmem:$0xB8F0] =	vst v0  }
0x3f: {  	[tilespmem:$0xB900] =	vst v0  }
0x40: {  	[tilespmem:$0xB910] =	vst v0  }
0x41: {  	[tilespmem:$0xB920] =	vst v0  }
0x42: {  	[tilespmem:$0xB930] =	vst v0  }
0x43: {  	[tilespmem:$0xB940] =	vst v0  }
0x44: {  	[tilespmem:$0xB950] =	vst v0  }
0x45: {  	[tilespmem:$0xB960] =	vst v0  }
0x46: {  	[tilespmem:$0xB970] =	vst v0  }
0x47: {  	[tilespmem:$0xB980] =	vst v0  }
0x48: {  	[tilespmem:$0xB990] =	vst v0  }
0x49: {  	[tilespmem:$0xB9A0] =	vst v0  }
0x4a: {  	[tilespmem:$0xB9B0] =	vst v0  }
0x4b: {  	[tilespmem:$0xB9C0] =	vst v0  }
0x4c: {  	[tilespmem:$0xB9D0] =	vst v0  }
0x4d: {  	[tilespmem:$0xB9E0] =	vst v0  }
0x4e: {  	[tilespmem:$0xB9F0] =	vst v0  }
0x4f: {  	[tilespmem:$0xBA00] =	vst v0  }
0x50: {  	[tilespmem:$0xBA10] =	vst v0  }
0x51: {  	[tilespmem:$0xBA20] =	vst v0  }
0x52: {  	[tilespmem:$0xBA30] =	vst v0  }
0x53: {  	[tilespmem:$0xBA40] =	vst v0  }
0x54: {  	[tilespmem:$0xBA50] =	vst v0  }
0x55: {  	[tilespmem:$0xBA60] =	vst v0  }
0x56: {  	[tilespmem:$0xBA70] =	vst v0  }
0x57: {  	[tilespmem:$0xBA80] =	vst v1  }
0x58: {  	[tilespmem:$0xBA90] =	vst v1  }
0x59: {  	[tilespmem:$0xBAA0] =	vst v1  }
0x5a: {  	[tilespmem:$0xBAB0] =	vst v1  }
0x5b: {  	[tilespmem:$0xBAC0] =	vst v1  }
0x5c: {  	[tilespmem:$0xBAD0] =	vst v1  }
0x5d: {  	[tilespmem:$0xBAE0] =	vst v1  }
0x5e: {  	[tilespmem:$0xBAF0] =	vst v1  }
0x5f: {  	s3 =	simm.s32 $0xB800;
	[bflag:$0x0] =	sbarrier.arrive $0xFFFF  }
0x60: {  	[spmem:s17] =	stream.linear.scatter [tilespmem:s3], [sflag:$0x6], $0x280, $0x38;
	[tilespmem:$0x1FD80] =	vst v63  }
0x61: {  	_ =	swait.ge [sflag:s26], $0x280  }
0x62: {  	[sflag:s26] =	ssyncset.done $0x0  }
0x63: {  	s16 =	simm.s32 $0x0;
	s8 =	rddreg [dreg:$0x7];
	[sflag:s26] =	ssyncadd.s32 $0xFFFFFD80  }
0x64: {  	[tilespmem:s28], [sflag:$0x6] =	stream.linear.gather [hbm4b:s8+s16], $0x1880, $0x38;
	[tilespmem:$0x1FD80] =	vst v63  }
0x65: {  	_ =	swait.ge [sflag:s26], $0x1880  }
0x66: {  	[sflag:s26] =	ssyncset.done $0x0  }
0x67: {  	[sflag:s26] =	ssyncadd.s32 $0xFFFFE780  }
0x68: {  	s18 =	simm.s32 $0x1C00;
	[bflag:$0x0] =	sbarrier.arrive $0xFFFF  }
0x69: {  	[spmem:s4] =	stream.indirect.scatter.add.f32 [tilespmem:s30], [sflag:$0x5], $0x1, s18, s29, $0xb8;
	[tilespmem:$0x1FD80] =	vst v63  }
0x6a: {  	s19 =	simm.s32 $0x1C80  }
0x6b: {  	[spmem:s4] =	stream.indirect.scatter.add.f32 [tilespmem:s30], [sflag:$0x5], $0x1, s19, s29, $0xb8;
	[tilespmem:$0x1FD80] =	vst v63  }
0x6c: {  	s8 =	simm.s32 $0x1D00  }
0x6d: {  	[spmem:s4] =	stream.indirect.scatter.add.f32 [tilespmem:s30], [sflag:$0x5], $0x1, s8, s29, $0xb8;
	[tilespmem:$0x1FD80] =	vst v63  }
0x6e: {  	s15 =	simm.s32 $0x1D80  }
0x6f: {  	[spmem:s4] =	stream.indirect.scatter.add.f32 [tilespmem:s30], [sflag:$0x5], $0x1, s15, s29, $0xb8;
	[tilespmem:$0x1FD80] =	vst v63  }
0x70: {  	s16 =	simm.s32 $0x1E00  }
0x71: {  	[spmem:s4] =	stream.indirect.scatter.add.f32 [tilespmem:s30], [sflag:$0x5], $0x1, s16, s29, $0xb8;
	[tilespmem:$0x1FD80] =	vst v63  }
0x72: {  	s18 =	simm.s32 $0x1E80  }
0x73: {  	[spmem:s4] =	stream.indirect.scatter.add.f32 [tilespmem:s30], [sflag:$0x5], $0x1, s18, s29, $0xb8;
	[tilespmem:$0x1FD80] =	vst v63  }
0x74: {  	s19 =	simm.s32 $0x1F00  }
0x75: {  	[spmem:s4] =	stream.indirect.scatter.add.f32 [tilespmem:s30], [sflag:$0x5], $0x1, s19, s29, $0xb8;
	[tilespmem:$0x1FD80] =	vst v63  }
0x76: {  	_ =	swait.ge [sflag:s31], $0x80  }
0x77: {  	[sflag:s31] =	ssyncset.done $0x0  }
0x78: {  	[sflag:s31] =	ssyncadd.s32 $0xFFFFFF80  }
0x79: {  	_ =	swait.ge [sflag:s31], $0x80  }
0x7a: {  	[sflag:s31] =	ssyncset.done $0x0  }
0x7b: {  	[sflag:s31] =	ssyncadd.s32 $0xFFFFFF80  }
0x7c: {  	_ =	swait.ge [sflag:s31], $0x80  }
0x7d: {  	[sflag:s31] =	ssyncset.done $0x0  }
0x7e: {  	[sflag:s31] =	ssyncadd.s32 $0xFFFFFF80  }
0x7f: {  	_ =	swait.ge [sflag:s31], $0x80  }
0x80: {  	[sflag:s31] =	ssyncset.done $0x0  }
0x81: {  	[sflag:s31] =	ssyncadd.s32 $0xFFFFFF80  }
0x82: {  	_ =	swait.ge [sflag:s31], $0x80  }
0x83: {  	[sflag:s31] =	ssyncset.done $0x0  }
0x84: {  	[sflag:s31] =	ssyncadd.s32 $0xFFFFFF80  }
0x85: {  	_ =	swait.ge [sflag:s31], $0x80  }
0x86: {  	[sflag:s31] =	ssyncset.done $0x0  }
0x87: {  	[sflag:s31] =	ssyncadd.s32 $0xFFFFFF80  }
0x88: {  	_ =	swait.ge [sflag:s31], $0x80  }
0x89: {  	s16 =	simm.s32 $0x380;
	s19 =	simm.s32 $0x1C00;
	[sflag:s31] =	ssyncset.done $0x0  }
.LBB2_3:
0x8a: {  	s15 =	sadd.s32 $0x1C00, s16  }
0x8b: {  	[sflag:s31] =	ssyncadd.s32 $0xFFFFFF80;
	s3 =	smov.u32 s19;
	s18 =	sadd.s32 $0xE00, s19  }
0x8c: {  	[spmem:s4] =	stream.indirect.scatter.add.f32 [tilespmem:s30], [sflag:$0x5], $0x1, s15, s29, $0xb8;
	[tilespmem:$0x1FD80] =	vst v63  }
0x8d: {  	p1 =	sne.s32 s19, $0x5400;
	s15 =	sadd.s32 $0x1C80, s16  }
0x8e: {  	[spmem:s4] =	stream.indirect.scatter.add.f32 [tilespmem:s30], [sflag:$0x5], $0x1, s15, s29, $0xb8;
	[tilespmem:$0x1FD80] =	vst v63  }
0x8f: {  	s15 =	sadd.s32 $0x1D00, s16  }
0x90: {  	[spmem:s4] =	stream.indirect.scatter.add.f32 [tilespmem:s30], [sflag:$0x5], $0x1, s15, s29, $0xb8;
	[tilespmem:$0x1FD80] =	vst v63  }
0x91: {  	s15 =	sadd.s32 $0x1D80, s16  }
0x92: {  	[spmem:s4] =	stream.indirect.scatter.add.f32 [tilespmem:s30], [sflag:$0x5], $0x1, s15, s29, $0xb8;
	[tilespmem:$0x1FD80] =	vst v63  }
0x93: {  	s15 =	sadd.s32 $0x1E00, s16  }
0x94: {  	[spmem:s4] =	stream.indirect.scatter.add.f32 [tilespmem:s30], [sflag:$0x5], $0x1, s15, s29, $0xb8;
	[tilespmem:$0x1FD80] =	vst v63  }
0x95: {  	s15 =	sadd.s32 $0x1E80, s16  }
0x96: {  	[spmem:s4] =	stream.indirect.scatter.add.f32 [tilespmem:s30], [sflag:$0x5], $0x1, s15, s29, $0xb8;
	[tilespmem:$0x1FD80] =	vst v63  }
0x97: {  	s15 =	sadd.s32 $0x1F00, s16  }
0x98: {  	[spmem:s4] =	stream.indirect.scatter.add.f32 [tilespmem:s30], [sflag:$0x5], $0x1, s15, s29, $0xb8;
	[tilespmem:$0x1FD80] =	vst v63  }
0x99: {  	_ =	swait.ge [sflag:s31], $0x80  }
0x9a: {  	[sflag:s31] =	ssyncset.done $0x0  }
0x9b: {  	[sflag:s31] =	ssyncadd.s32 $0xFFFFFF80  }
0x9c: {  	_ =	swait.ge [sflag:s31], $0x80  }
0x9d: {  	[sflag:s31] =	ssyncset.done $0x0  }
0x9e: {  	[sflag:s31] =	ssyncadd.s32 $0xFFFFFF80  }
0x9f: {  	_ =	swait.ge [sflag:s31], $0x80  }
0xa0: {  	[sflag:s31] =	ssyncset.done $0x0  }
0xa1: {  	[sflag:s31] =	ssyncadd.s32 $0xFFFFFF80  }
0xa2: {  	_ =	swait.ge [sflag:s31], $0x80  }
0xa3: {  	[sflag:s31] =	ssyncset.done $0x0  }
0xa4: {  	[sflag:s31] =	ssyncadd.s32 $0xFFFFFF80  }
0xa5: {  	_ =	swait.ge [sflag:s31], $0x80  }
0xa6: {  	[sflag:s31] =	ssyncset.done $0x0  }
0xa7: {  	[sflag:s31] =	ssyncadd.s32 $0xFFFFFF80  }
.Ltmp3:
0xa8: {  	_ =	swait.ge [sflag:s31], $0x80;
	(pc) =	sbr.rel @p1 .LBB2_3-.Ltmp3, $4  }
0xa9: {  	[sflag:s31] =	ssyncset.done $0x0  }
0xaa: {  	[sflag:s31] =	ssyncadd.s32 $0xFFFFFF80  }
0xab: {  	_ =	swait.ge [sflag:s31], $0x80  }
0xac: {  	s19 =	smov.u32 s18;
	s16 =	sshra.s32 s3, $0x2;
	[sflag:s31] =	ssyncset.done $0x0  }
0xad: {  	s3 =	sadd.s32 $0x1C00, s16;
	[sflag:s31] =	ssyncadd.s32 $0xFFFFFF80  }
0xae: {  	[spmem:s4] =	stream.indirect.scatter.add.f32 [tilespmem:s30], [sflag:$0x5], $0x1, s3, s29, $0xb8;
	[tilespmem:$0x1FD80] =	vst v63  }
0xaf: {  	s19 =	sadd.s32 $0x1C80, s16  }
0xb0: {  	[spmem:s4] =	stream.indirect.scatter.add.f32 [tilespmem:s30], [sflag:$0x5], $0x1, s19, s29, $0xb8;
	[tilespmem:$0x1FD80] =	vst v63  }
0xb1: {  	s8 =	sadd.s32 $0x1D00, s16  }
0xb2: {  	[spmem:s4] =	stream.indirect.scatter.add.f32 [tilespmem:s30], [sflag:$0x5], $0x1, s8, s29, $0xb8;
	[tilespmem:$0x1FD80] =	vst v63  }
0xb3: {  	s15 =	sadd.s32 $0x1D80, s16  }
0xb4: {  	[spmem:s4] =	stream.indirect.scatter.add.f32 [tilespmem:s30], [sflag:$0x5], $0x1, s15, s29, $0xb8;
	[tilespmem:$0x1FD80] =	vst v63  }
0xb5: {  	s18 =	sadd.s32 $0x1E00, s16  }
0xb6: {  	[spmem:s4] =	stream.indirect.scatter.add.f32 [tilespmem:s30], [sflag:$0x5], $0x1, s18, s29, $0xb8;
	[tilespmem:$0x1FD80] =	vst v63  }
0xb7: {  	s19 =	sadd.s32 $0x1E80, s16  }
0xb8: {  	[spmem:s4] =	stream.indirect.scatter.add.f32 [tilespmem:s30], [sflag:$0x5], $0x1, s19, s29, $0xb8;
	[tilespmem:$0x1FD80] =	vst v63  }
0xb9: {  	s8 =	sadd.s32 $0x1F00, s16  }
0xba: {  	[spmem:s4] =	stream.indirect.scatter.add.f32 [tilespmem:s30], [sflag:$0x5], $0x1, s8, s29, $0xb8;
	[tilespmem:$0x1FD80] =	vst v63  }
0xbb: {  	_ =	swait.ge [sflag:s31], $0x80  }
0xbc: {  	[sflag:s31] =	ssyncset.done $0x0  }
0xbd: {  	[sflag:s31] =	ssyncadd.s32 $0xFFFFFF80  }
0xbe: {  	_ =	swait.ge [sflag:s31], $0x80  }
0xbf: {  	[sflag:s31] =	ssyncset.done $0x0  }
0xc0: {  	[sflag:s31] =	ssyncadd.s32 $0xFFFFFF80  }
0xc1: {  	_ =	swait.ge [sflag:s31], $0x80  }
0xc2: {  	[sflag:s31] =	ssyncset.done $0x0  }
0xc3: {  	[sflag:s31] =	ssyncadd.s32 $0xFFFFFF80  }
0xc4: {  	_ =	swait.ge [sflag:s31], $0x80  }
0xc5: {  	[sflag:s31] =	ssyncset.done $0x0  }
0xc6: {  	[sflag:s31] =	ssyncadd.s32 $0xFFFFFF80  }
0xc7: {  	_ =	swait.ge [sflag:s31], $0x80  }
0xc8: {  	[sflag:s31] =	ssyncset.done $0x0  }
0xc9: {  	[sflag:s31] =	ssyncadd.s32 $0xFFFFFF80  }
0xca: {  	_ =	swait.ge [sflag:s31], $0x80  }
0xcb: {  	[sflag:s31] =	ssyncset.done $0x0  }
0xcc: {  	[sflag:s31] =	ssyncadd.s32 $0xFFFFFF80  }
0xcd: {  	_ =	swait.ge [sflag:s31], $0x80  }
0xce: {  	[sflag:s31] =	ssyncset.done $0x0  }
0xcf: {  	[sflag:s31] =	ssyncadd.s32 $0xFFFFFF80  }
0xd0: {  	s15 =	sshll.u32 s25, $0x6;
	[bflag:$0x0] =	sbarrier.arrive $0xFFFF  }
0xd1: {  	s18 =	sor.u32 $0x1C06, s15;
	s19 =	sshrl.u32 s17, $0x3;
	s16 =	rddreg [dreg:$0xd]  }
0xd2: {  	[hbm:s16], [sflag:s18] =	dma.local [spmem:s19], $0x50  }
0xd3: {  	_ =	swait.ge [sflag:s26], $0x50  }
0xd4: {  	[sflag:s26] =	ssyncset.done $0x0  }
0xd5: {  	[sflag:s26] =	ssyncadd.s32 $0xFFFFFFB0  }
0xd6: {  	s25 =	simm.s32 $0xB800;
	[bflag:$0x0] =	sbarrier.arrive $0xFFFF  }
0xd7: {  	[spmem:s17] =	stream.linear.scatter [tilespmem:s25], [sflag:$0x6], $0x280, $0x38;
	[tilespmem:$0x1FD80] =	vst v63  }
0xd8: {  	_ =	swait.ge [sflag:s26], $0x280  }
0xd9: {  	[sflag:s26] =	ssyncset.done $0x0  }
0xda: {  	s8 =	simm.s32 $0x0;
	[sflag:s26] =	ssyncadd.s32 $0xFFFFFD80  }
0xdb: {  	[tilespmem:s28], [sflag:$0x6] =	stream.linear.gather [hbm4b:s11+s8], $0x1880, $0x38;
	[tilespmem:$0x1FD80] =	vst v63  }
0xdc: {  	_ =	swait.ge [sflag:s26], $0x1880  }
0xdd: {  	[sflag:s26] =	ssyncset.done $0x0  }
0xde: {  	[sflag:s26] =	ssyncadd.s32 $0xFFFFE780  }
0xdf: {  	s15 =	simm.s32 $0x1C00;
	[bflag:$0x0] =	sbarrier.arrive $0xFFFF  }
0xe0: {  	[spmem:s4] =	stream.indirect.scatter.add.f32 [tilespmem:s30], [sflag:$0x5], $0x1, s15, s29, $0xb8;
	[tilespmem:$0x1FD80] =	vst v63  }
0xe1: {  	s16 =	simm.s32 $0x1C80  }
0xe2: {  	[spmem:s4] =	stream.indirect.scatter.add.f32 [tilespmem:s30], [sflag:$0x5], $0x1, s16, s29, $0xb8;
	[tilespmem:$0x1FD80] =	vst v63  }
0xe3: {  	s25 =	simm.s32 $0x1D00  }
0xe4: {  	[spmem:s4] =	stream.indirect.scatter.add.f32 [tilespmem:s30], [sflag:$0x5], $0x1, s25, s29, $0xb8;
	[tilespmem:$0x1FD80] =	vst v63  }
0xe5: {  	s8 =	simm.s32 $0x1D80  }
0xe6: {  	[spmem:s4] =	stream.indirect.scatter.add.f32 [tilespmem:s30], [sflag:$0x5], $0x1, s8, s29, $0xb8;
	[tilespmem:$0x1FD80] =	vst v63  }
0xe7: {  	s15 =	simm.s32 $0x1E00  }
0xe8: {  	[spmem:s4] =	stream.indirect.scatter.add.f32 [tilespmem:s30], [sflag:$0x5], $0x1, s15, s29, $0xb8;
	[tilespmem:$0x1FD80] =	vst v63  }
0xe9: {  	s16 =	simm.s32 $0x1E80  }
0xea: {  	[spmem:s4] =	stream.indirect.scatter.add.f32 [tilespmem:s30], [sflag:$0x5], $0x1, s16, s29, $0xb8;
	[tilespmem:$0x1FD80] =	vst v63  }
0xeb: {  	s25 =	simm.s32 $0x1F00  }
0xec: {  	[spmem:s4] =	stream.indirect.scatter.add.f32 [tilespmem:s30], [sflag:$0x5], $0x1, s25, s29, $0xb8;
	[tilespmem:$0x1FD80] =	vst v63  }
0xed: {  	_ =	swait.ge [sflag:s31], $0x80  }
0xee: {  	[sflag:s31] =	ssyncset.done $0x0  }
0xef: {  	[sflag:s31] =	ssyncadd.s32 $0xFFFFFF80  }
0xf0: {  	_ =	swait.ge [sflag:s31], $0x80  }
0xf1: {  	[sflag:s31] =	ssyncset.done $0x0  }
0xf2: {  	[sflag:s31] =	ssyncadd.s32 $0xFFFFFF80  }
0xf3: {  	_ =	swait.ge [sflag:s31], $0x80  }
0xf4: {  	[sflag:s31] =	ssyncset.done $0x0  }
0xf5: {  	[sflag:s31] =	ssyncadd.s32 $0xFFFFFF80  }
0xf6: {  	_ =	swait.ge [sflag:s31], $0x80  }
0xf7: {  	[sflag:s31] =	ssyncset.done $0x0  }
0xf8: {  	[sflag:s31] =	ssyncadd.s32 $0xFFFFFF80  }
0xf9: {  	_ =	swait.ge [sflag:s31], $0x80  }
0xfa: {  	[sflag:s31] =	ssyncset.done $0x0  }
0xfb: {  	[sflag:s31] =	ssyncadd.s32 $0xFFFFFF80  }
0xfc: {  	_ =	swait.ge [sflag:s31], $0x80  }
0xfd: {  	[sflag:s31] =	ssyncset.done $0x0  }
0xfe: {  	[sflag:s31] =	ssyncadd.s32 $0xFFFFFF80  }
0xff: {  	_ =	swait.ge [sflag:s31], $0x80  }
0x100: {  	s3 =	simm.s32 $0x1C00;
	s25 =	simm.s32 $0x380;
	[sflag:s31] =	ssyncset.done $0x0  }
.LBB2_5:
0x101: {  	s8 =	sadd.s32 $0x1C00, s25  }
0x102: {  	[sflag:s31] =	ssyncadd.s32 $0xFFFFFF80;
	s16 =	smov.u32 s3;
	s15 =	sadd.s32 $0xE00, s3  }
0x103: {  	[spmem:s4] =	stream.indirect.scatter.add.f32 [tilespmem:s30], [sflag:$0x5], $0x1, s8, s29, $0xb8;
	[tilespmem:$0x1FD80] =	vst v63  }
0x104: {  	p1 =	sne.s32 s3, $0x5400;
	s3 =	sadd.s32 $0x1C80, s25  }
0x105: {  	[spmem:s4] =	stream.indirect.scatter.add.f32 [tilespmem:s30], [sflag:$0x5], $0x1, s3, s29, $0xb8;
	[tilespmem:$0x1FD80] =	vst v63  }
0x106: {  	s3 =	sadd.s32 $0x1D00, s25  }
0x107: {  	[spmem:s4] =	stream.indirect.scatter.add.f32 [tilespmem:s30], [sflag:$0x5], $0x1, s3, s29, $0xb8;
	[tilespmem:$0x1FD80] =	vst v63  }
0x108: {  	s3 =	sadd.s32 $0x1D80, s25  }
0x109: {  	[spmem:s4] =	stream.indirect.scatter.add.f32 [tilespmem:s30], [sflag:$0x5], $0x1, s3, s29, $0xb8;
	[tilespmem:$0x1FD80] =	vst v63  }
0x10a: {  	s3 =	sadd.s32 $0x1E00, s25  }
0x10b: {  	[spmem:s4] =	stream.indirect.scatter.add.f32 [tilespmem:s30], [sflag:$0x5], $0x1, s3, s29, $0xb8;
	[tilespmem:$0x1FD80] =	vst v63  }
0x10c: {  	s3 =	sadd.s32 $0x1E80, s25  }
0x10d: {  	[spmem:s4] =	stream.indirect.scatter.add.f32 [tilespmem:s30], [sflag:$0x5], $0x1, s3, s29, $0xb8;
	[tilespmem:$0x1FD80] =	vst v63  }
0x10e: {  	s3 =	sadd.s32 $0x1F00, s25  }
0x10f: {  	[spmem:s4] =	stream.indirect.scatter.add.f32 [tilespmem:s30], [sflag:$0x5], $0x1, s3, s29, $0xb8;
	[tilespmem:$0x1FD80] =	vst v63  }
0x110: {  	_ =	swait.ge [sflag:s31], $0x80  }
0x111: {  	[sflag:s31] =	ssyncset.done $0x0  }
0x112: {  	[sflag:s31] =	ssyncadd.s32 $0xFFFFFF80  }
0x113: {  	_ =	swait.ge [sflag:s31], $0x80  }
0x114: {  	[sflag:s31] =	ssyncset.done $0x0  }
0x115: {  	[sflag:s31] =	ssyncadd.s32 $0xFFFFFF80  }
0x116: {  	_ =	swait.ge [sflag:s31], $0x80  }
0x117: {  	[sflag:s31] =	ssyncset.done $0x0  }
0x118: {  	[sflag:s31] =	ssyncadd.s32 $0xFFFFFF80  }
0x119: {  	_ =	swait.ge [sflag:s31], $0x80  }
0x11a: {  	[sflag:s31] =	ssyncset.done $0x0  }
0x11b: {  	[sflag:s31] =	ssyncadd.s32 $0xFFFFFF80  }
0x11c: {  	_ =	swait.ge [sflag:s31], $0x80  }
0x11d: {  	[sflag:s31] =	ssyncset.done $0x0  }
0x11e: {  	[sflag:s31] =	ssyncadd.s32 $0xFFFFFF80  }
.Ltmp4:
0x11f: {  	_ =	swait.ge [sflag:s31], $0x80;
	(pc) =	sbr.rel @p1 .LBB2_5-.Ltmp4, $4  }
0x120: {  	[sflag:s31] =	ssyncset.done $0x0  }
0x121: {  	[sflag:s31] =	ssyncadd.s32 $0xFFFFFF80  }
0x122: {  	_ =	swait.ge [sflag:s31], $0x80  }
0x123: {  	s25 =	sshra.s32 s16, $0x2;
	s3 =	smov.u32 s15;
	[sflag:s31] =	ssyncset.done $0x0  }
0x124: {  	s3 =	sadd.s32 $0x1C00, s25;
	[sflag:s31] =	ssyncadd.s32 $0xFFFFFF80  }
0x125: {  	[spmem:s4] =	stream.indirect.scatter.add.f32 [tilespmem:s30], [sflag:$0x5], $0x1, s3, s29, $0xb8;
	[tilespmem:$0x1FD80] =	vst v63  }
0x126: {  	s16 =	sadd.s32 $0x1C80, s25  }
0x127: {  	[spmem:s4] =	stream.indirect.scatter.add.f32 [tilespmem:s30], [sflag:$0x5], $0x1, s16, s29, $0xb8;
	[tilespmem:$0x1FD80] =	vst v63  }
0x128: {  	s8 =	sadd.s32 $0x1D00, s25  }
0x129: {  	[spmem:s4] =	stream.indirect.scatter.add.f32 [tilespmem:s30], [sflag:$0x5], $0x1, s8, s29, $0xb8;
	[tilespmem:$0x1FD80] =	vst v63  }
0x12a: {  	s15 =	sadd.s32 $0x1D80, s25  }
0x12b: {  	[spmem:s4] =	stream.indirect.scatter.add.f32 [tilespmem:s30], [sflag:$0x5], $0x1, s15, s29, $0xb8;
	[tilespmem:$0x1FD80] =	vst v63  }
0x12c: {  	s16 =	sadd.s32 $0x1E00, s25  }
0x12d: {  	[spmem:s4] =	stream.indirect.scatter.add.f32 [tilespmem:s30], [sflag:$0x5], $0x1, s16, s29, $0xb8;
	[tilespmem:$0x1FD80] =	vst v63  }
0x12e: {  	s8 =	sadd.s32 $0x1E80, s25  }
0x12f: {  	[spmem:s4] =	stream.indirect.scatter.add.f32 [tilespmem:s30], [sflag:$0x5], $0x1, s8, s29, $0xb8;
	[tilespmem:$0x1FD80] =	vst v63  }
0x130: {  	s15 =	sadd.s32 $0x1F00, s25  }
0x131: {  	[spmem:s4] =	stream.indirect.scatter.add.f32 [tilespmem:s30], [sflag:$0x5], $0x1, s15, s29, $0xb8;
	[tilespmem:$0x1FD80] =	vst v63  }
0x132: {  	_ =	swait.ge [sflag:s31], $0x80  }
0x133: {  	[sflag:s31] =	ssyncset.done $0x0  }
0x134: {  	[sflag:s31] =	ssyncadd.s32 $0xFFFFFF80  }
0x135: {  	_ =	swait.ge [sflag:s31], $0x80  }
0x136: {  	[sflag:s31] =	ssyncset.done $0x0  }
0x137: {  	[sflag:s31] =	ssyncadd.s32 $0xFFFFFF80  }
0x138: {  	_ =	swait.ge [sflag:s31], $0x80  }
0x139: {  	[sflag:s31] =	ssyncset.done $0x0  }
0x13a: {  	[sflag:s31] =	ssyncadd.s32 $0xFFFFFF80  }
0x13b: {  	_ =	swait.ge [sflag:s31], $0x80  }
0x13c: {  	[sflag:s31] =	ssyncset.done $0x0  }
0x13d: {  	[sflag:s31] =	ssyncadd.s32 $0xFFFFFF80  }
0x13e: {  	_ =	swait.ge [sflag:s31], $0x80  }
0x13f: {  	[sflag:s31] =	ssyncset.done $0x0  }
0x140: {  	[sflag:s31] =	ssyncadd.s32 $0xFFFFFF80  }
0x141: {  	_ =	swait.ge [sflag:s31], $0x80  }
0x142: {  	[sflag:s31] =	ssyncset.done $0x0  }
0x143: {  	[sflag:s31] =	ssyncadd.s32 $0xFFFFFF80  }
0x144: {  	_ =	swait.ge [sflag:s31], $0x80  }
0x145: {  	[sflag:s31] =	ssyncset.done $0x0  }
0x146: {  	[sflag:s31] =	ssyncadd.s32 $0xFFFFFF80  }
0x147: {  	[bflag:$0x0] =	sbarrier.arrive $0xFFFF  }
0x148: {  	s16 =	rddreg [dreg:$0xe]  }
0x149: {  	[hbm:s16], [sflag:s18] =	dma.local [spmem:s19], $0x50  }
0x14a: {  	_ =	swait.ge [sflag:s26], $0x50  }
0x14b: {  	[sflag:s26] =	ssyncset.done $0x0  }
0x14c: {  	[sflag:s26] =	ssyncadd.s32 $0xFFFFFFB0  }
0x14d: {  	s25 =	simm.s32 $0xB800;
	[bflag:$0x0] =	sbarrier.arrive $0xFFFF  }
0x14e: {  	[spmem:s17] =	stream.linear.scatter [tilespmem:s25], [sflag:$0x6], $0x280, $0x38;
	[tilespmem:$0x1FD80] =	vst v63  }
0x14f: {  	_ =	swait.ge [sflag:s26], $0x280  }
0x150: {  	[sflag:s26] =	ssyncset.done $0x0  }
0x151: {  	s8 =	simm.s32 $0x0;
	[sflag:s26] =	ssyncadd.s32 $0xFFFFFD80  }
0x152: {  	[tilespmem:s28], [sflag:$0x6] =	stream.linear.gather [hbm4b:s14+s8], $0x1880, $0x38;
	[tilespmem:$0x1FD80] =	vst v63  }
0x153: {  	_ =	swait.ge [sflag:s26], $0x1880  }
0x154: {  	[sflag:s26] =	ssyncset.done $0x0  }
0x155: {  	[sflag:s26] =	ssyncadd.s32 $0xFFFFE780  }
0x156: {  	s15 =	simm.s32 $0x1C00;
	[bflag:$0x0] =	sbarrier.arrive $0xFFFF  }
0x157: {  	[spmem:s4] =	stream.indirect.scatter.add.f32 [tilespmem:s30], [sflag:$0x5], $0x1, s15, s29, $0xb8;
	[tilespmem:$0x1FD80] =	vst v63  }
0x158: {  	s16 =	simm.s32 $0x1C80  }
0x159: {  	[spmem:s4] =	stream.indirect.scatter.add.f32 [tilespmem:s30], [sflag:$0x5], $0x1, s16, s29, $0xb8;
	[tilespmem:$0x1FD80] =	vst v63  }
0x15a: {  	s25 =	simm.s32 $0x1D00  }
0x15b: {  	[spmem:s4] =	stream.indirect.scatter.add.f32 [tilespmem:s30], [sflag:$0x5], $0x1, s25, s29, $0xb8;
	[tilespmem:$0x1FD80] =	vst v63  }
0x15c: {  	s8 =	simm.s32 $0x1D80  }
0x15d: {  	[spmem:s4] =	stream.indirect.scatter.add.f32 [tilespmem:s30], [sflag:$0x5], $0x1, s8, s29, $0xb8;
	[tilespmem:$0x1FD80] =	vst v63  }
0x15e: {  	s15 =	simm.s32 $0x1E00  }
0x15f: {  	[spmem:s4] =	stream.indirect.scatter.add.f32 [tilespmem:s30], [sflag:$0x5], $0x1, s15, s29, $0xb8;
	[tilespmem:$0x1FD80] =	vst v63  }
0x160: {  	s16 =	simm.s32 $0x1E80  }
0x161: {  	[spmem:s4] =	stream.indirect.scatter.add.f32 [tilespmem:s30], [sflag:$0x5], $0x1, s16, s29, $0xb8;
	[tilespmem:$0x1FD80] =	vst v63  }
0x162: {  	s25 =	simm.s32 $0x1F00  }
0x163: {  	[spmem:s4] =	stream.indirect.scatter.add.f32 [tilespmem:s30], [sflag:$0x5], $0x1, s25, s29, $0xb8;
	[tilespmem:$0x1FD80] =	vst v63  }
0x164: {  	_ =	swait.ge [sflag:s31], $0x80  }
0x165: {  	[sflag:s31] =	ssyncset.done $0x0  }
0x166: {  	[sflag:s31] =	ssyncadd.s32 $0xFFFFFF80  }
0x167: {  	_ =	swait.ge [sflag:s31], $0x80  }
0x168: {  	[sflag:s31] =	ssyncset.done $0x0  }
0x169: {  	[sflag:s31] =	ssyncadd.s32 $0xFFFFFF80  }
0x16a: {  	_ =	swait.ge [sflag:s31], $0x80  }
0x16b: {  	[sflag:s31] =	ssyncset.done $0x0  }
0x16c: {  	[sflag:s31] =	ssyncadd.s32 $0xFFFFFF80  }
0x16d: {  	_ =	swait.ge [sflag:s31], $0x80  }
0x16e: {  	[sflag:s31] =	ssyncset.done $0x0  }
0x16f: {  	[sflag:s31] =	ssyncadd.s32 $0xFFFFFF80  }
0x170: {  	_ =	swait.ge [sflag:s31], $0x80  }
0x171: {  	[sflag:s31] =	ssyncset.done $0x0  }
0x172: {  	[sflag:s31] =	ssyncadd.s32 $0xFFFFFF80  }
0x173: {  	_ =	swait.ge [sflag:s31], $0x80  }
0x174: {  	[sflag:s31] =	ssyncset.done $0x0  }
0x175: {  	[sflag:s31] =	ssyncadd.s32 $0xFFFFFF80  }
0x176: {  	_ =	swait.ge [sflag:s31], $0x80  }
0x177: {  	s15 =	simm.s32 $0x1C00;
	s25 =	simm.s32 $0x380;
	[sflag:s31] =	ssyncset.done $0x0  }
.LBB2_7:
0x178: {  	s8 =	sadd.s32 $0x1C00, s25  }
0x179: {  	[sflag:s31] =	ssyncadd.s32 $0xFFFFFF80;
	s16 =	smov.u32 s15;
	s3 =	sadd.s32 $0xE00, s15  }
0x17a: {  	[spmem:s4] =	stream.indirect.scatter.add.f32 [tilespmem:s30], [sflag:$0x5], $0x1, s8, s29, $0xb8;
	[tilespmem:$0x1FD80] =	vst v63  }
0x17b: {  	p1 =	sne.s32 s15, $0x5400;
	s8 =	sadd.s32 $0x1C80, s25  }
0x17c: {  	[spmem:s4] =	stream.indirect.scatter.add.f32 [tilespmem:s30], [sflag:$0x5], $0x1, s8, s29, $0xb8;
	[tilespmem:$0x1FD80] =	vst v63  }
0x17d: {  	s8 =	sadd.s32 $0x1D00, s25  }
0x17e: {  	[spmem:s4] =	stream.indirect.scatter.add.f32 [tilespmem:s30], [sflag:$0x5], $0x1, s8, s29, $0xb8;
	[tilespmem:$0x1FD80] =	vst v63  }
0x17f: {  	s8 =	sadd.s32 $0x1D80, s25  }
0x180: {  	[spmem:s4] =	stream.indirect.scatter.add.f32 [tilespmem:s30], [sflag:$0x5], $0x1, s8, s29, $0xb8;
	[tilespmem:$0x1FD80] =	vst v63  }
0x181: {  	s8 =	sadd.s32 $0x1E00, s25  }
0x182: {  	[spmem:s4] =	stream.indirect.scatter.add.f32 [tilespmem:s30], [sflag:$0x5], $0x1, s8, s29, $0xb8;
	[tilespmem:$0x1FD80] =	vst v63  }
0x183: {  	s8 =	sadd.s32 $0x1E80, s25  }
0x184: {  	[spmem:s4] =	stream.indirect.scatter.add.f32 [tilespmem:s30], [sflag:$0x5], $0x1, s8, s29, $0xb8;
	[tilespmem:$0x1FD80] =	vst v63  }
0x185: {  	s8 =	sadd.s32 $0x1F00, s25  }
0x186: {  	[spmem:s4] =	stream.indirect.scatter.add.f32 [tilespmem:s30], [sflag:$0x5], $0x1, s8, s29, $0xb8;
	[tilespmem:$0x1FD80] =	vst v63  }
0x187: {  	_ =	swait.ge [sflag:s31], $0x80  }
0x188: {  	[sflag:s31] =	ssyncset.done $0x0  }
0x189: {  	[sflag:s31] =	ssyncadd.s32 $0xFFFFFF80  }
0x18a: {  	_ =	swait.ge [sflag:s31], $0x80  }
0x18b: {  	[sflag:s31] =	ssyncset.done $0x0  }
0x18c: {  	[sflag:s31] =	ssyncadd.s32 $0xFFFFFF80  }
0x18d: {  	_ =	swait.ge [sflag:s31], $0x80  }
0x18e: {  	[sflag:s31] =	ssyncset.done $0x0  }
0x18f: {  	[sflag:s31] =	ssyncadd.s32 $0xFFFFFF80  }
0x190: {  	_ =	swait.ge [sflag:s31], $0x80  }
0x191: {  	[sflag:s31] =	ssyncset.done $0x0  }
0x192: {  	[sflag:s31] =	ssyncadd.s32 $0xFFFFFF80  }
0x193: {  	_ =	swait.ge [sflag:s31], $0x80  }
0x194: {  	[sflag:s31] =	ssyncset.done $0x0  }
0x195: {  	[sflag:s31] =	ssyncadd.s32 $0xFFFFFF80  }
.Ltmp5:
0x196: {  	_ =	swait.ge [sflag:s31], $0x80;
	(pc) =	sbr.rel @p1 .LBB2_7-.Ltmp5, $4  }
0x197: {  	[sflag:s31] =	ssyncset.done $0x0  }
0x198: {  	[sflag:s31] =	ssyncadd.s32 $0xFFFFFF80  }
0x199: {  	_ =	swait.ge [sflag:s31], $0x80  }
0x19a: {  	s15 =	smov.u32 s3;
	s25 =	sshra.s32 s16, $0x2;
	[sflag:s31] =	ssyncset.done $0x0  }
0x19b: {  	s3 =	sadd.s32 $0x1C00, s25;
	[sflag:s31] =	ssyncadd.s32 $0xFFFFFF80  }
0x19c: {  	[spmem:s4] =	stream.indirect.scatter.add.f32 [tilespmem:s30], [sflag:$0x5], $0x1, s3, s29, $0xb8;
	[tilespmem:$0x1FD80] =	vst v63  }
0x19d: {  	s8 =	sadd.s32 $0x1C80, s25  }
0x19e: {  	[spmem:s4] =	stream.indirect.scatter.add.f32 [tilespmem:s30], [sflag:$0x5], $0x1, s8, s29, $0xb8;
	[tilespmem:$0x1FD80] =	vst v63  }
0x19f: {  	s15 =	sadd.s32 $0x1D00, s25  }
0x1a0: {  	[spmem:s4] =	stream.indirect.scatter.add.f32 [tilespmem:s30], [sflag:$0x5], $0x1, s15, s29, $0xb8;
	[tilespmem:$0x1FD80] =	vst v63  }
0x1a1: {  	s16 =	sadd.s32 $0x1D80, s25  }
0x1a2: {  	[spmem:s4] =	stream.indirect.scatter.add.f32 [tilespmem:s30], [sflag:$0x5], $0x1, s16, s29, $0xb8;
	[tilespmem:$0x1FD80] =	vst v63  }
0x1a3: {  	s8 =	sadd.s32 $0x1E00, s25  }
0x1a4: {  	[spmem:s4] =	stream.indirect.scatter.add.f32 [tilespmem:s30], [sflag:$0x5], $0x1, s8, s29, $0xb8;
	[tilespmem:$0x1FD80] =	vst v63  }
0x1a5: {  	s15 =	sadd.s32 $0x1E80, s25  }
0x1a6: {  	[spmem:s4] =	stream.indirect.scatter.add.f32 [tilespmem:s30], [sflag:$0x5], $0x1, s15, s29, $0xb8;
	[tilespmem:$0x1FD80] =	vst v63  }
0x1a7: {  	s16 =	sadd.s32 $0x1F00, s25  }
0x1a8: {  	[spmem:s4] =	stream.indirect.scatter.add.f32 [tilespmem:s30], [sflag:$0x5], $0x1, s16, s29, $0xb8;
	[tilespmem:$0x1FD80] =	vst v63  }
0x1a9: {  	_ =	swait.ge [sflag:s31], $0x80  }
0x1aa: {  	[sflag:s31] =	ssyncset.done $0x0  }
0x1ab: {  	[sflag:s31] =	ssyncadd.s32 $0xFFFFFF80  }
0x1ac: {  	_ =	swait.ge [sflag:s31], $0x80  }
0x1ad: {  	[sflag:s31] =	ssyncset.done $0x0  }
0x1ae: {  	[sflag:s31] =	ssyncadd.s32 $0xFFFFFF80  }
0x1af: {  	_ =	swait.ge [sflag:s31], $0x80  }
0x1b0: {  	[sflag:s31] =	ssyncset.done $0x0  }
0x1b1: {  	[sflag:s31] =	ssyncadd.s32 $0xFFFFFF80  }
0x1b2: {  	_ =	swait.ge [sflag:s31], $0x80  }
0x1b3: {  	[sflag:s31] =	ssyncset.done $0x0  }
0x1b4: {  	[sflag:s31] =	ssyncadd.s32 $0xFFFFFF80  }
0x1b5: {  	_ =	swait.ge [sflag:s31], $0x80  }
0x1b6: {  	[sflag:s31] =	ssyncset.done $0x0  }
0x1b7: {  	[sflag:s31] =	ssyncadd.s32 $0xFFFFFF80  }
0x1b8: {  	_ =	swait.ge [sflag:s31], $0x80  }
0x1b9: {  	[sflag:s31] =	ssyncset.done $0x0  }
0x1ba: {  	[sflag:s31] =	ssyncadd.s32 $0xFFFFFF80  }
0x1bb: {  	_ =	swait.ge [sflag:s31], $0x80  }
0x1bc: {  	[sflag:s31] =	ssyncset.done $0x0  }
0x1bd: {  	[sflag:s31] =	ssyncadd.s32 $0xFFFFFF80  }
0x1be: {  	[bflag:$0x0] =	sbarrier.arrive $0xFFFF  }
.Ltmp6:
0x1bf: {  	s25 =	rddreg [dreg:$0xf];
	(pc) =	sbr.rel .LBB2_22-.Ltmp6, $4  }
0x1c0: {  	[hbm:s25], [sflag:s18] =	dma.local [spmem:s19], $0x50  }
0x1c1: {  	_ =	swait.ge [sflag:s26], $0x50  }
0x1c2: {  	[sflag:s26] =	ssyncset.done $0x0  }
0x1c3: {  	s25 =	stileid.u32;
	[sflag:s26] =	ssyncadd.s32 $0xFFFFFFB0  }
.LBB2_9:
0x1c4: {  	[bflag:$0x0] =	sbarrier.arrive $0xFFFF;
	s3 =	simm.s32 $0x0;
	s16 =	simm.s32 $0x200  }
.LBB2_10:
0x1c5: {  	p1 =	seq.s32 s16, $0xFE00;
	[tilespmem:s3+$0x3870] =	vst v0  }
0x1c6: {  	[tilespmem:s3+$0x3800] =	vst v0  }
0x1c7: {  	[tilespmem:s3+$0x3810] =	vst v0  }
.Ltmp7:
0x1c8: {  	[tilespmem:s3+$0x3820] =	vst v0;
	(pc) =	sbr.rel @!p1 .LBB2_10-.Ltmp7, $4  }
0x1c9: {  	[tilespmem:s3+$0x3830] =	vst v0  }
0x1ca: {  	[tilespmem:s3+$0x3840] =	vst v0  }
0x1cb: {  	[tilespmem:s3+$0x3850] =	vst v0  }
0x1cc: {  	[tilespmem:s3+$0x3860] =	vst v0;
	s3 =	sshra.s32 s16, $0x2;
	s16 =	sadd.s32 $0x200, s16  }
0x1cd: {  	[tilespmem:s3+$0x3870] =	vst v0  }
0x1ce: {  	[tilespmem:s3+$0x3800] =	vst v0  }
0x1cf: {  	[tilespmem:s3+$0x3810] =	vst v0  }
0x1d0: {  	[tilespmem:s3+$0x3820] =	vst v0  }
0x1d1: {  	[tilespmem:s3+$0x3830] =	vst v0  }
0x1d2: {  	[tilespmem:s3+$0x3840] =	vst v0  }
0x1d3: {  	[tilespmem:s3+$0x3850] =	vst v0  }
0x1d4: {  	[tilespmem:s3+$0x3860] =	vst v0  }
0x1d5: {  	[spmem:s6] =	stream.linear.scatter [tilespmem:s0], [sflag:$0x6], $0x4000, $0x38;
	[tilespmem:$0x1FD80] =	vst v63  }
0x1d6: {  	_ =	swait.ge [sflag:s26], $0x4000  }
0x1d7: {  	[sflag:s26] =	ssyncset.done $0x0  }
0x1d8: {  	[sflag:s26] =	ssyncadd.s32 $0xFFFFC000  }
0x1d9: {  	[spmem:s21] =	stream.linear.scatter [tilespmem:s0], [sflag:$0x6], $0x4000, $0x38;
	[tilespmem:$0x1FD80] =	vst v63  }
0x1da: {  	_ =	swait.ge [sflag:s26], $0x4000  }
0x1db: {  	[sflag:s26] =	ssyncset.done $0x0  }
0x1dc: {  	[sflag:s26] =	ssyncadd.s32 $0xFFFFC000  }
0x1dd: {  	[spmem:s22] =	stream.linear.scatter [tilespmem:s0], [sflag:$0x6], $0x4000, $0x38;
	[tilespmem:$0x1FD80] =	vst v63  }
0x1de: {  	_ =	swait.ge [sflag:s26], $0x4000  }
0x1df: {  	[sflag:s26] =	ssyncset.done $0x0  }
0x1e0: {  	[sflag:s26] =	ssyncadd.s32 $0xFFFFC000  }
0x1e1: {  	[spmem:s23] =	stream.linear.scatter [tilespmem:s0], [sflag:$0x6], $0x4000, $0x38;
	[tilespmem:$0x1FD80] =	vst v63  }
0x1e2: {  	_ =	swait.ge [sflag:s26], $0x4000  }
0x1e3: {  	[sflag:s26] =	ssyncset.done $0x0  }
0x1e4: {  	[sflag:s26] =	ssyncadd.s32 $0xFFFFC000  }
0x1e5: {  	[spmem:s24] =	stream.linear.scatter [tilespmem:s0], [sflag:$0x6], $0x4000, $0x38;
	[tilespmem:$0x1FD80] =	vst v63  }
0x1e6: {  	_ =	swait.ge [sflag:s26], $0x4000  }
0x1e7: {  	[sflag:s26] =	ssyncset.done $0x0  }
0x1e8: {  	s18 =	simm.s32 $0x0;
	s8 =	rddreg [dreg:$0x6];
	[sflag:s26] =	ssyncadd.s32 $0xFFFFC000  }
0x1e9: {  	[tilespmem:s18], [sflag:$0x6] =	stream.linear.gather [hbm4b:s8+s18], $0x1880, $0x38;
	[tilespmem:$0x1FD80] =	vst v63  }
0x1ea: {  	_ =	swait.ge [sflag:s26], $0x1880  }
0x1eb: {  	[sflag:s26] =	ssyncset.done $0x0  }
0x1ec: {  	s19 =	rddreg [dreg:$0x7];
	[sflag:s26] =	ssyncadd.s32 $0xFFFFE780  }
0x1ed: {  	[tilespmem:s28], [sflag:$0x6] =	stream.linear.gather [hbm4b:s19+s18], $0x1880, $0x38;
	[tilespmem:$0x1FD80] =	vst v63  }
0x1ee: {  	_ =	swait.ge [sflag:s26], $0x1880  }
0x1ef: {  	[sflag:s26] =	ssyncset.done $0x0  }
0x1f0: {  	[sflag:s26] =	ssyncadd.s32 $0xFFFFE780  }
0x1f1: {  	[bflag:$0x0] =	sbarrier.arrive $0xFFFF  }
0x1f2: {  	[tilespmem:s0], [sflag:$0x1] =	stream.indirect.gather [hbm4b:s1+s29], $0x80, s18, s29, $0xb8;
	[tilespmem:$0x1FD80] =	vst v63  }
0x1f3: {  	_ =	swait.ge [sflag:s7], $0x4000  }
0x1f4: {  	[sflag:s7] =	ssyncset.done $0x0  }
0x1f5: {  	s15 =	simm.s32 $0x80;
	[sflag:s7] =	ssyncadd.s32 $0xFFFFC000  }
0x1f6: {  	[tilespmem:s9], [sflag:$0x2] =	stream.indirect.gather [hbm4b:s1+s29], $0x80, s15, s29, $0xb8;
	[tilespmem:$0x1FD80] =	vst v63  }
0x1f7: {  	s16 =	simm.s32 $0x1C00  }
0x1f8: {  	[spmem:s2] =	stream.indirect.scatter.add.f32 [tilespmem:s0], [sflag:$0x3], $0x80, s16, s29, $0xb8;
	[tilespmem:$0x1FD80] =	vst v63  }
0x1f9: {  	_ =	swait.ge [sflag:s10], $0x4000  }
0x1fa: {  	[sflag:s10] =	ssyncset.done $0x0  }
0x1fb: {  	s18 =	simm.s32 $0x100;
	[sflag:s10] =	ssyncadd.s32 $0xFFFFC000  }
0x1fc: {  	[tilespmem:s0], [sflag:$0x1] =	stream.indirect.gather [hbm4b:s1+s29], $0x80, s18, s29, $0xb8;
	[tilespmem:$0x1FD80] =	vst v63  }
0x1fd: {  	_ =	swait.ge [sflag:s12], $0x4000  }
0x1fe: {  	[sflag:s12] =	ssyncset.done $0x0  }
0x1ff: {  	s19 =	simm.s32 $0x1C80;
	[sflag:s12] =	ssyncadd.s32 $0xFFFFC000  }
0x200: {  	[spmem:s2] =	stream.indirect.scatter.add.f32 [tilespmem:s9], [sflag:$0x4], $0x80, s19, s29, $0xb8;
	[tilespmem:$0x1FD80] =	vst v63  }
0x201: {  	_ =	swait.ge [sflag:s13], $0x4000  }
0x202: {  	s3 =	simm.s32 $0x400;
	[sflag:s13] =	ssyncset.done $0x0  }
.LBB2_12:
0x203: {  	p1 =	sne.s32 s3, $0x5C00  }
0x204: {  	[sflag:s13] =	ssyncadd.s32 $0xFFFFC000;
	s15 =	smov.u32 s3;
	s3 =	sadd.s32 $0x400, s3  }
0x205: {  	_ =	swait.ge [sflag:s7], $0x4000  }
0x206: {  	s15 =	sshra.s32 s15, $0x2;
	[sflag:s7] =	ssyncset.done $0x0  }
0x207: {  	s16 =	sadd.s32 $0x80, s15;
	[sflag:s7] =	ssyncadd.s32 $0xFFFFC000  }
0x208: {  	[tilespmem:s9], [sflag:$0x2] =	stream.indirect.gather [hbm4b:s1+s29], $0x80, s16, s29, $0xb8;
	[tilespmem:$0x1FD80] =	vst v63  }
0x209: {  	s16 =	sadd.s32 $0x1C00, s15  }
0x20a: {  	[spmem:s2] =	stream.indirect.scatter.add.f32 [tilespmem:s0], [sflag:$0x3], $0x80, s16, s29, $0xb8;
	[tilespmem:$0x1FD80] =	vst v63  }
0x20b: {  	_ =	swait.ge [sflag:s10], $0x4000  }
0x20c: {  	[sflag:s10] =	ssyncset.done $0x0  }
0x20d: {  	s16 =	sadd.s32 $0x100, s15;
	[sflag:s10] =	ssyncadd.s32 $0xFFFFC000  }
0x20e: {  	[tilespmem:s0], [sflag:$0x1] =	stream.indirect.gather [hbm4b:s1+s29], $0x80, s16, s29, $0xb8;
	[tilespmem:$0x1FD80] =	vst v63  }
0x20f: {  	_ =	swait.ge [sflag:s12], $0x4000  }
.Ltmp8:
0x210: {  	[sflag:s12] =	ssyncset.done $0x0;
	(pc) =	sbr.rel @p1 .LBB2_12-.Ltmp8, $4  }
0x211: {  	s15 =	sadd.s32 $0x1C80, s15;
	[sflag:s12] =	ssyncadd.s32 $0xFFFFC000  }
0x212: {  	[spmem:s2] =	stream.indirect.scatter.add.f32 [tilespmem:s9], [sflag:$0x4], $0x80, s15, s29, $0xb8;
	[tilespmem:$0x1FD80] =	vst v63  }
0x213: {  	_ =	swait.ge [sflag:s13], $0x4000  }
0x214: {  	[sflag:s13] =	ssyncset.done $0x0  }
0x215: {  	[sflag:s13] =	ssyncadd.s32 $0xFFFFC000  }
0x216: {  	_ =	swait.ge [sflag:s7], $0x4000  }
0x217: {  	[sflag:s7] =	ssyncset.done $0x0  }
0x218: {  	s3 =	simm.s32 $0x3400;
	[sflag:s7] =	ssyncadd.s32 $0xFFFFC000  }
0x219: {  	[spmem:s2] =	stream.indirect.scatter.add.f32 [tilespmem:s0], [sflag:$0x6], $0x80, s3, s29, $0xb8;
	[tilespmem:$0x1FD80] =	vst v63  }
0x21a: {  	_ =	swait.ge [sflag:s26], $0x4000  }
0x21b: {  	[sflag:s26] =	ssyncset.done $0x0  }
0x21c: {  	[sflag:s26] =	ssyncadd.s32 $0xFFFFC000  }
0x21d: {  	s15 =	sshll.u32 s25, $0x6;
	[bflag:$0x0] =	sbarrier.arrive $0xFFFF  }
0x21e: {  	s19 =	sshrl.u32 s6, $0x3;
	s18 =	sor.u32 $0x1C06, s15;
	s16 =	rddreg [dreg:$0x8]  }
0x21f: {  	[hbm:s16], [sflag:s18] =	dma.local [spmem:s19], $0x2800  }
0x220: {  	_ =	swait.ge [sflag:s26], $0x2800  }
0x221: {  	[sflag:s26] =	ssyncset.done $0x0  }
0x222: {  	[sflag:s26] =	ssyncadd.s32 $0xFFFFD800  }
0x223: {  	s3 =	simm.s32 $0x0;
	s16 =	simm.s32 $0x200;
	[bflag:$0x0] =	sbarrier.arrive $0xFFFF  }
.LBB2_14:
0x224: {  	p1 =	sne.s32 s16, $0xFE00;
	[tilespmem:s3+$0x3870] =	vst v0  }
0x225: {  	[tilespmem:s3+$0x3800] =	vst v0  }
0x226: {  	[tilespmem:s3+$0x3810] =	vst v0  }
.Ltmp9:
0x227: {  	[tilespmem:s3+$0x3820] =	vst v0;
	(pc) =	sbr.rel @p1 .LBB2_14-.Ltmp9, $4  }
0x228: {  	[tilespmem:s3+$0x3830] =	vst v0  }
0x229: {  	[tilespmem:s3+$0x3840] =	vst v0  }
0x22a: {  	[tilespmem:s3+$0x3850] =	vst v0  }
0x22b: {  	[tilespmem:s3+$0x3860] =	vst v0;
	s3 =	sshra.s32 s16, $0x2;
	s16 =	sadd.s32 $0x200, s16  }
0x22c: {  	[tilespmem:s3+$0x3870] =	vst v0  }
0x22d: {  	[tilespmem:s3+$0x3800] =	vst v0  }
0x22e: {  	[tilespmem:s3+$0x3810] =	vst v0  }
0x22f: {  	[tilespmem:s3+$0x3820] =	vst v0  }
0x230: {  	[tilespmem:s3+$0x3830] =	vst v0  }
0x231: {  	[tilespmem:s3+$0x3840] =	vst v0  }
0x232: {  	[tilespmem:s3+$0x3850] =	vst v0  }
0x233: {  	[tilespmem:s3+$0x3860] =	vst v0  }
0x234: {  	[spmem:s6] =	stream.linear.scatter [tilespmem:s0], [sflag:$0x6], $0x4000, $0x38;
	[tilespmem:$0x1FD80] =	vst v63  }
0x235: {  	_ =	swait.ge [sflag:s26], $0x4000  }
0x236: {  	[sflag:s26] =	ssyncset.done $0x0  }
0x237: {  	[sflag:s26] =	ssyncadd.s32 $0xFFFFC000  }
0x238: {  	[spmem:s21] =	stream.linear.scatter [tilespmem:s0], [sflag:$0x6], $0x4000, $0x38;
	[tilespmem:$0x1FD80] =	vst v63  }
0x239: {  	_ =	swait.ge [sflag:s26], $0x4000  }
0x23a: {  	[sflag:s26] =	ssyncset.done $0x0  }
0x23b: {  	[sflag:s26] =	ssyncadd.s32 $0xFFFFC000  }
0x23c: {  	[spmem:s22] =	stream.linear.scatter [tilespmem:s0], [sflag:$0x6], $0x4000, $0x38;
	[tilespmem:$0x1FD80] =	vst v63  }
0x23d: {  	_ =	swait.ge [sflag:s26], $0x4000  }
0x23e: {  	[sflag:s26] =	ssyncset.done $0x0  }
0x23f: {  	[sflag:s26] =	ssyncadd.s32 $0xFFFFC000  }
0x240: {  	[spmem:s23] =	stream.linear.scatter [tilespmem:s0], [sflag:$0x6], $0x4000, $0x38;
	[tilespmem:$0x1FD80] =	vst v63  }
0x241: {  	_ =	swait.ge [sflag:s26], $0x4000  }
0x242: {  	[sflag:s26] =	ssyncset.done $0x0  }
0x243: {  	[sflag:s26] =	ssyncadd.s32 $0xFFFFC000  }
0x244: {  	[spmem:s24] =	stream.linear.scatter [tilespmem:s0], [sflag:$0x6], $0x4000, $0x38;
	[tilespmem:$0x1FD80] =	vst v63  }
0x245: {  	_ =	swait.ge [sflag:s26], $0x4000  }
0x246: {  	[sflag:s26] =	ssyncset.done $0x0  }
0x247: {  	s15 =	simm.s32 $0x0;
	s8 =	rddreg [dreg:$0x9];
	[sflag:s26] =	ssyncadd.s32 $0xFFFFC000  }
0x248: {  	[tilespmem:s15], [sflag:$0x6] =	stream.linear.gather [hbm4b:s8+s15], $0x1880, $0x38;
	[tilespmem:$0x1FD80] =	vst v63  }
0x249: {  	_ =	swait.ge [sflag:s26], $0x1880  }
0x24a: {  	[sflag:s26] =	ssyncset.done $0x0  }
0x24b: {  	[sflag:s26] =	ssyncadd.s32 $0xFFFFE780  }
0x24c: {  	[tilespmem:s28], [sflag:$0x6] =	stream.linear.gather [hbm4b:s11+s15], $0x1880, $0x38;
	[tilespmem:$0x1FD80] =	vst v63  }
0x24d: {  	_ =	swait.ge [sflag:s26], $0x1880  }
0x24e: {  	[sflag:s26] =	ssyncset.done $0x0  }
0x24f: {  	[sflag:s26] =	ssyncadd.s32 $0xFFFFE780  }
0x250: {  	[bflag:$0x0] =	sbarrier.arrive $0xFFFF  }
0x251: {  	[tilespmem:s0], [sflag:$0x1] =	stream.indirect.gather [hbm4b:s1+s29], $0x80, s15, s29, $0xb8;
	[tilespmem:$0x1FD80] =	vst v63  }
0x252: {  	_ =	swait.ge [sflag:s7], $0x4000  }
0x253: {  	[sflag:s7] =	ssyncset.done $0x0  }
0x254: {  	s16 =	simm.s32 $0x80;
	[sflag:s7] =	ssyncadd.s32 $0xFFFFC000  }
0x255: {  	[tilespmem:s9], [sflag:$0x2] =	stream.indirect.gather [hbm4b:s1+s29], $0x80, s16, s29, $0xb8;
	[tilespmem:$0x1FD80] =	vst v63  }
0x256: {  	s8 =	simm.s32 $0x1C00  }
0x257: {  	[spmem:s2] =	stream.indirect.scatter.add.f32 [tilespmem:s0], [sflag:$0x3], $0x80, s8, s29, $0xb8;
	[tilespmem:$0x1FD80] =	vst v63  }
0x258: {  	_ =	swait.ge [sflag:s10], $0x4000  }
0x259: {  	[sflag:s10] =	ssyncset.done $0x0  }
0x25a: {  	s15 =	simm.s32 $0x100;
	[sflag:s10] =	ssyncadd.s32 $0xFFFFC000  }
0x25b: {  	[tilespmem:s0], [sflag:$0x1] =	stream.indirect.gather [hbm4b:s1+s29], $0x80, s15, s29, $0xb8;
	[tilespmem:$0x1FD80] =	vst v63  }
0x25c: {  	_ =	swait.ge [sflag:s12], $0x4000  }
0x25d: {  	[sflag:s12] =	ssyncset.done $0x0  }
0x25e: {  	s16 =	simm.s32 $0x1C80;
	[sflag:s12] =	ssyncadd.s32 $0xFFFFC000  }
0x25f: {  	[spmem:s2] =	stream.indirect.scatter.add.f32 [tilespmem:s9], [sflag:$0x4], $0x80, s16, s29, $0xb8;
	[tilespmem:$0x1FD80] =	vst v63  }
0x260: {  	_ =	swait.ge [sflag:s13], $0x4000  }
0x261: {  	s3 =	simm.s32 $0x400;
	[sflag:s13] =	ssyncset.done $0x0  }
.LBB2_16:
0x262: {  	p1 =	sne.s32 s3, $0x5C00  }
0x263: {  	[sflag:s13] =	ssyncadd.s32 $0xFFFFC000;
	s15 =	smov.u32 s3;
	s3 =	sadd.s32 $0x400, s3  }
0x264: {  	_ =	swait.ge [sflag:s7], $0x4000  }
0x265: {  	s15 =	sshra.s32 s15, $0x2;
	[sflag:s7] =	ssyncset.done $0x0  }
0x266: {  	s16 =	sadd.s32 $0x80, s15;
	[sflag:s7] =	ssyncadd.s32 $0xFFFFC000  }
0x267: {  	[tilespmem:s9], [sflag:$0x2] =	stream.indirect.gather [hbm4b:s1+s29], $0x80, s16, s29, $0xb8;
	[tilespmem:$0x1FD80] =	vst v63  }
0x268: {  	s16 =	sadd.s32 $0x1C00, s15  }
0x269: {  	[spmem:s2] =	stream.indirect.scatter.add.f32 [tilespmem:s0], [sflag:$0x3], $0x80, s16, s29, $0xb8;
	[tilespmem:$0x1FD80] =	vst v63  }
0x26a: {  	_ =	swait.ge [sflag:s10], $0x4000  }
0x26b: {  	[sflag:s10] =	ssyncset.done $0x0  }
0x26c: {  	s16 =	sadd.s32 $0x100, s15;
	[sflag:s10] =	ssyncadd.s32 $0xFFFFC000  }
0x26d: {  	[tilespmem:s0], [sflag:$0x1] =	stream.indirect.gather [hbm4b:s1+s29], $0x80, s16, s29, $0xb8;
	[tilespmem:$0x1FD80] =	vst v63  }
0x26e: {  	_ =	swait.ge [sflag:s12], $0x4000  }
.Ltmp10:
0x26f: {  	[sflag:s12] =	ssyncset.done $0x0;
	(pc) =	sbr.rel @p1 .LBB2_16-.Ltmp10, $4  }
0x270: {  	s15 =	sadd.s32 $0x1C80, s15;
	[sflag:s12] =	ssyncadd.s32 $0xFFFFC000  }
0x271: {  	[spmem:s2] =	stream.indirect.scatter.add.f32 [tilespmem:s9], [sflag:$0x4], $0x80, s15, s29, $0xb8;
	[tilespmem:$0x1FD80] =	vst v63  }
0x272: {  	_ =	swait.ge [sflag:s13], $0x4000  }
0x273: {  	[sflag:s13] =	ssyncset.done $0x0  }
0x274: {  	[sflag:s13] =	ssyncadd.s32 $0xFFFFC000  }
0x275: {  	_ =	swait.ge [sflag:s7], $0x4000  }
0x276: {  	[sflag:s7] =	ssyncset.done $0x0  }
0x277: {  	s3 =	simm.s32 $0x3400;
	[sflag:s7] =	ssyncadd.s32 $0xFFFFC000  }
0x278: {  	[spmem:s2] =	stream.indirect.scatter.add.f32 [tilespmem:s0], [sflag:$0x6], $0x80, s3, s29, $0xb8;
	[tilespmem:$0x1FD80] =	vst v63  }
0x279: {  	_ =	swait.ge [sflag:s26], $0x4000  }
0x27a: {  	[sflag:s26] =	ssyncset.done $0x0  }
0x27b: {  	[sflag:s26] =	ssyncadd.s32 $0xFFFFC000  }
0x27c: {  	[bflag:$0x0] =	sbarrier.arrive $0xFFFF  }
0x27d: {  	s16 =	rddreg [dreg:$0xa]  }
0x27e: {  	[hbm:s16], [sflag:s18] =	dma.local [spmem:s19], $0x2800  }
0x27f: {  	_ =	swait.ge [sflag:s26], $0x2800  }
0x280: {  	[sflag:s26] =	ssyncset.done $0x0  }
0x281: {  	[sflag:s26] =	ssyncadd.s32 $0xFFFFD800  }
0x282: {  	s3 =	simm.s32 $0x0;
	s16 =	simm.s32 $0x200;
	[bflag:$0x0] =	sbarrier.arrive $0xFFFF  }
.LBB2_18:
0x283: {  	p1 =	sne.s32 s16, $0xFE00;
	[tilespmem:s3+$0x3870] =	vst v0  }
0x284: {  	[tilespmem:s3+$0x3800] =	vst v0  }
0x285: {  	[tilespmem:s3+$0x3810] =	vst v0  }
.Ltmp11:
0x286: {  	[tilespmem:s3+$0x3820] =	vst v0;
	(pc) =	sbr.rel @p1 .LBB2_18-.Ltmp11, $4  }
0x287: {  	[tilespmem:s3+$0x3830] =	vst v0  }
0x288: {  	[tilespmem:s3+$0x3840] =	vst v0  }
0x289: {  	[tilespmem:s3+$0x3850] =	vst v0  }
0x28a: {  	[tilespmem:s3+$0x3860] =	vst v0;
	s3 =	sshra.s32 s16, $0x2;
	s16 =	sadd.s32 $0x200, s16  }
0x28b: {  	[tilespmem:s3+$0x3870] =	vst v0  }
0x28c: {  	[tilespmem:s3+$0x3800] =	vst v0  }
0x28d: {  	[tilespmem:s3+$0x3810] =	vst v0  }
0x28e: {  	[tilespmem:s3+$0x3820] =	vst v0  }
0x28f: {  	[tilespmem:s3+$0x3830] =	vst v0  }
0x290: {  	[tilespmem:s3+$0x3840] =	vst v0  }
0x291: {  	[tilespmem:s3+$0x3850] =	vst v0  }
0x292: {  	[tilespmem:s3+$0x3860] =	vst v0  }
0x293: {  	[spmem:s6] =	stream.linear.scatter [tilespmem:s0], [sflag:$0x6], $0x4000, $0x38;
	[tilespmem:$0x1FD80] =	vst v63  }
0x294: {  	_ =	swait.ge [sflag:s26], $0x4000  }
0x295: {  	[sflag:s26] =	ssyncset.done $0x0  }
0x296: {  	[sflag:s26] =	ssyncadd.s32 $0xFFFFC000  }
0x297: {  	[spmem:s21] =	stream.linear.scatter [tilespmem:s0], [sflag:$0x6], $0x4000, $0x38;
	[tilespmem:$0x1FD80] =	vst v63  }
0x298: {  	_ =	swait.ge [sflag:s26], $0x4000  }
0x299: {  	[sflag:s26] =	ssyncset.done $0x0  }
0x29a: {  	[sflag:s26] =	ssyncadd.s32 $0xFFFFC000  }
0x29b: {  	[spmem:s22] =	stream.linear.scatter [tilespmem:s0], [sflag:$0x6], $0x4000, $0x38;
	[tilespmem:$0x1FD80] =	vst v63  }
0x29c: {  	_ =	swait.ge [sflag:s26], $0x4000  }
0x29d: {  	[sflag:s26] =	ssyncset.done $0x0  }
0x29e: {  	[sflag:s26] =	ssyncadd.s32 $0xFFFFC000  }
0x29f: {  	[spmem:s23] =	stream.linear.scatter [tilespmem:s0], [sflag:$0x6], $0x4000, $0x38;
	[tilespmem:$0x1FD80] =	vst v63  }
0x2a0: {  	_ =	swait.ge [sflag:s26], $0x4000  }
0x2a1: {  	[sflag:s26] =	ssyncset.done $0x0  }
0x2a2: {  	[sflag:s26] =	ssyncadd.s32 $0xFFFFC000  }
0x2a3: {  	[spmem:s24] =	stream.linear.scatter [tilespmem:s0], [sflag:$0x6], $0x4000, $0x38;
	[tilespmem:$0x1FD80] =	vst v63  }
0x2a4: {  	_ =	swait.ge [sflag:s26], $0x4000  }
0x2a5: {  	[sflag:s26] =	ssyncset.done $0x0  }
0x2a6: {  	s15 =	simm.s32 $0x0;
	s8 =	rddreg [dreg:$0xb];
	[sflag:s26] =	ssyncadd.s32 $0xFFFFC000  }
0x2a7: {  	[tilespmem:s15], [sflag:$0x6] =	stream.linear.gather [hbm4b:s8+s15], $0x1880, $0x38;
	[tilespmem:$0x1FD80] =	vst v63  }
0x2a8: {  	_ =	swait.ge [sflag:s26], $0x1880  }
0x2a9: {  	[sflag:s26] =	ssyncset.done $0x0  }
0x2aa: {  	[sflag:s26] =	ssyncadd.s32 $0xFFFFE780  }
0x2ab: {  	[tilespmem:s28], [sflag:$0x6] =	stream.linear.gather [hbm4b:s14+s15], $0x1880, $0x38;
	[tilespmem:$0x1FD80] =	vst v63  }
0x2ac: {  	_ =	swait.ge [sflag:s26], $0x1880  }
0x2ad: {  	[sflag:s26] =	ssyncset.done $0x0  }
0x2ae: {  	[sflag:s26] =	ssyncadd.s32 $0xFFFFE780  }
0x2af: {  	[bflag:$0x0] =	sbarrier.arrive $0xFFFF  }
0x2b0: {  	[tilespmem:s0], [sflag:$0x1] =	stream.indirect.gather [hbm4b:s1+s29], $0x80, s15, s29, $0xb8;
	[tilespmem:$0x1FD80] =	vst v63  }
0x2b1: {  	_ =	swait.ge [sflag:s7], $0x4000  }
0x2b2: {  	[sflag:s7] =	ssyncset.done $0x0  }
0x2b3: {  	s16 =	simm.s32 $0x80;
	[sflag:s7] =	ssyncadd.s32 $0xFFFFC000  }
0x2b4: {  	[tilespmem:s9], [sflag:$0x2] =	stream.indirect.gather [hbm4b:s1+s29], $0x80, s16, s29, $0xb8;
	[tilespmem:$0x1FD80] =	vst v63  }
0x2b5: {  	s8 =	simm.s32 $0x1C00  }
0x2b6: {  	[spmem:s2] =	stream.indirect.scatter.add.f32 [tilespmem:s0], [sflag:$0x3], $0x80, s8, s29, $0xb8;
	[tilespmem:$0x1FD80] =	vst v63  }
0x2b7: {  	_ =	swait.ge [sflag:s10], $0x4000  }
0x2b8: {  	[sflag:s10] =	ssyncset.done $0x0  }
0x2b9: {  	s15 =	simm.s32 $0x100;
	[sflag:s10] =	ssyncadd.s32 $0xFFFFC000  }
0x2ba: {  	[tilespmem:s0], [sflag:$0x1] =	stream.indirect.gather [hbm4b:s1+s29], $0x80, s15, s29, $0xb8;
	[tilespmem:$0x1FD80] =	vst v63  }
0x2bb: {  	_ =	swait.ge [sflag:s12], $0x4000  }
0x2bc: {  	[sflag:s12] =	ssyncset.done $0x0  }
0x2bd: {  	s16 =	simm.s32 $0x1C80;
	[sflag:s12] =	ssyncadd.s32 $0xFFFFC000  }
0x2be: {  	[spmem:s2] =	stream.indirect.scatter.add.f32 [tilespmem:s9], [sflag:$0x4], $0x80, s16, s29, $0xb8;
	[tilespmem:$0x1FD80] =	vst v63  }
0x2bf: {  	_ =	swait.ge [sflag:s13], $0x4000  }
0x2c0: {  	s3 =	simm.s32 $0x400;
	[sflag:s13] =	ssyncset.done $0x0  }
.LBB2_20:
0x2c1: {  	p1 =	sne.s32 s3, $0x5C00  }
0x2c2: {  	[sflag:s13] =	ssyncadd.s32 $0xFFFFC000;
	s15 =	smov.u32 s3;
	s3 =	sadd.s32 $0x400, s3  }
0x2c3: {  	_ =	swait.ge [sflag:s7], $0x4000  }
0x2c4: {  	s15 =	sshra.s32 s15, $0x2;
	[sflag:s7] =	ssyncset.done $0x0  }
0x2c5: {  	s16 =	sadd.s32 $0x80, s15;
	[sflag:s7] =	ssyncadd.s32 $0xFFFFC000  }
0x2c6: {  	[tilespmem:s9], [sflag:$0x2] =	stream.indirect.gather [hbm4b:s1+s29], $0x80, s16, s29, $0xb8;
	[tilespmem:$0x1FD80] =	vst v63  }
0x2c7: {  	s16 =	sadd.s32 $0x1C00, s15  }
0x2c8: {  	[spmem:s2] =	stream.indirect.scatter.add.f32 [tilespmem:s0], [sflag:$0x3], $0x80, s16, s29, $0xb8;
	[tilespmem:$0x1FD80] =	vst v63  }
0x2c9: {  	_ =	swait.ge [sflag:s10], $0x4000  }
0x2ca: {  	[sflag:s10] =	ssyncset.done $0x0  }
0x2cb: {  	s16 =	sadd.s32 $0x100, s15;
	[sflag:s10] =	ssyncadd.s32 $0xFFFFC000  }
0x2cc: {  	[tilespmem:s0], [sflag:$0x1] =	stream.indirect.gather [hbm4b:s1+s29], $0x80, s16, s29, $0xb8;
	[tilespmem:$0x1FD80] =	vst v63  }
0x2cd: {  	_ =	swait.ge [sflag:s12], $0x4000  }
.Ltmp12:
0x2ce: {  	[sflag:s12] =	ssyncset.done $0x0;
	(pc) =	sbr.rel @p1 .LBB2_20-.Ltmp12, $4  }
0x2cf: {  	s15 =	sadd.s32 $0x1C80, s15;
	[sflag:s12] =	ssyncadd.s32 $0xFFFFC000  }
0x2d0: {  	[spmem:s2] =	stream.indirect.scatter.add.f32 [tilespmem:s9], [sflag:$0x4], $0x80, s15, s29, $0xb8;
	[tilespmem:$0x1FD80] =	vst v63  }
0x2d1: {  	_ =	swait.ge [sflag:s13], $0x4000  }
0x2d2: {  	[sflag:s13] =	ssyncset.done $0x0  }
.Ltmp13:
0x2d3: {  	_ = 	snop;
	(pc) =	sbr.rel .LBB2_21-.Ltmp13, $1  }
0x2d4: {  	_ =	sdelay $0x3  }
.LBB2_23:
0x2d5: {  	_ =	sfence.sel $0x180000  }
0x2d6: {  	[bflag:$0x0] =	sbarrier.arrive $0xFFFF  }
0x2d7: {  	_ =	strace $0x90000047  }
0x2d8: {  	[bflag:$0x2] =	sbarrier.arrive $0xFFFF  }
0x2d9: {  	p0 =	sne.s32 s25, $0x0;
	s0 =	rddreg [dreg:$0x5]  }
0x2da: {  	s0 =	sadd.s32 @!p0 $0x100000, s0  }
0x2db: {  	[sflag:s0] =	ssyncadd.tile.s32 @!p0 $0x1;
	_ =	shalt  }
.Lfunc_end2:
_tile_overlayer_lowered:
.L_overlay_start_2:
0x2dc: {  	(tag) =	ssettag $0x2  }
0x2dd: {  	s0 =	rddreg [dreg:$0x0];
	s2 =	stileid.u32  }
0x2de: {  	s1 =	rddreg [dreg:$0x1];
	p0 =	sne.s32 s2, $0x0  }
0x2df: {  	s3 =	rddreg [dreg:$0x2];
	[bflag:$0x3] =	sbarrier.arrive $0xFFFF;
	s2 =	simm.s32 @!p0 $0x1C06  }
0x2e0: {  	[timem:s3], [sflag:s2] =	dma.local @!p0 [hbm:s0], s1  }
0x2e1: {  	s0 =	simm.s32 @!p0 $0x6  }
0x2e2: {  	_ =	swait.ge @!p0 [sflag:s0], s1  }
0x2e3: {  	s1 =	ssub.s32 @!p0 $0x0, s1;
	[sflag:s0] =	ssyncset.done @!p0 $0x0  }
0x2e4: {  	[sflag:s0] =	ssyncadd.s32 @!p0 s1  }
0x2e5: {  	[bflag:$0x3] =	sbarrier.arrive $0xFFFF  }
0x2e6: {  	_ =	shalt  }

</sc_bundles>
